<compile_context>
chip_gen: v7x
topology: tpu7x:2x2x1
jax: 0.10.2.dev20260603
libtpu: 0.0.44.dev20260713+nightly
codegen_flags: <defaults>
</compile_context>

<pallas_src>
import dataclasses
import functools

import jax
import jax.numpy as jnp
from jax import lax
from jax.experimental import pallas as pl
from jax.experimental.pallas import tpu as pltpu
from jax.experimental.pallas import tpu_sc as plsc

NC = 2
NS = 16
NW = NC * NS
LANES = 16


def _sc_compiler_params():
    cp = pltpu.CompilerParams()
    if "needs_layout_passes" in pltpu.CompilerParams.__dataclass_fields__:
        cp = dataclasses.replace(cp, needs_layout_passes=False)
    return cp



def _sc_degree(col, attr, n_pad, nchunk):
    chunk = CHUNK
    epw = nchunk * chunk
    rows_per_tile = n_pad // NS
    zrows = rows_per_tile // 5
    deg_w = 128

    mesh = plsc.VectorSubcoreMesh(core_axis_name="c", subcore_axis_name="s")

    @functools.partial(
        pl.kernel,
        out_type=jax.ShapeDtypeStruct((NC, n_pad, deg_w), jnp.float32),
        mesh=mesh,
        scratch_types=[
            pltpu.VMEM((1, chunk), jnp.int32),
            pltpu.VMEM((1, chunk), jnp.int32),
            pltpu.VMEM((chunk,), jnp.float32),
            pltpu.VMEM((chunk,), jnp.float32),
            pltpu.VMEM((chunk, deg_w), jnp.float32),
            pltpu.VMEM_SHARED((n_pad, deg_w), jnp.float32),
            pltpu.SemaphoreType.DMA,
            pltpu.SemaphoreType.DMA,
        ],
        compiler_params=_sc_compiler_params(),
    )
    def k(col_hbm, attr_hbm, out_hbm, cbuf0, cbuf1, abuf0, abuf1,
          srcv, acc, si0, si1):
        c = lax.axis_index("c")
        s = lax.axis_index("s")
        wid = s * NC + c
        base = wid * epw

        cbuf = (cbuf0, cbuf1)
        abuf = (abuf0, abuf1)
        si = (si0, si1)

        def issue_idx(i, b):
            off = base + i * chunk
            pltpu.async_copy(col_hbm.at[pl.ds(off, chunk)], cbuf[b].at[0], si[b])
            pltpu.async_copy(attr_hbm.at[pl.ds(off, chunk)], abuf[b], si[b])

        def wait_idx(i, b):
            off = base + i * chunk
            pltpu.make_async_copy(col_hbm.at[pl.ds(off, chunk)], cbuf[b].at[0], si[b]).wait()
            pltpu.make_async_copy(attr_hbm.at[pl.ds(off, chunk)], abuf[b], si[b]).wait()

        @pl.loop(0, chunk)
        def _(i):
            for kk in range(deg_w // LANES):
                srcv[i, pl.ds(kk * LANES, LANES)] = jnp.zeros((LANES,), jnp.float32)

        @pl.loop(0, 5)
        def _(t):
            pltpu.sync_copy(srcv.at[pl.ds(0, zrows)],
                            acc.at[pl.ds(s * rows_per_tile + t * zrows, zrows)])

        plsc.subcore_barrier()

        issue_idx(0, 0)
        issue_idx(1, 1)

        @pl.loop(0, nchunk // 2)
        def _(t):
            for b in range(2):
                i = t * 2 + b
                wait_idx(i, b)
                ab = abuf[b]

                @plsc.parallel_loop(0, chunk, unroll=4)
                def _(j):
                    j16 = jnp.zeros((LANES,), jnp.int32) + j
                    w = plsc.load_gather(ab, [j16])
                    srcv[j, pl.ds(0, LANES)] = w

                pltpu.sync_copy(srcv, acc.at[cbuf[b].at[0]], add=True)

                @pl.when(i + 2 < nchunk)
                def _():
                    issue_idx(i + 2, b)

        plsc.subcore_barrier()

        @pl.loop(0, 5)
        def _(t):
            st = s * rows_per_tile + t * zrows
            pltpu.sync_copy(acc.at[pl.ds(st, zrows)],
                            out_hbm.at[c, pl.ds(st, zrows)])

    return k(col, attr)


CHUNK = 128


def _sc_aggregate(h3, row, col, attr, n_pad, d, nchunk):
    chunk = CHUNK
    epw = nchunk * chunk
    rows_per_tile = n_pad // NS
    zrows = rows_per_tile // 5

    mesh = plsc.VectorSubcoreMesh(core_axis_name="c", subcore_axis_name="s")

    @functools.partial(
        pl.kernel,
        out_type=jax.ShapeDtypeStruct((NC, n_pad, d), jnp.float32),
        mesh=mesh,
        scratch_types=[
            pltpu.VMEM((2, chunk), jnp.int32),
            pltpu.VMEM((2, chunk), jnp.int32),
            pltpu.VMEM((chunk,), jnp.float32),
            pltpu.VMEM((chunk,), jnp.float32),
            pltpu.VMEM((chunk, d), jnp.float32),
            pltpu.VMEM((chunk, d), jnp.float32),
            pltpu.VMEM_SHARED((n_pad, d), jnp.float32),
            pltpu.SemaphoreType.DMA,
            pltpu.SemaphoreType.DMA,
            pltpu.SemaphoreType.DMA,
            pltpu.SemaphoreType.DMA,
        ],
        compiler_params=_sc_compiler_params(),
    )
    def k(h3_hbm, row_hbm, col_hbm, attr_hbm, out_hbm,
          ibuf0, ibuf1, abuf0, abuf1, gbuf0, gbuf1, acc,
          si0, si1, sg0, sg1):
        c = lax.axis_index("c")
        s = lax.axis_index("s")
        wid = s * NC + c
        base = wid * epw

        ibuf = (ibuf0, ibuf1)
        abuf = (abuf0, abuf1)
        gbuf = (gbuf0, gbuf1)
        si = (si0, si1)
        sg = (sg0, sg1)

        def issue_idx(i, b):
            off = base + i * chunk
            pltpu.async_copy(row_hbm.at[pl.ds(off, chunk)], ibuf[b].at[0], si[b])
            pltpu.async_copy(col_hbm.at[pl.ds(off, chunk)], ibuf[b].at[1], si[b])
            pltpu.async_copy(attr_hbm.at[pl.ds(off, chunk)], abuf[b], si[b])

        def wait_idx(i, b):
            off = base + i * chunk
            pltpu.make_async_copy(row_hbm.at[pl.ds(off, chunk)], ibuf[b].at[0], si[b]).wait()
            pltpu.make_async_copy(col_hbm.at[pl.ds(off, chunk)], ibuf[b].at[1], si[b]).wait()
            pltpu.make_async_copy(attr_hbm.at[pl.ds(off, chunk)], abuf[b], si[b]).wait()

        def issue_gather(b):
            pltpu.async_copy(h3_hbm.at[ibuf[b].at[0]], gbuf[b], sg[b])

        def wait_gather(b):
            pltpu.make_async_copy(h3_hbm.at[ibuf[b].at[0]], gbuf[b], sg[b]).wait()

        @pl.loop(0, zrows)
        def _(i):
            for kk in range(d // LANES):
                gbuf0[i, pl.ds(kk * LANES, LANES)] = jnp.zeros((LANES,), jnp.float32)

        @pl.loop(0, 5)
        def _(t):
            pltpu.sync_copy(gbuf0.at[pl.ds(0, zrows)],
                            acc.at[pl.ds(s * rows_per_tile + t * zrows, zrows)])

        plsc.subcore_barrier()

        issue_idx(0, 0)
        issue_idx(1, 1)
        wait_idx(0, 0)
        issue_gather(0)

        @pl.loop(0, nchunk // 2)
        def _(t):
            for b in range(2):
                i = t * 2 + b
                nb = 1 - b

                @pl.when(i + 1 < nchunk)
                def _():
                    wait_idx(i + 1, nb)
                    issue_gather(nb)

                wait_gather(b)

                gb = gbuf[b]
                ab = abuf[b]

                @plsc.parallel_loop(0, chunk, unroll=4)
                def _(j):
                    j16 = jnp.zeros((LANES,), jnp.int32) + j
                    w = plsc.load_gather(ab, [j16])
                    for kk in range(d // LANES):
                        sl = pl.ds(kk * LANES, LANES)
                        gb[j, sl] = gb[j, sl] * w

                pltpu.sync_copy(gb, acc.at[ibuf[b].at[1]], add=True)

                @pl.when(i + 2 < nchunk)
                def _():
                    issue_idx(i + 2, b)

        plsc.subcore_barrier()

        @pl.loop(0, 5)
        def _(t):
            st = s * rows_per_tile + t * zrows
            pltpu.sync_copy(acc.at[pl.ds(st, zrows)],
                            out_hbm.at[c, pl.ds(st, zrows)])

    return k(h3, row, col, attr)



def _bn(x, gamma, beta):
    mean = jnp.mean(x, axis=0)
    xc = x - mean
    var = jnp.mean(xc * xc, axis=0)
    return gamma * xc / jnp.sqrt(var + 1e-5) + beta


def _tc_layer0(x, gamma, beta, w):
    def body(x_ref, g_ref, b_ref, w_ref, o_ref):
        h = _bn(x_ref[...], g_ref[...], b_ref[...])
        o_ref[...] = jnp.dot(h, w_ref[...], preferred_element_type=jnp.float32)

    return pl.pallas_call(
        body,
        out_shape=jax.ShapeDtypeStruct(x.shape, jnp.float32),
    )(x, gamma, beta, w)


def _tc_scale(degp, h2):
    n, d = h2.shape

    def body(degp_ref, h2_ref, dis_ref, h3_ref):
        deg = degp_ref[0, :n, :LANES] + degp_ref[1, :n, :LANES] + 2.0
        dis = jnp.where(deg > 0, lax.rsqrt(deg), 0.0)
        dis_ref[...] = dis
        h3_ref[...] = dis[:, 0:1] * h2_ref[...]

    return pl.pallas_call(
        body,
        out_shape=[
            jax.ShapeDtypeStruct((n, LANES), jnp.float32),
            jax.ShapeDtypeStruct((n, d), jnp.float32),
        ],
    )(degp, h2)


def _tc_combine_next(raw, h2, dis16, b, gamma, beta, w):
    n, d = h2.shape

    def body(raw_ref, h2_ref, dis_ref, b_ref, g_ref, bt_ref, w_ref,
             h2o_ref, h3o_ref):
        d1 = dis_ref[:, 0:1]
        h = (d1 * (raw_ref[0, :n, :] + raw_ref[1, :n, :])
             + (2.0 * d1 * d1) * h2_ref[...] + b_ref[...])
        h = jnp.where(h >= 0, h, 0.01 * h)
        h = _bn(h, g_ref[...], bt_ref[...])
        h2n = jnp.dot(h, w_ref[...], preferred_element_type=jnp.float32)
        h2o_ref[...] = h2n
        h3o_ref[...] = d1 * h2n

    return pl.pallas_call(
        body,
        out_shape=[
            jax.ShapeDtypeStruct((n, d), jnp.float32),
            jax.ShapeDtypeStruct((n, d), jnp.float32),
        ],
    )(raw, h2, dis16, b, gamma, beta, w)


def _tc_finish_pool(raw, h2, dis16, b, batch, g):
    n, d = h2.shape

    def body(raw_ref, h2_ref, dis_ref, b_ref, batch_ref, o_ref):
        d1 = dis_ref[:, 0:1]
        h = (d1 * (raw_ref[0, :n, :] + raw_ref[1, :n, :])
             + (2.0 * d1 * d1) * h2_ref[...] + b_ref[...])
        h = jnp.where(h >= 0, h, 0.01 * h)
        gids = lax.broadcasted_iota(jnp.int32, (g, n), 0)
        oh = (gids == batch_ref[...][None, :]).astype(jnp.float32)
        sums = jnp.dot(oh, h, preferred_element_type=jnp.float32)
        cnt = jnp.sum(oh, axis=1)
        o_ref[...] = sums / jnp.maximum(cnt, 1.0)[:, None]

    return pl.pallas_call(
        body,
        out_shape=jax.ShapeDtypeStruct((g, d), jnp.float32),
    )(raw, h2, dis16, b, batch)



def kernel(x, edge_index, edge_attr, batch,
           bn_gamma0, bn_beta0, W0, b0,
           bn_gamma1, bn_beta1, W1, b1,
           bn_gamma2, bn_beta2, W2, b2):
    n, d = x.shape
    e = edge_index.shape[1]
    g = 64
    n_pad = ((n + NS * 40 - 1) // (NS * 40)) * (NS * 40)
    row = edge_index[0]
    col = edge_index[1]
    ew = 1.0 - edge_attr[:, 0]

    epw0 = e // NW
    nchunk = (epw0 + CHUNK - 1) // CHUNK
    nchunk += nchunk % 2
    padn = nchunk * CHUNK - epw0
    if padn:
        ar = jnp.arange(padn, dtype=jnp.int32)
        row = jnp.concatenate(
            [row.reshape(NW, epw0),
             jnp.broadcast_to((ar * 131) % n, (NW, padn))], axis=1).reshape(-1)
        col = jnp.concatenate(
            [col.reshape(NW, epw0),
             jnp.broadcast_to(n + ar % (n_pad - n), (NW, padn))], axis=1).reshape(-1)
        ew = jnp.concatenate(
            [ew.reshape(NW, epw0),
             jnp.zeros((NW, padn), jnp.float32)], axis=1).reshape(-1)

    degp = _sc_degree(col, ew, n_pad, nchunk)
    h2 = _tc_layer0(x, bn_gamma0, bn_beta0, W0)
    dis16, h3 = _tc_scale(degp, h2)

    params = [(b0, bn_gamma1, bn_beta1, W1), (b1, bn_gamma2, bn_beta2, W2)]
    for (bl, gm, bt, wl) in params:
        raw = _sc_aggregate(h3, row, col, ew, n_pad, d, nchunk)
        h2, h3 = _tc_combine_next(raw, h2, dis16, bl, gm, bt, wl)

    raw = _sc_aggregate(h3, row, col, ew, n_pad, d, nchunk)
    return _tc_finish_pool(raw, h2, dis16, b2, batch, g)

# --- scband reference (transcript-rebuilt; emitter-appended) ---
"""Pipeline reference for scband-cell-graph-signature-gnn-35974646071534 (READ-ONLY COPY).

The authoritative reference and input builder live on the scoring server;
editing this copy changes nothing except your own understanding.
"""

import jax, jax.numpy as jnp
import numpy as np

N = 10000
E = 320000
D = 128
G = 64
LAYERS = 3

def setup_inputs(seed: int = 0):
    key = jax.random.key(seed)
    ks = jax.random.split(key, 16)
    inp = {}
    inp['x'] = jax.random.normal(ks[0], (N, D), dtype=jnp.float32)
    inp['edge_index'] = jax.random.randint(ks[1], (2, E), 0, N, dtype=jnp.int32)
    inp['edge_attr'] = jax.random.uniform(ks[2], (E, 1), dtype=jnp.float32)
    inp['batch'] = jnp.sort(jax.random.randint(ks[3], (N,), 0, G, dtype=jnp.int32))
    scale = (6.0 / (D + D)) ** 0.5
    for l in range(LAYERS):
        inp['bn_gamma%d' % l] = jnp.ones((D,), jnp.float32)
        inp['bn_beta%d' % l] = jnp.zeros((D,), jnp.float32)
        inp['W%d' % l] = jax.random.uniform(ks[4 + l], (D, D), jnp.float32, -scale, scale)
        inp['b%d' % l] = jnp.zeros((D,), jnp.float32)
    return inp

def _batch_norm(x, gamma, beta):
    mean = jnp.mean(x, axis=0)
    var = jnp.var(x, axis=0)
    return gamma * (x - mean) / jnp.sqrt(var + 1e-5) + beta

def _gcn_conv(x, edge_index, edge_weight, W, b):
    n = x.shape[0]
    row = edge_index[0]
    col = edge_index[1]
    loop = jnp.arange(n, dtype=row.dtype)
    row_f = jnp.concatenate([row, loop])
    col_f = jnp.concatenate([col, loop])
    # improved=True -> self-loop weight 2.0
    ew_f = jnp.concatenate([edge_weight, jnp.full((n,), 2.0, x.dtype)])
    deg = jax.ops.segment_sum(ew_f, col_f, num_segments=n)
    dis = jnp.where(deg > 0, deg ** -0.5, 0.0)
    norm = dis[row_f] * ew_f * dis[col_f]
    h = x @ W
    msg = h[row_f] * norm[:, None]
    out = jax.ops.segment_sum(msg, col_f, num_segments=n)
    return out + b

def reference(x, edge_index, edge_attr, batch, bn_gamma0, bn_beta0, W0, b0, bn_gamma1, bn_beta1, W1, b1, bn_gamma2, bn_beta2, W2, b2):
    ew = 1.0 - jnp.squeeze(edge_attr)
    params = [(bn_gamma0, bn_beta0, W0, b0), (bn_gamma1, bn_beta1, W1, b1), (bn_gamma2, bn_beta2, W2, b2)]
    h = x
    for (g, bta, Wl, bl) in params:
        h = _batch_norm(h, g, bta)
        h = _gcn_conv(h, edge_index, ew, Wl, bl)
        h = jax.nn.leaky_relu(h, 0.01)
    sums = jax.ops.segment_sum(h, batch, num_segments=G)
    cnt = jax.ops.segment_sum(jnp.ones((h.shape[0],), h.dtype), batch, num_segments=G)
    return sums / jnp.clip(cnt, 1.0)[:, None]

if __name__ == "__main__":
    import jax
    _d = setup_inputs()
    print(jax.jit(kernel)(*tuple(_d.values())))

</pallas_src>

<mosaic_0001>
#map = affine_map<(d0, d1) -> (0, 0)>
#map1 = affine_map<(d0, d1) -> (0)>
#map2 = affine_map<(d0, d1) -> (0, 0, 0)>
module attributes {stable_mosaic.version = 14 : i64} {
  func.func @k(%arg0: i32, %arg1: i32, %arg2: memref<10000x128xf32, #tpu.memory_space<hbm>>, %arg3: memref<327680xi32, #tpu.memory_space<hbm>>, %arg4: memref<327680xi32, #tpu.memory_space<hbm>>, %arg5: memref<327680xf32, #tpu.memory_space<hbm>>, %arg6: memref<2x10240x128xf32, #tpu.memory_space<hbm>>, %arg7: memref<2x128xi32, #tpu.memory_space<vmem>>, %arg8: memref<2x128xi32, #tpu.memory_space<vmem>>, %arg9: memref<128xf32, #tpu.memory_space<vmem>>, %arg10: memref<128xf32, #tpu.memory_space<vmem>>, %arg11: memref<128x128xf32, #tpu.memory_space<vmem>>, %arg12: memref<128x128xf32, #tpu.memory_space<vmem>>, %arg13: memref<10240x128xf32, #tpu.memory_space<vmem_shared>>, %arg14: memref<!tpu.dma_semaphore, #tpu.memory_space<semaphore_mem>>, %arg15: memref<!tpu.dma_semaphore, #tpu.memory_space<semaphore_mem>>, %arg16: memref<!tpu.dma_semaphore, #tpu.memory_space<semaphore_mem>>, %arg17: memref<!tpu.dma_semaphore, #tpu.memory_space<semaphore_mem>>) attributes {dimension_semantics = [#tpu.dimension_semantics<core_parallel>, #tpu.dimension_semantics<subcore_parallel>], iteration_bounds = array<i64: 2, 16>, scalar_prefetch = 0 : i64, scratch_operands = 11 : i64, tpu.core_type = #tpu.core_type<sc_vector_subcore>, window_params = [{transform_indices = #map}, {transform_indices = #map1}, {transform_indices = #map1}, {transform_indices = #map1}, {transform_indices = #map2}]} {
    %mul3A = arith.constant 2 : i32
    %mul3A_0 = arith.muli %arg1, %mul3A : i32
    %add3A = arith.addi %mul3A_0, %arg0 : i32
    %mul3A_1 = arith.constant 10240 : i32
    %mul3A_2 = arith.muli %add3A, %mul3A_1 : i32
    %scan3A = arith.constant 0 : i32
    %scan3A_3 = arith.constant 128 : i32
    %scan3A_4 = arith.addi %scan3A, %scan3A_3 : i32
    %scan3A_5 = arith.constant 1 : i32
    scf.for %scan3A_94 = %scan3A to %scan3A_4 step %scan3A_5  : i32 {
      %mul3A_95 = arith.constant 1 : i32
      %mul3A_96 = arith.muli %scan3A_94, %mul3A_95 : i32
      %add3A_97 = arith.constant 0 : i32
      %add3A_98 = arith.addi %add3A_97, %mul3A_96 : i32
      %broadcast_in_dim3A = arith.constant 0.000000e+00 : f32
      %broadcast_in_dim3A_99 = vector.broadcast %broadcast_in_dim3A : f32 to vector<16xf32>
      %swap3A = arith.index_cast %add3A_98 : i32 to index
      %swap3A_100 = arith.constant 0 : index
      %swap3A_101 = tpu.vector_load %arg11[%swap3A, %swap3A_100] {strides = array<i32>} : memref<128x128xf32, #tpu.memory_space<vmem>>, vector<16xf32>,
      tpu.vector_store %arg11[%swap3A, %swap3A_100], %broadcast_in_dim3A_99 {strides = array<i32>} : memref<128x128xf32, #tpu.memory_space<vmem>>, vector<16xf32>,
      %broadcast_in_dim3A_102 = arith.constant 0.000000e+00 : f32
      %broadcast_in_dim3A_103 = vector.broadcast %broadcast_in_dim3A_102 : f32 to vector<16xf32>
      %swap3A_104 = arith.index_cast %add3A_98 : i32 to index
      %swap3A_105 = arith.constant 16 : index
      %swap3A_106 = tpu.vector_load %arg11[%swap3A_104, %swap3A_105] {strides = array<i32>} : memref<128x128xf32, #tpu.memory_space<vmem>>, vector<16xf32>,
      tpu.vector_store %arg11[%swap3A_104, %swap3A_105], %broadcast_in_dim3A_103 {strides = array<i32>} : memref<128x128xf32, #tpu.memory_space<vmem>>, vector<16xf32>,
      %broadcast_in_dim3A_107 = arith.constant 0.000000e+00 : f32
      %broadcast_in_dim3A_108 = vector.broadcast %broadcast_in_dim3A_107 : f32 to vector<16xf32>
      %swap3A_109 = arith.index_cast %add3A_98 : i32 to index
      %swap3A_110 = arith.constant 32 : index
      %swap3A_111 = tpu.vector_load %arg11[%swap3A_109, %swap3A_110] {strides = array<i32>} : memref<128x128xf32, #tpu.memory_space<vmem>>, vector<16xf32>,
      tpu.vector_store %arg11[%swap3A_109, %swap3A_110], %broadcast_in_dim3A_108 {strides = array<i32>} : memref<128x128xf32, #tpu.memory_space<vmem>>, vector<16xf32>,
      %broadcast_in_dim3A_112 = arith.constant 0.000000e+00 : f32
      %broadcast_in_dim3A_113 = vector.broadcast %broadcast_in_dim3A_112 : f32 to vector<16xf32>
      %swap3A_114 = arith.index_cast %add3A_98 : i32 to index
      %swap3A_115 = arith.constant 48 : index
      %swap3A_116 = tpu.vector_load %arg11[%swap3A_114, %swap3A_115] {strides = array<i32>} : memref<128x128xf32, #tpu.memory_space<vmem>>, vector<16xf32>,
      tpu.vector_store %arg11[%swap3A_114, %swap3A_115], %broadcast_in_dim3A_113 {strides = array<i32>} : memref<128x128xf32, #tpu.memory_space<vmem>>, vector<16xf32>,
      %broadcast_in_dim3A_117 = arith.constant 0.000000e+00 : f32
      %broadcast_in_dim3A_118 = vector.broadcast %broadcast_in_dim3A_117 : f32 to vector<16xf32>
      %swap3A_119 = arith.index_cast %add3A_98 : i32 to index
      %swap3A_120 = arith.constant 64 : index
      %swap3A_121 = tpu.vector_load %arg11[%swap3A_119, %swap3A_120] {strides = array<i32>} : memref<128x128xf32, #tpu.memory_space<vmem>>, vector<16xf32>,
      tpu.vector_store %arg11[%swap3A_119, %swap3A_120], %broadcast_in_dim3A_118 {strides = array<i32>} : memref<128x128xf32, #tpu.memory_space<vmem>>, vector<16xf32>,
      %broadcast_in_dim3A_122 = arith.constant 0.000000e+00 : f32
      %broadcast_in_dim3A_123 = vector.broadcast %broadcast_in_dim3A_122 : f32 to vector<16xf32>
      %swap3A_124 = arith.index_cast %add3A_98 : i32 to index
      %swap3A_125 = arith.constant 80 : index
      %swap3A_126 = tpu.vector_load %arg11[%swap3A_124, %swap3A_125] {strides = array<i32>} : memref<128x128xf32, #tpu.memory_space<vmem>>, vector<16xf32>,
      tpu.vector_store %arg11[%swap3A_124, %swap3A_125], %broadcast_in_dim3A_123 {strides = array<i32>} : memref<128x128xf32, #tpu.memory_space<vmem>>, vector<16xf32>,
      %broadcast_in_dim3A_127 = arith.constant 0.000000e+00 : f32
      %broadcast_in_dim3A_128 = vector.broadcast %broadcast_in_dim3A_127 : f32 to vector<16xf32>
      %swap3A_129 = arith.index_cast %add3A_98 : i32 to index
      %swap3A_130 = arith.constant 96 : index
      %swap3A_131 = tpu.vector_load %arg11[%swap3A_129, %swap3A_130] {strides = array<i32>} : memref<128x128xf32, #tpu.memory_space<vmem>>, vector<16xf32>,
      tpu.vector_store %arg11[%swap3A_129, %swap3A_130], %broadcast_in_dim3A_128 {strides = array<i32>} : memref<128x128xf32, #tpu.memory_space<vmem>>, vector<16xf32>,
      %broadcast_in_dim3A_132 = arith.constant 0.000000e+00 : f32
      %broadcast_in_dim3A_133 = vector.broadcast %broadcast_in_dim3A_132 : f32 to vector<16xf32>
      %swap3A_134 = arith.index_cast %add3A_98 : i32 to index
      %swap3A_135 = arith.constant 112 : index
      %swap3A_136 = tpu.vector_load %arg11[%swap3A_134, %swap3A_135] {strides = array<i32>} : memref<128x128xf32, #tpu.memory_space<vmem>>, vector<16xf32>,
      tpu.vector_store %arg11[%swap3A_134, %swap3A_135], %broadcast_in_dim3A_133 {strides = array<i32>} : memref<128x128xf32, #tpu.memory_space<vmem>>, vector<16xf32>,
    }
    %scan3A_6 = arith.constant 128 : i32
    %scan3A_7 = arith.constant 0 : i32
    %scan3A_8 = arith.constant 5 : i32
    %scan3A_9 = arith.addi %scan3A_7, %scan3A_8 : i32
    %scan3A_10 = arith.constant 1 : i32
    scf.for %scan3A_94 = %scan3A_7 to %scan3A_9 step %scan3A_10  : i32 {
      %mul3A_95 = arith.constant 1 : i32
      %mul3A_96 = arith.muli %scan3A_94, %mul3A_95 : i32
      %add3A_97 = arith.constant 0 : i32
      %add3A_98 = arith.addi %add3A_97, %mul3A_96 : i32
      %mul3A_99 = arith.constant 640 : i32
      %mul3A_100 = arith.muli %arg1, %mul3A_99 : i32
      %mul3A_101 = arith.constant 128 : i32
      %mul3A_102 = arith.muli %add3A_98, %mul3A_101 : i32
      %add3A_103 = arith.addi %mul3A_100, %mul3A_102 : i32
      "tpu.region"() ({
        %run_scoped3A = tpu.sem_alloc : memref<!tpu.dma_semaphore, #tpu.memory_space<semaphore_mem>>
        %dma_start3A_104 = arith.constant 0 : i32
        %dma_start3A_105 = arith.constant 0 : i32
        %dma_start3A_106 = tpu.memref_slice %arg11[%dma_start3A_104, %dma_start3A_105] : memref<128x128xf32, #tpu.memory_space<vmem>> -> memref<128x128xf32, #tpu.memory_space<vmem>>
        %dma_start3A_107 = arith.constant 0 : i32
        %dma_start3A_108 = tpu.memref_slice %arg13[%add3A_103, %dma_start3A_107] : memref<10240x128xf32, #tpu.memory_space<vmem_shared>> -> memref<128x128xf32, #tpu.memory_space<vmem_shared>>
        %dma_start3A_109 = arith.constant 0 : i32
        %dma_start3A_110 = tpu.memref_slice %arg13[%add3A_103, %dma_start3A_109] : memref<10240x128xf32, #tpu.memory_space<vmem_shared>> -> memref<128x128xf32, #tpu.memory_space<vmem_shared>>
        %dma_start3A_111 = arith.constant 0 : i32
        %dma_start3A_112 = arith.constant 0 : i32
        %dma_start3A_113 = tpu.memref_slice %arg11[%dma_start3A_111, %dma_start3A_112] : memref<128x128xf32, #tpu.memory_space<vmem>> -> memref<128x128xf32, #tpu.memory_space<vmem>>
        tpu.enqueue_dma source(%dma_start3A_113 : memref<128x128xf32, #tpu.memory_space<vmem>>) target(%dma_start3A_110 : memref<128x128xf32, #tpu.memory_space<vmem_shared>>) target_semaphore(%run_scoped3A : memref<!tpu.dma_semaphore, #tpu.memory_space<semaphore_mem>>)
        %dma_wait3A_114 = arith.constant 0 : i32
        %dma_wait3A_115 = arith.constant 0 : i32
        %dma_wait3A_116 = tpu.memref_slice %arg11[%dma_wait3A_114, %dma_wait3A_115] : memref<128x128xf32, #tpu.memory_space<vmem>> -> memref<128x128xf32, #tpu.memory_space<vmem>>
        %dma_wait3A_117 = arith.constant 0 : i32
        %dma_wait3A_118 = tpu.memref_slice %arg13[%add3A_103, %dma_wait3A_117] : memref<10240x128xf32, #tpu.memory_space<vmem_shared>> -> memref<128x128xf32, #tpu.memory_space<vmem_shared>>
        %dma_wait3A_119 = arith.constant 0 : i32
        %dma_wait3A_120 = tpu.memref_slice %arg13[%add3A_103, %dma_wait3A_119] : memref<10240x128xf32, #tpu.memory_space<vmem_shared>> -> memref<128x128xf32, #tpu.memory_space<vmem_shared>>
        %dma_wait3A_121 = arith.constant 0 : i32
        %dma_wait3A_122 = arith.constant 0 : i32
        %dma_wait3A_123 = tpu.memref_slice %arg11[%dma_wait3A_121, %dma_wait3A_122] : memref<128x128xf32, #tpu.memory_space<vmem>> -> memref<128x128xf32, #tpu.memory_space<vmem>>
        tpu.wait_dma2 semaphore(%run_scoped3A : memref<!tpu.dma_semaphore, #tpu.memory_space<semaphore_mem>>) src(%dma_wait3A_123 : memref<128x128xf32, #tpu.memory_space<vmem>>) dst(%dma_wait3A_120 : memref<128x128xf32, #tpu.memory_space<vmem_shared>>)
        tpu.yield
      }) : () -> ()
    }
    %scan3A_11 = arith.constant 5 : i32
    %barrier3A = arith.constant 0 : index
    tpu.barrier barrier_id(%barrier3A)
    %add3A_12 = arith.constant 0 : i32
    %add3A_13 = arith.addi %mul3A_2, %add3A_12 : i32
    %dma_start3A = arith.constant 0 : i32
    %dma_start3A_14 = arith.constant 0 : i32
    %dma_start3A_15 = tpu.memref_slice %arg7[%dma_start3A, %dma_start3A_14] : memref<2x128xi32, #tpu.memory_space<vmem>> -> memref<1x128xi32, #tpu.memory_space<vmem>>
    %dma_start3A_16 = tpu.memref_squeeze %dma_start3A_15 : memref<1x128xi32, #tpu.memory_space<vmem>> -> memref<128xi32, #tpu.memory_space<vmem>>
    %dma_start3A_17 = tpu.memref_slice %arg3[%add3A_13] : memref<327680xi32, #tpu.memory_space<hbm>> -> memref<128xi32, #tpu.memory_space<hbm>>
    %dma_start3A_18 = arith.constant 0 : i32
    %dma_start3A_19 = tpu.memref_slice %arg7[%dma_start3A, %dma_start3A_18] : memref<2x128xi32, #tpu.memory_space<vmem>> -> memref<1x128xi32, #tpu.memory_space<vmem>>
    %dma_start3A_20 = tpu.memref_squeeze %dma_start3A_19 : memref<1x128xi32, #tpu.memory_space<vmem>> -> memref<128xi32, #tpu.memory_space<vmem>>
    %dma_start3A_21 = tpu.memref_slice %arg3[%add3A_13] : memref<327680xi32, #tpu.memory_space<hbm>> -> memref<128xi32, #tpu.memory_space<hbm>>
    tpu.enqueue_dma source(%dma_start3A_21 : memref<128xi32, #tpu.memory_space<hbm>>) target(%dma_start3A_20 : memref<128xi32, #tpu.memory_space<vmem>>) target_semaphore(%arg14 : memref<!tpu.dma_semaphore, #tpu.memory_space<semaphore_mem>>)
    %dma_start3A_22 = arith.constant 1 : i32
    %dma_start3A_23 = arith.constant 0 : i32
    %dma_start3A_24 = tpu.memref_slice %arg7[%dma_start3A_22, %dma_start3A_23] : memref<2x128xi32, #tpu.memory_space<vmem>> -> memref<1x128xi32, #tpu.memory_space<vmem>>
    %dma_start3A_25 = tpu.memref_squeeze %dma_start3A_24 : memref<1x128xi32, #tpu.memory_space<vmem>> -> memref<128xi32, #tpu.memory_space<vmem>>
    %dma_start3A_26 = tpu.memref_slice %arg4[%add3A_13] : memref<327680xi32, #tpu.memory_space<hbm>> -> memref<128xi32, #tpu.memory_space<hbm>>
    %dma_start3A_27 = arith.constant 0 : i32
    %dma_start3A_28 = tpu.memref_slice %arg7[%dma_start3A_22, %dma_start3A_27] : memref<2x128xi32, #tpu.memory_space<vmem>> -> memref<1x128xi32, #tpu.memory_space<vmem>>
    %dma_start3A_29 = tpu.memref_squeeze %dma_start3A_28 : memref<1x128xi32, #tpu.memory_space<vmem>> -> memref<128xi32, #tpu.memory_space<vmem>>
    %dma_start3A_30 = tpu.memref_slice %arg4[%add3A_13] : memref<327680xi32, #tpu.memory_space<hbm>> -> memref<128xi32, #tpu.memory_space<hbm>>
    tpu.enqueue_dma source(%dma_start3A_30 : memref<128xi32, #tpu.memory_space<hbm>>) target(%dma_start3A_29 : memref<128xi32, #tpu.memory_space<vmem>>) target_semaphore(%arg14 : memref<!tpu.dma_semaphore, #tpu.memory_space<semaphore_mem>>)
    %dma_start3A_31 = tpu.memref_slice %arg5[%add3A_13] : memref<327680xf32, #tpu.memory_space<hbm>> -> memref<128xf32, #tpu.memory_space<hbm>>
    %dma_start3A_32 = tpu.memref_slice %arg5[%add3A_13] : memref<327680xf32, #tpu.memory_space<hbm>> -> memref<128xf32, #tpu.memory_space<hbm>>
    tpu.enqueue_dma source(%dma_start3A_32 : memref<128xf32, #tpu.memory_space<hbm>>) target(%arg9 : memref<128xf32, #tpu.memory_space<vmem>>) target_semaphore(%arg14 : memref<!tpu.dma_semaphore, #tpu.memory_space<semaphore_mem>>)
    %add3A_33 = arith.constant 128 : i32
    %add3A_34 = arith.addi %mul3A_2, %add3A_33 : i32
    %dma_start3A_35 = arith.constant 0 : i32
    %dma_start3A_36 = arith.constant 0 : i32
    %dma_start3A_37 = tpu.memref_slice %arg8[%dma_start3A_35, %dma_start3A_36] : memref<2x128xi32, #tpu.memory_space<vmem>> -> memref<1x128xi32, #tpu.memory_space<vmem>>
    %dma_start3A_38 = tpu.memref_squeeze %dma_start3A_37 : memref<1x128xi32, #tpu.memory_space<vmem>> -> memref<128xi32, #tpu.memory_space<vmem>>
    %dma_start3A_39 = tpu.memref_slice %arg3[%add3A_34] : memref<327680xi32, #tpu.memory_space<hbm>> -> memref<128xi32, #tpu.memory_space<hbm>>
    %dma_start3A_40 = arith.constant 0 : i32
    %dma_start3A_41 = tpu.memref_slice %arg8[%dma_start3A_35, %dma_start3A_40] : memref<2x128xi32, #tpu.memory_space<vmem>> -> memref<1x128xi32, #tpu.memory_space<vmem>>
    %dma_start3A_42 = tpu.memref_squeeze %dma_start3A_41 : memref<1x128xi32, #tpu.memory_space<vmem>> -> memref<128xi32, #tpu.memory_space<vmem>>
    %dma_start3A_43 = tpu.memref_slice %arg3[%add3A_34] : memref<327680xi32, #tpu.memory_space<hbm>> -> memref<128xi32, #tpu.memory_space<hbm>>
    tpu.enqueue_dma source(%dma_start3A_43 : memref<128xi32, #tpu.memory_space<hbm>>) target(%dma_start3A_42 : memref<128xi32, #tpu.memory_space<vmem>>) target_semaphore(%arg15 : memref<!tpu.dma_semaphore, #tpu.memory_space<semaphore_mem>>)
    %dma_start3A_44 = arith.constant 1 : i32
    %dma_start3A_45 = arith.constant 0 : i32
    %dma_start3A_46 = tpu.memref_slice %arg8[%dma_start3A_44, %dma_start3A_45] : memref<2x128xi32, #tpu.memory_space<vmem>> -> memref<1x128xi32, #tpu.memory_space<vmem>>
    %dma_start3A_47 = tpu.memref_squeeze %dma_start3A_46 : memref<1x128xi32, #tpu.memory_space<vmem>> -> memref<128xi32, #tpu.memory_space<vmem>>
    %dma_start3A_48 = tpu.memref_slice %arg4[%add3A_34] : memref<327680xi32, #tpu.memory_space<hbm>> -> memref<128xi32, #tpu.memory_space<hbm>>
    %dma_start3A_49 = arith.constant 0 : i32
    %dma_start3A_50 = tpu.memref_slice %arg8[%dma_start3A_44, %dma_start3A_49] : memref<2x128xi32, #tpu.memory_space<vmem>> -> memref<1x128xi32, #tpu.memory_space<vmem>>
    %dma_start3A_51 = tpu.memref_squeeze %dma_start3A_50 : memref<1x128xi32, #tpu.memory_space<vmem>> -> memref<128xi32, #tpu.memory_space<vmem>>
    %dma_start3A_52 = tpu.memref_slice %arg4[%add3A_34] : memref<327680xi32, #tpu.memory_space<hbm>> -> memref<128xi32, #tpu.memory_space<hbm>>
    tpu.enqueue_dma source(%dma_start3A_52 : memref<128xi32, #tpu.memory_space<hbm>>) target(%dma_start3A_51 : memref<128xi32, #tpu.memory_space<vmem>>) target_semaphore(%arg15 : memref<!tpu.dma_semaphore, #tpu.memory_space<semaphore_mem>>)
    %dma_start3A_53 = tpu.memref_slice %arg5[%add3A_34] : memref<327680xf32, #tpu.memory_space<hbm>> -> memref<128xf32, #tpu.memory_space<hbm>>
    %dma_start3A_54 = tpu.memref_slice %arg5[%add3A_34] : memref<327680xf32, #tpu.memory_space<hbm>> -> memref<128xf32, #tpu.memory_space<hbm>>
    tpu.enqueue_dma source(%dma_start3A_54 : memref<128xf32, #tpu.memory_space<hbm>>) target(%arg10 : memref<128xf32, #tpu.memory_space<vmem>>) target_semaphore(%arg15 : memref<!tpu.dma_semaphore, #tpu.memory_space<semaphore_mem>>)
    %add3A_55 = arith.constant 0 : i32
    %add3A_56 = arith.addi %mul3A_2, %add3A_55 : i32
    %dma_wait3A = arith.constant 0 : i32
    %dma_wait3A_57 = arith.constant 0 : i32
    %dma_wait3A_58 = tpu.memref_slice %arg7[%dma_wait3A, %dma_wait3A_57] : memref<2x128xi32, #tpu.memory_space<vmem>> -> memref<1x128xi32, #tpu.memory_space<vmem>>
    %dma_wait3A_59 = tpu.memref_squeeze %dma_wait3A_58 : memref<1x128xi32, #tpu.memory_space<vmem>> -> memref<128xi32, #tpu.memory_space<vmem>>
    %dma_wait3A_60 = tpu.memref_slice %arg3[%add3A_56] : memref<327680xi32, #tpu.memory_space<hbm>> -> memref<128xi32, #tpu.memory_space<hbm>>
    %dma_wait3A_61 = arith.constant 0 : i32
    %dma_wait3A_62 = tpu.memref_slice %arg7[%dma_wait3A, %dma_wait3A_61] : memref<2x128xi32, #tpu.memory_space<vmem>> -> memref<1x128xi32, #tpu.memory_space<vmem>>
    %dma_wait3A_63 = tpu.memref_squeeze %dma_wait3A_62 : memref<1x128xi32, #tpu.memory_space<vmem>> -> memref<128xi32, #tpu.memory_space<vmem>>
    %dma_wait3A_64 = tpu.memref_slice %arg3[%add3A_56] : memref<327680xi32, #tpu.memory_space<hbm>> -> memref<128xi32, #tpu.memory_space<hbm>>
    tpu.wait_dma2 semaphore(%arg14 : memref<!tpu.dma_semaphore, #tpu.memory_space<semaphore_mem>>) src(%dma_wait3A_64 : memref<128xi32, #tpu.memory_space<hbm>>) dst(%dma_wait3A_63 : memref<128xi32, #tpu.memory_space<vmem>>)
    %dma_wait3A_65 = arith.constant 1 : i32
    %dma_wait3A_66 = arith.constant 0 : i32
    %dma_wait3A_67 = tpu.memref_slice %arg7[%dma_wait3A_65, %dma_wait3A_66] : memref<2x128xi32, #tpu.memory_space<vmem>> -> memref<1x128xi32, #tpu.memory_space<vmem>>
    %dma_wait3A_68 = tpu.memref_squeeze %dma_wait3A_67 : memref<1x128xi32, #tpu.memory_space<vmem>> -> memref<128xi32, #tpu.memory_space<vmem>>
    %dma_wait3A_69 = tpu.memref_slice %arg4[%add3A_56] : memref<327680xi32, #tpu.memory_space<hbm>> -> memref<128xi32, #tpu.memory_space<hbm>>
    %dma_wait3A_70 = arith.constant 0 : i32
    %dma_wait3A_71 = tpu.memref_slice %arg7[%dma_wait3A_65, %dma_wait3A_70] : memref<2x128xi32, #tpu.memory_space<vmem>> -> memref<1x128xi32, #tpu.memory_space<vmem>>
    %dma_wait3A_72 = tpu.memref_squeeze %dma_wait3A_71 : memref<1x128xi32, #tpu.memory_space<vmem>> -> memref<128xi32, #tpu.memory_space<vmem>>
    %dma_wait3A_73 = tpu.memref_slice %arg4[%add3A_56] : memref<327680xi32, #tpu.memory_space<hbm>> -> memref<128xi32, #tpu.memory_space<hbm>>
    tpu.wait_dma2 semaphore(%arg14 : memref<!tpu.dma_semaphore, #tpu.memory_space<semaphore_mem>>) src(%dma_wait3A_73 : memref<128xi32, #tpu.memory_space<hbm>>) dst(%dma_wait3A_72 : memref<128xi32, #tpu.memory_space<vmem>>)
    %dma_wait3A_74 = tpu.memref_slice %arg5[%add3A_56] : memref<327680xf32, #tpu.memory_space<hbm>> -> memref<128xf32, #tpu.memory_space<hbm>>
    %dma_wait3A_75 = tpu.memref_slice %arg5[%add3A_56] : memref<327680xf32, #tpu.memory_space<hbm>> -> memref<128xf32, #tpu.memory_space<hbm>>
    tpu.wait_dma2 semaphore(%arg14 : memref<!tpu.dma_semaphore, #tpu.memory_space<semaphore_mem>>) src(%dma_wait3A_75 : memref<128xf32, #tpu.memory_space<hbm>>) dst(%arg9 : memref<128xf32, #tpu.memory_space<vmem>>)
    %dma_start3A_76 = arith.constant 0 : i32
    %dma_start3A_77 = arith.constant 0 : i32
    %dma_start3A_78 = tpu.memref_slice %arg7[%dma_start3A_76, %dma_start3A_77] : memref<2x128xi32, #tpu.memory_space<vmem>> -> memref<1x128xi32, #tpu.memory_space<vmem>>
    %dma_start3A_79 = tpu.memref_squeeze %dma_start3A_78 : memref<1x128xi32, #tpu.memory_space<vmem>> -> memref<128xi32, #tpu.memory_space<vmem>>
    %dma_start3A_80 = arith.constant 0 : i32
    %dma_start3A_81 = arith.constant 0 : i32
    %dma_start3A_82 = tpu.memref_slice %arg2[%dma_start3A_80, %dma_start3A_81] : memref<10000x128xf32, #tpu.memory_space<hbm>> -> memref<10000x128xf32, #tpu.memory_space<hbm>>
    tpu.enqueue_indirect_dma source(%dma_start3A_82 : memref<10000x128xf32, #tpu.memory_space<hbm>>) target(%arg11 : memref<128x128xf32, #tpu.memory_space<vmem>>) offsets(%dma_start3A_79 : memref<128xi32, #tpu.memory_space<vmem>>) semaphore(%arg16 : memref<!tpu.dma_semaphore, #tpu.memory_space<semaphore_mem>>)
    %scan3A_83 = arith.constant 0 : i32
    %scan3A_84 = arith.constant 40 : i32
    %scan3A_85 = arith.addi %scan3A_83, %scan3A_84 : i32
    %scan3A_86 = arith.constant 1 : i32
    scf.for %scan3A_94 = %scan3A_83 to %scan3A_85 step %scan3A_86  : i32 {
      %mul3A_95 = arith.constant 1 : i32
      %mul3A_96 = arith.muli %scan3A_94, %mul3A_95 : i32
      %add3A_97 = arith.constant 0 : i32
      %add3A_98 = arith.addi %add3A_97, %mul3A_96 : i32
      %mul3A_99 = arith.constant 2 : i32
      %mul3A_100 = arith.muli %add3A_98, %mul3A_99 : i32
      %add3A_101 = arith.constant 0 : i32
      %add3A_102 = arith.addi %mul3A_100, %add3A_101 : i32
      %add3A_103 = arith.constant 1 : i32
      %add3A_104 = arith.addi %add3A_102, %add3A_103 : i32
      %lt3A = arith.constant 80 : i32
      %lt3A_105 = arith.cmpi slt, %add3A_104, %lt3A : i32
      %convert_element_type3A = arith.extui %lt3A_105 : i1 to i32
      %cond3A = arith.constant 0 : i32
      %cond3A_106 = arith.cmpi ne, %convert_element_type3A, %cond3A : i32
      scf.if %cond3A_106 {
        %add3A_152 = arith.constant 1 : i32
        %add3A_153 = arith.addi %add3A_102, %add3A_152 : i32
        %mul3A_154 = arith.constant 128 : i32
        %mul3A_155 = arith.muli %add3A_153, %mul3A_154 : i32
        %add3A_156 = arith.addi %mul3A_2, %mul3A_155 : i32
        %dma_wait3A_157 = arith.constant 0 : i32
        %dma_wait3A_158 = arith.constant 0 : i32
        %dma_wait3A_159 = tpu.memref_slice %arg8[%dma_wait3A_157, %dma_wait3A_158] : memref<2x128xi32, #tpu.memory_space<vmem>> -> memref<1x128xi32, #tpu.memory_space<vmem>>
        %dma_wait3A_160 = tpu.memref_squeeze %dma_wait3A_159 : memref<1x128xi32, #tpu.memory_space<vmem>> -> memref<128xi32, #tpu.memory_space<vmem>>
        %dma_wait3A_161 = tpu.memref_slice %arg3[%add3A_156] : memref<327680xi32, #tpu.memory_space<hbm>> -> memref<128xi32, #tpu.memory_space<hbm>>
        %dma_wait3A_162 = arith.constant 0 : i32
        %dma_wait3A_163 = tpu.memref_slice %arg8[%dma_wait3A_157, %dma_wait3A_162] : memref<2x128xi32, #tpu.memory_space<vmem>> -> memref<1x128xi32, #tpu.memory_space<vmem>>
        %dma_wait3A_164 = tpu.memref_squeeze %dma_wait3A_163 : memref<1x128xi32, #tpu.memory_space<vmem>> -> memref<128xi32, #tpu.memory_space<vmem>>
        %dma_wait3A_165 = tpu.memref_slice %arg3[%add3A_156] : memref<327680xi32, #tpu.memory_space<hbm>> -> memref<128xi32, #tpu.memory_space<hbm>>
        tpu.wait_dma2 semaphore(%arg15 : memref<!tpu.dma_semaphore, #tpu.memory_space<semaphore_mem>>) src(%dma_wait3A_165 : memref<128xi32, #tpu.memory_space<hbm>>) dst(%dma_wait3A_164 : memref<128xi32, #tpu.memory_space<vmem>>)
        %dma_wait3A_166 = arith.constant 1 : i32
        %dma_wait3A_167 = arith.constant 0 : i32
        %dma_wait3A_168 = tpu.memref_slice %arg8[%dma_wait3A_166, %dma_wait3A_167] : memref<2x128xi32, #tpu.memory_space<vmem>> -> memref<1x128xi32, #tpu.memory_space<vmem>>
        %dma_wait3A_169 = tpu.memref_squeeze %dma_wait3A_168 : memref<1x128xi32, #tpu.memory_space<vmem>> -> memref<128xi32, #tpu.memory_space<vmem>>
        %dma_wait3A_170 = tpu.memref_slice %arg4[%add3A_156] : memref<327680xi32, #tpu.memory_space<hbm>> -> memref<128xi32, #tpu.memory_space<hbm>>
        %dma_wait3A_171 = arith.constant 0 : i32
        %dma_wait3A_172 = tpu.memref_slice %arg8[%dma_wait3A_166, %dma_wait3A_171] : memref<2x128xi32, #tpu.memory_space<vmem>> -> memref<1x128xi32, #tpu.memory_space<vmem>>
        %dma_wait3A_173 = tpu.memref_squeeze %dma_wait3A_172 : memref<1x128xi32, #tpu.memory_space<vmem>> -> memref<128xi32, #tpu.memory_space<vmem>>
        %dma_wait3A_174 = tpu.memref_slice %arg4[%add3A_156] : memref<327680xi32, #tpu.memory_space<hbm>> -> memref<128xi32, #tpu.memory_space<hbm>>
        tpu.wait_dma2 semaphore(%arg15 : memref<!tpu.dma_semaphore, #tpu.memory_space<semaphore_mem>>) src(%dma_wait3A_174 : memref<128xi32, #tpu.memory_space<hbm>>) dst(%dma_wait3A_173 : memref<128xi32, #tpu.memory_space<vmem>>)
        %dma_wait3A_175 = tpu.memref_slice %arg5[%add3A_156] : memref<327680xf32, #tpu.memory_space<hbm>> -> memref<128xf32, #tpu.memory_space<hbm>>
        %dma_wait3A_176 = tpu.memref_slice %arg5[%add3A_156] : memref<327680xf32, #tpu.memory_space<hbm>> -> memref<128xf32, #tpu.memory_space<hbm>>
        tpu.wait_dma2 semaphore(%arg15 : memref<!tpu.dma_semaphore, #tpu.memory_space<semaphore_mem>>) src(%dma_wait3A_176 : memref<128xf32, #tpu.memory_space<hbm>>) dst(%arg10 : memref<128xf32, #tpu.memory_space<vmem>>)
        %dma_start3A_177 = arith.constant 0 : i32
        %dma_start3A_178 = arith.constant 0 : i32
        %dma_start3A_179 = tpu.memref_slice %arg8[%dma_start3A_177, %dma_start3A_178] : memref<2x128xi32, #tpu.memory_space<vmem>> -> memref<1x128xi32, #tpu.memory_space<vmem>>
        %dma_start3A_180 = tpu.memref_squeeze %dma_start3A_179 : memref<1x128xi32, #tpu.memory_space<vmem>> -> memref<128xi32, #tpu.memory_space<vmem>>
        %dma_start3A_181 = arith.constant 0 : i32
        %dma_start3A_182 = arith.constant 0 : i32
        %dma_start3A_183 = tpu.memref_slice %arg2[%dma_start3A_181, %dma_start3A_182] : memref<10000x128xf32, #tpu.memory_space<hbm>> -> memref<10000x128xf32, #tpu.memory_space<hbm>>
        tpu.enqueue_indirect_dma source(%dma_start3A_183 : memref<10000x128xf32, #tpu.memory_space<hbm>>) target(%arg12 : memref<128x128xf32, #tpu.memory_space<vmem>>) offsets(%dma_start3A_180 : memref<128xi32, #tpu.memory_space<vmem>>) semaphore(%arg17 : memref<!tpu.dma_semaphore, #tpu.memory_space<semaphore_mem>>)
      } else {
      }
      %dma_wait3A_107 = arith.constant 0 : i32
      %dma_wait3A_108 = arith.constant 0 : i32
      %dma_wait3A_109 = tpu.memref_slice %arg7[%dma_wait3A_107, %dma_wait3A_108] : memref<2x128xi32, #tpu.memory_space<vmem>> -> memref<1x128xi32, #tpu.memory_space<vmem>>
      %dma_wait3A_110 = tpu.memref_squeeze %dma_wait3A_109 : memref<1x128xi32, #tpu.memory_space<vmem>> -> memref<128xi32, #tpu.memory_space<vmem>>
      %dma_wait3A_111 = arith.constant 0 : i32
      %dma_wait3A_112 = arith.constant 0 : i32
      %dma_wait3A_113 = tpu.memref_slice %arg2[%dma_wait3A_111, %dma_wait3A_112] : memref<10000x128xf32, #tpu.memory_space<hbm>> -> memref<10000x128xf32, #tpu.memory_space<hbm>>
      tpu.wait_indirect_dma semaphore(%arg16 : memref<!tpu.dma_semaphore, #tpu.memory_space<semaphore_mem>>) src(%dma_wait3A_113 : memref<10000x128xf32, #tpu.memory_space<hbm>>) dst(%arg11 : memref<128x128xf32, #tpu.memory_space<vmem>>)
      %parallel_loop3A = arith.constant 0 : i32
      %parallel_loop3A_114 = arith.constant 128 : i32
      %parallel_loop3A_115 = arith.constant 1 : i32
      scf.for %parallel_loop3A_152 = %parallel_loop3A to %parallel_loop3A_114 step %parallel_loop3A_115  : i32 {
        %parallel_loop3A_153 = arith.constant 0 : i32
        %parallel_loop3A_154 = vector.broadcast %parallel_loop3A_153 : i32 to vector<16xi32>
        %parallel_loop3A_155 = vector.broadcast %parallel_loop3A_152 : i32 to vector<16xi32>
        %parallel_loop3A_156 = arith.addi %parallel_loop3A_154, %parallel_loop3A_155 : vector<16xi32>
        %parallel_loop3A_157 = tpu.vector_load_idx %arg9[%parallel_loop3A_156] : memref<128xf32, #tpu.memory_space<vmem>>[vector<16xi32>], vector<16xf32>,
        %parallel_loop3A_158 = arith.index_cast %parallel_loop3A_152 : i32 to index
        %parallel_loop3A_159 = arith.constant 0 : index
        %parallel_loop3A_160 = tpu.vector_load %arg11[%parallel_loop3A_158, %parallel_loop3A_159] {strides = array<i32>} : memref<128x128xf32, #tpu.memory_space<vmem>>, vector<16xf32>,
        %parallel_loop3A_161 = arith.mulf %parallel_loop3A_160, %parallel_loop3A_157 : vector<16xf32>
        %parallel_loop3A_162 = arith.index_cast %parallel_loop3A_152 : i32 to index
        %parallel_loop3A_163 = arith.constant 0 : index
        %parallel_loop3A_164 = tpu.vector_load %arg11[%parallel_loop3A_162, %parallel_loop3A_163] {strides = array<i32>} : memref<128x128xf32, #tpu.memory_space<vmem>>, vector<16xf32>,
        tpu.vector_store %arg11[%parallel_loop3A_162, %parallel_loop3A_163], %parallel_loop3A_161 {strides = array<i32>} : memref<128x128xf32, #tpu.memory_space<vmem>>, vector<16xf32>,
        %parallel_loop3A_165 = arith.index_cast %parallel_loop3A_152 : i32 to index
        %parallel_loop3A_166 = arith.constant 16 : index
        %parallel_loop3A_167 = tpu.vector_load %arg11[%parallel_loop3A_165, %parallel_loop3A_166] {strides = array<i32>} : memref<128x128xf32, #tpu.memory_space<vmem>>, vector<16xf32>,
        %parallel_loop3A_168 = arith.mulf %parallel_loop3A_167, %parallel_loop3A_157 : vector<16xf32>
        %parallel_loop3A_169 = arith.index_cast %parallel_loop3A_152 : i32 to index
        %parallel_loop3A_170 = arith.constant 16 : index
        %parallel_loop3A_171 = tpu.vector_load %arg11[%parallel_loop3A_169, %parallel_loop3A_170] {strides = array<i32>} : memref<128x128xf32, #tpu.memory_space<vmem>>, vector<16xf32>,
        tpu.vector_store %arg11[%parallel_loop3A_169, %parallel_loop3A_170], %parallel_loop3A_168 {strides = array<i32>} : memref<128x128xf32, #tpu.memory_space<vmem>>, vector<16xf32>,
        %parallel_loop3A_172 = arith.index_cast %parallel_loop3A_152 : i32 to index
        %parallel_loop3A_173 = arith.constant 32 : index
        %parallel_loop3A_174 = tpu.vector_load %arg11[%parallel_loop3A_172, %parallel_loop3A_173] {strides = array<i32>} : memref<128x128xf32, #tpu.memory_space<vmem>>, vector<16xf32>,
        %parallel_loop3A_175 = arith.mulf %parallel_loop3A_174, %parallel_loop3A_157 : vector<16xf32>
        %parallel_loop3A_176 = arith.index_cast %parallel_loop3A_152 : i32 to index
        %parallel_loop3A_177 = arith.constant 32 : index
        %parallel_loop3A_178 = tpu.vector_load %arg11[%parallel_loop3A_176, %parallel_loop3A_177] {strides = array<i32>} : memref<128x128xf32, #tpu.memory_space<vmem>>, vector<16xf32>,
        tpu.vector_store %arg11[%parallel_loop3A_176, %parallel_loop3A_177], %parallel_loop3A_175 {strides = array<i32>} : memref<128x128xf32, #tpu.memory_space<vmem>>, vector<16xf32>,
        %parallel_loop3A_179 = arith.index_cast %parallel_loop3A_152 : i32 to index
        %parallel_loop3A_180 = arith.constant 48 : index
        %parallel_loop3A_181 = tpu.vector_load %arg11[%parallel_loop3A_179, %parallel_loop3A_180] {strides = array<i32>} : memref<128x128xf32, #tpu.memory_space<vmem>>, vector<16xf32>,
        %parallel_loop3A_182 = arith.mulf %parallel_loop3A_181, %parallel_loop3A_157 : vector<16xf32>
        %parallel_loop3A_183 = arith.index_cast %parallel_loop3A_152 : i32 to index
        %parallel_loop3A_184 = arith.constant 48 : index
        %parallel_loop3A_185 = tpu.vector_load %arg11[%parallel_loop3A_183, %parallel_loop3A_184] {strides = array<i32>} : memref<128x128xf32, #tpu.memory_space<vmem>>, vector<16xf32>,
        tpu.vector_store %arg11[%parallel_loop3A_183, %parallel_loop3A_184], %parallel_loop3A_182 {strides = array<i32>} : memref<128x128xf32, #tpu.memory_space<vmem>>, vector<16xf32>,
        %parallel_loop3A_186 = arith.index_cast %parallel_loop3A_152 : i32 to index
        %parallel_loop3A_187 = arith.constant 64 : index
        %parallel_loop3A_188 = tpu.vector_load %arg11[%parallel_loop3A_186, %parallel_loop3A_187] {strides = array<i32>} : memref<128x128xf32, #tpu.memory_space<vmem>>, vector<16xf32>,
        %parallel_loop3A_189 = arith.mulf %parallel_loop3A_188, %parallel_loop3A_157 : vector<16xf32>
        %parallel_loop3A_190 = arith.index_cast %parallel_loop3A_152 : i32 to index
        %parallel_loop3A_191 = arith.constant 64 : index
        %parallel_loop3A_192 = tpu.vector_load %arg11[%parallel_loop3A_190, %parallel_loop3A_191] {strides = array<i32>} : memref<128x128xf32, #tpu.memory_space<vmem>>, vector<16xf32>,
        tpu.vector_store %arg11[%parallel_loop3A_190, %parallel_loop3A_191], %parallel_loop3A_189 {strides = array<i32>} : memref<128x128xf32, #tpu.memory_space<vmem>>, vector<16xf32>,
        %parallel_loop3A_193 = arith.index_cast %parallel_loop3A_152 : i32 to index
        %parallel_loop3A_194 = arith.constant 80 : index
        %parallel_loop3A_195 = tpu.vector_load %arg11[%parallel_loop3A_193, %parallel_loop3A_194] {strides = array<i32>} : memref<128x128xf32, #tpu.memory_space<vmem>>, vector<16xf32>,
        %parallel_loop3A_196 = arith.mulf %parallel_loop3A_195, %parallel_loop3A_157 : vector<16xf32>
        %parallel_loop3A_197 = arith.index_cast %parallel_loop3A_152 : i32 to index
        %parallel_loop3A_198 = arith.constant 80 : index
        %parallel_loop3A_199 = tpu.vector_load %arg11[%parallel_loop3A_197, %parallel_loop3A_198] {strides = array<i32>} : memref<128x128xf32, #tpu.memory_space<vmem>>, vector<16xf32>,
        tpu.vector_store %arg11[%parallel_loop3A_197, %parallel_loop3A_198], %parallel_loop3A_196 {strides = array<i32>} : memref<128x128xf32, #tpu.memory_space<vmem>>, vector<16xf32>,
        %parallel_loop3A_200 = arith.index_cast %parallel_loop3A_152 : i32 to index
        %parallel_loop3A_201 = arith.constant 96 : index
        %parallel_loop3A_202 = tpu.vector_load %arg11[%parallel_loop3A_200, %parallel_loop3A_201] {strides = array<i32>} : memref<128x128xf32, #tpu.memory_space<vmem>>, vector<16xf32>,
        %parallel_loop3A_203 = arith.mulf %parallel_loop3A_202, %parallel_loop3A_157 : vector<16xf32>
        %parallel_loop3A_204 = arith.index_cast %parallel_loop3A_152 : i32 to index
        %parallel_loop3A_205 = arith.constant 96 : index
        %parallel_loop3A_206 = tpu.vector_load %arg11[%parallel_loop3A_204, %parallel_loop3A_205] {strides = array<i32>} : memref<128x128xf32, #tpu.memory_space<vmem>>, vector<16xf32>,
        tpu.vector_store %arg11[%parallel_loop3A_204, %parallel_loop3A_205], %parallel_loop3A_203 {strides = array<i32>} : memref<128x128xf32, #tpu.memory_space<vmem>>, vector<16xf32>,
        %parallel_loop3A_207 = arith.index_cast %parallel_loop3A_152 : i32 to index
        %parallel_loop3A_208 = arith.constant 112 : index
        %parallel_loop3A_209 = tpu.vector_load %arg11[%parallel_loop3A_207, %parallel_loop3A_208] {strides = array<i32>} : memref<128x128xf32, #tpu.memory_space<vmem>>, vector<16xf32>,
        %parallel_loop3A_210 = arith.mulf %parallel_loop3A_209, %parallel_loop3A_157 : vector<16xf32>
        %parallel_loop3A_211 = arith.index_cast %parallel_loop3A_152 : i32 to index
        %parallel_loop3A_212 = arith.constant 112 : index
        %parallel_loop3A_213 = tpu.vector_load %arg11[%parallel_loop3A_211, %parallel_loop3A_212] {strides = array<i32>} : memref<128x128xf32, #tpu.memory_space<vmem>>, vector<16xf32>,
        tpu.vector_store %arg11[%parallel_loop3A_211, %parallel_loop3A_212], %parallel_loop3A_210 {strides = array<i32>} : memref<128x128xf32, #tpu.memory_space<vmem>>, vector<16xf32>,
      } {sc.loop_unroll_factor = 4 : i64, sc.parallel_access}
      %run_scoped3A = arith.constant 1 : i32
      "tpu.region"() ({
        %run_scoped3A_152 = tpu.sem_alloc : memref<!tpu.dma_semaphore, #tpu.memory_space<semaphore_mem>>
        %dma_start3A_153 = arith.constant 0 : i32
        %dma_start3A_154 = tpu.memref_slice %arg7[%run_scoped3A, %dma_start3A_153] : memref<2x128xi32, #tpu.memory_space<vmem>> -> memref<1x128xi32, #tpu.memory_space<vmem>>
        %dma_start3A_155 = tpu.memref_squeeze %dma_start3A_154 : memref<1x128xi32, #tpu.memory_space<vmem>> -> memref<128xi32, #tpu.memory_space<vmem>>
        %dma_start3A_156 = arith.constant 0 : i32
        %dma_start3A_157 = arith.constant 0 : i32
        %dma_start3A_158 = tpu.memref_slice %arg13[%dma_start3A_156, %dma_start3A_157] : memref<10240x128xf32, #tpu.memory_space<vmem_shared>> -> memref<10240x128xf32, #tpu.memory_space<vmem_shared>>
        tpu.enqueue_indirect_dma source(%arg11 : memref<128x128xf32, #tpu.memory_space<vmem>>) target(%dma_start3A_158 : memref<10240x128xf32, #tpu.memory_space<vmem_shared>>) offsets(%dma_start3A_155 : memref<128xi32, #tpu.memory_space<vmem>>) semaphore(%run_scoped3A_152 : memref<!tpu.dma_semaphore, #tpu.memory_space<semaphore_mem>>) {add = true}
        %dma_wait3A_159 = arith.constant 0 : i32
        %dma_wait3A_160 = tpu.memref_slice %arg7[%run_scoped3A, %dma_wait3A_159] : memref<2x128xi32, #tpu.memory_space<vmem>> -> memref<1x128xi32, #tpu.memory_space<vmem>>
        %dma_wait3A_161 = tpu.memref_squeeze %dma_wait3A_160 : memref<1x128xi32, #tpu.memory_space<vmem>> -> memref<128xi32, #tpu.memory_space<vmem>>
        %dma_wait3A_162 = arith.constant 0 : i32
        %dma_wait3A_163 = arith.constant 0 : i32
        %dma_wait3A_164 = tpu.memref_slice %arg13[%dma_wait3A_162, %dma_wait3A_163] : memref<10240x128xf32, #tpu.memory_space<vmem_shared>> -> memref<10240x128xf32, #tpu.memory_space<vmem_shared>>
        tpu.wait_indirect_dma semaphore(%run_scoped3A_152 : memref<!tpu.dma_semaphore, #tpu.memory_space<semaphore_mem>>) src(%arg11 : memref<128x128xf32, #tpu.memory_space<vmem>>) dst(%dma_wait3A_164 : memref<10240x128xf32, #tpu.memory_space<vmem_shared>>)
        tpu.yield
      }) : () -> ()
      %add3A_116 = arith.constant 2 : i32
      %add3A_117 = arith.addi %add3A_102, %add3A_116 : i32
      %lt3A_118 = arith.constant 80 : i32
      %lt3A_119 = arith.cmpi slt, %add3A_117, %lt3A_118 : i32
      %convert_element_type3A_120 = arith.extui %lt3A_119 : i1 to i32
      %cond3A_121 = arith.constant 0 : i32
      %cond3A_122 = arith.cmpi ne, %convert_element_type3A_120, %cond3A_121 : i32
      scf.if %cond3A_122 {
        %add3A_152 = arith.constant 2 : i32
        %add3A_153 = arith.addi %add3A_102, %add3A_152 : i32
        %mul3A_154 = arith.constant 128 : i32
        %mul3A_155 = arith.muli %add3A_153, %mul3A_154 : i32
        %add3A_156 = arith.addi %mul3A_2, %mul3A_155 : i32
        %dma_start3A_157 = arith.constant 0 : i32
        %dma_start3A_158 = arith.constant 0 : i32
        %dma_start3A_159 = tpu.memref_slice %arg7[%dma_start3A_157, %dma_start3A_158] : memref<2x128xi32, #tpu.memory_space<vmem>> -> memref<1x128xi32, #tpu.memory_space<vmem>>
        %dma_start3A_160 = tpu.memref_squeeze %dma_start3A_159 : memref<1x128xi32, #tpu.memory_space<vmem>> -> memref<128xi32, #tpu.memory_space<vmem>>
        %dma_start3A_161 = tpu.memref_slice %arg3[%add3A_156] : memref<327680xi32, #tpu.memory_space<hbm>> -> memref<128xi32, #tpu.memory_space<hbm>>
        %dma_start3A_162 = arith.constant 0 : i32
        %dma_start3A_163 = tpu.memref_slice %arg7[%dma_start3A_157, %dma_start3A_162] : memref<2x128xi32, #tpu.memory_space<vmem>> -> memref<1x128xi32, #tpu.memory_space<vmem>>
        %dma_start3A_164 = tpu.memref_squeeze %dma_start3A_163 : memref<1x128xi32, #tpu.memory_space<vmem>> -> memref<128xi32, #tpu.memory_space<vmem>>
        %dma_start3A_165 = tpu.memref_slice %arg3[%add3A_156] : memref<327680xi32, #tpu.memory_space<hbm>> -> memref<128xi32, #tpu.memory_space<hbm>>
        tpu.enqueue_dma source(%dma_start3A_165 : memref<128xi32, #tpu.memory_space<hbm>>) target(%dma_start3A_164 : memref<128xi32, #tpu.memory_space<vmem>>) target_semaphore(%arg14 : memref<!tpu.dma_semaphore, #tpu.memory_space<semaphore_mem>>)
        %dma_start3A_166 = arith.constant 1 : i32
        %dma_start3A_167 = arith.constant 0 : i32
        %dma_start3A_168 = tpu.memref_slice %arg7[%dma_start3A_166, %dma_start3A_167] : memref<2x128xi32, #tpu.memory_space<vmem>> -> memref<1x128xi32, #tpu.memory_space<vmem>>
        %dma_start3A_169 = tpu.memref_squeeze %dma_start3A_168 : memref<1x128xi32, #tpu.memory_space<vmem>> -> memref<128xi32, #tpu.memory_space<vmem>>
        %dma_start3A_170 = tpu.memref_slice %arg4[%add3A_156] : memref<327680xi32, #tpu.memory_space<hbm>> -> memref<128xi32, #tpu.memory_space<hbm>>
        %dma_start3A_171 = arith.constant 0 : i32
        %dma_start3A_172 = tpu.memref_slice %arg7[%dma_start3A_166, %dma_start3A_171] : memref<2x128xi32, #tpu.memory_space<vmem>> -> memref<1x128xi32, #tpu.memory_space<vmem>>
        %dma_start3A_173 = tpu.memref_squeeze %dma_start3A_172 : memref<1x128xi32, #tpu.memory_space<vmem>> -> memref<128xi32, #tpu.memory_space<vmem>>
        %dma_start3A_174 = tpu.memref_slice %arg4[%add3A_156] : memref<327680xi32, #tpu.memory_space<hbm>> -> memref<128xi32, #tpu.memory_space<hbm>>
        tpu.enqueue_dma source(%dma_start3A_174 : memref<128xi32, #tpu.memory_space<hbm>>) target(%dma_start3A_173 : memref<128xi32, #tpu.memory_space<vmem>>) target_semaphore(%arg14 : memref<!tpu.dma_semaphore, #tpu.memory_space<semaphore_mem>>)
        %dma_start3A_175 = tpu.memref_slice %arg5[%add3A_156] : memref<327680xf32, #tpu.memory_space<hbm>> -> memref<128xf32, #tpu.memory_space<hbm>>
        %dma_start3A_176 = tpu.memref_slice %arg5[%add3A_156] : memref<327680xf32, #tpu.memory_space<hbm>> -> memref<128xf32, #tpu.memory_space<hbm>>
        tpu.enqueue_dma source(%dma_start3A_176 : memref<128xf32, #tpu.memory_space<hbm>>) target(%arg9 : memref<128xf32, #tpu.memory_space<vmem>>) target_semaphore(%arg14 : memref<!tpu.dma_semaphore, #tpu.memory_space<semaphore_mem>>)
      } else {
      }
      %mul3A_123 = arith.constant 2 : i32
      %mul3A_124 = arith.muli %add3A_98, %mul3A_123 : i32
      %add3A_125 = arith.constant 1 : i32
      %add3A_126 = arith.addi %mul3A_124, %add3A_125 : i32
      %add3A_127 = arith.constant 1 : i32
      %add3A_128 = arith.addi %add3A_126, %add3A_127 : i32
      %lt3A_129 = arith.constant 80 : i32
      %lt3A_130 = arith.cmpi slt, %add3A_128, %lt3A_129 : i32
      %convert_element_type3A_131 = arith.extui %lt3A_130 : i1 to i32
      %cond3A_132 = arith.constant 0 : i32
      %cond3A_133 = arith.cmpi ne, %convert_element_type3A_131, %cond3A_132 : i32
      scf.if %cond3A_133 {
        %add3A_152 = arith.constant 1 : i32
        %add3A_153 = arith.addi %add3A_126, %add3A_152 : i32
        %mul3A_154 = arith.constant 128 : i32
        %mul3A_155 = arith.muli %add3A_153, %mul3A_154 : i32
        %add3A_156 = arith.addi %mul3A_2, %mul3A_155 : i32
        %dma_wait3A_157 = arith.constant 0 : i32
        %dma_wait3A_158 = arith.constant 0 : i32
        %dma_wait3A_159 = tpu.memref_slice %arg7[%dma_wait3A_157, %dma_wait3A_158] : memref<2x128xi32, #tpu.memory_space<vmem>> -> memref<1x128xi32, #tpu.memory_space<vmem>>
        %dma_wait3A_160 = tpu.memref_squeeze %dma_wait3A_159 : memref<1x128xi32, #tpu.memory_space<vmem>> -> memref<128xi32, #tpu.memory_space<vmem>>
        %dma_wait3A_161 = tpu.memref_slice %arg3[%add3A_156] : memref<327680xi32, #tpu.memory_space<hbm>> -> memref<128xi32, #tpu.memory_space<hbm>>
        %dma_wait3A_162 = arith.constant 0 : i32
        %dma_wait3A_163 = tpu.memref_slice %arg7[%dma_wait3A_157, %dma_wait3A_162] : memref<2x128xi32, #tpu.memory_space<vmem>> -> memref<1x128xi32, #tpu.memory_space<vmem>>
        %dma_wait3A_164 = tpu.memref_squeeze %dma_wait3A_163 : memref<1x128xi32, #tpu.memory_space<vmem>> -> memref<128xi32, #tpu.memory_space<vmem>>
        %dma_wait3A_165 = tpu.memref_slice %arg3[%add3A_156] : memref<327680xi32, #tpu.memory_space<hbm>> -> memref<128xi32, #tpu.memory_space<hbm>>
        tpu.wait_dma2 semaphore(%arg14 : memref<!tpu.dma_semaphore, #tpu.memory_space<semaphore_mem>>) src(%dma_wait3A_165 : memref<128xi32, #tpu.memory_space<hbm>>) dst(%dma_wait3A_164 : memref<128xi32, #tpu.memory_space<vmem>>)
        %dma_wait3A_166 = arith.constant 1 : i32
        %dma_wait3A_167 = arith.constant 0 : i32
        %dma_wait3A_168 = tpu.memref_slice %arg7[%dma_wait3A_166, %dma_wait3A_167] : memref<2x128xi32, #tpu.memory_space<vmem>> -> memref<1x128xi32, #tpu.memory_space<vmem>>
        %dma_wait3A_169 = tpu.memref_squeeze %dma_wait3A_168 : memref<1x128xi32, #tpu.memory_space<vmem>> -> memref<128xi32, #tpu.memory_space<vmem>>
        %dma_wait3A_170 = tpu.memref_slice %arg4[%add3A_156] : memref<327680xi32, #tpu.memory_space<hbm>> -> memref<128xi32, #tpu.memory_space<hbm>>
        %dma_wait3A_171 = arith.constant 0 : i32
        %dma_wait3A_172 = tpu.memref_slice %arg7[%dma_wait3A_166, %dma_wait3A_171] : memref<2x128xi32, #tpu.memory_space<vmem>> -> memref<1x128xi32, #tpu.memory_space<vmem>>
        %dma_wait3A_173 = tpu.memref_squeeze %dma_wait3A_172 : memref<1x128xi32, #tpu.memory_space<vmem>> -> memref<128xi32, #tpu.memory_space<vmem>>
        %dma_wait3A_174 = tpu.memref_slice %arg4[%add3A_156] : memref<327680xi32, #tpu.memory_space<hbm>> -> memref<128xi32, #tpu.memory_space<hbm>>
        tpu.wait_dma2 semaphore(%arg14 : memref<!tpu.dma_semaphore, #tpu.memory_space<semaphore_mem>>) src(%dma_wait3A_174 : memref<128xi32, #tpu.memory_space<hbm>>) dst(%dma_wait3A_173 : memref<128xi32, #tpu.memory_space<vmem>>)
        %dma_wait3A_175 = tpu.memref_slice %arg5[%add3A_156] : memref<327680xf32, #tpu.memory_space<hbm>> -> memref<128xf32, #tpu.memory_space<hbm>>
        %dma_wait3A_176 = tpu.memref_slice %arg5[%add3A_156] : memref<327680xf32, #tpu.memory_space<hbm>> -> memref<128xf32, #tpu.memory_space<hbm>>
        tpu.wait_dma2 semaphore(%arg14 : memref<!tpu.dma_semaphore, #tpu.memory_space<semaphore_mem>>) src(%dma_wait3A_176 : memref<128xf32, #tpu.memory_space<hbm>>) dst(%arg9 : memref<128xf32, #tpu.memory_space<vmem>>)
        %dma_start3A_177 = arith.constant 0 : i32
        %dma_start3A_178 = arith.constant 0 : i32
        %dma_start3A_179 = tpu.memref_slice %arg7[%dma_start3A_177, %dma_start3A_178] : memref<2x128xi32, #tpu.memory_space<vmem>> -> memref<1x128xi32, #tpu.memory_space<vmem>>
        %dma_start3A_180 = tpu.memref_squeeze %dma_start3A_179 : memref<1x128xi32, #tpu.memory_space<vmem>> -> memref<128xi32, #tpu.memory_space<vmem>>
        %dma_start3A_181 = arith.constant 0 : i32
        %dma_start3A_182 = arith.constant 0 : i32
        %dma_start3A_183 = tpu.memref_slice %arg2[%dma_start3A_181, %dma_start3A_182] : memref<10000x128xf32, #tpu.memory_space<hbm>> -> memref<10000x128xf32, #tpu.memory_space<hbm>>
        tpu.enqueue_indirect_dma source(%dma_start3A_183 : memref<10000x128xf32, #tpu.memory_space<hbm>>) target(%arg11 : memref<128x128xf32, #tpu.memory_space<vmem>>) offsets(%dma_start3A_180 : memref<128xi32, #tpu.memory_space<vmem>>) semaphore(%arg16 : memref<!tpu.dma_semaphore, #tpu.memory_space<semaphore_mem>>)
      } else {
      }
      %dma_wait3A_134 = arith.constant 0 : i32
      %dma_wait3A_135 = arith.constant 0 : i32
      %dma_wait3A_136 = tpu.memref_slice %arg8[%dma_wait3A_134, %dma_wait3A_135] : memref<2x128xi32, #tpu.memory_space<vmem>> -> memref<1x128xi32, #tpu.memory_space<vmem>>
      %dma_wait3A_137 = tpu.memref_squeeze %dma_wait3A_136 : memref<1x128xi32, #tpu.memory_space<vmem>> -> memref<128xi32, #tpu.memory_space<vmem>>
      %dma_wait3A_138 = arith.constant 0 : i32
      %dma_wait3A_139 = arith.constant 0 : i32
      %dma_wait3A_140 = tpu.memref_slice %arg2[%dma_wait3A_138, %dma_wait3A_139] : memref<10000x128xf32, #tpu.memory_space<hbm>> -> memref<10000x128xf32, #tpu.memory_space<hbm>>
      tpu.wait_indirect_dma semaphore(%arg17 : memref<!tpu.dma_semaphore, #tpu.memory_space<semaphore_mem>>) src(%dma_wait3A_140 : memref<10000x128xf32, #tpu.memory_space<hbm>>) dst(%arg12 : memref<128x128xf32, #tpu.memory_space<vmem>>)
      %parallel_loop3A_141 = arith.constant 0 : i32
      %parallel_loop3A_142 = arith.constant 128 : i32
      %parallel_loop3A_143 = arith.constant 1 : i32
      scf.for %parallel_loop3A_152 = %parallel_loop3A_141 to %parallel_loop3A_142 step %parallel_loop3A_143  : i32 {
        %parallel_loop3A_153 = arith.constant 0 : i32
        %parallel_loop3A_154 = vector.broadcast %parallel_loop3A_153 : i32 to vector<16xi32>
        %parallel_loop3A_155 = vector.broadcast %parallel_loop3A_152 : i32 to vector<16xi32>
        %parallel_loop3A_156 = arith.addi %parallel_loop3A_154, %parallel_loop3A_155 : vector<16xi32>
        %parallel_loop3A_157 = tpu.vector_load_idx %arg10[%parallel_loop3A_156] : memref<128xf32, #tpu.memory_space<vmem>>[vector<16xi32>], vector<16xf32>,
        %parallel_loop3A_158 = arith.index_cast %parallel_loop3A_152 : i32 to index
        %parallel_loop3A_159 = arith.constant 0 : index
        %parallel_loop3A_160 = tpu.vector_load %arg12[%parallel_loop3A_158, %parallel_loop3A_159] {strides = array<i32>} : memref<128x128xf32, #tpu.memory_space<vmem>>, vector<16xf32>,
        %parallel_loop3A_161 = arith.mulf %parallel_loop3A_160, %parallel_loop3A_157 : vector<16xf32>
        %parallel_loop3A_162 = arith.index_cast %parallel_loop3A_152 : i32 to index
        %parallel_loop3A_163 = arith.constant 0 : index
        %parallel_loop3A_164 = tpu.vector_load %arg12[%parallel_loop3A_162, %parallel_loop3A_163] {strides = array<i32>} : memref<128x128xf32, #tpu.memory_space<vmem>>, vector<16xf32>,
        tpu.vector_store %arg12[%parallel_loop3A_162, %parallel_loop3A_163], %parallel_loop3A_161 {strides = array<i32>} : memref<128x128xf32, #tpu.memory_space<vmem>>, vector<16xf32>,
        %parallel_loop3A_165 = arith.index_cast %parallel_loop3A_152 : i32 to index
        %parallel_loop3A_166 = arith.constant 16 : index
        %parallel_loop3A_167 = tpu.vector_load %arg12[%parallel_loop3A_165, %parallel_loop3A_166] {strides = array<i32>} : memref<128x128xf32, #tpu.memory_space<vmem>>, vector<16xf32>,
        %parallel_loop3A_168 = arith.mulf %parallel_loop3A_167, %parallel_loop3A_157 : vector<16xf32>
        %parallel_loop3A_169 = arith.index_cast %parallel_loop3A_152 : i32 to index
        %parallel_loop3A_170 = arith.constant 16 : index
        %parallel_loop3A_171 = tpu.vector_load %arg12[%parallel_loop3A_169, %parallel_loop3A_170] {strides = array<i32>} : memref<128x128xf32, #tpu.memory_space<vmem>>, vector<16xf32>,
        tpu.vector_store %arg12[%parallel_loop3A_169, %parallel_loop3A_170], %parallel_loop3A_168 {strides = array<i32>} : memref<128x128xf32, #tpu.memory_space<vmem>>, vector<16xf32>,
        %parallel_loop3A_172 = arith.index_cast %parallel_loop3A_152 : i32 to index
        %parallel_loop3A_173 = arith.constant 32 : index
        %parallel_loop3A_174 = tpu.vector_load %arg12[%parallel_loop3A_172, %parallel_loop3A_173] {strides = array<i32>} : memref<128x128xf32, #tpu.memory_space<vmem>>, vector<16xf32>,
        %parallel_loop3A_175 = arith.mulf %parallel_loop3A_174, %parallel_loop3A_157 : vector<16xf32>
        %parallel_loop3A_176 = arith.index_cast %parallel_loop3A_152 : i32 to index
        %parallel_loop3A_177 = arith.constant 32 : index
        %parallel_loop3A_178 = tpu.vector_load %arg12[%parallel_loop3A_176, %parallel_loop3A_177] {strides = array<i32>} : memref<128x128xf32, #tpu.memory_space<vmem>>, vector<16xf32>,
        tpu.vector_store %arg12[%parallel_loop3A_176, %parallel_loop3A_177], %parallel_loop3A_175 {strides = array<i32>} : memref<128x128xf32, #tpu.memory_space<vmem>>, vector<16xf32>,
        %parallel_loop3A_179 = arith.index_cast %parallel_loop3A_152 : i32 to index
        %parallel_loop3A_180 = arith.constant 48 : index
        %parallel_loop3A_181 = tpu.vector_load %arg12[%parallel_loop3A_179, %parallel_loop3A_180] {strides = array<i32>} : memref<128x128xf32, #tpu.memory_space<vmem>>, vector<16xf32>,
        %parallel_loop3A_182 = arith.mulf %parallel_loop3A_181, %parallel_loop3A_157 : vector<16xf32>
        %parallel_loop3A_183 = arith.index_cast %parallel_loop3A_152 : i32 to index
        %parallel_loop3A_184 = arith.constant 48 : index
        %parallel_loop3A_185 = tpu.vector_load %arg12[%parallel_loop3A_183, %parallel_loop3A_184] {strides = array<i32>} : memref<128x128xf32, #tpu.memory_space<vmem>>, vector<16xf32>,
        tpu.vector_store %arg12[%parallel_loop3A_183, %parallel_loop3A_184], %parallel_loop3A_182 {strides = array<i32>} : memref<128x128xf32, #tpu.memory_space<vmem>>, vector<16xf32>,
        %parallel_loop3A_186 = arith.index_cast %parallel_loop3A_152 : i32 to index
        %parallel_loop3A_187 = arith.constant 64 : index
        %parallel_loop3A_188 = tpu.vector_load %arg12[%parallel_loop3A_186, %parallel_loop3A_187] {strides = array<i32>} : memref<128x128xf32, #tpu.memory_space<vmem>>, vector<16xf32>,
        %parallel_loop3A_189 = arith.mulf %parallel_loop3A_188, %parallel_loop3A_157 : vector<16xf32>
        %parallel_loop3A_190 = arith.index_cast %parallel_loop3A_152 : i32 to index
        %parallel_loop3A_191 = arith.constant 64 : index
        %parallel_loop3A_192 = tpu.vector_load %arg12[%parallel_loop3A_190, %parallel_loop3A_191] {strides = array<i32>} : memref<128x128xf32, #tpu.memory_space<vmem>>, vector<16xf32>,
        tpu.vector_store %arg12[%parallel_loop3A_190, %parallel_loop3A_191], %parallel_loop3A_189 {strides = array<i32>} : memref<128x128xf32, #tpu.memory_space<vmem>>, vector<16xf32>,
        %parallel_loop3A_193 = arith.index_cast %parallel_loop3A_152 : i32 to index
        %parallel_loop3A_194 = arith.constant 80 : index
        %parallel_loop3A_195 = tpu.vector_load %arg12[%parallel_loop3A_193, %parallel_loop3A_194] {strides = array<i32>} : memref<128x128xf32, #tpu.memory_space<vmem>>, vector<16xf32>,
        %parallel_loop3A_196 = arith.mulf %parallel_loop3A_195, %parallel_loop3A_157 : vector<16xf32>
        %parallel_loop3A_197 = arith.index_cast %parallel_loop3A_152 : i32 to index
        %parallel_loop3A_198 = arith.constant 80 : index
        %parallel_loop3A_199 = tpu.vector_load %arg12[%parallel_loop3A_197, %parallel_loop3A_198] {strides = array<i32>} : memref<128x128xf32, #tpu.memory_space<vmem>>, vector<16xf32>,
        tpu.vector_store %arg12[%parallel_loop3A_197, %parallel_loop3A_198], %parallel_loop3A_196 {strides = array<i32>} : memref<128x128xf32, #tpu.memory_space<vmem>>, vector<16xf32>,
        %parallel_loop3A_200 = arith.index_cast %parallel_loop3A_152 : i32 to index
        %parallel_loop3A_201 = arith.constant 96 : index
        %parallel_loop3A_202 = tpu.vector_load %arg12[%parallel_loop3A_200, %parallel_loop3A_201] {strides = array<i32>} : memref<128x128xf32, #tpu.memory_space<vmem>>, vector<16xf32>,
        %parallel_loop3A_203 = arith.mulf %parallel_loop3A_202, %parallel_loop3A_157 : vector<16xf32>
        %parallel_loop3A_204 = arith.index_cast %parallel_loop3A_152 : i32 to index
        %parallel_loop3A_205 = arith.constant 96 : index
        %parallel_loop3A_206 = tpu.vector_load %arg12[%parallel_loop3A_204, %parallel_loop3A_205] {strides = array<i32>} : memref<128x128xf32, #tpu.memory_space<vmem>>, vector<16xf32>,
        tpu.vector_store %arg12[%parallel_loop3A_204, %parallel_loop3A_205], %parallel_loop3A_203 {strides = array<i32>} : memref<128x128xf32, #tpu.memory_space<vmem>>, vector<16xf32>,
        %parallel_loop3A_207 = arith.index_cast %parallel_loop3A_152 : i32 to index
        %parallel_loop3A_208 = arith.constant 112 : index
        %parallel_loop3A_209 = tpu.vector_load %arg12[%parallel_loop3A_207, %parallel_loop3A_208] {strides = array<i32>} : memref<128x128xf32, #tpu.memory_space<vmem>>, vector<16xf32>,
        %parallel_loop3A_210 = arith.mulf %parallel_loop3A_209, %parallel_loop3A_157 : vector<16xf32>
        %parallel_loop3A_211 = arith.index_cast %parallel_loop3A_152 : i32 to index
        %parallel_loop3A_212 = arith.constant 112 : index
        %parallel_loop3A_213 = tpu.vector_load %arg12[%parallel_loop3A_211, %parallel_loop3A_212] {strides = array<i32>} : memref<128x128xf32, #tpu.memory_space<vmem>>, vector<16xf32>,
        tpu.vector_store %arg12[%parallel_loop3A_211, %parallel_loop3A_212], %parallel_loop3A_210 {strides = array<i32>} : memref<128x128xf32, #tpu.memory_space<vmem>>, vector<16xf32>,
      } {sc.loop_unroll_factor = 4 : i64, sc.parallel_access}
      %run_scoped3A_144 = arith.constant 1 : i32
      "tpu.region"() ({
        %run_scoped3A_152 = tpu.sem_alloc : memref<!tpu.dma_semaphore, #tpu.memory_space<semaphore_mem>>
        %dma_start3A_153 = arith.constant 0 : i32
        %dma_start3A_154 = tpu.memref_slice %arg8[%run_scoped3A_144, %dma_start3A_153] : memref<2x128xi32, #tpu.memory_space<vmem>> -> memref<1x128xi32, #tpu.memory_space<vmem>>
        %dma_start3A_155 = tpu.memref_squeeze %dma_start3A_154 : memref<1x128xi32, #tpu.memory_space<vmem>> -> memref<128xi32, #tpu.memory_space<vmem>>
        %dma_start3A_156 = arith.constant 0 : i32
        %dma_start3A_157 = arith.constant 0 : i32
        %dma_start3A_158 = tpu.memref_slice %arg13[%dma_start3A_156, %dma_start3A_157] : memref<10240x128xf32, #tpu.memory_space<vmem_shared>> -> memref<10240x128xf32, #tpu.memory_space<vmem_shared>>
        tpu.enqueue_indirect_dma source(%arg12 : memref<128x128xf32, #tpu.memory_space<vmem>>) target(%dma_start3A_158 : memref<10240x128xf32, #tpu.memory_space<vmem_shared>>) offsets(%dma_start3A_155 : memref<128xi32, #tpu.memory_space<vmem>>) semaphore(%run_scoped3A_152 : memref<!tpu.dma_semaphore, #tpu.memory_space<semaphore_mem>>) {add = true}
        %dma_wait3A_159 = arith.constant 0 : i32
        %dma_wait3A_160 = tpu.memref_slice %arg8[%run_scoped3A_144, %dma_wait3A_159] : memref<2x128xi32, #tpu.memory_space<vmem>> -> memref<1x128xi32, #tpu.memory_space<vmem>>
        %dma_wait3A_161 = tpu.memref_squeeze %dma_wait3A_160 : memref<1x128xi32, #tpu.memory_space<vmem>> -> memref<128xi32, #tpu.memory_space<vmem>>
        %dma_wait3A_162 = arith.constant 0 : i32
        %dma_wait3A_163 = arith.constant 0 : i32
        %dma_wait3A_164 = tpu.memref_slice %arg13[%dma_wait3A_162, %dma_wait3A_163] : memref<10240x128xf32, #tpu.memory_space<vmem_shared>> -> memref<10240x128xf32, #tpu.memory_space<vmem_shared>>
        tpu.wait_indirect_dma semaphore(%run_scoped3A_152 : memref<!tpu.dma_semaphore, #tpu.memory_space<semaphore_mem>>) src(%arg12 : memref<128x128xf32, #tpu.memory_space<vmem>>) dst(%dma_wait3A_164 : memref<10240x128xf32, #tpu.memory_space<vmem_shared>>)
        tpu.yield
      }) : () -> ()
      %add3A_145 = arith.constant 2 : i32
      %add3A_146 = arith.addi %add3A_126, %add3A_145 : i32
      %lt3A_147 = arith.constant 80 : i32
      %lt3A_148 = arith.cmpi slt, %add3A_146, %lt3A_147 : i32
      %convert_element_type3A_149 = arith.extui %lt3A_148 : i1 to i32
      %cond3A_150 = arith.constant 0 : i32
      %cond3A_151 = arith.cmpi ne, %convert_element_type3A_149, %cond3A_150 : i32
      scf.if %cond3A_151 {
        %add3A_152 = arith.constant 2 : i32
        %add3A_153 = arith.addi %add3A_126, %add3A_152 : i32
        %mul3A_154 = arith.constant 128 : i32
        %mul3A_155 = arith.muli %add3A_153, %mul3A_154 : i32
        %add3A_156 = arith.addi %mul3A_2, %mul3A_155 : i32
        %dma_start3A_157 = arith.constant 0 : i32
        %dma_start3A_158 = arith.constant 0 : i32
        %dma_start3A_159 = tpu.memref_slice %arg8[%dma_start3A_157, %dma_start3A_158] : memref<2x128xi32, #tpu.memory_space<vmem>> -> memref<1x128xi32, #tpu.memory_space<vmem>>
        %dma_start3A_160 = tpu.memref_squeeze %dma_start3A_159 : memref<1x128xi32, #tpu.memory_space<vmem>> -> memref<128xi32, #tpu.memory_space<vmem>>
        %dma_start3A_161 = tpu.memref_slice %arg3[%add3A_156] : memref<327680xi32, #tpu.memory_space<hbm>> -> memref<128xi32, #tpu.memory_space<hbm>>
        %dma_start3A_162 = arith.constant 0 : i32
        %dma_start3A_163 = tpu.memref_slice %arg8[%dma_start3A_157, %dma_start3A_162] : memref<2x128xi32, #tpu.memory_space<vmem>> -> memref<1x128xi32, #tpu.memory_space<vmem>>
        %dma_start3A_164 = tpu.memref_squeeze %dma_start3A_163 : memref<1x128xi32, #tpu.memory_space<vmem>> -> memref<128xi32, #tpu.memory_space<vmem>>
        %dma_start3A_165 = tpu.memref_slice %arg3[%add3A_156] : memref<327680xi32, #tpu.memory_space<hbm>> -> memref<128xi32, #tpu.memory_space<hbm>>
        tpu.enqueue_dma source(%dma_start3A_165 : memref<128xi32, #tpu.memory_space<hbm>>) target(%dma_start3A_164 : memref<128xi32, #tpu.memory_space<vmem>>) target_semaphore(%arg15 : memref<!tpu.dma_semaphore, #tpu.memory_space<semaphore_mem>>)
        %dma_start3A_166 = arith.constant 1 : i32
        %dma_start3A_167 = arith.constant 0 : i32
        %dma_start3A_168 = tpu.memref_slice %arg8[%dma_start3A_166, %dma_start3A_167] : memref<2x128xi32, #tpu.memory_space<vmem>> -> memref<1x128xi32, #tpu.memory_space<vmem>>
        %dma_start3A_169 = tpu.memref_squeeze %dma_start3A_168 : memref<1x128xi32, #tpu.memory_space<vmem>> -> memref<128xi32, #tpu.memory_space<vmem>>
        %dma_start3A_170 = tpu.memref_slice %arg4[%add3A_156] : memref<327680xi32, #tpu.memory_space<hbm>> -> memref<128xi32, #tpu.memory_space<hbm>>
        %dma_start3A_171 = arith.constant 0 : i32
        %dma_start3A_172 = tpu.memref_slice %arg8[%dma_start3A_166, %dma_start3A_171] : memref<2x128xi32, #tpu.memory_space<vmem>> -> memref<1x128xi32, #tpu.memory_space<vmem>>
        %dma_start3A_173 = tpu.memref_squeeze %dma_start3A_172 : memref<1x128xi32, #tpu.memory_space<vmem>> -> memref<128xi32, #tpu.memory_space<vmem>>
        %dma_start3A_174 = tpu.memref_slice %arg4[%add3A_156] : memref<327680xi32, #tpu.memory_space<hbm>> -> memref<128xi32, #tpu.memory_space<hbm>>
        tpu.enqueue_dma source(%dma_start3A_174 : memref<128xi32, #tpu.memory_space<hbm>>) target(%dma_start3A_173 : memref<128xi32, #tpu.memory_space<vmem>>) target_semaphore(%arg15 : memref<!tpu.dma_semaphore, #tpu.memory_space<semaphore_mem>>)
        %dma_start3A_175 = tpu.memref_slice %arg5[%add3A_156] : memref<327680xf32, #tpu.memory_space<hbm>> -> memref<128xf32, #tpu.memory_space<hbm>>
        %dma_start3A_176 = tpu.memref_slice %arg5[%add3A_156] : memref<327680xf32, #tpu.memory_space<hbm>> -> memref<128xf32, #tpu.memory_space<hbm>>
        tpu.enqueue_dma source(%dma_start3A_176 : memref<128xf32, #tpu.memory_space<hbm>>) target(%arg10 : memref<128xf32, #tpu.memory_space<vmem>>) target_semaphore(%arg15 : memref<!tpu.dma_semaphore, #tpu.memory_space<semaphore_mem>>)
      } else {
      }
    }
    %scan3A_87 = arith.constant 40 : i32
    %barrier3A_88 = arith.constant 0 : index
    tpu.barrier barrier_id(%barrier3A_88)
    %scan3A_89 = arith.constant 0 : i32
    %scan3A_90 = arith.constant 5 : i32
    %scan3A_91 = arith.addi %scan3A_89, %scan3A_90 : i32
    %scan3A_92 = arith.constant 1 : i32
    scf.for %scan3A_94 = %scan3A_89 to %scan3A_91 step %scan3A_92  : i32 {
      %mul3A_95 = arith.constant 1 : i32
      %mul3A_96 = arith.muli %scan3A_94, %mul3A_95 : i32
      %add3A_97 = arith.constant 0 : i32
      %add3A_98 = arith.addi %add3A_97, %mul3A_96 : i32
      %mul3A_99 = arith.constant 640 : i32
      %mul3A_100 = arith.muli %arg1, %mul3A_99 : i32
      %mul3A_101 = arith.constant 128 : i32
      %mul3A_102 = arith.muli %add3A_98, %mul3A_101 : i32
      %add3A_103 = arith.addi %mul3A_100, %mul3A_102 : i32
      "tpu.region"() ({
        %run_scoped3A = tpu.sem_alloc : memref<!tpu.dma_semaphore, #tpu.memory_space<semaphore_mem>>
        %dma_start3A_104 = arith.constant 0 : i32
        %dma_start3A_105 = tpu.memref_slice %arg6[%arg0, %add3A_103, %dma_start3A_104] : memref<2x10240x128xf32, #tpu.memory_space<hbm>> -> memref<1x128x128xf32, #tpu.memory_space<hbm>>
        %dma_start3A_106 = tpu.memref_squeeze %dma_start3A_105 : memref<1x128x128xf32, #tpu.memory_space<hbm>> -> memref<128x128xf32, #tpu.memory_space<hbm>>
        %dma_start3A_107 = arith.constant 0 : i32
        %dma_start3A_108 = tpu.memref_slice %arg13[%add3A_103, %dma_start3A_107] : memref<10240x128xf32, #tpu.memory_space<vmem_shared>> -> memref<128x128xf32, #tpu.memory_space<vmem_shared>>
        tpu.enqueue_dma source(%dma_start3A_108 : memref<128x128xf32, #tpu.memory_space<vmem_shared>>) target(%dma_start3A_106 : memref<128x128xf32, #tpu.memory_space<hbm>>) target_semaphore(%run_scoped3A : memref<!tpu.dma_semaphore, #tpu.memory_space<semaphore_mem>>)
        %dma_wait3A_109 = arith.constant 0 : i32
        %dma_wait3A_110 = tpu.memref_slice %arg6[%arg0, %add3A_103, %dma_wait3A_109] : memref<2x10240x128xf32, #tpu.memory_space<hbm>> -> memref<1x128x128xf32, #tpu.memory_space<hbm>>
        %dma_wait3A_111 = tpu.memref_squeeze %dma_wait3A_110 : memref<1x128x128xf32, #tpu.memory_space<hbm>> -> memref<128x128xf32, #tpu.memory_space<hbm>>
        %dma_wait3A_112 = arith.constant 0 : i32
        %dma_wait3A_113 = tpu.memref_slice %arg13[%add3A_103, %dma_wait3A_112] : memref<10240x128xf32, #tpu.memory_space<vmem_shared>> -> memref<128x128xf32, #tpu.memory_space<vmem_shared>>
        tpu.wait_dma2 semaphore(%run_scoped3A : memref<!tpu.dma_semaphore, #tpu.memory_space<semaphore_mem>>) src(%dma_wait3A_113 : memref<128x128xf32, #tpu.memory_space<vmem_shared>>) dst(%dma_wait3A_111 : memref<128x128xf32, #tpu.memory_space<hbm>>)
        tpu.yield
      }) : () -> ()
    }
    %scan3A_93 = arith.constant 5 : i32
    return
  }
}

#map = affine_map<(d0, d1) -> (0)>
#map1 = affine_map<(d0, d1) -> (0, 0, 0)>
module attributes {stable_mosaic.version = 14 : i64} {
  func.func @k(%arg0: i32, %arg1: i32, %arg2: memref<327680xi32, #tpu.memory_space<hbm>>, %arg3: memref<327680xf32, #tpu.memory_space<hbm>>, %arg4: memref<2x10240x128xf32, #tpu.memory_space<hbm>>, %arg5: memref<1x128xi32, #tpu.memory_space<vmem>>, %arg6: memref<1x128xi32, #tpu.memory_space<vmem>>, %arg7: memref<128xf32, #tpu.memory_space<vmem>>, %arg8: memref<128xf32, #tpu.memory_space<vmem>>, %arg9: memref<128x128xf32, #tpu.memory_space<vmem>>, %arg10: memref<10240x128xf32, #tpu.memory_space<vmem_shared>>, %arg11: memref<!tpu.dma_semaphore, #tpu.memory_space<semaphore_mem>>, %arg12: memref<!tpu.dma_semaphore, #tpu.memory_space<semaphore_mem>>) attributes {dimension_semantics = [#tpu.dimension_semantics<core_parallel>, #tpu.dimension_semantics<subcore_parallel>], iteration_bounds = array<i64: 2, 16>, scalar_prefetch = 0 : i64, scratch_operands = 8 : i64, tpu.core_type = #tpu.core_type<sc_vector_subcore>, window_params = [{transform_indices = #map}, {transform_indices = #map}, {transform_indices = #map1}]} {
    %mul3A = arith.constant 2 : i32
    %mul3A_0 = arith.muli %arg1, %mul3A : i32
    %add3A = arith.addi %mul3A_0, %arg0 : i32
    %mul3A_1 = arith.constant 10240 : i32
    %mul3A_2 = arith.muli %add3A, %mul3A_1 : i32
    %scan3A = arith.constant 0 : i32
    %scan3A_3 = arith.constant 128 : i32
    %scan3A_4 = arith.addi %scan3A, %scan3A_3 : i32
    %scan3A_5 = arith.constant 1 : i32
    scf.for %scan3A_48 = %scan3A to %scan3A_4 step %scan3A_5  : i32 {
      %mul3A_49 = arith.constant 1 : i32
      %mul3A_50 = arith.muli %scan3A_48, %mul3A_49 : i32
      %add3A_51 = arith.constant 0 : i32
      %add3A_52 = arith.addi %add3A_51, %mul3A_50 : i32
      %broadcast_in_dim3A = arith.constant 0.000000e+00 : f32
      %broadcast_in_dim3A_53 = vector.broadcast %broadcast_in_dim3A : f32 to vector<16xf32>
      %swap3A = arith.index_cast %add3A_52 : i32 to index
      %swap3A_54 = arith.constant 0 : index
      %swap3A_55 = tpu.vector_load %arg9[%swap3A, %swap3A_54] {strides = array<i32>} : memref<128x128xf32, #tpu.memory_space<vmem>>, vector<16xf32>,
      tpu.vector_store %arg9[%swap3A, %swap3A_54], %broadcast_in_dim3A_53 {strides = array<i32>} : memref<128x128xf32, #tpu.memory_space<vmem>>, vector<16xf32>,
      %broadcast_in_dim3A_56 = arith.constant 0.000000e+00 : f32
      %broadcast_in_dim3A_57 = vector.broadcast %broadcast_in_dim3A_56 : f32 to vector<16xf32>
      %swap3A_58 = arith.index_cast %add3A_52 : i32 to index
      %swap3A_59 = arith.constant 16 : index
      %swap3A_60 = tpu.vector_load %arg9[%swap3A_58, %swap3A_59] {strides = array<i32>} : memref<128x128xf32, #tpu.memory_space<vmem>>, vector<16xf32>,
      tpu.vector_store %arg9[%swap3A_58, %swap3A_59], %broadcast_in_dim3A_57 {strides = array<i32>} : memref<128x128xf32, #tpu.memory_space<vmem>>, vector<16xf32>,
      %broadcast_in_dim3A_61 = arith.constant 0.000000e+00 : f32
      %broadcast_in_dim3A_62 = vector.broadcast %broadcast_in_dim3A_61 : f32 to vector<16xf32>
      %swap3A_63 = arith.index_cast %add3A_52 : i32 to index
      %swap3A_64 = arith.constant 32 : index
      %swap3A_65 = tpu.vector_load %arg9[%swap3A_63, %swap3A_64] {strides = array<i32>} : memref<128x128xf32, #tpu.memory_space<vmem>>, vector<16xf32>,
      tpu.vector_store %arg9[%swap3A_63, %swap3A_64], %broadcast_in_dim3A_62 {strides = array<i32>} : memref<128x128xf32, #tpu.memory_space<vmem>>, vector<16xf32>,
      %broadcast_in_dim3A_66 = arith.constant 0.000000e+00 : f32
      %broadcast_in_dim3A_67 = vector.broadcast %broadcast_in_dim3A_66 : f32 to vector<16xf32>
      %swap3A_68 = arith.index_cast %add3A_52 : i32 to index
      %swap3A_69 = arith.constant 48 : index
      %swap3A_70 = tpu.vector_load %arg9[%swap3A_68, %swap3A_69] {strides = array<i32>} : memref<128x128xf32, #tpu.memory_space<vmem>>, vector<16xf32>,
      tpu.vector_store %arg9[%swap3A_68, %swap3A_69], %broadcast_in_dim3A_67 {strides = array<i32>} : memref<128x128xf32, #tpu.memory_space<vmem>>, vector<16xf32>,
      %broadcast_in_dim3A_71 = arith.constant 0.000000e+00 : f32
      %broadcast_in_dim3A_72 = vector.broadcast %broadcast_in_dim3A_71 : f32 to vector<16xf32>
      %swap3A_73 = arith.index_cast %add3A_52 : i32 to index
      %swap3A_74 = arith.constant 64 : index
      %swap3A_75 = tpu.vector_load %arg9[%swap3A_73, %swap3A_74] {strides = array<i32>} : memref<128x128xf32, #tpu.memory_space<vmem>>, vector<16xf32>,
      tpu.vector_store %arg9[%swap3A_73, %swap3A_74], %broadcast_in_dim3A_72 {strides = array<i32>} : memref<128x128xf32, #tpu.memory_space<vmem>>, vector<16xf32>,
      %broadcast_in_dim3A_76 = arith.constant 0.000000e+00 : f32
      %broadcast_in_dim3A_77 = vector.broadcast %broadcast_in_dim3A_76 : f32 to vector<16xf32>
      %swap3A_78 = arith.index_cast %add3A_52 : i32 to index
      %swap3A_79 = arith.constant 80 : index
      %swap3A_80 = tpu.vector_load %arg9[%swap3A_78, %swap3A_79] {strides = array<i32>} : memref<128x128xf32, #tpu.memory_space<vmem>>, vector<16xf32>,
      tpu.vector_store %arg9[%swap3A_78, %swap3A_79], %broadcast_in_dim3A_77 {strides = array<i32>} : memref<128x128xf32, #tpu.memory_space<vmem>>, vector<16xf32>,
      %broadcast_in_dim3A_81 = arith.constant 0.000000e+00 : f32
      %broadcast_in_dim3A_82 = vector.broadcast %broadcast_in_dim3A_81 : f32 to vector<16xf32>
      %swap3A_83 = arith.index_cast %add3A_52 : i32 to index
      %swap3A_84 = arith.constant 96 : index
      %swap3A_85 = tpu.vector_load %arg9[%swap3A_83, %swap3A_84] {strides = array<i32>} : memref<128x128xf32, #tpu.memory_space<vmem>>, vector<16xf32>,
      tpu.vector_store %arg9[%swap3A_83, %swap3A_84], %broadcast_in_dim3A_82 {strides = array<i32>} : memref<128x128xf32, #tpu.memory_space<vmem>>, vector<16xf32>,
      %broadcast_in_dim3A_86 = arith.constant 0.000000e+00 : f32
      %broadcast_in_dim3A_87 = vector.broadcast %broadcast_in_dim3A_86 : f32 to vector<16xf32>
      %swap3A_88 = arith.index_cast %add3A_52 : i32 to index
      %swap3A_89 = arith.constant 112 : index
      %swap3A_90 = tpu.vector_load %arg9[%swap3A_88, %swap3A_89] {strides = array<i32>} : memref<128x128xf32, #tpu.memory_space<vmem>>, vector<16xf32>,
      tpu.vector_store %arg9[%swap3A_88, %swap3A_89], %broadcast_in_dim3A_87 {strides = array<i32>} : memref<128x128xf32, #tpu.memory_space<vmem>>, vector<16xf32>,
    }
    %scan3A_6 = arith.constant 128 : i32
    %scan3A_7 = arith.constant 0 : i32
    %scan3A_8 = arith.constant 5 : i32
    %scan3A_9 = arith.addi %scan3A_7, %scan3A_8 : i32
    %scan3A_10 = arith.constant 1 : i32
    scf.for %scan3A_48 = %scan3A_7 to %scan3A_9 step %scan3A_10  : i32 {
      %mul3A_49 = arith.constant 1 : i32
      %mul3A_50 = arith.muli %scan3A_48, %mul3A_49 : i32
      %add3A_51 = arith.constant 0 : i32
      %add3A_52 = arith.addi %add3A_51, %mul3A_50 : i32
      %mul3A_53 = arith.constant 640 : i32
      %mul3A_54 = arith.muli %arg1, %mul3A_53 : i32
      %mul3A_55 = arith.constant 128 : i32
      %mul3A_56 = arith.muli %add3A_52, %mul3A_55 : i32
      %add3A_57 = arith.addi %mul3A_54, %mul3A_56 : i32
      "tpu.region"() ({
        %run_scoped3A = tpu.sem_alloc : memref<!tpu.dma_semaphore, #tpu.memory_space<semaphore_mem>>
        %dma_start3A_58 = arith.constant 0 : i32
        %dma_start3A_59 = arith.constant 0 : i32
        %dma_start3A_60 = tpu.memref_slice %arg9[%dma_start3A_58, %dma_start3A_59] : memref<128x128xf32, #tpu.memory_space<vmem>> -> memref<128x128xf32, #tpu.memory_space<vmem>>
        %dma_start3A_61 = arith.constant 0 : i32
        %dma_start3A_62 = tpu.memref_slice %arg10[%add3A_57, %dma_start3A_61] : memref<10240x128xf32, #tpu.memory_space<vmem_shared>> -> memref<128x128xf32, #tpu.memory_space<vmem_shared>>
        %dma_start3A_63 = arith.constant 0 : i32
        %dma_start3A_64 = tpu.memref_slice %arg10[%add3A_57, %dma_start3A_63] : memref<10240x128xf32, #tpu.memory_space<vmem_shared>> -> memref<128x128xf32, #tpu.memory_space<vmem_shared>>
        %dma_start3A_65 = arith.constant 0 : i32
        %dma_start3A_66 = arith.constant 0 : i32
        %dma_start3A_67 = tpu.memref_slice %arg9[%dma_start3A_65, %dma_start3A_66] : memref<128x128xf32, #tpu.memory_space<vmem>> -> memref<128x128xf32, #tpu.memory_space<vmem>>
        tpu.enqueue_dma source(%dma_start3A_67 : memref<128x128xf32, #tpu.memory_space<vmem>>) target(%dma_start3A_64 : memref<128x128xf32, #tpu.memory_space<vmem_shared>>) target_semaphore(%run_scoped3A : memref<!tpu.dma_semaphore, #tpu.memory_space<semaphore_mem>>)
        %dma_wait3A = arith.constant 0 : i32
        %dma_wait3A_68 = arith.constant 0 : i32
        %dma_wait3A_69 = tpu.memref_slice %arg9[%dma_wait3A, %dma_wait3A_68] : memref<128x128xf32, #tpu.memory_space<vmem>> -> memref<128x128xf32, #tpu.memory_space<vmem>>
        %dma_wait3A_70 = arith.constant 0 : i32
        %dma_wait3A_71 = tpu.memref_slice %arg10[%add3A_57, %dma_wait3A_70] : memref<10240x128xf32, #tpu.memory_space<vmem_shared>> -> memref<128x128xf32, #tpu.memory_space<vmem_shared>>
        %dma_wait3A_72 = arith.constant 0 : i32
        %dma_wait3A_73 = tpu.memref_slice %arg10[%add3A_57, %dma_wait3A_72] : memref<10240x128xf32, #tpu.memory_space<vmem_shared>> -> memref<128x128xf32, #tpu.memory_space<vmem_shared>>
        %dma_wait3A_74 = arith.constant 0 : i32
        %dma_wait3A_75 = arith.constant 0 : i32
        %dma_wait3A_76 = tpu.memref_slice %arg9[%dma_wait3A_74, %dma_wait3A_75] : memref<128x128xf32, #tpu.memory_space<vmem>> -> memref<128x128xf32, #tpu.memory_space<vmem>>
        tpu.wait_dma2 semaphore(%run_scoped3A : memref<!tpu.dma_semaphore, #tpu.memory_space<semaphore_mem>>) src(%dma_wait3A_76 : memref<128x128xf32, #tpu.memory_space<vmem>>) dst(%dma_wait3A_73 : memref<128x128xf32, #tpu.memory_space<vmem_shared>>)
        tpu.yield
      }) : () -> ()
    }
    %scan3A_11 = arith.constant 5 : i32
    %barrier3A = arith.constant 0 : index
    tpu.barrier barrier_id(%barrier3A)
    %add3A_12 = arith.constant 0 : i32
    %add3A_13 = arith.addi %mul3A_2, %add3A_12 : i32
    %dma_start3A = arith.constant 0 : i32
    %dma_start3A_14 = arith.constant 0 : i32
    %dma_start3A_15 = tpu.memref_slice %arg5[%dma_start3A, %dma_start3A_14] : memref<1x128xi32, #tpu.memory_space<vmem>> -> memref<1x128xi32, #tpu.memory_space<vmem>>
    %dma_start3A_16 = tpu.memref_squeeze %dma_start3A_15 : memref<1x128xi32, #tpu.memory_space<vmem>> -> memref<128xi32, #tpu.memory_space<vmem>>
    %dma_start3A_17 = tpu.memref_slice %arg2[%add3A_13] : memref<327680xi32, #tpu.memory_space<hbm>> -> memref<128xi32, #tpu.memory_space<hbm>>
    %dma_start3A_18 = arith.constant 0 : i32
    %dma_start3A_19 = tpu.memref_slice %arg5[%dma_start3A, %dma_start3A_18] : memref<1x128xi32, #tpu.memory_space<vmem>> -> memref<1x128xi32, #tpu.memory_space<vmem>>
    %dma_start3A_20 = tpu.memref_squeeze %dma_start3A_19 : memref<1x128xi32, #tpu.memory_space<vmem>> -> memref<128xi32, #tpu.memory_space<vmem>>
    %dma_start3A_21 = tpu.memref_slice %arg2[%add3A_13] : memref<327680xi32, #tpu.memory_space<hbm>> -> memref<128xi32, #tpu.memory_space<hbm>>
    tpu.enqueue_dma source(%dma_start3A_21 : memref<128xi32, #tpu.memory_space<hbm>>) target(%dma_start3A_20 : memref<128xi32, #tpu.memory_space<vmem>>) target_semaphore(%arg11 : memref<!tpu.dma_semaphore, #tpu.memory_space<semaphore_mem>>)
    %dma_start3A_22 = tpu.memref_slice %arg3[%add3A_13] : memref<327680xf32, #tpu.memory_space<hbm>> -> memref<128xf32, #tpu.memory_space<hbm>>
    %dma_start3A_23 = tpu.memref_slice %arg3[%add3A_13] : memref<327680xf32, #tpu.memory_space<hbm>> -> memref<128xf32, #tpu.memory_space<hbm>>
    tpu.enqueue_dma source(%dma_start3A_23 : memref<128xf32, #tpu.memory_space<hbm>>) target(%arg7 : memref<128xf32, #tpu.memory_space<vmem>>) target_semaphore(%arg11 : memref<!tpu.dma_semaphore, #tpu.memory_space<semaphore_mem>>)
    %add3A_24 = arith.constant 128 : i32
    %add3A_25 = arith.addi %mul3A_2, %add3A_24 : i32
    %dma_start3A_26 = arith.constant 0 : i32
    %dma_start3A_27 = arith.constant 0 : i32
    %dma_start3A_28 = tpu.memref_slice %arg6[%dma_start3A_26, %dma_start3A_27] : memref<1x128xi32, #tpu.memory_space<vmem>> -> memref<1x128xi32, #tpu.memory_space<vmem>>
    %dma_start3A_29 = tpu.memref_squeeze %dma_start3A_28 : memref<1x128xi32, #tpu.memory_space<vmem>> -> memref<128xi32, #tpu.memory_space<vmem>>
    %dma_start3A_30 = tpu.memref_slice %arg2[%add3A_25] : memref<327680xi32, #tpu.memory_space<hbm>> -> memref<128xi32, #tpu.memory_space<hbm>>
    %dma_start3A_31 = arith.constant 0 : i32
    %dma_start3A_32 = tpu.memref_slice %arg6[%dma_start3A_26, %dma_start3A_31] : memref<1x128xi32, #tpu.memory_space<vmem>> -> memref<1x128xi32, #tpu.memory_space<vmem>>
    %dma_start3A_33 = tpu.memref_squeeze %dma_start3A_32 : memref<1x128xi32, #tpu.memory_space<vmem>> -> memref<128xi32, #tpu.memory_space<vmem>>
    %dma_start3A_34 = tpu.memref_slice %arg2[%add3A_25] : memref<327680xi32, #tpu.memory_space<hbm>> -> memref<128xi32, #tpu.memory_space<hbm>>
    tpu.enqueue_dma source(%dma_start3A_34 : memref<128xi32, #tpu.memory_space<hbm>>) target(%dma_start3A_33 : memref<128xi32, #tpu.memory_space<vmem>>) target_semaphore(%arg12 : memref<!tpu.dma_semaphore, #tpu.memory_space<semaphore_mem>>)
    %dma_start3A_35 = tpu.memref_slice %arg3[%add3A_25] : memref<327680xf32, #tpu.memory_space<hbm>> -> memref<128xf32, #tpu.memory_space<hbm>>
    %dma_start3A_36 = tpu.memref_slice %arg3[%add3A_25] : memref<327680xf32, #tpu.memory_space<hbm>> -> memref<128xf32, #tpu.memory_space<hbm>>
    tpu.enqueue_dma source(%dma_start3A_36 : memref<128xf32, #tpu.memory_space<hbm>>) target(%arg8 : memref<128xf32, #tpu.memory_space<vmem>>) target_semaphore(%arg12 : memref<!tpu.dma_semaphore, #tpu.memory_space<semaphore_mem>>)
    %scan3A_37 = arith.constant 0 : i32
    %scan3A_38 = arith.constant 40 : i32
    %scan3A_39 = arith.addi %scan3A_37, %scan3A_38 : i32
    %scan3A_40 = arith.constant 1 : i32
    scf.for %scan3A_48 = %scan3A_37 to %scan3A_39 step %scan3A_40  : i32 {
      %mul3A_49 = arith.constant 1 : i32
      %mul3A_50 = arith.muli %scan3A_48, %mul3A_49 : i32
      %add3A_51 = arith.constant 0 : i32
      %add3A_52 = arith.addi %add3A_51, %mul3A_50 : i32
      %mul3A_53 = arith.constant 2 : i32
      %mul3A_54 = arith.muli %add3A_52, %mul3A_53 : i32
      %add3A_55 = arith.constant 0 : i32
      %add3A_56 = arith.addi %mul3A_54, %add3A_55 : i32
      %mul3A_57 = arith.constant 128 : i32
      %mul3A_58 = arith.muli %add3A_56, %mul3A_57 : i32
      %add3A_59 = arith.addi %mul3A_2, %mul3A_58 : i32
      %dma_wait3A = arith.constant 0 : i32
      %dma_wait3A_60 = arith.constant 0 : i32
      %dma_wait3A_61 = tpu.memref_slice %arg5[%dma_wait3A, %dma_wait3A_60] : memref<1x128xi32, #tpu.memory_space<vmem>> -> memref<1x128xi32, #tpu.memory_space<vmem>>
      %dma_wait3A_62 = tpu.memref_squeeze %dma_wait3A_61 : memref<1x128xi32, #tpu.memory_space<vmem>> -> memref<128xi32, #tpu.memory_space<vmem>>
      %dma_wait3A_63 = tpu.memref_slice %arg2[%add3A_59] : memref<327680xi32, #tpu.memory_space<hbm>> -> memref<128xi32, #tpu.memory_space<hbm>>
      %dma_wait3A_64 = arith.constant 0 : i32
      %dma_wait3A_65 = tpu.memref_slice %arg5[%dma_wait3A, %dma_wait3A_64] : memref<1x128xi32, #tpu.memory_space<vmem>> -> memref<1x128xi32, #tpu.memory_space<vmem>>
      %dma_wait3A_66 = tpu.memref_squeeze %dma_wait3A_65 : memref<1x128xi32, #tpu.memory_space<vmem>> -> memref<128xi32, #tpu.memory_space<vmem>>
      %dma_wait3A_67 = tpu.memref_slice %arg2[%add3A_59] : memref<327680xi32, #tpu.memory_space<hbm>> -> memref<128xi32, #tpu.memory_space<hbm>>
      tpu.wait_dma2 semaphore(%arg11 : memref<!tpu.dma_semaphore, #tpu.memory_space<semaphore_mem>>) src(%dma_wait3A_67 : memref<128xi32, #tpu.memory_space<hbm>>) dst(%dma_wait3A_66 : memref<128xi32, #tpu.memory_space<vmem>>)
      %dma_wait3A_68 = tpu.memref_slice %arg3[%add3A_59] : memref<327680xf32, #tpu.memory_space<hbm>> -> memref<128xf32, #tpu.memory_space<hbm>>
      %dma_wait3A_69 = tpu.memref_slice %arg3[%add3A_59] : memref<327680xf32, #tpu.memory_space<hbm>> -> memref<128xf32, #tpu.memory_space<hbm>>
      tpu.wait_dma2 semaphore(%arg11 : memref<!tpu.dma_semaphore, #tpu.memory_space<semaphore_mem>>) src(%dma_wait3A_69 : memref<128xf32, #tpu.memory_space<hbm>>) dst(%arg7 : memref<128xf32, #tpu.memory_space<vmem>>)
      %parallel_loop3A = arith.constant 0 : i32
      %parallel_loop3A_70 = arith.constant 128 : i32
      %parallel_loop3A_71 = arith.constant 1 : i32
      scf.for %parallel_loop3A_105 = %parallel_loop3A to %parallel_loop3A_70 step %parallel_loop3A_71  : i32 {
        %parallel_loop3A_106 = arith.constant 0 : i32
        %parallel_loop3A_107 = vector.broadcast %parallel_loop3A_106 : i32 to vector<16xi32>
        %parallel_loop3A_108 = vector.broadcast %parallel_loop3A_105 : i32 to vector<16xi32>
        %parallel_loop3A_109 = arith.addi %parallel_loop3A_107, %parallel_loop3A_108 : vector<16xi32>
        %parallel_loop3A_110 = tpu.vector_load_idx %arg7[%parallel_loop3A_109] : memref<128xf32, #tpu.memory_space<vmem>>[vector<16xi32>], vector<16xf32>,
        %parallel_loop3A_111 = arith.index_cast %parallel_loop3A_105 : i32 to index
        %parallel_loop3A_112 = arith.constant 0 : index
        %parallel_loop3A_113 = tpu.vector_load %arg9[%parallel_loop3A_111, %parallel_loop3A_112] {strides = array<i32>} : memref<128x128xf32, #tpu.memory_space<vmem>>, vector<16xf32>,
        tpu.vector_store %arg9[%parallel_loop3A_111, %parallel_loop3A_112], %parallel_loop3A_110 {strides = array<i32>} : memref<128x128xf32, #tpu.memory_space<vmem>>, vector<16xf32>,
      } {sc.loop_unroll_factor = 4 : i64, sc.parallel_access}
      %run_scoped3A = arith.constant 0 : i32
      "tpu.region"() ({
        %run_scoped3A_105 = tpu.sem_alloc : memref<!tpu.dma_semaphore, #tpu.memory_space<semaphore_mem>>
        %dma_start3A_106 = arith.constant 0 : i32
        %dma_start3A_107 = tpu.memref_slice %arg5[%run_scoped3A, %dma_start3A_106] : memref<1x128xi32, #tpu.memory_space<vmem>> -> memref<1x128xi32, #tpu.memory_space<vmem>>
        %dma_start3A_108 = tpu.memref_squeeze %dma_start3A_107 : memref<1x128xi32, #tpu.memory_space<vmem>> -> memref<128xi32, #tpu.memory_space<vmem>>
        %dma_start3A_109 = arith.constant 0 : i32
        %dma_start3A_110 = arith.constant 0 : i32
        %dma_start3A_111 = tpu.memref_slice %arg10[%dma_start3A_109, %dma_start3A_110] : memref<10240x128xf32, #tpu.memory_space<vmem_shared>> -> memref<10240x128xf32, #tpu.memory_space<vmem_shared>>
        tpu.enqueue_indirect_dma source(%arg9 : memref<128x128xf32, #tpu.memory_space<vmem>>) target(%dma_start3A_111 : memref<10240x128xf32, #tpu.memory_space<vmem_shared>>) offsets(%dma_start3A_108 : memref<128xi32, #tpu.memory_space<vmem>>) semaphore(%run_scoped3A_105 : memref<!tpu.dma_semaphore, #tpu.memory_space<semaphore_mem>>) {add = true}
        %dma_wait3A_112 = arith.constant 0 : i32
        %dma_wait3A_113 = tpu.memref_slice %arg5[%run_scoped3A, %dma_wait3A_112] : memref<1x128xi32, #tpu.memory_space<vmem>> -> memref<1x128xi32, #tpu.memory_space<vmem>>
        %dma_wait3A_114 = tpu.memref_squeeze %dma_wait3A_113 : memref<1x128xi32, #tpu.memory_space<vmem>> -> memref<128xi32, #tpu.memory_space<vmem>>
        %dma_wait3A_115 = arith.constant 0 : i32
        %dma_wait3A_116 = arith.constant 0 : i32
        %dma_wait3A_117 = tpu.memref_slice %arg10[%dma_wait3A_115, %dma_wait3A_116] : memref<10240x128xf32, #tpu.memory_space<vmem_shared>> -> memref<10240x128xf32, #tpu.memory_space<vmem_shared>>
        tpu.wait_indirect_dma semaphore(%run_scoped3A_105 : memref<!tpu.dma_semaphore, #tpu.memory_space<semaphore_mem>>) src(%arg9 : memref<128x128xf32, #tpu.memory_space<vmem>>) dst(%dma_wait3A_117 : memref<10240x128xf32, #tpu.memory_space<vmem_shared>>)
        tpu.yield
      }) : () -> ()
      %add3A_72 = arith.constant 2 : i32
      %add3A_73 = arith.addi %add3A_56, %add3A_72 : i32
      %lt3A = arith.constant 80 : i32
      %lt3A_74 = arith.cmpi slt, %add3A_73, %lt3A : i32
      %convert_element_type3A = arith.extui %lt3A_74 : i1 to i32
      %cond3A = arith.constant 0 : i32
      %cond3A_75 = arith.cmpi ne, %convert_element_type3A, %cond3A : i32
      scf.if %cond3A_75 {
        %add3A_105 = arith.constant 2 : i32
        %add3A_106 = arith.addi %add3A_56, %add3A_105 : i32
        %mul3A_107 = arith.constant 128 : i32
        %mul3A_108 = arith.muli %add3A_106, %mul3A_107 : i32
        %add3A_109 = arith.addi %mul3A_2, %mul3A_108 : i32
        %dma_start3A_110 = arith.constant 0 : i32
        %dma_start3A_111 = arith.constant 0 : i32
        %dma_start3A_112 = tpu.memref_slice %arg5[%dma_start3A_110, %dma_start3A_111] : memref<1x128xi32, #tpu.memory_space<vmem>> -> memref<1x128xi32, #tpu.memory_space<vmem>>
        %dma_start3A_113 = tpu.memref_squeeze %dma_start3A_112 : memref<1x128xi32, #tpu.memory_space<vmem>> -> memref<128xi32, #tpu.memory_space<vmem>>
        %dma_start3A_114 = tpu.memref_slice %arg2[%add3A_109] : memref<327680xi32, #tpu.memory_space<hbm>> -> memref<128xi32, #tpu.memory_space<hbm>>
        %dma_start3A_115 = arith.constant 0 : i32
        %dma_start3A_116 = tpu.memref_slice %arg5[%dma_start3A_110, %dma_start3A_115] : memref<1x128xi32, #tpu.memory_space<vmem>> -> memref<1x128xi32, #tpu.memory_space<vmem>>
        %dma_start3A_117 = tpu.memref_squeeze %dma_start3A_116 : memref<1x128xi32, #tpu.memory_space<vmem>> -> memref<128xi32, #tpu.memory_space<vmem>>
        %dma_start3A_118 = tpu.memref_slice %arg2[%add3A_109] : memref<327680xi32, #tpu.memory_space<hbm>> -> memref<128xi32, #tpu.memory_space<hbm>>
        tpu.enqueue_dma source(%dma_start3A_118 : memref<128xi32, #tpu.memory_space<hbm>>) target(%dma_start3A_117 : memref<128xi32, #tpu.memory_space<vmem>>) target_semaphore(%arg11 : memref<!tpu.dma_semaphore, #tpu.memory_space<semaphore_mem>>)
        %dma_start3A_119 = tpu.memref_slice %arg3[%add3A_109] : memref<327680xf32, #tpu.memory_space<hbm>> -> memref<128xf32, #tpu.memory_space<hbm>>
        %dma_start3A_120 = tpu.memref_slice %arg3[%add3A_109] : memref<327680xf32, #tpu.memory_space<hbm>> -> memref<128xf32, #tpu.memory_space<hbm>>
        tpu.enqueue_dma source(%dma_start3A_120 : memref<128xf32, #tpu.memory_space<hbm>>) target(%arg7 : memref<128xf32, #tpu.memory_space<vmem>>) target_semaphore(%arg11 : memref<!tpu.dma_semaphore, #tpu.memory_space<semaphore_mem>>)
      } else {
      }
      %mul3A_76 = arith.constant 2 : i32
      %mul3A_77 = arith.muli %add3A_52, %mul3A_76 : i32
      %add3A_78 = arith.constant 1 : i32
      %add3A_79 = arith.addi %mul3A_77, %add3A_78 : i32
      %mul3A_80 = arith.constant 128 : i32
      %mul3A_81 = arith.muli %add3A_79, %mul3A_80 : i32
      %add3A_82 = arith.addi %mul3A_2, %mul3A_81 : i32
      %dma_wait3A_83 = arith.constant 0 : i32
      %dma_wait3A_84 = arith.constant 0 : i32
      %dma_wait3A_85 = tpu.memref_slice %arg6[%dma_wait3A_83, %dma_wait3A_84] : memref<1x128xi32, #tpu.memory_space<vmem>> -> memref<1x128xi32, #tpu.memory_space<vmem>>
      %dma_wait3A_86 = tpu.memref_squeeze %dma_wait3A_85 : memref<1x128xi32, #tpu.memory_space<vmem>> -> memref<128xi32, #tpu.memory_space<vmem>>
      %dma_wait3A_87 = tpu.memref_slice %arg2[%add3A_82] : memref<327680xi32, #tpu.memory_space<hbm>> -> memref<128xi32, #tpu.memory_space<hbm>>
      %dma_wait3A_88 = arith.constant 0 : i32
      %dma_wait3A_89 = tpu.memref_slice %arg6[%dma_wait3A_83, %dma_wait3A_88] : memref<1x128xi32, #tpu.memory_space<vmem>> -> memref<1x128xi32, #tpu.memory_space<vmem>>
      %dma_wait3A_90 = tpu.memref_squeeze %dma_wait3A_89 : memref<1x128xi32, #tpu.memory_space<vmem>> -> memref<128xi32, #tpu.memory_space<vmem>>
      %dma_wait3A_91 = tpu.memref_slice %arg2[%add3A_82] : memref<327680xi32, #tpu.memory_space<hbm>> -> memref<128xi32, #tpu.memory_space<hbm>>
      tpu.wait_dma2 semaphore(%arg12 : memref<!tpu.dma_semaphore, #tpu.memory_space<semaphore_mem>>) src(%dma_wait3A_91 : memref<128xi32, #tpu.memory_space<hbm>>) dst(%dma_wait3A_90 : memref<128xi32, #tpu.memory_space<vmem>>)
      %dma_wait3A_92 = tpu.memref_slice %arg3[%add3A_82] : memref<327680xf32, #tpu.memory_space<hbm>> -> memref<128xf32, #tpu.memory_space<hbm>>
      %dma_wait3A_93 = tpu.memref_slice %arg3[%add3A_82] : memref<327680xf32, #tpu.memory_space<hbm>> -> memref<128xf32, #tpu.memory_space<hbm>>
      tpu.wait_dma2 semaphore(%arg12 : memref<!tpu.dma_semaphore, #tpu.memory_space<semaphore_mem>>) src(%dma_wait3A_93 : memref<128xf32, #tpu.memory_space<hbm>>) dst(%arg8 : memref<128xf32, #tpu.memory_space<vmem>>)
      %parallel_loop3A_94 = arith.constant 0 : i32
      %parallel_loop3A_95 = arith.constant 128 : i32
      %parallel_loop3A_96 = arith.constant 1 : i32
      scf.for %parallel_loop3A_105 = %parallel_loop3A_94 to %parallel_loop3A_95 step %parallel_loop3A_96  : i32 {
        %parallel_loop3A_106 = arith.constant 0 : i32
        %parallel_loop3A_107 = vector.broadcast %parallel_loop3A_106 : i32 to vector<16xi32>
        %parallel_loop3A_108 = vector.broadcast %parallel_loop3A_105 : i32 to vector<16xi32>
        %parallel_loop3A_109 = arith.addi %parallel_loop3A_107, %parallel_loop3A_108 : vector<16xi32>
        %parallel_loop3A_110 = tpu.vector_load_idx %arg8[%parallel_loop3A_109] : memref<128xf32, #tpu.memory_space<vmem>>[vector<16xi32>], vector<16xf32>,
        %parallel_loop3A_111 = arith.index_cast %parallel_loop3A_105 : i32 to index
        %parallel_loop3A_112 = arith.constant 0 : index
        %parallel_loop3A_113 = tpu.vector_load %arg9[%parallel_loop3A_111, %parallel_loop3A_112] {strides = array<i32>} : memref<128x128xf32, #tpu.memory_space<vmem>>, vector<16xf32>,
        tpu.vector_store %arg9[%parallel_loop3A_111, %parallel_loop3A_112], %parallel_loop3A_110 {strides = array<i32>} : memref<128x128xf32, #tpu.memory_space<vmem>>, vector<16xf32>,
      } {sc.loop_unroll_factor = 4 : i64, sc.parallel_access}
      %run_scoped3A_97 = arith.constant 0 : i32
      "tpu.region"() ({
        %run_scoped3A_105 = tpu.sem_alloc : memref<!tpu.dma_semaphore, #tpu.memory_space<semaphore_mem>>
        %dma_start3A_106 = arith.constant 0 : i32
        %dma_start3A_107 = tpu.memref_slice %arg6[%run_scoped3A_97, %dma_start3A_106] : memref<1x128xi32, #tpu.memory_space<vmem>> -> memref<1x128xi32, #tpu.memory_space<vmem>>
        %dma_start3A_108 = tpu.memref_squeeze %dma_start3A_107 : memref<1x128xi32, #tpu.memory_space<vmem>> -> memref<128xi32, #tpu.memory_space<vmem>>
        %dma_start3A_109 = arith.constant 0 : i32
        %dma_start3A_110 = arith.constant 0 : i32
        %dma_start3A_111 = tpu.memref_slice %arg10[%dma_start3A_109, %dma_start3A_110] : memref<10240x128xf32, #tpu.memory_space<vmem_shared>> -> memref<10240x128xf32, #tpu.memory_space<vmem_shared>>
        tpu.enqueue_indirect_dma source(%arg9 : memref<128x128xf32, #tpu.memory_space<vmem>>) target(%dma_start3A_111 : memref<10240x128xf32, #tpu.memory_space<vmem_shared>>) offsets(%dma_start3A_108 : memref<128xi32, #tpu.memory_space<vmem>>) semaphore(%run_scoped3A_105 : memref<!tpu.dma_semaphore, #tpu.memory_space<semaphore_mem>>) {add = true}
        %dma_wait3A_112 = arith.constant 0 : i32
        %dma_wait3A_113 = tpu.memref_slice %arg6[%run_scoped3A_97, %dma_wait3A_112] : memref<1x128xi32, #tpu.memory_space<vmem>> -> memref<1x128xi32, #tpu.memory_space<vmem>>
        %dma_wait3A_114 = tpu.memref_squeeze %dma_wait3A_113 : memref<1x128xi32, #tpu.memory_space<vmem>> -> memref<128xi32, #tpu.memory_space<vmem>>
        %dma_wait3A_115 = arith.constant 0 : i32
        %dma_wait3A_116 = arith.constant 0 : i32
        %dma_wait3A_117 = tpu.memref_slice %arg10[%dma_wait3A_115, %dma_wait3A_116] : memref<10240x128xf32, #tpu.memory_space<vmem_shared>> -> memref<10240x128xf32, #tpu.memory_space<vmem_shared>>
        tpu.wait_indirect_dma semaphore(%run_scoped3A_105 : memref<!tpu.dma_semaphore, #tpu.memory_space<semaphore_mem>>) src(%arg9 : memref<128x128xf32, #tpu.memory_space<vmem>>) dst(%dma_wait3A_117 : memref<10240x128xf32, #tpu.memory_space<vmem_shared>>)
        tpu.yield
      }) : () -> ()
      %add3A_98 = arith.constant 2 : i32
      %add3A_99 = arith.addi %add3A_79, %add3A_98 : i32
      %lt3A_100 = arith.constant 80 : i32
      %lt3A_101 = arith.cmpi slt, %add3A_99, %lt3A_100 : i32
      %convert_element_type3A_102 = arith.extui %lt3A_101 : i1 to i32
      %cond3A_103 = arith.constant 0 : i32
      %cond3A_104 = arith.cmpi ne, %convert_element_type3A_102, %cond3A_103 : i32
      scf.if %cond3A_104 {
        %add3A_105 = arith.constant 2 : i32
        %add3A_106 = arith.addi %add3A_79, %add3A_105 : i32
        %mul3A_107 = arith.constant 128 : i32
        %mul3A_108 = arith.muli %add3A_106, %mul3A_107 : i32
        %add3A_109 = arith.addi %mul3A_2, %mul3A_108 : i32
        %dma_start3A_110 = arith.constant 0 : i32
        %dma_start3A_111 = arith.constant 0 : i32
        %dma_start3A_112 = tpu.memref_slice %arg6[%dma_start3A_110, %dma_start3A_111] : memref<1x128xi32, #tpu.memory_space<vmem>> -> memref<1x128xi32, #tpu.memory_space<vmem>>
        %dma_start3A_113 = tpu.memref_squeeze %dma_start3A_112 : memref<1x128xi32, #tpu.memory_space<vmem>> -> memref<128xi32, #tpu.memory_space<vmem>>
        %dma_start3A_114 = tpu.memref_slice %arg2[%add3A_109] : memref<327680xi32, #tpu.memory_space<hbm>> -> memref<128xi32, #tpu.memory_space<hbm>>
        %dma_start3A_115 = arith.constant 0 : i32
        %dma_start3A_116 = tpu.memref_slice %arg6[%dma_start3A_110, %dma_start3A_115] : memref<1x128xi32, #tpu.memory_space<vmem>> -> memref<1x128xi32, #tpu.memory_space<vmem>>
        %dma_start3A_117 = tpu.memref_squeeze %dma_start3A_116 : memref<1x128xi32, #tpu.memory_space<vmem>> -> memref<128xi32, #tpu.memory_space<vmem>>
        %dma_start3A_118 = tpu.memref_slice %arg2[%add3A_109] : memref<327680xi32, #tpu.memory_space<hbm>> -> memref<128xi32, #tpu.memory_space<hbm>>
        tpu.enqueue_dma source(%dma_start3A_118 : memref<128xi32, #tpu.memory_space<hbm>>) target(%dma_start3A_117 : memref<128xi32, #tpu.memory_space<vmem>>) target_semaphore(%arg12 : memref<!tpu.dma_semaphore, #tpu.memory_space<semaphore_mem>>)
        %dma_start3A_119 = tpu.memref_slice %arg3[%add3A_109] : memref<327680xf32, #tpu.memory_space<hbm>> -> memref<128xf32, #tpu.memory_space<hbm>>
        %dma_start3A_120 = tpu.memref_slice %arg3[%add3A_109] : memref<327680xf32, #tpu.memory_space<hbm>> -> memref<128xf32, #tpu.memory_space<hbm>>
        tpu.enqueue_dma source(%dma_start3A_120 : memref<128xf32, #tpu.memory_space<hbm>>) target(%arg8 : memref<128xf32, #tpu.memory_space<vmem>>) target_semaphore(%arg12 : memref<!tpu.dma_semaphore, #tpu.memory_space<semaphore_mem>>)
      } else {
      }
    }
    %scan3A_41 = arith.constant 40 : i32
    %barrier3A_42 = arith.constant 0 : index
    tpu.barrier barrier_id(%barrier3A_42)
    %scan3A_43 = arith.constant 0 : i32
    %scan3A_44 = arith.constant 5 : i32
    %scan3A_45 = arith.addi %scan3A_43, %scan3A_44 : i32
    %scan3A_46 = arith.constant 1 : i32
    scf.for %scan3A_48 = %scan3A_43 to %scan3A_45 step %scan3A_46  : i32 {
      %mul3A_49 = arith.constant 1 : i32
      %mul3A_50 = arith.muli %scan3A_48, %mul3A_49 : i32
      %add3A_51 = arith.constant 0 : i32
      %add3A_52 = arith.addi %add3A_51, %mul3A_50 : i32
      %mul3A_53 = arith.constant 640 : i32
      %mul3A_54 = arith.muli %arg1, %mul3A_53 : i32
      %mul3A_55 = arith.constant 128 : i32
      %mul3A_56 = arith.muli %add3A_52, %mul3A_55 : i32
      %add3A_57 = arith.addi %mul3A_54, %mul3A_56 : i32
      "tpu.region"() ({
        %run_scoped3A = tpu.sem_alloc : memref<!tpu.dma_semaphore, #tpu.memory_space<semaphore_mem>>
        %dma_start3A_58 = arith.constant 0 : i32
        %dma_start3A_59 = tpu.memref_slice %arg4[%arg0, %add3A_57, %dma_start3A_58] : memref<2x10240x128xf32, #tpu.memory_space<hbm>> -> memref<1x128x128xf32, #tpu.memory_space<hbm>>
        %dma_start3A_60 = tpu.memref_squeeze %dma_start3A_59 : memref<1x128x128xf32, #tpu.memory_space<hbm>> -> memref<128x128xf32, #tpu.memory_space<hbm>>
        %dma_start3A_61 = arith.constant 0 : i32
        %dma_start3A_62 = tpu.memref_slice %arg10[%add3A_57, %dma_start3A_61] : memref<10240x128xf32, #tpu.memory_space<vmem_shared>> -> memref<128x128xf32, #tpu.memory_space<vmem_shared>>
        tpu.enqueue_dma source(%dma_start3A_62 : memref<128x128xf32, #tpu.memory_space<vmem_shared>>) target(%dma_start3A_60 : memref<128x128xf32, #tpu.memory_space<hbm>>) target_semaphore(%run_scoped3A : memref<!tpu.dma_semaphore, #tpu.memory_space<semaphore_mem>>)
        %dma_wait3A = arith.constant 0 : i32
        %dma_wait3A_63 = tpu.memref_slice %arg4[%arg0, %add3A_57, %dma_wait3A] : memref<2x10240x128xf32, #tpu.memory_space<hbm>> -> memref<1x128x128xf32, #tpu.memory_space<hbm>>
        %dma_wait3A_64 = tpu.memref_squeeze %dma_wait3A_63 : memref<1x128x128xf32, #tpu.memory_space<hbm>> -> memref<128x128xf32, #tpu.memory_space<hbm>>
        %dma_wait3A_65 = arith.constant 0 : i32
        %dma_wait3A_66 = tpu.memref_slice %arg10[%add3A_57, %dma_wait3A_65] : memref<10240x128xf32, #tpu.memory_space<vmem_shared>> -> memref<128x128xf32, #tpu.memory_space<vmem_shared>>
        tpu.wait_dma2 semaphore(%run_scoped3A : memref<!tpu.dma_semaphore, #tpu.memory_space<semaphore_mem>>) src(%dma_wait3A_66 : memref<128x128xf32, #tpu.memory_space<vmem_shared>>) dst(%dma_wait3A_64 : memref<128x128xf32, #tpu.memory_space<hbm>>)
        tpu.yield
      }) : () -> ()
    }
    %scan3A_47 = arith.constant 5 : i32
    return
  }
}

#map = affine_map<(d0, d1) -> (0, 0)>
#map1 = affine_map<(d0, d1) -> (0)>
#map2 = affine_map<(d0, d1) -> (0, 0, 0)>
module attributes {stable_mosaic.version = 14 : i64} {
  func.func @k(%arg0: i32, %arg1: i32, %arg2: memref<10000x128xf32, #tpu.memory_space<hbm>>, %arg3: memref<327680xi32, #tpu.memory_space<hbm>>, %arg4: memref<327680xi32, #tpu.memory_space<hbm>>, %arg5: memref<327680xf32, #tpu.memory_space<hbm>>, %arg6: memref<2x10240x128xf32, #tpu.memory_space<hbm>>, %arg7: memref<2x128xi32, #tpu.memory_space<vmem>>, %arg8: memref<2x128xi32, #tpu.memory_space<vmem>>, %arg9: memref<128xf32, #tpu.memory_space<vmem>>, %arg10: memref<128xf32, #tpu.memory_space<vmem>>, %arg11: memref<128x128xf32, #tpu.memory_space<vmem>>, %arg12: memref<128x128xf32, #tpu.memory_space<vmem>>, %arg13: memref<10240x128xf32, #tpu.memory_space<vmem_shared>>, %arg14: memref<!tpu.dma_semaphore, #tpu.memory_space<semaphore_mem>>, %arg15: memref<!tpu.dma_semaphore, #tpu.memory_space<semaphore_mem>>, %arg16: memref<!tpu.dma_semaphore, #tpu.memory_space<semaphore_mem>>, %arg17: memref<!tpu.dma_semaphore, #tpu.memory_space<semaphore_mem>>) attributes {dimension_semantics = [#tpu.dimension_semantics<core_parallel>, #tpu.dimension_semantics<subcore_parallel>], iteration_bounds = array<i64: 2, 16>, scalar_prefetch = 0 : i64, scratch_operands = 11 : i64, tpu.core_type = #tpu.core_type<sc_vector_subcore>, window_params = [{transform_indices = #map}, {transform_indices = #map1}, {transform_indices = #map1}, {transform_indices = #map1}, {transform_indices = #map2}]} {
    %mul3A = arith.constant 2 : i32
    %mul3A_0 = arith.muli %arg1, %mul3A : i32
    %add3A = arith.addi %mul3A_0, %arg0 : i32
    %mul3A_1 = arith.constant 10240 : i32
    %mul3A_2 = arith.muli %add3A, %mul3A_1 : i32
    %scan3A = arith.constant 0 : i32
    %scan3A_3 = arith.constant 128 : i32
    %scan3A_4 = arith.addi %scan3A, %scan3A_3 : i32
    %scan3A_5 = arith.constant 1 : i32
    scf.for %scan3A_94 = %scan3A to %scan3A_4 step %scan3A_5  : i32 {
      %mul3A_95 = arith.constant 1 : i32
      %mul3A_96 = arith.muli %scan3A_94, %mul3A_95 : i32
      %add3A_97 = arith.constant 0 : i32
      %add3A_98 = arith.addi %add3A_97, %mul3A_96 : i32
      %broadcast_in_dim3A = arith.constant 0.000000e+00 : f32
      %broadcast_in_dim3A_99 = vector.broadcast %broadcast_in_dim3A : f32 to vector<16xf32>
      %swap3A = arith.index_cast %add3A_98 : i32 to index
      %swap3A_100 = arith.constant 0 : index
      %swap3A_101 = tpu.vector_load %arg11[%swap3A, %swap3A_100] {strides = array<i32>} : memref<128x128xf32, #tpu.memory_space<vmem>>, vector<16xf32>,
      tpu.vector_store %arg11[%swap3A, %swap3A_100], %broadcast_in_dim3A_99 {strides = array<i32>} : memref<128x128xf32, #tpu.memory_space<vmem>>, vector<16xf32>,
      %broadcast_in_dim3A_102 = arith.constant 0.000000e+00 : f32
      %broadcast_in_dim3A_103 = vector.broadcast %broadcast_in_dim3A_102 : f32 to vector<16xf32>
      %swap3A_104 = arith.index_cast %add3A_98 : i32 to index
      %swap3A_105 = arith.constant 16 : index
      %swap3A_106 = tpu.vector_load %arg11[%swap3A_104, %swap3A_105] {strides = array<i32>} : memref<128x128xf32, #tpu.memory_space<vmem>>, vector<16xf32>,
      tpu.vector_store %arg11[%swap3A_104, %swap3A_105], %broadcast_in_dim3A_103 {strides = array<i32>} : memref<128x128xf32, #tpu.memory_space<vmem>>, vector<16xf32>,
      %broadcast_in_dim3A_107 = arith.constant 0.000000e+00 : f32
      %broadcast_in_dim3A_108 = vector.broadcast %broadcast_in_dim3A_107 : f32 to vector<16xf32>
      %swap3A_109 = arith.index_cast %add3A_98 : i32 to index
      %swap3A_110 = arith.constant 32 : index
      %swap3A_111 = tpu.vector_load %arg11[%swap3A_109, %swap3A_110] {strides = array<i32>} : memref<128x128xf32, #tpu.memory_space<vmem>>, vector<16xf32>,
      tpu.vector_store %arg11[%swap3A_109, %swap3A_110], %broadcast_in_dim3A_108 {strides = array<i32>} : memref<128x128xf32, #tpu.memory_space<vmem>>, vector<16xf32>,
      %broadcast_in_dim3A_112 = arith.constant 0.000000e+00 : f32
      %broadcast_in_dim3A_113 = vector.broadcast %broadcast_in_dim3A_112 : f32 to vector<16xf32>
      %swap3A_114 = arith.index_cast %add3A_98 : i32 to index
      %swap3A_115 = arith.constant 48 : index
      %swap3A_116 = tpu.vector_load %arg11[%swap3A_114, %swap3A_115] {strides = array<i32>} : memref<128x128xf32, #tpu.memory_space<vmem>>, vector<16xf32>,
      tpu.vector_store %arg11[%swap3A_114, %swap3A_115], %broadcast_in_dim3A_113 {strides = array<i32>} : memref<128x128xf32, #tpu.memory_space<vmem>>, vector<16xf32>,
      %broadcast_in_dim3A_117 = arith.constant 0.000000e+00 : f32
      %broadcast_in_dim3A_118 = vector.broadcast %broadcast_in_dim3A_117 : f32 to vector<16xf32>
      %swap3A_119 = arith.index_cast %add3A_98 : i32 to index
      %swap3A_120 = arith.constant 64 : index
      %swap3A_121 = tpu.vector_load %arg11[%swap3A_119, %swap3A_120] {strides = array<i32>} : memref<128x128xf32, #tpu.memory_space<vmem>>, vector<16xf32>,
      tpu.vector_store %arg11[%swap3A_119, %swap3A_120], %broadcast_in_dim3A_118 {strides = array<i32>} : memref<128x128xf32, #tpu.memory_space<vmem>>, vector<16xf32>,
      %broadcast_in_dim3A_122 = arith.constant 0.000000e+00 : f32
      %broadcast_in_dim3A_123 = vector.broadcast %broadcast_in_dim3A_122 : f32 to vector<16xf32>
      %swap3A_124 = arith.index_cast %add3A_98 : i32 to index
      %swap3A_125 = arith.constant 80 : index
      %swap3A_126 = tpu.vector_load %arg11[%swap3A_124, %swap3A_125] {strides = array<i32>} : memref<128x128xf32, #tpu.memory_space<vmem>>, vector<16xf32>,
      tpu.vector_store %arg11[%swap3A_124, %swap3A_125], %broadcast_in_dim3A_123 {strides = array<i32>} : memref<128x128xf32, #tpu.memory_space<vmem>>, vector<16xf32>,
      %broadcast_in_dim3A_127 = arith.constant 0.000000e+00 : f32
      %broadcast_in_dim3A_128 = vector.broadcast %broadcast_in_dim3A_127 : f32 to vector<16xf32>
      %swap3A_129 = arith.index_cast %add3A_98 : i32 to index
      %swap3A_130 = arith.constant 96 : index
      %swap3A_131 = tpu.vector_load %arg11[%swap3A_129, %swap3A_130] {strides = array<i32>} : memref<128x128xf32, #tpu.memory_space<vmem>>, vector<16xf32>,
      tpu.vector_store %arg11[%swap3A_129, %swap3A_130], %broadcast_in_dim3A_128 {strides = array<i32>} : memref<128x128xf32, #tpu.memory_space<vmem>>, vector<16xf32>,
      %broadcast_in_dim3A_132 = arith.constant 0.000000e+00 : f32
      %broadcast_in_dim3A_133 = vector.broadcast %broadcast_in_dim3A_132 : f32 to vector<16xf32>
      %swap3A_134 = arith.index_cast %add3A_98 : i32 to index
      %swap3A_135 = arith.constant 112 : index
      %swap3A_136 = tpu.vector_load %arg11[%swap3A_134, %swap3A_135] {strides = array<i32>} : memref<128x128xf32, #tpu.memory_space<vmem>>, vector<16xf32>,
      tpu.vector_store %arg11[%swap3A_134, %swap3A_135], %broadcast_in_dim3A_133 {strides = array<i32>} : memref<128x128xf32, #tpu.memory_space<vmem>>, vector<16xf32>,
    }
    %scan3A_6 = arith.constant 128 : i32
    %scan3A_7 = arith.constant 0 : i32
    %scan3A_8 = arith.constant 5 : i32
    %scan3A_9 = arith.addi %scan3A_7, %scan3A_8 : i32
    %scan3A_10 = arith.constant 1 : i32
    scf.for %scan3A_94 = %scan3A_7 to %scan3A_9 step %scan3A_10  : i32 {
      %mul3A_95 = arith.constant 1 : i32
      %mul3A_96 = arith.muli %scan3A_94, %mul3A_95 : i32
      %add3A_97 = arith.constant 0 : i32
      %add3A_98 = arith.addi %add3A_97, %mul3A_96 : i32
      %mul3A_99 = arith.constant 640 : i32
      %mul3A_100 = arith.muli %arg1, %mul3A_99 : i32
      %mul3A_101 = arith.constant 128 : i32
      %mul3A_102 = arith.muli %add3A_98, %mul3A_101 : i32
      %add3A_103 = arith.addi %mul3A_100, %mul3A_102 : i32
      "tpu.region"() ({
        %run_scoped3A = tpu.sem_alloc : memref<!tpu.dma_semaphore, #tpu.memory_space<semaphore_mem>>
        %dma_start3A_104 = arith.constant 0 : i32
        %dma_start3A_105 = arith.constant 0 : i32
        %dma_start3A_106 = tpu.memref_slice %arg11[%dma_start3A_104, %dma_start3A_105] : memref<128x128xf32, #tpu.memory_space<vmem>> -> memref<128x128xf32, #tpu.memory_space<vmem>>
        %dma_start3A_107 = arith.constant 0 : i32
        %dma_start3A_108 = tpu.memref_slice %arg13[%add3A_103, %dma_start3A_107] : memref<10240x128xf32, #tpu.memory_space<vmem_shared>> -> memref<128x128xf32, #tpu.memory_space<vmem_shared>>
        %dma_start3A_109 = arith.constant 0 : i32
        %dma_start3A_110 = tpu.memref_slice %arg13[%add3A_103, %dma_start3A_109] : memref<10240x128xf32, #tpu.memory_space<vmem_shared>> -> memref<128x128xf32, #tpu.memory_space<vmem_shared>>
        %dma_start3A_111 = arith.constant 0 : i32
        %dma_start3A_112 = arith.constant 0 : i32
        %dma_start3A_113 = tpu.memref_slice %arg11[%dma_start3A_111, %dma_start3A_112] : memref<128x128xf32, #tpu.memory_space<vmem>> -> memref<128x128xf32, #tpu.memory_space<vmem>>
        tpu.enqueue_dma source(%dma_start3A_113 : memref<128x128xf32, #tpu.memory_space<vmem>>) target(%dma_start3A_110 : memref<128x128xf32, #tpu.memory_space<vmem_shared>>) target_semaphore(%run_scoped3A : memref<!tpu.dma_semaphore, #tpu.memory_space<semaphore_mem>>)
        %dma_wait3A_114 = arith.constant 0 : i32
        %dma_wait3A_115 = arith.constant 0 : i32
        %dma_wait3A_116 = tpu.memref_slice %arg11[%dma_wait3A_114, %dma_wait3A_115] : memref<128x128xf32, #tpu.memory_space<vmem>> -> memref<128x128xf32, #tpu.memory_space<vmem>>
        %dma_wait3A_117 = arith.constant 0 : i32
        %dma_wait3A_118 = tpu.memref_slice %arg13[%add3A_103, %dma_wait3A_117] : memref<10240x128xf32, #tpu.memory_space<vmem_shared>> -> memref<128x128xf32, #tpu.memory_space<vmem_shared>>
        %dma_wait3A_119 = arith.constant 0 : i32
        %dma_wait3A_120 = tpu.memref_slice %arg13[%add3A_103, %dma_wait3A_119] : memref<10240x128xf32, #tpu.memory_space<vmem_shared>> -> memref<128x128xf32, #tpu.memory_space<vmem_shared>>
        %dma_wait3A_121 = arith.constant 0 : i32
        %dma_wait3A_122 = arith.constant 0 : i32
        %dma_wait3A_123 = tpu.memref_slice %arg11[%dma_wait3A_121, %dma_wait3A_122] : memref<128x128xf32, #tpu.memory_space<vmem>> -> memref<128x128xf32, #tpu.memory_space<vmem>>
        tpu.wait_dma2 semaphore(%run_scoped3A : memref<!tpu.dma_semaphore, #tpu.memory_space<semaphore_mem>>) src(%dma_wait3A_123 : memref<128x128xf32, #tpu.memory_space<vmem>>) dst(%dma_wait3A_120 : memref<128x128xf32, #tpu.memory_space<vmem_shared>>)
        tpu.yield
      }) : () -> ()
    }
    %scan3A_11 = arith.constant 5 : i32
    %barrier3A = arith.constant 0 : index
    tpu.barrier barrier_id(%barrier3A)
    %add3A_12 = arith.constant 0 : i32
    %add3A_13 = arith.addi %mul3A_2, %add3A_12 : i32
    %dma_start3A = arith.constant 0 : i32
    %dma_start3A_14 = arith.constant 0 : i32
    %dma_start3A_15 = tpu.memref_slice %arg7[%dma_start3A, %dma_start3A_14] : memref<2x128xi32, #tpu.memory_space<vmem>> -> memref<1x128xi32, #tpu.memory_space<vmem>>
    %dma_start3A_16 = tpu.memref_squeeze %dma_start3A_15 : memref<1x128xi32, #tpu.memory_space<vmem>> -> memref<128xi32, #tpu.memory_space<vmem>>
    %dma_start3A_17 = tpu.memref_slice %arg3[%add3A_13] : memref<327680xi32, #tpu.memory_space<hbm>> -> memref<128xi32, #tpu.memory_space<hbm>>
    %dma_start3A_18 = arith.constant 0 : i32
    %dma_start3A_19 = tpu.memref_slice %arg7[%dma_start3A, %dma_start3A_18] : memref<2x128xi32, #tpu.memory_space<vmem>> -> memref<1x128xi32, #tpu.memory_space<vmem>>
    %dma_start3A_20 = tpu.memref_squeeze %dma_start3A_19 : memref<1x128xi32, #tpu.memory_space<vmem>> -> memref<128xi32, #tpu.memory_space<vmem>>
    %dma_start3A_21 = tpu.memref_slice %arg3[%add3A_13] : memref<327680xi32, #tpu.memory_space<hbm>> -> memref<128xi32, #tpu.memory_space<hbm>>
    tpu.enqueue_dma source(%dma_start3A_21 : memref<128xi32, #tpu.memory_space<hbm>>) target(%dma_start3A_20 : memref<128xi32, #tpu.memory_space<vmem>>) target_semaphore(%arg14 : memref<!tpu.dma_semaphore, #tpu.memory_space<semaphore_mem>>)
    %dma_start3A_22 = arith.constant 1 : i32
    %dma_start3A_23 = arith.constant 0 : i32
    %dma_start3A_24 = tpu.memref_slice %arg7[%dma_start3A_22, %dma_start3A_23] : memref<2x128xi32, #tpu.memory_space<vmem>> -> memref<1x128xi32, #tpu.memory_space<vmem>>
    %dma_start3A_25 = tpu.memref_squeeze %dma_start3A_24 : memref<1x128xi32, #tpu.memory_space<vmem>> -> memref<128xi32, #tpu.memory_space<vmem>>
    %dma_start3A_26 = tpu.memref_slice %arg4[%add3A_13] : memref<327680xi32, #tpu.memory_space<hbm>> -> memref<128xi32, #tpu.memory_space<hbm>>
    %dma_start3A_27 = arith.constant 0 : i32
    %dma_start3A_28 = tpu.memref_slice %arg7[%dma_start3A_22, %dma_start3A_27] : memref<2x128xi32, #tpu.memory_space<vmem>> -> memref<1x128xi32, #tpu.memory_space<vmem>>
    %dma_start3A_29 = tpu.memref_squeeze %dma_start3A_28 : memref<1x128xi32, #tpu.memory_space<vmem>> -> memref<128xi32, #tpu.memory_space<vmem>>
    %dma_start3A_30 = tpu.memref_slice %arg4[%add3A_13] : memref<327680xi32, #tpu.memory_space<hbm>> -> memref<128xi32, #tpu.memory_space<hbm>>
    tpu.enqueue_dma source(%dma_start3A_30 : memref<128xi32, #tpu.memory_space<hbm>>) target(%dma_start3A_29 : memref<128xi32, #tpu.memory_space<vmem>>) target_semaphore(%arg14 : memref<!tpu.dma_semaphore, #tpu.memory_space<semaphore_mem>>)
    %dma_start3A_31 = tpu.memref_slice %arg5[%add3A_13] : memref<327680xf32, #tpu.memory_space<hbm>> -> memref<128xf32, #tpu.memory_space<hbm>>
    %dma_start3A_32 = tpu.memref_slice %arg5[%add3A_13] : memref<327680xf32, #tpu.memory_space<hbm>> -> memref<128xf32, #tpu.memory_space<hbm>>
    tpu.enqueue_dma source(%dma_start3A_32 : memref<128xf32, #tpu.memory_space<hbm>>) target(%arg9 : memref<128xf32, #tpu.memory_space<vmem>>) target_semaphore(%arg14 : memref<!tpu.dma_semaphore, #tpu.memory_space<semaphore_mem>>)
    %add3A_33 = arith.constant 128 : i32
    %add3A_34 = arith.addi %mul3A_2, %add3A_33 : i32
    %dma_start3A_35 = arith.constant 0 : i32
    %dma_start3A_36 = arith.constant 0 : i32
    %dma_start3A_37 = tpu.memref_slice %arg8[%dma_start3A_35, %dma_start3A_36] : memref<2x128xi32, #tpu.memory_space<vmem>> -> memref<1x128xi32, #tpu.memory_space<vmem>>
    %dma_start3A_38 = tpu.memref_squeeze %dma_start3A_37 : memref<1x128xi32, #tpu.memory_space<vmem>> -> memref<128xi32, #tpu.memory_space<vmem>>
    %dma_start3A_39 = tpu.memref_slice %arg3[%add3A_34] : memref<327680xi32, #tpu.memory_space<hbm>> -> memref<128xi32, #tpu.memory_space<hbm>>
    %dma_start3A_40 = arith.constant 0 : i32
    %dma_start3A_41 = tpu.memref_slice %arg8[%dma_start3A_35, %dma_start3A_40] : memref<2x128xi32, #tpu.memory_space<vmem>> -> memref<1x128xi32, #tpu.memory_space<vmem>>
    %dma_start3A_42 = tpu.memref_squeeze %dma_start3A_41 : memref<1x128xi32, #tpu.memory_space<vmem>> -> memref<128xi32, #tpu.memory_space<vmem>>
    %dma_start3A_43 = tpu.memref_slice %arg3[%add3A_34] : memref<327680xi32, #tpu.memory_space<hbm>> -> memref<128xi32, #tpu.memory_space<hbm>>
    tpu.enqueue_dma source(%dma_start3A_43 : memref<128xi32, #tpu.memory_space<hbm>>) target(%dma_start3A_42 : memref<128xi32, #tpu.memory_space<vmem>>) target_semaphore(%arg15 : memref<!tpu.dma_semaphore, #tpu.memory_space<semaphore_mem>>)
    %dma_start3A_44 = arith.constant 1 : i32
    %dma_start3A_45 = arith.constant 0 : i32
    %dma_start3A_46 = tpu.memref_slice %arg8[%dma_start3A_44, %dma_start3A_45] : memref<2x128xi32, #tpu.memory_space<vmem>> -> memref<1x128xi32, #tpu.memory_space<vmem>>
    %dma_start3A_47 = tpu.memref_squeeze %dma_start3A_46 : memref<1x128xi32, #tpu.memory_space<vmem>> -> memref<128xi32, #tpu.memory_space<vmem>>
    %dma_start3A_48 = tpu.memref_slice %arg4[%add3A_34] : memref<327680xi32, #tpu.memory_space<hbm>> -> memref<128xi32, #tpu.memory_space<hbm>>
    %dma_start3A_49 = arith.constant 0 : i32
    %dma_start3A_50 = tpu.memref_slice %arg8[%dma_start3A_44, %dma_start3A_49] : memref<2x128xi32, #tpu.memory_space<vmem>> -> memref<1x128xi32, #tpu.memory_space<vmem>>
    %dma_start3A_51 = tpu.memref_squeeze %dma_start3A_50 : memref<1x128xi32, #tpu.memory_space<vmem>> -> memref<128xi32, #tpu.memory_space<vmem>>
    %dma_start3A_52 = tpu.memref_slice %arg4[%add3A_34] : memref<327680xi32, #tpu.memory_space<hbm>> -> memref<128xi32, #tpu.memory_space<hbm>>
    tpu.enqueue_dma source(%dma_start3A_52 : memref<128xi32, #tpu.memory_space<hbm>>) target(%dma_start3A_51 : memref<128xi32, #tpu.memory_space<vmem>>) target_semaphore(%arg15 : memref<!tpu.dma_semaphore, #tpu.memory_space<semaphore_mem>>)
    %dma_start3A_53 = tpu.memref_slice %arg5[%add3A_34] : memref<327680xf32, #tpu.memory_space<hbm>> -> memref<128xf32, #tpu.memory_space<hbm>>
    %dma_start3A_54 = tpu.memref_slice %arg5[%add3A_34] : memref<327680xf32, #tpu.memory_space<hbm>> -> memref<128xf32, #tpu.memory_space<hbm>>
    tpu.enqueue_dma source(%dma_start3A_54 : memref<128xf32, #tpu.memory_space<hbm>>) target(%arg10 : memref<128xf32, #tpu.memory_space<vmem>>) target_semaphore(%arg15 : memref<!tpu.dma_semaphore, #tpu.memory_space<semaphore_mem>>)
    %add3A_55 = arith.constant 0 : i32
    %add3A_56 = arith.addi %mul3A_2, %add3A_55 : i32
    %dma_wait3A = arith.constant 0 : i32
    %dma_wait3A_57 = arith.constant 0 : i32
    %dma_wait3A_58 = tpu.memref_slice %arg7[%dma_wait3A, %dma_wait3A_57] : memref<2x128xi32, #tpu.memory_space<vmem>> -> memref<1x128xi32, #tpu.memory_space<vmem>>
    %dma_wait3A_59 = tpu.memref_squeeze %dma_wait3A_58 : memref<1x128xi32, #tpu.memory_space<vmem>> -> memref<128xi32, #tpu.memory_space<vmem>>
    %dma_wait3A_60 = tpu.memref_slice %arg3[%add3A_56] : memref<327680xi32, #tpu.memory_space<hbm>> -> memref<128xi32, #tpu.memory_space<hbm>>
    %dma_wait3A_61 = arith.constant 0 : i32
    %dma_wait3A_62 = tpu.memref_slice %arg7[%dma_wait3A, %dma_wait3A_61] : memref<2x128xi32, #tpu.memory_space<vmem>> -> memref<1x128xi32, #tpu.memory_space<vmem>>
    %dma_wait3A_63 = tpu.memref_squeeze %dma_wait3A_62 : memref<1x128xi32, #tpu.memory_space<vmem>> -> memref<128xi32, #tpu.memory_space<vmem>>
    %dma_wait3A_64 = tpu.memref_slice %arg3[%add3A_56] : memref<327680xi32, #tpu.memory_space<hbm>> -> memref<128xi32, #tpu.memory_space<hbm>>
    tpu.wait_dma2 semaphore(%arg14 : memref<!tpu.dma_semaphore, #tpu.memory_space<semaphore_mem>>) src(%dma_wait3A_64 : memref<128xi32, #tpu.memory_space<hbm>>) dst(%dma_wait3A_63 : memref<128xi32, #tpu.memory_space<vmem>>)
    %dma_wait3A_65 = arith.constant 1 : i32
    %dma_wait3A_66 = arith.constant 0 : i32
    %dma_wait3A_67 = tpu.memref_slice %arg7[%dma_wait3A_65, %dma_wait3A_66] : memref<2x128xi32, #tpu.memory_space<vmem>> -> memref<1x128xi32, #tpu.memory_space<vmem>>
    %dma_wait3A_68 = tpu.memref_squeeze %dma_wait3A_67 : memref<1x128xi32, #tpu.memory_space<vmem>> -> memref<128xi32, #tpu.memory_space<vmem>>
    %dma_wait3A_69 = tpu.memref_slice %arg4[%add3A_56] : memref<327680xi32, #tpu.memory_space<hbm>> -> memref<128xi32, #tpu.memory_space<hbm>>
    %dma_wait3A_70 = arith.constant 0 : i32
    %dma_wait3A_71 = tpu.memref_slice %arg7[%dma_wait3A_65, %dma_wait3A_70] : memref<2x128xi32, #tpu.memory_space<vmem>> -> memref<1x128xi32, #tpu.memory_space<vmem>>
    %dma_wait3A_72 = tpu.memref_squeeze %dma_wait3A_71 : memref<1x128xi32, #tpu.memory_space<vmem>> -> memref<128xi32, #tpu.memory_space<vmem>>
    %dma_wait3A_73 = tpu.memref_slice %arg4[%add3A_56] : memref<327680xi32, #tpu.memory_space<hbm>> -> memref<128xi32, #tpu.memory_space<hbm>>
    tpu.wait_dma2 semaphore(%arg14 : memref<!tpu.dma_semaphore, #tpu.memory_space<semaphore_mem>>) src(%dma_wait3A_73 : memref<128xi32, #tpu.memory_space<hbm>>) dst(%dma_wait3A_72 : memref<128xi32, #tpu.memory_space<vmem>>)
    %dma_wait3A_74 = tpu.memref_slice %arg5[%add3A_56] : memref<327680xf32, #tpu.memory_space<hbm>> -> memref<128xf32, #tpu.memory_space<hbm>>
    %dma_wait3A_75 = tpu.memref_slice %arg5[%add3A_56] : memref<327680xf32, #tpu.memory_space<hbm>> -> memref<128xf32, #tpu.memory_space<hbm>>
    tpu.wait_dma2 semaphore(%arg14 : memref<!tpu.dma_semaphore, #tpu.memory_space<semaphore_mem>>) src(%dma_wait3A_75 : memref<128xf32, #tpu.memory_space<hbm>>) dst(%arg9 : memref<128xf32, #tpu.memory_space<vmem>>)
    %dma_start3A_76 = arith.constant 0 : i32
    %dma_start3A_77 = arith.constant 0 : i32
    %dma_start3A_78 = tpu.memref_slice %arg7[%dma_start3A_76, %dma_start3A_77] : memref<2x128xi32, #tpu.memory_space<vmem>> -> memref<1x128xi32, #tpu.memory_space<vmem>>
    %dma_start3A_79 = tpu.memref_squeeze %dma_start3A_78 : memref<1x128xi32, #tpu.memory_space<vmem>> -> memref<128xi32, #tpu.memory_space<vmem>>
    %dma_start3A_80 = arith.constant 0 : i32
    %dma_start3A_81 = arith.constant 0 : i32
    %dma_start3A_82 = tpu.memref_slice %arg2[%dma_start3A_80, %dma_start3A_81] : memref<10000x128xf32, #tpu.memory_space<hbm>> -> memref<10000x128xf32, #tpu.memory_space<hbm>>
    tpu.enqueue_indirect_dma source(%dma_start3A_82 : memref<10000x128xf32, #tpu.memory_space<hbm>>) target(%arg11 : memref<128x128xf32, #tpu.memory_space<vmem>>) offsets(%dma_start3A_79 : memref<128xi32, #tpu.memory_space<vmem>>) semaphore(%arg16 : memref<!tpu.dma_semaphore, #tpu.memory_space<semaphore_mem>>)
    %scan3A_83 = arith.constant 0 : i32
    %scan3A_84 = arith.constant 40 : i32
    %scan3A_85 = arith.addi %scan3A_83, %scan3A_84 : i32
    %scan3A_86 = arith.constant 1 : i32
    scf.for %scan3A_94 = %scan3A_83 to %scan3A_85 step %scan3A_86  : i32 {
      %mul3A_95 = arith.constant 1 : i32
      %mul3A_96 = arith.muli %scan3A_94, %mul3A_95 : i32
      %add3A_97 = arith.constant 0 : i32
      %add3A_98 = arith.addi %add3A_97, %mul3A_96 : i32
      %mul3A_99 = arith.constant 2 : i32
      %mul3A_100 = arith.muli %add3A_98, %mul3A_99 : i32
      %add3A_101 = arith.constant 0 : i32
      %add3A_102 = arith.addi %mul3A_100, %add3A_101 : i32
      %add3A_103 = arith.constant 1 : i32
      %add3A_104 = arith.addi %add3A_102, %add3A_103 : i32
      %lt3A = arith.constant 80 : i32
      %lt3A_105 = arith.cmpi slt, %add3A_104, %lt3A : i32
      %convert_element_type3A = arith.extui %lt3A_105 : i1 to i32
      %cond3A = arith.constant 0 : i32
      %cond3A_106 = arith.cmpi ne, %convert_element_type3A, %cond3A : i32
      scf.if %cond3A_106 {
        %add3A_152 = arith.constant 1 : i32
        %add3A_153 = arith.addi %add3A_102, %add3A_152 : i32
        %mul3A_154 = arith.constant 128 : i32
        %mul3A_155 = arith.muli %add3A_153, %mul3A_154 : i32
        %add3A_156 = arith.addi %mul3A_2, %mul3A_155 : i32
        %dma_wait3A_157 = arith.constant 0 : i32
        %dma_wait3A_158 = arith.constant 0 : i32
        %dma_wait3A_159 = tpu.memref_slice %arg8[%dma_wait3A_157, %dma_wait3A_158] : memref<2x128xi32, #tpu.memory_space<vmem>> -> memref<1x128xi32, #tpu.memory_space<vmem>>
        %dma_wait3A_160 = tpu.memref_squeeze %dma_wait3A_159 : memref<1x128xi32, #tpu.memory_space<vmem>> -> memref<128xi32, #tpu.memory_space<vmem>>
        %dma_wait3A_161 = tpu.memref_slice %arg3[%add3A_156] : memref<327680xi32, #tpu.memory_space<hbm>> -> memref<128xi32, #tpu.memory_space<hbm>>
        %dma_wait3A_162 = arith.constant 0 : i32
        %dma_wait3A_163 = tpu.memref_slice %arg8[%dma_wait3A_157, %dma_wait3A_162] : memref<2x128xi32, #tpu.memory_space<vmem>> -> memref<1x128xi32, #tpu.memory_space<vmem>>
        %dma_wait3A_164 = tpu.memref_squeeze %dma_wait3A_163 : memref<1x128xi32, #tpu.memory_space<vmem>> -> memref<128xi32, #tpu.memory_space<vmem>>
        %dma_wait3A_165 = tpu.memref_slice %arg3[%add3A_156] : memref<327680xi32, #tpu.memory_space<hbm>> -> memref<128xi32, #tpu.memory_space<hbm>>
        tpu.wait_dma2 semaphore(%arg15 : memref<!tpu.dma_semaphore, #tpu.memory_space<semaphore_mem>>) src(%dma_wait3A_165 : memref<128xi32, #tpu.memory_space<hbm>>) dst(%dma_wait3A_164 : memref<128xi32, #tpu.memory_space<vmem>>)
        %dma_wait3A_166 = arith.constant 1 : i32
        %dma_wait3A_167 = arith.constant 0 : i32
        %dma_wait3A_168 = tpu.memref_slice %arg8[%dma_wait3A_166, %dma_wait3A_167] : memref<2x128xi32, #tpu.memory_space<vmem>> -> memref<1x128xi32, #tpu.memory_space<vmem>>
        %dma_wait3A_169 = tpu.memref_squeeze %dma_wait3A_168 : memref<1x128xi32, #tpu.memory_space<vmem>> -> memref<128xi32, #tpu.memory_space<vmem>>
        %dma_wait3A_170 = tpu.memref_slice %arg4[%add3A_156] : memref<327680xi32, #tpu.memory_space<hbm>> -> memref<128xi32, #tpu.memory_space<hbm>>
        %dma_wait3A_171 = arith.constant 0 : i32
        %dma_wait3A_172 = tpu.memref_slice %arg8[%dma_wait3A_166, %dma_wait3A_171] : memref<2x128xi32, #tpu.memory_space<vmem>> -> memref<1x128xi32, #tpu.memory_space<vmem>>
        %dma_wait3A_173 = tpu.memref_squeeze %dma_wait3A_172 : memref<1x128xi32, #tpu.memory_space<vmem>> -> memref<128xi32, #tpu.memory_space<vmem>>
        %dma_wait3A_174 = tpu.memref_slice %arg4[%add3A_156] : memref<327680xi32, #tpu.memory_space<hbm>> -> memref<128xi32, #tpu.memory_space<hbm>>
        tpu.wait_dma2 semaphore(%arg15 : memref<!tpu.dma_semaphore, #tpu.memory_space<semaphore_mem>>) src(%dma_wait3A_174 : memref<128xi32, #tpu.memory_space<hbm>>) dst(%dma_wait3A_173 : memref<128xi32, #tpu.memory_space<vmem>>)
        %dma_wait3A_175 = tpu.memref_slice %arg5[%add3A_156] : memref<327680xf32, #tpu.memory_space<hbm>> -> memref<128xf32, #tpu.memory_space<hbm>>
        %dma_wait3A_176 = tpu.memref_slice %arg5[%add3A_156] : memref<327680xf32, #tpu.memory_space<hbm>> -> memref<128xf32, #tpu.memory_space<hbm>>
        tpu.wait_dma2 semaphore(%arg15 : memref<!tpu.dma_semaphore, #tpu.memory_space<semaphore_mem>>) src(%dma_wait3A_176 : memref<128xf32, #tpu.memory_space<hbm>>) dst(%arg10 : memref<128xf32, #tpu.memory_space<vmem>>)
        %dma_start3A_177 = arith.constant 0 : i32
        %dma_start3A_178 = arith.constant 0 : i32
        %dma_start3A_179 = tpu.memref_slice %arg8[%dma_start3A_177, %dma_start3A_178] : memref<2x128xi32, #tpu.memory_space<vmem>> -> memref<1x128xi32, #tpu.memory_space<vmem>>
        %dma_start3A_180 = tpu.memref_squeeze %dma_start3A_179 : memref<1x128xi32, #tpu.memory_space<vmem>> -> memref<128xi32, #tpu.memory_space<vmem>>
        %dma_start3A_181 = arith.constant 0 : i32
        %dma_start3A_182 = arith.constant 0 : i32
        %dma_start3A_183 = tpu.memref_slice %arg2[%dma_start3A_181, %dma_start3A_182] : memref<10000x128xf32, #tpu.memory_space<hbm>> -> memref<10000x128xf32, #tpu.memory_space<hbm>>
        tpu.enqueue_indirect_dma source(%dma_start3A_183 : memref<10000x128xf32, #tpu.memory_space<hbm>>) target(%arg12 : memref<128x128xf32, #tpu.memory_space<vmem>>) offsets(%dma_start3A_180 : memref<128xi32, #tpu.memory_space<vmem>>) semaphore(%arg17 : memref<!tpu.dma_semaphore, #tpu.memory_space<semaphore_mem>>)
      } else {
      }
      %dma_wait3A_107 = arith.constant 0 : i32
      %dma_wait3A_108 = arith.constant 0 : i32
      %dma_wait3A_109 = tpu.memref_slice %arg7[%dma_wait3A_107, %dma_wait3A_108] : memref<2x128xi32, #tpu.memory_space<vmem>> -> memref<1x128xi32, #tpu.memory_space<vmem>>
      %dma_wait3A_110 = tpu.memref_squeeze %dma_wait3A_109 : memref<1x128xi32, #tpu.memory_space<vmem>> -> memref<128xi32, #tpu.memory_space<vmem>>
      %dma_wait3A_111 = arith.constant 0 : i32
      %dma_wait3A_112 = arith.constant 0 : i32
      %dma_wait3A_113 = tpu.memref_slice %arg2[%dma_wait3A_111, %dma_wait3A_112] : memref<10000x128xf32, #tpu.memory_space<hbm>> -> memref<10000x128xf32, #tpu.memory_space<hbm>>
      tpu.wait_indirect_dma semaphore(%arg16 : memref<!tpu.dma_semaphore, #tpu.memory_space<semaphore_mem>>) src(%dma_wait3A_113 : memref<10000x128xf32, #tpu.memory_space<hbm>>) dst(%arg11 : memref<128x128xf32, #tpu.memory_space<vmem>>)
      %parallel_loop3A = arith.constant 0 : i32
      %parallel_loop3A_114 = arith.constant 128 : i32
      %parallel_loop3A_115 = arith.constant 1 : i32
      scf.for %parallel_loop3A_152 = %parallel_loop3A to %parallel_loop3A_114 step %parallel_loop3A_115  : i32 {
        %parallel_loop3A_153 = arith.constant 0 : i32
        %parallel_loop3A_154 = vector.broadcast %parallel_loop3A_153 : i32 to vector<16xi32>
        %parallel_loop3A_155 = vector.broadcast %parallel_loop3A_152 : i32 to vector<16xi32>
        %parallel_loop3A_156 = arith.addi %parallel_loop3A_154, %parallel_loop3A_155 : vector<16xi32>
        %parallel_loop3A_157 = tpu.vector_load_idx %arg9[%parallel_loop3A_156] : memref<128xf32, #tpu.memory_space<vmem>>[vector<16xi32>], vector<16xf32>,
        %parallel_loop3A_158 = arith.index_cast %parallel_loop3A_152 : i32 to index
        %parallel_loop3A_159 = arith.constant 0 : index
        %parallel_loop3A_160 = tpu.vector_load %arg11[%parallel_loop3A_158, %parallel_loop3A_159] {strides = array<i32>} : memref<128x128xf32, #tpu.memory_space<vmem>>, vector<16xf32>,
        %parallel_loop3A_161 = arith.mulf %parallel_loop3A_160, %parallel_loop3A_157 : vector<16xf32>
        %parallel_loop3A_162 = arith.index_cast %parallel_loop3A_152 : i32 to index
        %parallel_loop3A_163 = arith.constant 0 : index
        %parallel_loop3A_164 = tpu.vector_load %arg11[%parallel_loop3A_162, %parallel_loop3A_163] {strides = array<i32>} : memref<128x128xf32, #tpu.memory_space<vmem>>, vector<16xf32>,
        tpu.vector_store %arg11[%parallel_loop3A_162, %parallel_loop3A_163], %parallel_loop3A_161 {strides = array<i32>} : memref<128x128xf32, #tpu.memory_space<vmem>>, vector<16xf32>,
        %parallel_loop3A_165 = arith.index_cast %parallel_loop3A_152 : i32 to index
        %parallel_loop3A_166 = arith.constant 16 : index
        %parallel_loop3A_167 = tpu.vector_load %arg11[%parallel_loop3A_165, %parallel_loop3A_166] {strides = array<i32>} : memref<128x128xf32, #tpu.memory_space<vmem>>, vector<16xf32>,
        %parallel_loop3A_168 = arith.mulf %parallel_loop3A_167, %parallel_loop3A_157 : vector<16xf32>
        %parallel_loop3A_169 = arith.index_cast %parallel_loop3A_152 : i32 to index
        %parallel_loop3A_170 = arith.constant 16 : index
        %parallel_loop3A_171 = tpu.vector_load %arg11[%parallel_loop3A_169, %parallel_loop3A_170] {strides = array<i32>} : memref<128x128xf32, #tpu.memory_space<vmem>>, vector<16xf32>,
        tpu.vector_store %arg11[%parallel_loop3A_169, %parallel_loop3A_170], %parallel_loop3A_168 {strides = array<i32>} : memref<128x128xf32, #tpu.memory_space<vmem>>, vector<16xf32>,
        %parallel_loop3A_172 = arith.index_cast %parallel_loop3A_152 : i32 to index
        %parallel_loop3A_173 = arith.constant 32 : index
        %parallel_loop3A_174 = tpu.vector_load %arg11[%parallel_loop3A_172, %parallel_loop3A_173] {strides = array<i32>} : memref<128x128xf32, #tpu.memory_space<vmem>>, vector<16xf32>,
        %parallel_loop3A_175 = arith.mulf %parallel_loop3A_174, %parallel_loop3A_157 : vector<16xf32>
        %parallel_loop3A_176 = arith.index_cast %parallel_loop3A_152 : i32 to index
        %parallel_loop3A_177 = arith.constant 32 : index
        %parallel_loop3A_178 = tpu.vector_load %arg11[%parallel_loop3A_176, %parallel_loop3A_177] {strides = array<i32>} : memref<128x128xf32, #tpu.memory_space<vmem>>, vector<16xf32>,
        tpu.vector_store %arg11[%parallel_loop3A_176, %parallel_loop3A_177], %parallel_loop3A_175 {strides = array<i32>} : memref<128x128xf32, #tpu.memory_space<vmem>>, vector<16xf32>,
        %parallel_loop3A_179 = arith.index_cast %parallel_loop3A_152 : i32 to index
        %parallel_loop3A_180 = arith.constant 48 : index
        %parallel_loop3A_181 = tpu.vector_load %arg11[%parallel_loop3A_179, %parallel_loop3A_180] {strides = array<i32>} : memref<128x128xf32, #tpu.memory_space<vmem>>, vector<16xf32>,
        %parallel_loop3A_182 = arith.mulf %parallel_loop3A_181, %parallel_loop3A_157 : vector<16xf32>
        %parallel_loop3A_183 = arith.index_cast %parallel_loop3A_152 : i32 to index
        %parallel_loop3A_184 = arith.constant 48 : index
        %parallel_loop3A_185 = tpu.vector_load %arg11[%parallel_loop3A_183, %parallel_loop3A_184] {strides = array<i32>} : memref<128x128xf32, #tpu.memory_space<vmem>>, vector<16xf32>,
        tpu.vector_store %arg11[%parallel_loop3A_183, %parallel_loop3A_184], %parallel_loop3A_182 {strides = array<i32>} : memref<128x128xf32, #tpu.memory_space<vmem>>, vector<16xf32>,
        %parallel_loop3A_186 = arith.index_cast %parallel_loop3A_152 : i32 to index
        %parallel_loop3A_187 = arith.constant 64 : index
        %parallel_loop3A_188 = tpu.vector_load %arg11[%parallel_loop3A_186, %parallel_loop3A_187] {strides = array<i32>} : memref<128x128xf32, #tpu.memory_space<vmem>>, vector<16xf32>,
        %parallel_loop3A_189 = arith.mulf %parallel_loop3A_188, %parallel_loop3A_157 : vector<16xf32>
        %parallel_loop3A_190 = arith.index_cast %parallel_loop3A_152 : i32 to index
        %parallel_loop3A_191 = arith.constant 64 : index
        %parallel_loop3A_192 = tpu.vector_load %arg11[%parallel_loop3A_190, %parallel_loop3A_191] {strides = array<i32>} : memref<128x128xf32, #tpu.memory_space<vmem>>, vector<16xf32>,
        tpu.vector_store %arg11[%parallel_loop3A_190, %parallel_loop3A_191], %parallel_loop3A_189 {strides = array<i32>} : memref<128x128xf32, #tpu.memory_space<vmem>>, vector<16xf32>,
        %parallel_loop3A_193 = arith.index_cast %parallel_loop3A_152 : i32 to index
        %parallel_loop3A_194 = arith.constant 80 : index
        %parallel_loop3A_195 = tpu.vector_load %arg11[%parallel_loop3A_193, %parallel_loop3A_194] {strides = array<i32>} : memref<128x128xf32, #tpu.memory_space<vmem>>, vector<16xf32>,
        %parallel_loop3A_196 = arith.mulf %parallel_loop3A_195, %parallel_loop3A_157 : vector<16xf32>
        %parallel_loop3A_197 = arith.index_cast %parallel_loop3A_152 : i32 to index
        %parallel_loop3A_198 = arith.constant 80 : index
        %parallel_loop3A_199 = tpu.vector_load %arg11[%parallel_loop3A_197, %parallel_loop3A_198] {strides = array<i32>} : memref<128x128xf32, #tpu.memory_space<vmem>>, vector<16xf32>,
        tpu.vector_store %arg11[%parallel_loop3A_197, %parallel_loop3A_198], %parallel_loop3A_196 {strides = array<i32>} : memref<128x128xf32, #tpu.memory_space<vmem>>, vector<16xf32>,
        %parallel_loop3A_200 = arith.index_cast %parallel_loop3A_152 : i32 to index
        %parallel_loop3A_201 = arith.constant 96 : index
        %parallel_loop3A_202 = tpu.vector_load %arg11[%parallel_loop3A_200, %parallel_loop3A_201] {strides = array<i32>} : memref<128x128xf32, #tpu.memory_space<vmem>>, vector<16xf32>,
        %parallel_loop3A_203 = arith.mulf %parallel_loop3A_202, %parallel_loop3A_157 : vector<16xf32>
        %parallel_loop3A_204 = arith.index_cast %parallel_loop3A_152 : i32 to index
        %parallel_loop3A_205 = arith.constant 96 : index
        %parallel_loop3A_206 = tpu.vector_load %arg11[%parallel_loop3A_204, %parallel_loop3A_205] {strides = array<i32>} : memref<128x128xf32, #tpu.memory_space<vmem>>, vector<16xf32>,
        tpu.vector_store %arg11[%parallel_loop3A_204, %parallel_loop3A_205], %parallel_loop3A_203 {strides = array<i32>} : memref<128x128xf32, #tpu.memory_space<vmem>>, vector<16xf32>,
        %parallel_loop3A_207 = arith.index_cast %parallel_loop3A_152 : i32 to index
        %parallel_loop3A_208 = arith.constant 112 : index
        %parallel_loop3A_209 = tpu.vector_load %arg11[%parallel_loop3A_207, %parallel_loop3A_208] {strides = array<i32>} : memref<128x128xf32, #tpu.memory_space<vmem>>, vector<16xf32>,
        %parallel_loop3A_210 = arith.mulf %parallel_loop3A_209, %parallel_loop3A_157 : vector<16xf32>
        %parallel_loop3A_211 = arith.index_cast %parallel_loop3A_152 : i32 to index
        %parallel_loop3A_212 = arith.constant 112 : index
        %parallel_loop3A_213 = tpu.vector_load %arg11[%parallel_loop3A_211, %parallel_loop3A_212] {strides = array<i32>} : memref<128x128xf32, #tpu.memory_space<vmem>>, vector<16xf32>,
        tpu.vector_store %arg11[%parallel_loop3A_211, %parallel_loop3A_212], %parallel_loop3A_210 {strides = array<i32>} : memref<128x128xf32, #tpu.memory_space<vmem>>, vector<16xf32>,
      } {sc.loop_unroll_factor = 4 : i64, sc.parallel_access}
      %run_scoped3A = arith.constant 1 : i32
      "tpu.region"() ({
        %run_scoped3A_152 = tpu.sem_alloc : memref<!tpu.dma_semaphore, #tpu.memory_space<semaphore_mem>>
        %dma_start3A_153 = arith.constant 0 : i32
        %dma_start3A_154 = tpu.memref_slice %arg7[%run_scoped3A, %dma_start3A_153] : memref<2x128xi32, #tpu.memory_space<vmem>> -> memref<1x128xi32, #tpu.memory_space<vmem>>
        %dma_start3A_155 = tpu.memref_squeeze %dma_start3A_154 : memref<1x128xi32, #tpu.memory_space<vmem>> -> memref<128xi32, #tpu.memory_space<vmem>>
        %dma_start3A_156 = arith.constant 0 : i32
        %dma_start3A_157 = arith.constant 0 : i32
        %dma_start3A_158 = tpu.memref_slice %arg13[%dma_start3A_156, %dma_start3A_157] : memref<10240x128xf32, #tpu.memory_space<vmem_shared>> -> memref<10240x128xf32, #tpu.memory_space<vmem_shared>>
        tpu.enqueue_indirect_dma source(%arg11 : memref<128x128xf32, #tpu.memory_space<vmem>>) target(%dma_start3A_158 : memref<10240x128xf32, #tpu.memory_space<vmem_shared>>) offsets(%dma_start3A_155 : memref<128xi32, #tpu.memory_space<vmem>>) semaphore(%run_scoped3A_152 : memref<!tpu.dma_semaphore, #tpu.memory_space<semaphore_mem>>) {add = true}
        %dma_wait3A_159 = arith.constant 0 : i32
        %dma_wait3A_160 = tpu.memref_slice %arg7[%run_scoped3A, %dma_wait3A_159] : memref<2x128xi32, #tpu.memory_space<vmem>> -> memref<1x128xi32, #tpu.memory_space<vmem>>
        %dma_wait3A_161 = tpu.memref_squeeze %dma_wait3A_160 : memref<1x128xi32, #tpu.memory_space<vmem>> -> memref<128xi32, #tpu.memory_space<vmem>>
        %dma_wait3A_162 = arith.constant 0 : i32
        %dma_wait3A_163 = arith.constant 0 : i32
        %dma_wait3A_164 = tpu.memref_slice %arg13[%dma_wait3A_162, %dma_wait3A_163] : memref<10240x128xf32, #tpu.memory_space<vmem_shared>> -> memref<10240x128xf32, #tpu.memory_space<vmem_shared>>
        tpu.wait_indirect_dma semaphore(%run_scoped3A_152 : memref<!tpu.dma_semaphore, #tpu.memory_space<semaphore_mem>>) src(%arg11 : memref<128x128xf32, #tpu.memory_space<vmem>>) dst(%dma_wait3A_164 : memref<10240x128xf32, #tpu.memory_space<vmem_shared>>)
        tpu.yield
      }) : () -> ()
      %add3A_116 = arith.constant 2 : i32
      %add3A_117 = arith.addi %add3A_102, %add3A_116 : i32
      %lt3A_118 = arith.constant 80 : i32
      %lt3A_119 = arith.cmpi slt, %add3A_117, %lt3A_118 : i32
      %convert_element_type3A_120 = arith.extui %lt3A_119 : i1 to i32
      %cond3A_121 = arith.constant 0 : i32
      %cond3A_122 = arith.cmpi ne, %convert_element_type3A_120, %cond3A_121 : i32
      scf.if %cond3A_122 {
        %add3A_152 = arith.constant 2 : i32
        %add3A_153 = arith.addi %add3A_102, %add3A_152 : i32
        %mul3A_154 = arith.constant 128 : i32
        %mul3A_155 = arith.muli %add3A_153, %mul3A_154 : i32
        %add3A_156 = arith.addi %mul3A_2, %mul3A_155 : i32
        %dma_start3A_157 = arith.constant 0 : i32
        %dma_start3A_158 = arith.constant 0 : i32
        %dma_start3A_159 = tpu.memref_slice %arg7[%dma_start3A_157, %dma_start3A_158] : memref<2x128xi32, #tpu.memory_space<vmem>> -> memref<1x128xi32, #tpu.memory_space<vmem>>
        %dma_start3A_160 = tpu.memref_squeeze %dma_start3A_159 : memref<1x128xi32, #tpu.memory_space<vmem>> -> memref<128xi32, #tpu.memory_space<vmem>>
        %dma_start3A_161 = tpu.memref_slice %arg3[%add3A_156] : memref<327680xi32, #tpu.memory_space<hbm>> -> memref<128xi32, #tpu.memory_space<hbm>>
        %dma_start3A_162 = arith.constant 0 : i32
        %dma_start3A_163 = tpu.memref_slice %arg7[%dma_start3A_157, %dma_start3A_162] : memref<2x128xi32, #tpu.memory_space<vmem>> -> memref<1x128xi32, #tpu.memory_space<vmem>>
        %dma_start3A_164 = tpu.memref_squeeze %dma_start3A_163 : memref<1x128xi32, #tpu.memory_space<vmem>> -> memref<128xi32, #tpu.memory_space<vmem>>
        %dma_start3A_165 = tpu.memref_slice %arg3[%add3A_156] : memref<327680xi32, #tpu.memory_space<hbm>> -> memref<128xi32, #tpu.memory_space<hbm>>
        tpu.enqueue_dma source(%dma_start3A_165 : memref<128xi32, #tpu.memory_space<hbm>>) target(%dma_start3A_164 : memref<128xi32, #tpu.memory_space<vmem>>) target_semaphore(%arg14 : memref<!tpu.dma_semaphore, #tpu.memory_space<semaphore_mem>>)
        %dma_start3A_166 = arith.constant 1 : i32
        %dma_start3A_167 = arith.constant 0 : i32
        %dma_start3A_168 = tpu.memref_slice %arg7[%dma_start3A_166, %dma_start3A_167] : memref<2x128xi32, #tpu.memory_space<vmem>> -> memref<1x128xi32, #tpu.memory_space<vmem>>
        %dma_start3A_169 = tpu.memref_squeeze %dma_start3A_168 : memref<1x128xi32, #tpu.memory_space<vmem>> -> memref<128xi32, #tpu.memory_space<vmem>>
        %dma_start3A_170 = tpu.memref_slice %arg4[%add3A_156] : memref<327680xi32, #tpu.memory_space<hbm>> -> memref<128xi32, #tpu.memory_space<hbm>>
        %dma_start3A_171 = arith.constant 0 : i32
        %dma_start3A_172 = tpu.memref_slice %arg7[%dma_start3A_166, %dma_start3A_171] : memref<2x128xi32, #tpu.memory_space<vmem>> -> memref<1x128xi32, #tpu.memory_space<vmem>>
        %dma_start3A_173 = tpu.memref_squeeze %dma_start3A_172 : memref<1x128xi32, #tpu.memory_space<vmem>> -> memref<128xi32, #tpu.memory_space<vmem>>
        %dma_start3A_174 = tpu.memref_slice %arg4[%add3A_156] : memref<327680xi32, #tpu.memory_space<hbm>> -> memref<128xi32, #tpu.memory_space<hbm>>
        tpu.enqueue_dma source(%dma_start3A_174 : memref<128xi32, #tpu.memory_space<hbm>>) target(%dma_start3A_173 : memref<128xi32, #tpu.memory_space<vmem>>) target_semaphore(%arg14 : memref<!tpu.dma_semaphore, #tpu.memory_space<semaphore_mem>>)
        %dma_start3A_175 = tpu.memref_slice %arg5[%add3A_156] : memref<327680xf32, #tpu.memory_space<hbm>> -> memref<128xf32, #tpu.memory_space<hbm>>
        %dma_start3A_176 = tpu.memref_slice %arg5[%add3A_156] : memref<327680xf32, #tpu.memory_space<hbm>> -> memref<128xf32, #tpu.memory_space<hbm>>
        tpu.enqueue_dma source(%dma_start3A_176 : memref<128xf32, #tpu.memory_space<hbm>>) target(%arg9 : memref<128xf32, #tpu.memory_space<vmem>>) target_semaphore(%arg14 : memref<!tpu.dma_semaphore, #tpu.memory_space<semaphore_mem>>)
      } else {
      }
      %mul3A_123 = arith.constant 2 : i32
      %mul3A_124 = arith.muli %add3A_98, %mul3A_123 : i32
      %add3A_125 = arith.constant 1 : i32
      %add3A_126 = arith.addi %mul3A_124, %add3A_125 : i32
      %add3A_127 = arith.constant 1 : i32
      %add3A_128 = arith.addi %add3A_126, %add3A_127 : i32
      %lt3A_129 = arith.constant 80 : i32
      %lt3A_130 = arith.cmpi slt, %add3A_128, %lt3A_129 : i32
      %convert_element_type3A_131 = arith.extui %lt3A_130 : i1 to i32
      %cond3A_132 = arith.constant 0 : i32
      %cond3A_133 = arith.cmpi ne, %convert_element_type3A_131, %cond3A_132 : i32
      scf.if %cond3A_133 {
        %add3A_152 = arith.constant 1 : i32
        %add3A_153 = arith.addi %add3A_126, %add3A_152 : i32
        %mul3A_154 = arith.constant 128 : i32
        %mul3A_155 = arith.muli %add3A_153, %mul3A_154 : i32
        %add3A_156 = arith.addi %mul3A_2, %mul3A_155 : i32
        %dma_wait3A_157 = arith.constant 0 : i32
        %dma_wait3A_158 = arith.constant 0 : i32
        %dma_wait3A_159 = tpu.memref_slice %arg7[%dma_wait3A_157, %dma_wait3A_158] : memref<2x128xi32, #tpu.memory_space<vmem>> -> memref<1x128xi32, #tpu.memory_space<vmem>>
        %dma_wait3A_160 = tpu.memref_squeeze %dma_wait3A_159 : memref<1x128xi32, #tpu.memory_space<vmem>> -> memref<128xi32, #tpu.memory_space<vmem>>
        %dma_wait3A_161 = tpu.memref_slice %arg3[%add3A_156] : memref<327680xi32, #tpu.memory_space<hbm>> -> memref<128xi32, #tpu.memory_space<hbm>>
        %dma_wait3A_162 = arith.constant 0 : i32
        %dma_wait3A_163 = tpu.memref_slice %arg7[%dma_wait3A_157, %dma_wait3A_162] : memref<2x128xi32, #tpu.memory_space<vmem>> -> memref<1x128xi32, #tpu.memory_space<vmem>>
        %dma_wait3A_164 = tpu.memref_squeeze %dma_wait3A_163 : memref<1x128xi32, #tpu.memory_space<vmem>> -> memref<128xi32, #tpu.memory_space<vmem>>
        %dma_wait3A_165 = tpu.memref_slice %arg3[%add3A_156] : memref<327680xi32, #tpu.memory_space<hbm>> -> memref<128xi32, #tpu.memory_space<hbm>>
        tpu.wait_dma2 semaphore(%arg14 : memref<!tpu.dma_semaphore, #tpu.memory_space<semaphore_mem>>) src(%dma_wait3A_165 : memref<128xi32, #tpu.memory_space<hbm>>) dst(%dma_wait3A_164 : memref<128xi32, #tpu.memory_space<vmem>>)
        %dma_wait3A_166 = arith.constant 1 : i32
        %dma_wait3A_167 = arith.constant 0 : i32
        %dma_wait3A_168 = tpu.memref_slice %arg7[%dma_wait3A_166, %dma_wait3A_167] : memref<2x128xi32, #tpu.memory_space<vmem>> -> memref<1x128xi32, #tpu.memory_space<vmem>>
        %dma_wait3A_169 = tpu.memref_squeeze %dma_wait3A_168 : memref<1x128xi32, #tpu.memory_space<vmem>> -> memref<128xi32, #tpu.memory_space<vmem>>
        %dma_wait3A_170 = tpu.memref_slice %arg4[%add3A_156] : memref<327680xi32, #tpu.memory_space<hbm>> -> memref<128xi32, #tpu.memory_space<hbm>>
        %dma_wait3A_171 = arith.constant 0 : i32
        %dma_wait3A_172 = tpu.memref_slice %arg7[%dma_wait3A_166, %dma_wait3A_171] : memref<2x128xi32, #tpu.memory_space<vmem>> -> memref<1x128xi32, #tpu.memory_space<vmem>>
        %dma_wait3A_173 = tpu.memref_squeeze %dma_wait3A_172 : memref<1x128xi32, #tpu.memory_space<vmem>> -> memref<128xi32, #tpu.memory_space<vmem>>
        %dma_wait3A_174 = tpu.memref_slice %arg4[%add3A_156] : memref<327680xi32, #tpu.memory_space<hbm>> -> memref<128xi32, #tpu.memory_space<hbm>>
        tpu.wait_dma2 semaphore(%arg14 : memref<!tpu.dma_semaphore, #tpu.memory_space<semaphore_mem>>) src(%dma_wait3A_174 : memref<128xi32, #tpu.memory_space<hbm>>) dst(%dma_wait3A_173 : memref<128xi32, #tpu.memory_space<vmem>>)
        %dma_wait3A_175 = tpu.memref_slice %arg5[%add3A_156] : memref<327680xf32, #tpu.memory_space<hbm>> -> memref<128xf32, #tpu.memory_space<hbm>>
        %dma_wait3A_176 = tpu.memref_slice %arg5[%add3A_156] : memref<327680xf32, #tpu.memory_space<hbm>> -> memref<128xf32, #tpu.memory_space<hbm>>
        tpu.wait_dma2 semaphore(%arg14 : memref<!tpu.dma_semaphore, #tpu.memory_space<semaphore_mem>>) src(%dma_wait3A_176 : memref<128xf32, #tpu.memory_space<hbm>>) dst(%arg9 : memref<128xf32, #tpu.memory_space<vmem>>)
        %dma_start3A_177 = arith.constant 0 : i32
        %dma_start3A_178 = arith.constant 0 : i32
        %dma_start3A_179 = tpu.memref_slice %arg7[%dma_start3A_177, %dma_start3A_178] : memref<2x128xi32, #tpu.memory_space<vmem>> -> memref<1x128xi32, #tpu.memory_space<vmem>>
        %dma_start3A_180 = tpu.memref_squeeze %dma_start3A_179 : memref<1x128xi32, #tpu.memory_space<vmem>> -> memref<128xi32, #tpu.memory_space<vmem>>
        %dma_start3A_181 = arith.constant 0 : i32
        %dma_start3A_182 = arith.constant 0 : i32
        %dma_start3A_183 = tpu.memref_slice %arg2[%dma_start3A_181, %dma_start3A_182] : memref<10000x128xf32, #tpu.memory_space<hbm>> -> memref<10000x128xf32, #tpu.memory_space<hbm>>
        tpu.enqueue_indirect_dma source(%dma_start3A_183 : memref<10000x128xf32, #tpu.memory_space<hbm>>) target(%arg11 : memref<128x128xf32, #tpu.memory_space<vmem>>) offsets(%dma_start3A_180 : memref<128xi32, #tpu.memory_space<vmem>>) semaphore(%arg16 : memref<!tpu.dma_semaphore, #tpu.memory_space<semaphore_mem>>)
      } else {
      }
      %dma_wait3A_134 = arith.constant 0 : i32
      %dma_wait3A_135 = arith.constant 0 : i32
      %dma_wait3A_136 = tpu.memref_slice %arg8[%dma_wait3A_134, %dma_wait3A_135] : memref<2x128xi32, #tpu.memory_space<vmem>> -> memref<1x128xi32, #tpu.memory_space<vmem>>
      %dma_wait3A_137 = tpu.memref_squeeze %dma_wait3A_136 : memref<1x128xi32, #tpu.memory_space<vmem>> -> memref<128xi32, #tpu.memory_space<vmem>>
      %dma_wait3A_138 = arith.constant 0 : i32
      %dma_wait3A_139 = arith.constant 0 : i32
      %dma_wait3A_140 = tpu.memref_slice %arg2[%dma_wait3A_138, %dma_wait3A_139] : memref<10000x128xf32, #tpu.memory_space<hbm>> -> memref<10000x128xf32, #tpu.memory_space<hbm>>
      tpu.wait_indirect_dma semaphore(%arg17 : memref<!tpu.dma_semaphore, #tpu.memory_space<semaphore_mem>>) src(%dma_wait3A_140 : memref<10000x128xf32, #tpu.memory_space<hbm>>) dst(%arg12 : memref<128x128xf32, #tpu.memory_space<vmem>>)
      %parallel_loop3A_141 = arith.constant 0 : i32
      %parallel_loop3A_142 = arith.constant 128 : i32
      %parallel_loop3A_143 = arith.constant 1 : i32
      scf.for %parallel_loop3A_152 = %parallel_loop3A_141 to %parallel_loop3A_142 step %parallel_loop3A_143  : i32 {
        %parallel_loop3A_153 = arith.constant 0 : i32
        %parallel_loop3A_154 = vector.broadcast %parallel_loop3A_153 : i32 to vector<16xi32>
        %parallel_loop3A_155 = vector.broadcast %parallel_loop3A_152 : i32 to vector<16xi32>
        %parallel_loop3A_156 = arith.addi %parallel_loop3A_154, %parallel_loop3A_155 : vector<16xi32>
        %parallel_loop3A_157 = tpu.vector_load_idx %arg10[%parallel_loop3A_156] : memref<128xf32, #tpu.memory_space<vmem>>[vector<16xi32>], vector<16xf32>,
        %parallel_loop3A_158 = arith.index_cast %parallel_loop3A_152 : i32 to index
        %parallel_loop3A_159 = arith.constant 0 : index
        %parallel_loop3A_160 = tpu.vector_load %arg12[%parallel_loop3A_158, %parallel_loop3A_159] {strides = array<i32>} : memref<128x128xf32, #tpu.memory_space<vmem>>, vector<16xf32>,
        %parallel_loop3A_161 = arith.mulf %parallel_loop3A_160, %parallel_loop3A_157 : vector<16xf32>
        %parallel_loop3A_162 = arith.index_cast %parallel_loop3A_152 : i32 to index
        %parallel_loop3A_163 = arith.constant 0 : index
        %parallel_loop3A_164 = tpu.vector_load %arg12[%parallel_loop3A_162, %parallel_loop3A_163] {strides = array<i32>} : memref<128x128xf32, #tpu.memory_space<vmem>>, vector<16xf32>,
        tpu.vector_store %arg12[%parallel_loop3A_162, %parallel_loop3A_163], %parallel_loop3A_161 {strides = array<i32>} : memref<128x128xf32, #tpu.memory_space<vmem>>, vector<16xf32>,
        %parallel_loop3A_165 = arith.index_cast %parallel_loop3A_152 : i32 to index
        %parallel_loop3A_166 = arith.constant 16 : index
        %parallel_loop3A_167 = tpu.vector_load %arg12[%parallel_loop3A_165, %parallel_loop3A_166] {strides = array<i32>} : memref<128x128xf32, #tpu.memory_space<vmem>>, vector<16xf32>,
        %parallel_loop3A_168 = arith.mulf %parallel_loop3A_167, %parallel_loop3A_157 : vector<16xf32>
        %parallel_loop3A_169 = arith.index_cast %parallel_loop3A_152 : i32 to index
        %parallel_loop3A_170 = arith.constant 16 : index
        %parallel_loop3A_171 = tpu.vector_load %arg12[%parallel_loop3A_169, %parallel_loop3A_170] {strides = array<i32>} : memref<128x128xf32, #tpu.memory_space<vmem>>, vector<16xf32>,
        tpu.vector_store %arg12[%parallel_loop3A_169, %parallel_loop3A_170], %parallel_loop3A_168 {strides = array<i32>} : memref<128x128xf32, #tpu.memory_space<vmem>>, vector<16xf32>,
        %parallel_loop3A_172 = arith.index_cast %parallel_loop3A_152 : i32 to index
        %parallel_loop3A_173 = arith.constant 32 : index
        %parallel_loop3A_174 = tpu.vector_load %arg12[%parallel_loop3A_172, %parallel_loop3A_173] {strides = array<i32>} : memref<128x128xf32, #tpu.memory_space<vmem>>, vector<16xf32>,
        %parallel_loop3A_175 = arith.mulf %parallel_loop3A_174, %parallel_loop3A_157 : vector<16xf32>
        %parallel_loop3A_176 = arith.index_cast %parallel_loop3A_152 : i32 to index
        %parallel_loop3A_177 = arith.constant 32 : index
        %parallel_loop3A_178 = tpu.vector_load %arg12[%parallel_loop3A_176, %parallel_loop3A_177] {strides = array<i32>} : memref<128x128xf32, #tpu.memory_space<vmem>>, vector<16xf32>,
        tpu.vector_store %arg12[%parallel_loop3A_176, %parallel_loop3A_177], %parallel_loop3A_175 {strides = array<i32>} : memref<128x128xf32, #tpu.memory_space<vmem>>, vector<16xf32>,
        %parallel_loop3A_179 = arith.index_cast %parallel_loop3A_152 : i32 to index
        %parallel_loop3A_180 = arith.constant 48 : index
        %parallel_loop3A_181 = tpu.vector_load %arg12[%parallel_loop3A_179, %parallel_loop3A_180] {strides = array<i32>} : memref<128x128xf32, #tpu.memory_space<vmem>>, vector<16xf32>,
        %parallel_loop3A_182 = arith.mulf %parallel_loop3A_181, %parallel_loop3A_157 : vector<16xf32>
        %parallel_loop3A_183 = arith.index_cast %parallel_loop3A_152 : i32 to index
        %parallel_loop3A_184 = arith.constant 48 : index
        %parallel_loop3A_185 = tpu.vector_load %arg12[%parallel_loop3A_183, %parallel_loop3A_184] {strides = array<i32>} : memref<128x128xf32, #tpu.memory_space<vmem>>, vector<16xf32>,
        tpu.vector_store %arg12[%parallel_loop3A_183, %parallel_loop3A_184], %parallel_loop3A_182 {strides = array<i32>} : memref<128x128xf32, #tpu.memory_space<vmem>>, vector<16xf32>,
        %parallel_loop3A_186 = arith.index_cast %parallel_loop3A_152 : i32 to index
        %parallel_loop3A_187 = arith.constant 64 : index
        %parallel_loop3A_188 = tpu.vector_load %arg12[%parallel_loop3A_186, %parallel_loop3A_187] {strides = array<i32>} : memref<128x128xf32, #tpu.memory_space<vmem>>, vector<16xf32>,
        %parallel_loop3A_189 = arith.mulf %parallel_loop3A_188, %parallel_loop3A_157 : vector<16xf32>
        %parallel_loop3A_190 = arith.index_cast %parallel_loop3A_152 : i32 to index
        %parallel_loop3A_191 = arith.constant 64 : index
        %parallel_loop3A_192 = tpu.vector_load %arg12[%parallel_loop3A_190, %parallel_loop3A_191] {strides = array<i32>} : memref<128x128xf32, #tpu.memory_space<vmem>>, vector<16xf32>,
        tpu.vector_store %arg12[%parallel_loop3A_190, %parallel_loop3A_191], %parallel_loop3A_189 {strides = array<i32>} : memref<128x128xf32, #tpu.memory_space<vmem>>, vector<16xf32>,
        %parallel_loop3A_193 = arith.index_cast %parallel_loop3A_152 : i32 to index
        %parallel_loop3A_194 = arith.constant 80 : index
        %parallel_loop3A_195 = tpu.vector_load %arg12[%parallel_loop3A_193, %parallel_loop3A_194] {strides = array<i32>} : memref<128x128xf32, #tpu.memory_space<vmem>>, vector<16xf32>,
        %parallel_loop3A_196 = arith.mulf %parallel_loop3A_195, %parallel_loop3A_157 : vector<16xf32>
        %parallel_loop3A_197 = arith.index_cast %parallel_loop3A_152 : i32 to index
        %parallel_loop3A_198 = arith.constant 80 : index
        %parallel_loop3A_199 = tpu.vector_load %arg12[%parallel_loop3A_197, %parallel_loop3A_198] {strides = array<i32>} : memref<128x128xf32, #tpu.memory_space<vmem>>, vector<16xf32>,
        tpu.vector_store %arg12[%parallel_loop3A_197, %parallel_loop3A_198], %parallel_loop3A_196 {strides = array<i32>} : memref<128x128xf32, #tpu.memory_space<vmem>>, vector<16xf32>,
        %parallel_loop3A_200 = arith.index_cast %parallel_loop3A_152 : i32 to index
        %parallel_loop3A_201 = arith.constant 96 : index
        %parallel_loop3A_202 = tpu.vector_load %arg12[%parallel_loop3A_200, %parallel_loop3A_201] {strides = array<i32>} : memref<128x128xf32, #tpu.memory_space<vmem>>, vector<16xf32>,
        %parallel_loop3A_203 = arith.mulf %parallel_loop3A_202, %parallel_loop3A_157 : vector<16xf32>
        %parallel_loop3A_204 = arith.index_cast %parallel_loop3A_152 : i32 to index
        %parallel_loop3A_205 = arith.constant 96 : index
        %parallel_loop3A_206 = tpu.vector_load %arg12[%parallel_loop3A_204, %parallel_loop3A_205] {strides = array<i32>} : memref<128x128xf32, #tpu.memory_space<vmem>>, vector<16xf32>,
        tpu.vector_store %arg12[%parallel_loop3A_204, %parallel_loop3A_205], %parallel_loop3A_203 {strides = array<i32>} : memref<128x128xf32, #tpu.memory_space<vmem>>, vector<16xf32>,
        %parallel_loop3A_207 = arith.index_cast %parallel_loop3A_152 : i32 to index
        %parallel_loop3A_208 = arith.constant 112 : index
        %parallel_loop3A_209 = tpu.vector_load %arg12[%parallel_loop3A_207, %parallel_loop3A_208] {strides = array<i32>} : memref<128x128xf32, #tpu.memory_space<vmem>>, vector<16xf32>,
        %parallel_loop3A_210 = arith.mulf %parallel_loop3A_209, %parallel_loop3A_157 : vector<16xf32>
        %parallel_loop3A_211 = arith.index_cast %parallel_loop3A_152 : i32 to index
        %parallel_loop3A_212 = arith.constant 112 : index
        %parallel_loop3A_213 = tpu.vector_load %arg12[%parallel_loop3A_211, %parallel_loop3A_212] {strides = array<i32>} : memref<128x128xf32, #tpu.memory_space<vmem>>, vector<16xf32>,
        tpu.vector_store %arg12[%parallel_loop3A_211, %parallel_loop3A_212], %parallel_loop3A_210 {strides = array<i32>} : memref<128x128xf32, #tpu.memory_space<vmem>>, vector<16xf32>,
      } {sc.loop_unroll_factor = 4 : i64, sc.parallel_access}
      %run_scoped3A_144 = arith.constant 1 : i32
      "tpu.region"() ({
        %run_scoped3A_152 = tpu.sem_alloc : memref<!tpu.dma_semaphore, #tpu.memory_space<semaphore_mem>>
        %dma_start3A_153 = arith.constant 0 : i32
        %dma_start3A_154 = tpu.memref_slice %arg8[%run_scoped3A_144, %dma_start3A_153] : memref<2x128xi32, #tpu.memory_space<vmem>> -> memref<1x128xi32, #tpu.memory_space<vmem>>
        %dma_start3A_155 = tpu.memref_squeeze %dma_start3A_154 : memref<1x128xi32, #tpu.memory_space<vmem>> -> memref<128xi32, #tpu.memory_space<vmem>>
        %dma_start3A_156 = arith.constant 0 : i32
        %dma_start3A_157 = arith.constant 0 : i32
        %dma_start3A_158 = tpu.memref_slice %arg13[%dma_start3A_156, %dma_start3A_157] : memref<10240x128xf32, #tpu.memory_space<vmem_shared>> -> memref<10240x128xf32, #tpu.memory_space<vmem_shared>>
        tpu.enqueue_indirect_dma source(%arg12 : memref<128x128xf32, #tpu.memory_space<vmem>>) target(%dma_start3A_158 : memref<10240x128xf32, #tpu.memory_space<vmem_shared>>) offsets(%dma_start3A_155 : memref<128xi32, #tpu.memory_space<vmem>>) semaphore(%run_scoped3A_152 : memref<!tpu.dma_semaphore, #tpu.memory_space<semaphore_mem>>) {add = true}
        %dma_wait3A_159 = arith.constant 0 : i32
        %dma_wait3A_160 = tpu.memref_slice %arg8[%run_scoped3A_144, %dma_wait3A_159] : memref<2x128xi32, #tpu.memory_space<vmem>> -> memref<1x128xi32, #tpu.memory_space<vmem>>
        %dma_wait3A_161 = tpu.memref_squeeze %dma_wait3A_160 : memref<1x128xi32, #tpu.memory_space<vmem>> -> memref<128xi32, #tpu.memory_space<vmem>>
        %dma_wait3A_162 = arith.constant 0 : i32
        %dma_wait3A_163 = arith.constant 0 : i32
        %dma_wait3A_164 = tpu.memref_slice %arg13[%dma_wait3A_162, %dma_wait3A_163] : memref<10240x128xf32, #tpu.memory_space<vmem_shared>> -> memref<10240x128xf32, #tpu.memory_space<vmem_shared>>
        tpu.wait_indirect_dma semaphore(%run_scoped3A_152 : memref<!tpu.dma_semaphore, #tpu.memory_space<semaphore_mem>>) src(%arg12 : memref<128x128xf32, #tpu.memory_space<vmem>>) dst(%dma_wait3A_164 : memref<10240x128xf32, #tpu.memory_space<vmem_shared>>)
        tpu.yield
      }) : () -> ()
      %add3A_145 = arith.constant 2 : i32
      %add3A_146 = arith.addi %add3A_126, %add3A_145 : i32
      %lt3A_147 = arith.constant 80 : i32
      %lt3A_148 = arith.cmpi slt, %add3A_146, %lt3A_147 : i32
      %convert_element_type3A_149 = arith.extui %lt3A_148 : i1 to i32
      %cond3A_150 = arith.constant 0 : i32
      %cond3A_151 = arith.cmpi ne, %convert_element_type3A_149, %cond3A_150 : i32
      scf.if %cond3A_151 {
        %add3A_152 = arith.constant 2 : i32
        %add3A_153 = arith.addi %add3A_126, %add3A_152 : i32
        %mul3A_154 = arith.constant 128 : i32
        %mul3A_155 = arith.muli %add3A_153, %mul3A_154 : i32
        %add3A_156 = arith.addi %mul3A_2, %mul3A_155 : i32
        %dma_start3A_157 = arith.constant 0 : i32
        %dma_start3A_158 = arith.constant 0 : i32
        %dma_start3A_159 = tpu.memref_slice %arg8[%dma_start3A_157, %dma_start3A_158] : memref<2x128xi32, #tpu.memory_space<vmem>> -> memref<1x128xi32, #tpu.memory_space<vmem>>
        %dma_start3A_160 = tpu.memref_squeeze %dma_start3A_159 : memref<1x128xi32, #tpu.memory_space<vmem>> -> memref<128xi32, #tpu.memory_space<vmem>>
        %dma_start3A_161 = tpu.memref_slice %arg3[%add3A_156] : memref<327680xi32, #tpu.memory_space<hbm>> -> memref<128xi32, #tpu.memory_space<hbm>>
        %dma_start3A_162 = arith.constant 0 : i32
        %dma_start3A_163 = tpu.memref_slice %arg8[%dma_start3A_157, %dma_start3A_162] : memref<2x128xi32, #tpu.memory_space<vmem>> -> memref<1x128xi32, #tpu.memory_space<vmem>>
        %dma_start3A_164 = tpu.memref_squeeze %dma_start3A_163 : memref<1x128xi32, #tpu.memory_space<vmem>> -> memref<128xi32, #tpu.memory_space<vmem>>
        %dma_start3A_165 = tpu.memref_slice %arg3[%add3A_156] : memref<327680xi32, #tpu.memory_space<hbm>> -> memref<128xi32, #tpu.memory_space<hbm>>
        tpu.enqueue_dma source(%dma_start3A_165 : memref<128xi32, #tpu.memory_space<hbm>>) target(%dma_start3A_164 : memref<128xi32, #tpu.memory_space<vmem>>) target_semaphore(%arg15 : memref<!tpu.dma_semaphore, #tpu.memory_space<semaphore_mem>>)
        %dma_start3A_166 = arith.constant 1 : i32
        %dma_start3A_167 = arith.constant 0 : i32
        %dma_start3A_168 = tpu.memref_slice %arg8[%dma_start3A_166, %dma_start3A_167] : memref<2x128xi32, #tpu.memory_space<vmem>> -> memref<1x128xi32, #tpu.memory_space<vmem>>
        %dma_start3A_169 = tpu.memref_squeeze %dma_start3A_168 : memref<1x128xi32, #tpu.memory_space<vmem>> -> memref<128xi32, #tpu.memory_space<vmem>>
        %dma_start3A_170 = tpu.memref_slice %arg4[%add3A_156] : memref<327680xi32, #tpu.memory_space<hbm>> -> memref<128xi32, #tpu.memory_space<hbm>>
        %dma_start3A_171 = arith.constant 0 : i32
        %dma_start3A_172 = tpu.memref_slice %arg8[%dma_start3A_166, %dma_start3A_171] : memref<2x128xi32, #tpu.memory_space<vmem>> -> memref<1x128xi32, #tpu.memory_space<vmem>>
        %dma_start3A_173 = tpu.memref_squeeze %dma_start3A_172 : memref<1x128xi32, #tpu.memory_space<vmem>> -> memref<128xi32, #tpu.memory_space<vmem>>
        %dma_start3A_174 = tpu.memref_slice %arg4[%add3A_156] : memref<327680xi32, #tpu.memory_space<hbm>> -> memref<128xi32, #tpu.memory_space<hbm>>
        tpu.enqueue_dma source(%dma_start3A_174 : memref<128xi32, #tpu.memory_space<hbm>>) target(%dma_start3A_173 : memref<128xi32, #tpu.memory_space<vmem>>) target_semaphore(%arg15 : memref<!tpu.dma_semaphore, #tpu.memory_space<semaphore_mem>>)
        %dma_start3A_175 = tpu.memref_slice %arg5[%add3A_156] : memref<327680xf32, #tpu.memory_space<hbm>> -> memref<128xf32, #tpu.memory_space<hbm>>
        %dma_start3A_176 = tpu.memref_slice %arg5[%add3A_156] : memref<327680xf32, #tpu.memory_space<hbm>> -> memref<128xf32, #tpu.memory_space<hbm>>
        tpu.enqueue_dma source(%dma_start3A_176 : memref<128xf32, #tpu.memory_space<hbm>>) target(%arg10 : memref<128xf32, #tpu.memory_space<vmem>>) target_semaphore(%arg15 : memref<!tpu.dma_semaphore, #tpu.memory_space<semaphore_mem>>)
      } else {
      }
    }
    %scan3A_87 = arith.constant 40 : i32
    %barrier3A_88 = arith.constant 0 : index
    tpu.barrier barrier_id(%barrier3A_88)
    %scan3A_89 = arith.constant 0 : i32
    %scan3A_90 = arith.constant 5 : i32
    %scan3A_91 = arith.addi %scan3A_89, %scan3A_90 : i32
    %scan3A_92 = arith.constant 1 : i32
    scf.for %scan3A_94 = %scan3A_89 to %scan3A_91 step %scan3A_92  : i32 {
      %mul3A_95 = arith.constant 1 : i32
      %mul3A_96 = arith.muli %scan3A_94, %mul3A_95 : i32
      %add3A_97 = arith.constant 0 : i32
      %add3A_98 = arith.addi %add3A_97, %mul3A_96 : i32
      %mul3A_99 = arith.constant 640 : i32
      %mul3A_100 = arith.muli %arg1, %mul3A_99 : i32
      %mul3A_101 = arith.constant 128 : i32
      %mul3A_102 = arith.muli %add3A_98, %mul3A_101 : i32
      %add3A_103 = arith.addi %mul3A_100, %mul3A_102 : i32
      "tpu.region"() ({
        %run_scoped3A = tpu.sem_alloc : memref<!tpu.dma_semaphore, #tpu.memory_space<semaphore_mem>>
        %dma_start3A_104 = arith.constant 0 : i32
        %dma_start3A_105 = tpu.memref_slice %arg6[%arg0, %add3A_103, %dma_start3A_104] : memref<2x10240x128xf32, #tpu.memory_space<hbm>> -> memref<1x128x128xf32, #tpu.memory_space<hbm>>
        %dma_start3A_106 = tpu.memref_squeeze %dma_start3A_105 : memref<1x128x128xf32, #tpu.memory_space<hbm>> -> memref<128x128xf32, #tpu.memory_space<hbm>>
        %dma_start3A_107 = arith.constant 0 : i32
        %dma_start3A_108 = tpu.memref_slice %arg13[%add3A_103, %dma_start3A_107] : memref<10240x128xf32, #tpu.memory_space<vmem_shared>> -> memref<128x128xf32, #tpu.memory_space<vmem_shared>>
        tpu.enqueue_dma source(%dma_start3A_108 : memref<128x128xf32, #tpu.memory_space<vmem_shared>>) target(%dma_start3A_106 : memref<128x128xf32, #tpu.memory_space<hbm>>) target_semaphore(%run_scoped3A : memref<!tpu.dma_semaphore, #tpu.memory_space<semaphore_mem>>)
        %dma_wait3A_109 = arith.constant 0 : i32
        %dma_wait3A_110 = tpu.memref_slice %arg6[%arg0, %add3A_103, %dma_wait3A_109] : memref<2x10240x128xf32, #tpu.memory_space<hbm>> -> memref<1x128x128xf32, #tpu.memory_space<hbm>>
        %dma_wait3A_111 = tpu.memref_squeeze %dma_wait3A_110 : memref<1x128x128xf32, #tpu.memory_space<hbm>> -> memref<128x128xf32, #tpu.memory_space<hbm>>
        %dma_wait3A_112 = arith.constant 0 : i32
        %dma_wait3A_113 = tpu.memref_slice %arg13[%add3A_103, %dma_wait3A_112] : memref<10240x128xf32, #tpu.memory_space<vmem_shared>> -> memref<128x128xf32, #tpu.memory_space<vmem_shared>>
        tpu.wait_dma2 semaphore(%run_scoped3A : memref<!tpu.dma_semaphore, #tpu.memory_space<semaphore_mem>>) src(%dma_wait3A_113 : memref<128x128xf32, #tpu.memory_space<vmem_shared>>) dst(%dma_wait3A_111 : memref<128x128xf32, #tpu.memory_space<hbm>>)
        tpu.yield
      }) : () -> ()
    }
    %scan3A_93 = arith.constant 5 : i32
    return
  }
}

#map = affine_map<(d0, d1) -> (0, 0)>
#map1 = affine_map<(d0, d1) -> (0)>
#map2 = affine_map<(d0, d1) -> (0, 0, 0)>
module attributes {stable_mosaic.version = 14 : i64} {
  func.func @k(%arg0: i32, %arg1: i32, %arg2: memref<10000x128xf32, #tpu.memory_space<hbm>>, %arg3: memref<327680xi32, #tpu.memory_space<hbm>>, %arg4: memref<327680xi32, #tpu.memory_space<hbm>>, %arg5: memref<327680xf32, #tpu.memory_space<hbm>>, %arg6: memref<2x10240x128xf32, #tpu.memory_space<hbm>>, %arg7: memref<2x128xi32, #tpu.memory_space<vmem>>, %arg8: memref<2x128xi32, #tpu.memory_space<vmem>>, %arg9: memref<128xf32, #tpu.memory_space<vmem>>, %arg10: memref<128xf32, #tpu.memory_space<vmem>>, %arg11: memref<128x128xf32, #tpu.memory_space<vmem>>, %arg12: memref<128x128xf32, #tpu.memory_space<vmem>>, %arg13: memref<10240x128xf32, #tpu.memory_space<vmem_shared>>, %arg14: memref<!tpu.dma_semaphore, #tpu.memory_space<semaphore_mem>>, %arg15: memref<!tpu.dma_semaphore, #tpu.memory_space<semaphore_mem>>, %arg16: memref<!tpu.dma_semaphore, #tpu.memory_space<semaphore_mem>>, %arg17: memref<!tpu.dma_semaphore, #tpu.memory_space<semaphore_mem>>) attributes {dimension_semantics = [#tpu.dimension_semantics<core_parallel>, #tpu.dimension_semantics<subcore_parallel>], iteration_bounds = array<i64: 2, 16>, scalar_prefetch = 0 : i64, scratch_operands = 11 : i64, tpu.core_type = #tpu.core_type<sc_vector_subcore>, window_params = [{transform_indices = #map}, {transform_indices = #map1}, {transform_indices = #map1}, {transform_indices = #map1}, {transform_indices = #map2}]} {
    %mul3A = arith.constant 2 : i32
    %mul3A_0 = arith.muli %arg1, %mul3A : i32
    %add3A = arith.addi %mul3A_0, %arg0 : i32
    %mul3A_1 = arith.constant 10240 : i32
    %mul3A_2 = arith.muli %add3A, %mul3A_1 : i32
    %scan3A = arith.constant 0 : i32
    %scan3A_3 = arith.constant 128 : i32
    %scan3A_4 = arith.addi %scan3A, %scan3A_3 : i32
    %scan3A_5 = arith.constant 1 : i32
    scf.for %scan3A_94 = %scan3A to %scan3A_4 step %scan3A_5  : i32 {
      %mul3A_95 = arith.constant 1 : i32
      %mul3A_96 = arith.muli %scan3A_94, %mul3A_95 : i32
      %add3A_97 = arith.constant 0 : i32
      %add3A_98 = arith.addi %add3A_97, %mul3A_96 : i32
      %broadcast_in_dim3A = arith.constant 0.000000e+00 : f32
      %broadcast_in_dim3A_99 = vector.broadcast %broadcast_in_dim3A : f32 to vector<16xf32>
      %swap3A = arith.index_cast %add3A_98 : i32 to index
      %swap3A_100 = arith.constant 0 : index
      %swap3A_101 = tpu.vector_load %arg11[%swap3A, %swap3A_100] {strides = array<i32>} : memref<128x128xf32, #tpu.memory_space<vmem>>, vector<16xf32>,
      tpu.vector_store %arg11[%swap3A, %swap3A_100], %broadcast_in_dim3A_99 {strides = array<i32>} : memref<128x128xf32, #tpu.memory_space<vmem>>, vector<16xf32>,
      %broadcast_in_dim3A_102 = arith.constant 0.000000e+00 : f32
      %broadcast_in_dim3A_103 = vector.broadcast %broadcast_in_dim3A_102 : f32 to vector<16xf32>
      %swap3A_104 = arith.index_cast %add3A_98 : i32 to index
      %swap3A_105 = arith.constant 16 : index
      %swap3A_106 = tpu.vector_load %arg11[%swap3A_104, %swap3A_105] {strides = array<i32>} : memref<128x128xf32, #tpu.memory_space<vmem>>, vector<16xf32>,
      tpu.vector_store %arg11[%swap3A_104, %swap3A_105], %broadcast_in_dim3A_103 {strides = array<i32>} : memref<128x128xf32, #tpu.memory_space<vmem>>, vector<16xf32>,
      %broadcast_in_dim3A_107 = arith.constant 0.000000e+00 : f32
      %broadcast_in_dim3A_108 = vector.broadcast %broadcast_in_dim3A_107 : f32 to vector<16xf32>
      %swap3A_109 = arith.index_cast %add3A_98 : i32 to index
      %swap3A_110 = arith.constant 32 : index
      %swap3A_111 = tpu.vector_load %arg11[%swap3A_109, %swap3A_110] {strides = array<i32>} : memref<128x128xf32, #tpu.memory_space<vmem>>, vector<16xf32>,
      tpu.vector_store %arg11[%swap3A_109, %swap3A_110], %broadcast_in_dim3A_108 {strides = array<i32>} : memref<128x128xf32, #tpu.memory_space<vmem>>, vector<16xf32>,
      %broadcast_in_dim3A_112 = arith.constant 0.000000e+00 : f32
      %broadcast_in_dim3A_113 = vector.broadcast %broadcast_in_dim3A_112 : f32 to vector<16xf32>
      %swap3A_114 = arith.index_cast %add3A_98 : i32 to index
      %swap3A_115 = arith.constant 48 : index
      %swap3A_116 = tpu.vector_load %arg11[%swap3A_114, %swap3A_115] {strides = array<i32>} : memref<128x128xf32, #tpu.memory_space<vmem>>, vector<16xf32>,
      tpu.vector_store %arg11[%swap3A_114, %swap3A_115], %broadcast_in_dim3A_113 {strides = array<i32>} : memref<128x128xf32, #tpu.memory_space<vmem>>, vector<16xf32>,
      %broadcast_in_dim3A_117 = arith.constant 0.000000e+00 : f32
      %broadcast_in_dim3A_118 = vector.broadcast %broadcast_in_dim3A_117 : f32 to vector<16xf32>
      %swap3A_119 = arith.index_cast %add3A_98 : i32 to index
      %swap3A_120 = arith.constant 64 : index
      %swap3A_121 = tpu.vector_load %arg11[%swap3A_119, %swap3A_120] {strides = array<i32>} : memref<128x128xf32, #tpu.memory_space<vmem>>, vector<16xf32>,
      tpu.vector_store %arg11[%swap3A_119, %swap3A_120], %broadcast_in_dim3A_118 {strides = array<i32>} : memref<128x128xf32, #tpu.memory_space<vmem>>, vector<16xf32>,
      %broadcast_in_dim3A_122 = arith.constant 0.000000e+00 : f32
      %broadcast_in_dim3A_123 = vector.broadcast %broadcast_in_dim3A_122 : f32 to vector<16xf32>
      %swap3A_124 = arith.index_cast %add3A_98 : i32 to index
      %swap3A_125 = arith.constant 80 : index
      %swap3A_126 = tpu.vector_load %arg11[%swap3A_124, %swap3A_125] {strides = array<i32>} : memref<128x128xf32, #tpu.memory_space<vmem>>, vector<16xf32>,
      tpu.vector_store %arg11[%swap3A_124, %swap3A_125], %broadcast_in_dim3A_123 {strides = array<i32>} : memref<128x128xf32, #tpu.memory_space<vmem>>, vector<16xf32>,
      %broadcast_in_dim3A_127 = arith.constant 0.000000e+00 : f32
      %broadcast_in_dim3A_128 = vector.broadcast %broadcast_in_dim3A_127 : f32 to vector<16xf32>
      %swap3A_129 = arith.index_cast %add3A_98 : i32 to index
      %swap3A_130 = arith.constant 96 : index
      %swap3A_131 = tpu.vector_load %arg11[%swap3A_129, %swap3A_130] {strides = array<i32>} : memref<128x128xf32, #tpu.memory_space<vmem>>, vector<16xf32>,
      tpu.vector_store %arg11[%swap3A_129, %swap3A_130], %broadcast_in_dim3A_128 {strides = array<i32>} : memref<128x128xf32, #tpu.memory_space<vmem>>, vector<16xf32>,
      %broadcast_in_dim3A_132 = arith.constant 0.000000e+00 : f32
      %broadcast_in_dim3A_133 = vector.broadcast %broadcast_in_dim3A_132 : f32 to vector<16xf32>
      %swap3A_134 = arith.index_cast %add3A_98 : i32 to index
      %swap3A_135 = arith.constant 112 : index
      %swap3A_136 = tpu.vector_load %arg11[%swap3A_134, %swap3A_135] {strides = array<i32>} : memref<128x128xf32, #tpu.memory_space<vmem>>, vector<16xf32>,
      tpu.vector_store %arg11[%swap3A_134, %swap3A_135], %broadcast_in_dim3A_133 {strides = array<i32>} : memref<128x128xf32, #tpu.memory_space<vmem>>, vector<16xf32>,
    }
    %scan3A_6 = arith.constant 128 : i32
    %scan3A_7 = arith.constant 0 : i32
    %scan3A_8 = arith.constant 5 : i32
    %scan3A_9 = arith.addi %scan3A_7, %scan3A_8 : i32
    %scan3A_10 = arith.constant 1 : i32
    scf.for %scan3A_94 = %scan3A_7 to %scan3A_9 step %scan3A_10  : i32 {
      %mul3A_95 = arith.constant 1 : i32
      %mul3A_96 = arith.muli %scan3A_94, %mul3A_95 : i32
      %add3A_97 = arith.constant 0 : i32
      %add3A_98 = arith.addi %add3A_97, %mul3A_96 : i32
      %mul3A_99 = arith.constant 640 : i32
      %mul3A_100 = arith.muli %arg1, %mul3A_99 : i32
      %mul3A_101 = arith.constant 128 : i32
      %mul3A_102 = arith.muli %add3A_98, %mul3A_101 : i32
      %add3A_103 = arith.addi %mul3A_100, %mul3A_102 : i32
      "tpu.region"() ({
        %run_scoped3A = tpu.sem_alloc : memref<!tpu.dma_semaphore, #tpu.memory_space<semaphore_mem>>
        %dma_start3A_104 = arith.constant 0 : i32
        %dma_start3A_105 = arith.constant 0 : i32
        %dma_start3A_106 = tpu.memref_slice %arg11[%dma_start3A_104, %dma_start3A_105] : memref<128x128xf32, #tpu.memory_space<vmem>> -> memref<128x128xf32, #tpu.memory_space<vmem>>
        %dma_start3A_107 = arith.constant 0 : i32
        %dma_start3A_108 = tpu.memref_slice %arg13[%add3A_103, %dma_start3A_107] : memref<10240x128xf32, #tpu.memory_space<vmem_shared>> -> memref<128x128xf32, #tpu.memory_space<vmem_shared>>
        %dma_start3A_109 = arith.constant 0 : i32
        %dma_start3A_110 = tpu.memref_slice %arg13[%add3A_103, %dma_start3A_109] : memref<10240x128xf32, #tpu.memory_space<vmem_shared>> -> memref<128x128xf32, #tpu.memory_space<vmem_shared>>
        %dma_start3A_111 = arith.constant 0 : i32
        %dma_start3A_112 = arith.constant 0 : i32
        %dma_start3A_113 = tpu.memref_slice %arg11[%dma_start3A_111, %dma_start3A_112] : memref<128x128xf32, #tpu.memory_space<vmem>> -> memref<128x128xf32, #tpu.memory_space<vmem>>
        tpu.enqueue_dma source(%dma_start3A_113 : memref<128x128xf32, #tpu.memory_space<vmem>>) target(%dma_start3A_110 : memref<128x128xf32, #tpu.memory_space<vmem_shared>>) target_semaphore(%run_scoped3A : memref<!tpu.dma_semaphore, #tpu.memory_space<semaphore_mem>>)
        %dma_wait3A_114 = arith.constant 0 : i32
        %dma_wait3A_115 = arith.constant 0 : i32
        %dma_wait3A_116 = tpu.memref_slice %arg11[%dma_wait3A_114, %dma_wait3A_115] : memref<128x128xf32, #tpu.memory_space<vmem>> -> memref<128x128xf32, #tpu.memory_space<vmem>>
        %dma_wait3A_117 = arith.constant 0 : i32
        %dma_wait3A_118 = tpu.memref_slice %arg13[%add3A_103, %dma_wait3A_117] : memref<10240x128xf32, #tpu.memory_space<vmem_shared>> -> memref<128x128xf32, #tpu.memory_space<vmem_shared>>
        %dma_wait3A_119 = arith.constant 0 : i32
        %dma_wait3A_120 = tpu.memref_slice %arg13[%add3A_103, %dma_wait3A_119] : memref<10240x128xf32, #tpu.memory_space<vmem_shared>> -> memref<128x128xf32, #tpu.memory_space<vmem_shared>>
        %dma_wait3A_121 = arith.constant 0 : i32
        %dma_wait3A_122 = arith.constant 0 : i32
        %dma_wait3A_123 = tpu.memref_slice %arg11[%dma_wait3A_121, %dma_wait3A_122] : memref<128x128xf32, #tpu.memory_space<vmem>> -> memref<128x128xf32, #tpu.memory_space<vmem>>
        tpu.wait_dma2 semaphore(%run_scoped3A : memref<!tpu.dma_semaphore, #tpu.memory_space<semaphore_mem>>) src(%dma_wait3A_123 : memref<128x128xf32, #tpu.memory_space<vmem>>) dst(%dma_wait3A_120 : memref<128x128xf32, #tpu.memory_space<vmem_shared>>)
        tpu.yield
      }) : () -> ()
    }
    %scan3A_11 = arith.constant 5 : i32
    %barrier3A = arith.constant 0 : index
    tpu.barrier barrier_id(%barrier3A)
    %add3A_12 = arith.constant 0 : i32
    %add3A_13 = arith.addi %mul3A_2, %add3A_12 : i32
    %dma_start3A = arith.constant 0 : i32
    %dma_start3A_14 = arith.constant 0 : i32
    %dma_start3A_15 = tpu.memref_slice %arg7[%dma_start3A, %dma_start3A_14] : memref<2x128xi32, #tpu.memory_space<vmem>> -> memref<1x128xi32, #tpu.memory_space<vmem>>
    %dma_start3A_16 = tpu.memref_squeeze %dma_start3A_15 : memref<1x128xi32, #tpu.memory_space<vmem>> -> memref<128xi32, #tpu.memory_space<vmem>>
    %dma_start3A_17 = tpu.memref_slice %arg3[%add3A_13] : memref<327680xi32, #tpu.memory_space<hbm>> -> memref<128xi32, #tpu.memory_space<hbm>>
    %dma_start3A_18 = arith.constant 0 : i32
    %dma_start3A_19 = tpu.memref_slice %arg7[%dma_start3A, %dma_start3A_18] : memref<2x128xi32, #tpu.memory_space<vmem>> -> memref<1x128xi32, #tpu.memory_space<vmem>>
    %dma_start3A_20 = tpu.memref_squeeze %dma_start3A_19 : memref<1x128xi32, #tpu.memory_space<vmem>> -> memref<128xi32, #tpu.memory_space<vmem>>
    %dma_start3A_21 = tpu.memref_slice %arg3[%add3A_13] : memref<327680xi32, #tpu.memory_space<hbm>> -> memref<128xi32, #tpu.memory_space<hbm>>
    tpu.enqueue_dma source(%dma_start3A_21 : memref<128xi32, #tpu.memory_space<hbm>>) target(%dma_start3A_20 : memref<128xi32, #tpu.memory_space<vmem>>) target_semaphore(%arg14 : memref<!tpu.dma_semaphore, #tpu.memory_space<semaphore_mem>>)
    %dma_start3A_22 = arith.constant 1 : i32
    %dma_start3A_23 = arith.constant 0 : i32
    %dma_start3A_24 = tpu.memref_slice %arg7[%dma_start3A_22, %dma_start3A_23] : memref<2x128xi32, #tpu.memory_space<vmem>> -> memref<1x128xi32, #tpu.memory_space<vmem>>
    %dma_start3A_25 = tpu.memref_squeeze %dma_start3A_24 : memref<1x128xi32, #tpu.memory_space<vmem>> -> memref<128xi32, #tpu.memory_space<vmem>>
    %dma_start3A_26 = tpu.memref_slice %arg4[%add3A_13] : memref<327680xi32, #tpu.memory_space<hbm>> -> memref<128xi32, #tpu.memory_space<hbm>>
    %dma_start3A_27 = arith.constant 0 : i32
    %dma_start3A_28 = tpu.memref_slice %arg7[%dma_start3A_22, %dma_start3A_27] : memref<2x128xi32, #tpu.memory_space<vmem>> -> memref<1x128xi32, #tpu.memory_space<vmem>>
    %dma_start3A_29 = tpu.memref_squeeze %dma_start3A_28 : memref<1x128xi32, #tpu.memory_space<vmem>> -> memref<128xi32, #tpu.memory_space<vmem>>
    %dma_start3A_30 = tpu.memref_slice %arg4[%add3A_13] : memref<327680xi32, #tpu.memory_space<hbm>> -> memref<128xi32, #tpu.memory_space<hbm>>
    tpu.enqueue_dma source(%dma_start3A_30 : memref<128xi32, #tpu.memory_space<hbm>>) target(%dma_start3A_29 : memref<128xi32, #tpu.memory_space<vmem>>) target_semaphore(%arg14 : memref<!tpu.dma_semaphore, #tpu.memory_space<semaphore_mem>>)
    %dma_start3A_31 = tpu.memref_slice %arg5[%add3A_13] : memref<327680xf32, #tpu.memory_space<hbm>> -> memref<128xf32, #tpu.memory_space<hbm>>
    %dma_start3A_32 = tpu.memref_slice %arg5[%add3A_13] : memref<327680xf32, #tpu.memory_space<hbm>> -> memref<128xf32, #tpu.memory_space<hbm>>
    tpu.enqueue_dma source(%dma_start3A_32 : memref<128xf32, #tpu.memory_space<hbm>>) target(%arg9 : memref<128xf32, #tpu.memory_space<vmem>>) target_semaphore(%arg14 : memref<!tpu.dma_semaphore, #tpu.memory_space<semaphore_mem>>)
    %add3A_33 = arith.constant 128 : i32
    %add3A_34 = arith.addi %mul3A_2, %add3A_33 : i32
    %dma_start3A_35 = arith.constant 0 : i32
    %dma_start3A_36 = arith.constant 0 : i32
    %dma_start3A_37 = tpu.memref_slice %arg8[%dma_start3A_35, %dma_start3A_36] : memref<2x128xi32, #tpu.memory_space<vmem>> -> memref<1x128xi32, #tpu.memory_space<vmem>>
    %dma_start3A_38 = tpu.memref_squeeze %dma_start3A_37 : memref<1x128xi32, #tpu.memory_space<vmem>> -> memref<128xi32, #tpu.memory_space<vmem>>
    %dma_start3A_39 = tpu.memref_slice %arg3[%add3A_34] : memref<327680xi32, #tpu.memory_space<hbm>> -> memref<128xi32, #tpu.memory_space<hbm>>
    %dma_start3A_40 = arith.constant 0 : i32
    %dma_start3A_41 = tpu.memref_slice %arg8[%dma_start3A_35, %dma_start3A_40] : memref<2x128xi32, #tpu.memory_space<vmem>> -> memref<1x128xi32, #tpu.memory_space<vmem>>
    %dma_start3A_42 = tpu.memref_squeeze %dma_start3A_41 : memref<1x128xi32, #tpu.memory_space<vmem>> -> memref<128xi32, #tpu.memory_space<vmem>>
    %dma_start3A_43 = tpu.memref_slice %arg3[%add3A_34] : memref<327680xi32, #tpu.memory_space<hbm>> -> memref<128xi32, #tpu.memory_space<hbm>>
    tpu.enqueue_dma source(%dma_start3A_43 : memref<128xi32, #tpu.memory_space<hbm>>) target(%dma_start3A_42 : memref<128xi32, #tpu.memory_space<vmem>>) target_semaphore(%arg15 : memref<!tpu.dma_semaphore, #tpu.memory_space<semaphore_mem>>)
    %dma_start3A_44 = arith.constant 1 : i32
    %dma_start3A_45 = arith.constant 0 : i32
    %dma_start3A_46 = tpu.memref_slice %arg8[%dma_start3A_44, %dma_start3A_45] : memref<2x128xi32, #tpu.memory_space<vmem>> -> memref<1x128xi32, #tpu.memory_space<vmem>>
    %dma_start3A_47 = tpu.memref_squeeze %dma_start3A_46 : memref<1x128xi32, #tpu.memory_space<vmem>> -> memref<128xi32, #tpu.memory_space<vmem>>
    %dma_start3A_48 = tpu.memref_slice %arg4[%add3A_34] : memref<327680xi32, #tpu.memory_space<hbm>> -> memref<128xi32, #tpu.memory_space<hbm>>
    %dma_start3A_49 = arith.constant 0 : i32
    %dma_start3A_50 = tpu.memref_slice %arg8[%dma_start3A_44, %dma_start3A_49] : memref<2x128xi32, #tpu.memory_space<vmem>> -> memref<1x128xi32, #tpu.memory_space<vmem>>
    %dma_start3A_51 = tpu.memref_squeeze %dma_start3A_50 : memref<1x128xi32, #tpu.memory_space<vmem>> -> memref<128xi32, #tpu.memory_space<vmem>>
    %dma_start3A_52 = tpu.memref_slice %arg4[%add3A_34] : memref<327680xi32, #tpu.memory_space<hbm>> -> memref<128xi32, #tpu.memory_space<hbm>>
    tpu.enqueue_dma source(%dma_start3A_52 : memref<128xi32, #tpu.memory_space<hbm>>) target(%dma_start3A_51 : memref<128xi32, #tpu.memory_space<vmem>>) target_semaphore(%arg15 : memref<!tpu.dma_semaphore, #tpu.memory_space<semaphore_mem>>)
    %dma_start3A_53 = tpu.memref_slice %arg5[%add3A_34] : memref<327680xf32, #tpu.memory_space<hbm>> -> memref<128xf32, #tpu.memory_space<hbm>>
    %dma_start3A_54 = tpu.memref_slice %arg5[%add3A_34] : memref<327680xf32, #tpu.memory_space<hbm>> -> memref<128xf32, #tpu.memory_space<hbm>>
    tpu.enqueue_dma source(%dma_start3A_54 : memref<128xf32, #tpu.memory_space<hbm>>) target(%arg10 : memref<128xf32, #tpu.memory_space<vmem>>) target_semaphore(%arg15 : memref<!tpu.dma_semaphore, #tpu.memory_space<semaphore_mem>>)
    %add3A_55 = arith.constant 0 : i32
    %add3A_56 = arith.addi %mul3A_2, %add3A_55 : i32
    %dma_wait3A = arith.constant 0 : i32
    %dma_wait3A_57 = arith.constant 0 : i32
    %dma_wait3A_58 = tpu.memref_slice %arg7[%dma_wait3A, %dma_wait3A_57] : memref<2x128xi32, #tpu.memory_space<vmem>> -> memref<1x128xi32, #tpu.memory_space<vmem>>
    %dma_wait3A_59 = tpu.memref_squeeze %dma_wait3A_58 : memref<1x128xi32, #tpu.memory_space<vmem>> -> memref<128xi32, #tpu.memory_space<vmem>>
    %dma_wait3A_60 = tpu.memref_slice %arg3[%add3A_56] : memref<327680xi32, #tpu.memory_space<hbm>> -> memref<128xi32, #tpu.memory_space<hbm>>
    %dma_wait3A_61 = arith.constant 0 : i32
    %dma_wait3A_62 = tpu.memref_slice %arg7[%dma_wait3A, %dma_wait3A_61] : memref<2x128xi32, #tpu.memory_space<vmem>> -> memref<1x128xi32, #tpu.memory_space<vmem>>
    %dma_wait3A_63 = tpu.memref_squeeze %dma_wait3A_62 : memref<1x128xi32, #tpu.memory_space<vmem>> -> memref<128xi32, #tpu.memory_space<vmem>>
    %dma_wait3A_64 = tpu.memref_slice %arg3[%add3A_56] : memref<327680xi32, #tpu.memory_space<hbm>> -> memref<128xi32, #tpu.memory_space<hbm>>
    tpu.wait_dma2 semaphore(%arg14 : memref<!tpu.dma_semaphore, #tpu.memory_space<semaphore_mem>>) src(%dma_wait3A_64 : memref<128xi32, #tpu.memory_space<hbm>>) dst(%dma_wait3A_63 : memref<128xi32, #tpu.memory_space<vmem>>)
    %dma_wait3A_65 = arith.constant 1 : i32
    %dma_wait3A_66 = arith.constant 0 : i32
    %dma_wait3A_67 = tpu.memref_slice %arg7[%dma_wait3A_65, %dma_wait3A_66] : memref<2x128xi32, #tpu.memory_space<vmem>> -> memref<1x128xi32, #tpu.memory_space<vmem>>
    %dma_wait3A_68 = tpu.memref_squeeze %dma_wait3A_67 : memref<1x128xi32, #tpu.memory_space<vmem>> -> memref<128xi32, #tpu.memory_space<vmem>>
    %dma_wait3A_69 = tpu.memref_slice %arg4[%add3A_56] : memref<327680xi32, #tpu.memory_space<hbm>> -> memref<128xi32, #tpu.memory_space<hbm>>
    %dma_wait3A_70 = arith.constant 0 : i32
    %dma_wait3A_71 = tpu.memref_slice %arg7[%dma_wait3A_65, %dma_wait3A_70] : memref<2x128xi32, #tpu.memory_space<vmem>> -> memref<1x128xi32, #tpu.memory_space<vmem>>
    %dma_wait3A_72 = tpu.memref_squeeze %dma_wait3A_71 : memref<1x128xi32, #tpu.memory_space<vmem>> -> memref<128xi32, #tpu.memory_space<vmem>>
    %dma_wait3A_73 = tpu.memref_slice %arg4[%add3A_56] : memref<327680xi32, #tpu.memory_space<hbm>> -> memref<128xi32, #tpu.memory_space<hbm>>
    tpu.wait_dma2 semaphore(%arg14 : memref<!tpu.dma_semaphore, #tpu.memory_space<semaphore_mem>>) src(%dma_wait3A_73 : memref<128xi32, #tpu.memory_space<hbm>>) dst(%dma_wait3A_72 : memref<128xi32, #tpu.memory_space<vmem>>)
    %dma_wait3A_74 = tpu.memref_slice %arg5[%add3A_56] : memref<327680xf32, #tpu.memory_space<hbm>> -> memref<128xf32, #tpu.memory_space<hbm>>
    %dma_wait3A_75 = tpu.memref_slice %arg5[%add3A_56] : memref<327680xf32, #tpu.memory_space<hbm>> -> memref<128xf32, #tpu.memory_space<hbm>>
    tpu.wait_dma2 semaphore(%arg14 : memref<!tpu.dma_semaphore, #tpu.memory_space<semaphore_mem>>) src(%dma_wait3A_75 : memref<128xf32, #tpu.memory_space<hbm>>) dst(%arg9 : memref<128xf32, #tpu.memory_space<vmem>>)
    %dma_start3A_76 = arith.constant 0 : i32
    %dma_start3A_77 = arith.constant 0 : i32
    %dma_start3A_78 = tpu.memref_slice %arg7[%dma_start3A_76, %dma_start3A_77] : memref<2x128xi32, #tpu.memory_space<vmem>> -> memref<1x128xi32, #tpu.memory_space<vmem>>
    %dma_start3A_79 = tpu.memref_squeeze %dma_start3A_78 : memref<1x128xi32, #tpu.memory_space<vmem>> -> memref<128xi32, #tpu.memory_space<vmem>>
    %dma_start3A_80 = arith.constant 0 : i32
    %dma_start3A_81 = arith.constant 0 : i32
    %dma_start3A_82 = tpu.memref_slice %arg2[%dma_start3A_80, %dma_start3A_81] : memref<10000x128xf32, #tpu.memory_space<hbm>> -> memref<10000x128xf32, #tpu.memory_space<hbm>>
    tpu.enqueue_indirect_dma source(%dma_start3A_82 : memref<10000x128xf32, #tpu.memory_space<hbm>>) target(%arg11 : memref<128x128xf32, #tpu.memory_space<vmem>>) offsets(%dma_start3A_79 : memref<128xi32, #tpu.memory_space<vmem>>) semaphore(%arg16 : memref<!tpu.dma_semaphore, #tpu.memory_space<semaphore_mem>>)
    %scan3A_83 = arith.constant 0 : i32
    %scan3A_84 = arith.constant 40 : i32
    %scan3A_85 = arith.addi %scan3A_83, %scan3A_84 : i32
    %scan3A_86 = arith.constant 1 : i32
    scf.for %scan3A_94 = %scan3A_83 to %scan3A_85 step %scan3A_86  : i32 {
      %mul3A_95 = arith.constant 1 : i32
      %mul3A_96 = arith.muli %scan3A_94, %mul3A_95 : i32
      %add3A_97 = arith.constant 0 : i32
      %add3A_98 = arith.addi %add3A_97, %mul3A_96 : i32
      %mul3A_99 = arith.constant 2 : i32
      %mul3A_100 = arith.muli %add3A_98, %mul3A_99 : i32
      %add3A_101 = arith.constant 0 : i32
      %add3A_102 = arith.addi %mul3A_100, %add3A_101 : i32
      %add3A_103 = arith.constant 1 : i32
      %add3A_104 = arith.addi %add3A_102, %add3A_103 : i32
      %lt3A = arith.constant 80 : i32
      %lt3A_105 = arith.cmpi slt, %add3A_104, %lt3A : i32
      %convert_element_type3A = arith.extui %lt3A_105 : i1 to i32
      %cond3A = arith.constant 0 : i32
      %cond3A_106 = arith.cmpi ne, %convert_element_type3A, %cond3A : i32
      scf.if %cond3A_106 {
        %add3A_152 = arith.constant 1 : i32
        %add3A_153 = arith.addi %add3A_102, %add3A_152 : i32
        %mul3A_154 = arith.constant 128 : i32
        %mul3A_155 = arith.muli %add3A_153, %mul3A_154 : i32
        %add3A_156 = arith.addi %mul3A_2, %mul3A_155 : i32
        %dma_wait3A_157 = arith.constant 0 : i32
        %dma_wait3A_158 = arith.constant 0 : i32
        %dma_wait3A_159 = tpu.memref_slice %arg8[%dma_wait3A_157, %dma_wait3A_158] : memref<2x128xi32, #tpu.memory_space<vmem>> -> memref<1x128xi32, #tpu.memory_space<vmem>>
        %dma_wait3A_160 = tpu.memref_squeeze %dma_wait3A_159 : memref<1x128xi32, #tpu.memory_space<vmem>> -> memref<128xi32, #tpu.memory_space<vmem>>
        %dma_wait3A_161 = tpu.memref_slice %arg3[%add3A_156] : memref<327680xi32, #tpu.memory_space<hbm>> -> memref<128xi32, #tpu.memory_space<hbm>>
        %dma_wait3A_162 = arith.constant 0 : i32
        %dma_wait3A_163 = tpu.memref_slice %arg8[%dma_wait3A_157, %dma_wait3A_162] : memref<2x128xi32, #tpu.memory_space<vmem>> -> memref<1x128xi32, #tpu.memory_space<vmem>>
        %dma_wait3A_164 = tpu.memref_squeeze %dma_wait3A_163 : memref<1x128xi32, #tpu.memory_space<vmem>> -> memref<128xi32, #tpu.memory_space<vmem>>
        %dma_wait3A_165 = tpu.memref_slice %arg3[%add3A_156] : memref<327680xi32, #tpu.memory_space<hbm>> -> memref<128xi32, #tpu.memory_space<hbm>>
        tpu.wait_dma2 semaphore(%arg15 : memref<!tpu.dma_semaphore, #tpu.memory_space<semaphore_mem>>) src(%dma_wait3A_165 : memref<128xi32, #tpu.memory_space<hbm>>) dst(%dma_wait3A_164 : memref<128xi32, #tpu.memory_space<vmem>>)
        %dma_wait3A_166 = arith.constant 1 : i32
        %dma_wait3A_167 = arith.constant 0 : i32
        %dma_wait3A_168 = tpu.memref_slice %arg8[%dma_wait3A_166, %dma_wait3A_167] : memref<2x128xi32, #tpu.memory_space<vmem>> -> memref<1x128xi32, #tpu.memory_space<vmem>>
        %dma_wait3A_169 = tpu.memref_squeeze %dma_wait3A_168 : memref<1x128xi32, #tpu.memory_space<vmem>> -> memref<128xi32, #tpu.memory_space<vmem>>
        %dma_wait3A_170 = tpu.memref_slice %arg4[%add3A_156] : memref<327680xi32, #tpu.memory_space<hbm>> -> memref<128xi32, #tpu.memory_space<hbm>>
        %dma_wait3A_171 = arith.constant 0 : i32
        %dma_wait3A_172 = tpu.memref_slice %arg8[%dma_wait3A_166, %dma_wait3A_171] : memref<2x128xi32, #tpu.memory_space<vmem>> -> memref<1x128xi32, #tpu.memory_space<vmem>>
        %dma_wait3A_173 = tpu.memref_squeeze %dma_wait3A_172 : memref<1x128xi32, #tpu.memory_space<vmem>> -> memref<128xi32, #tpu.memory_space<vmem>>
        %dma_wait3A_174 = tpu.memref_slice %arg4[%add3A_156] : memref<327680xi32, #tpu.memory_space<hbm>> -> memref<128xi32, #tpu.memory_space<hbm>>
        tpu.wait_dma2 semaphore(%arg15 : memref<!tpu.dma_semaphore, #tpu.memory_space<semaphore_mem>>) src(%dma_wait3A_174 : memref<128xi32, #tpu.memory_space<hbm>>) dst(%dma_wait3A_173 : memref<128xi32, #tpu.memory_space<vmem>>)
        %dma_wait3A_175 = tpu.memref_slice %arg5[%add3A_156] : memref<327680xf32, #tpu.memory_space<hbm>> -> memref<128xf32, #tpu.memory_space<hbm>>
        %dma_wait3A_176 = tpu.memref_slice %arg5[%add3A_156] : memref<327680xf32, #tpu.memory_space<hbm>> -> memref<128xf32, #tpu.memory_space<hbm>>
        tpu.wait_dma2 semaphore(%arg15 : memref<!tpu.dma_semaphore, #tpu.memory_space<semaphore_mem>>) src(%dma_wait3A_176 : memref<128xf32, #tpu.memory_space<hbm>>) dst(%arg10 : memref<128xf32, #tpu.memory_space<vmem>>)
        %dma_start3A_177 = arith.constant 0 : i32
        %dma_start3A_178 = arith.constant 0 : i32
        %dma_start3A_179 = tpu.memref_slice %arg8[%dma_start3A_177, %dma_start3A_178] : memref<2x128xi32, #tpu.memory_space<vmem>> -> memref<1x128xi32, #tpu.memory_space<vmem>>
        %dma_start3A_180 = tpu.memref_squeeze %dma_start3A_179 : memref<1x128xi32, #tpu.memory_space<vmem>> -> memref<128xi32, #tpu.memory_space<vmem>>
        %dma_start3A_181 = arith.constant 0 : i32
        %dma_start3A_182 = arith.constant 0 : i32
        %dma_start3A_183 = tpu.memref_slice %arg2[%dma_start3A_181, %dma_start3A_182] : memref<10000x128xf32, #tpu.memory_space<hbm>> -> memref<10000x128xf32, #tpu.memory_space<hbm>>
        tpu.enqueue_indirect_dma source(%dma_start3A_183 : memref<10000x128xf32, #tpu.memory_space<hbm>>) target(%arg12 : memref<128x128xf32, #tpu.memory_space<vmem>>) offsets(%dma_start3A_180 : memref<128xi32, #tpu.memory_space<vmem>>) semaphore(%arg17 : memref<!tpu.dma_semaphore, #tpu.memory_space<semaphore_mem>>)
      } else {
      }
      %dma_wait3A_107 = arith.constant 0 : i32
      %dma_wait3A_108 = arith.constant 0 : i32
      %dma_wait3A_109 = tpu.memref_slice %arg7[%dma_wait3A_107, %dma_wait3A_108] : memref<2x128xi32, #tpu.memory_space<vmem>> -> memref<1x128xi32, #tpu.memory_space<vmem>>
      %dma_wait3A_110 = tpu.memref_squeeze %dma_wait3A_109 : memref<1x128xi32, #tpu.memory_space<vmem>> -> memref<128xi32, #tpu.memory_space<vmem>>
      %dma_wait3A_111 = arith.constant 0 : i32
      %dma_wait3A_112 = arith.constant 0 : i32
      %dma_wait3A_113 = tpu.memref_slice %arg2[%dma_wait3A_111, %dma_wait3A_112] : memref<10000x128xf32, #tpu.memory_space<hbm>> -> memref<10000x128xf32, #tpu.memory_space<hbm>>
      tpu.wait_indirect_dma semaphore(%arg16 : memref<!tpu.dma_semaphore, #tpu.memory_space<semaphore_mem>>) src(%dma_wait3A_113 : memref<10000x128xf32, #tpu.memory_space<hbm>>) dst(%arg11 : memref<128x128xf32, #tpu.memory_space<vmem>>)
      %parallel_loop3A = arith.constant 0 : i32
      %parallel_loop3A_114 = arith.constant 128 : i32
      %parallel_loop3A_115 = arith.constant 1 : i32
      scf.for %parallel_loop3A_152 = %parallel_loop3A to %parallel_loop3A_114 step %parallel_loop3A_115  : i32 {
        %parallel_loop3A_153 = arith.constant 0 : i32
        %parallel_loop3A_154 = vector.broadcast %parallel_loop3A_153 : i32 to vector<16xi32>
        %parallel_loop3A_155 = vector.broadcast %parallel_loop3A_152 : i32 to vector<16xi32>
        %parallel_loop3A_156 = arith.addi %parallel_loop3A_154, %parallel_loop3A_155 : vector<16xi32>
        %parallel_loop3A_157 = tpu.vector_load_idx %arg9[%parallel_loop3A_156] : memref<128xf32, #tpu.memory_space<vmem>>[vector<16xi32>], vector<16xf32>,
        %parallel_loop3A_158 = arith.index_cast %parallel_loop3A_152 : i32 to index
        %parallel_loop3A_159 = arith.constant 0 : index
        %parallel_loop3A_160 = tpu.vector_load %arg11[%parallel_loop3A_158, %parallel_loop3A_159] {strides = array<i32>} : memref<128x128xf32, #tpu.memory_space<vmem>>, vector<16xf32>,
        %parallel_loop3A_161 = arith.mulf %parallel_loop3A_160, %parallel_loop3A_157 : vector<16xf32>
        %parallel_loop3A_162 = arith.index_cast %parallel_loop3A_152 : i32 to index
        %parallel_loop3A_163 = arith.constant 0 : index
        %parallel_loop3A_164 = tpu.vector_load %arg11[%parallel_loop3A_162, %parallel_loop3A_163] {strides = array<i32>} : memref<128x128xf32, #tpu.memory_space<vmem>>, vector<16xf32>,
        tpu.vector_store %arg11[%parallel_loop3A_162, %parallel_loop3A_163], %parallel_loop3A_161 {strides = array<i32>} : memref<128x128xf32, #tpu.memory_space<vmem>>, vector<16xf32>,
        %parallel_loop3A_165 = arith.index_cast %parallel_loop3A_152 : i32 to index
        %parallel_loop3A_166 = arith.constant 16 : index
        %parallel_loop3A_167 = tpu.vector_load %arg11[%parallel_loop3A_165, %parallel_loop3A_166] {strides = array<i32>} : memref<128x128xf32, #tpu.memory_space<vmem>>, vector<16xf32>,
        %parallel_loop3A_168 = arith.mulf %parallel_loop3A_167, %parallel_loop3A_157 : vector<16xf32>
        %parallel_loop3A_169 = arith.index_cast %parallel_loop3A_152 : i32 to index
        %parallel_loop3A_170 = arith.constant 16 : index
        %parallel_loop3A_171 = tpu.vector_load %arg11[%parallel_loop3A_169, %parallel_loop3A_170] {strides = array<i32>} : memref<128x128xf32, #tpu.memory_space<vmem>>, vector<16xf32>,
        tpu.vector_store %arg11[%parallel_loop3A_169, %parallel_loop3A_170], %parallel_loop3A_168 {strides = array<i32>} : memref<128x128xf32, #tpu.memory_space<vmem>>, vector<16xf32>,
        %parallel_loop3A_172 = arith.index_cast %parallel_loop3A_152 : i32 to index
        %parallel_loop3A_173 = arith.constant 32 : index
        %parallel_loop3A_174 = tpu.vector_load %arg11[%parallel_loop3A_172, %parallel_loop3A_173] {strides = array<i32>} : memref<128x128xf32, #tpu.memory_space<vmem>>, vector<16xf32>,
        %parallel_loop3A_175 = arith.mulf %parallel_loop3A_174, %parallel_loop3A_157 : vector<16xf32>
        %parallel_loop3A_176 = arith.index_cast %parallel_loop3A_152 : i32 to index
        %parallel_loop3A_177 = arith.constant 32 : index
        %parallel_loop3A_178 = tpu.vector_load %arg11[%parallel_loop3A_176, %parallel_loop3A_177] {strides = array<i32>} : memref<128x128xf32, #tpu.memory_space<vmem>>, vector<16xf32>,
        tpu.vector_store %arg11[%parallel_loop3A_176, %parallel_loop3A_177], %parallel_loop3A_175 {strides = array<i32>} : memref<128x128xf32, #tpu.memory_space<vmem>>, vector<16xf32>,
        %parallel_loop3A_179 = arith.index_cast %parallel_loop3A_152 : i32 to index
        %parallel_loop3A_180 = arith.constant 48 : index
        %parallel_loop3A_181 = tpu.vector_load %arg11[%parallel_loop3A_179, %parallel_loop3A_180] {strides = array<i32>} : memref<128x128xf32, #tpu.memory_space<vmem>>, vector<16xf32>,
        %parallel_loop3A_182 = arith.mulf %parallel_loop3A_181, %parallel_loop3A_157 : vector<16xf32>
        %parallel_loop3A_183 = arith.index_cast %parallel_loop3A_152 : i32 to index
        %parallel_loop3A_184 = arith.constant 48 : index
        %parallel_loop3A_185 = tpu.vector_load %arg11[%parallel_loop3A_183, %parallel_loop3A_184] {strides = array<i32>} : memref<128x128xf32, #tpu.memory_space<vmem>>, vector<16xf32>,
        tpu.vector_store %arg11[%parallel_loop3A_183, %parallel_loop3A_184], %parallel_loop3A_182 {strides = array<i32>} : memref<128x128xf32, #tpu.memory_space<vmem>>, vector<16xf32>,
        %parallel_loop3A_186 = arith.index_cast %parallel_loop3A_152 : i32 to index
        %parallel_loop3A_187 = arith.constant 64 : index
        %parallel_loop3A_188 = tpu.vector_load %arg11[%parallel_loop3A_186, %parallel_loop3A_187] {strides = array<i32>} : memref<128x128xf32, #tpu.memory_space<vmem>>, vector<16xf32>,
        %parallel_loop3A_189 = arith.mulf %parallel_loop3A_188, %parallel_loop3A_157 : vector<16xf32>
        %parallel_loop3A_190 = arith.index_cast %parallel_loop3A_152 : i32 to index
        %parallel_loop3A_191 = arith.constant 64 : index
        %parallel_loop3A_192 = tpu.vector_load %arg11[%parallel_loop3A_190, %parallel_loop3A_191] {strides = array<i32>} : memref<128x128xf32, #tpu.memory_space<vmem>>, vector<16xf32>,
        tpu.vector_store %arg11[%parallel_loop3A_190, %parallel_loop3A_191], %parallel_loop3A_189 {strides = array<i32>} : memref<128x128xf32, #tpu.memory_space<vmem>>, vector<16xf32>,
        %parallel_loop3A_193 = arith.index_cast %parallel_loop3A_152 : i32 to index
        %parallel_loop3A_194 = arith.constant 80 : index
        %parallel_loop3A_195 = tpu.vector_load %arg11[%parallel_loop3A_193, %parallel_loop3A_194] {strides = array<i32>} : memref<128x128xf32, #tpu.memory_space<vmem>>, vector<16xf32>,
        %parallel_loop3A_196 = arith.mulf %parallel_loop3A_195, %parallel_loop3A_157 : vector<16xf32>
        %parallel_loop3A_197 = arith.index_cast %parallel_loop3A_152 : i32 to index
        %parallel_loop3A_198 = arith.constant 80 : index
        %parallel_loop3A_199 = tpu.vector_load %arg11[%parallel_loop3A_197, %parallel_loop3A_198] {strides = array<i32>} : memref<128x128xf32, #tpu.memory_space<vmem>>, vector<16xf32>,
        tpu.vector_store %arg11[%parallel_loop3A_197, %parallel_loop3A_198], %parallel_loop3A_196 {strides = array<i32>} : memref<128x128xf32, #tpu.memory_space<vmem>>, vector<16xf32>,
        %parallel_loop3A_200 = arith.index_cast %parallel_loop3A_152 : i32 to index
        %parallel_loop3A_201 = arith.constant 96 : index
        %parallel_loop3A_202 = tpu.vector_load %arg11[%parallel_loop3A_200, %parallel_loop3A_201] {strides = array<i32>} : memref<128x128xf32, #tpu.memory_space<vmem>>, vector<16xf32>,
        %parallel_loop3A_203 = arith.mulf %parallel_loop3A_202, %parallel_loop3A_157 : vector<16xf32>
        %parallel_loop3A_204 = arith.index_cast %parallel_loop3A_152 : i32 to index
        %parallel_loop3A_205 = arith.constant 96 : index
        %parallel_loop3A_206 = tpu.vector_load %arg11[%parallel_loop3A_204, %parallel_loop3A_205] {strides = array<i32>} : memref<128x128xf32, #tpu.memory_space<vmem>>, vector<16xf32>,
        tpu.vector_store %arg11[%parallel_loop3A_204, %parallel_loop3A_205], %parallel_loop3A_203 {strides = array<i32>} : memref<128x128xf32, #tpu.memory_space<vmem>>, vector<16xf32>,
        %parallel_loop3A_207 = arith.index_cast %parallel_loop3A_152 : i32 to index
        %parallel_loop3A_208 = arith.constant 112 : index
        %parallel_loop3A_209 = tpu.vector_load %arg11[%parallel_loop3A_207, %parallel_loop3A_208] {strides = array<i32>} : memref<128x128xf32, #tpu.memory_space<vmem>>, vector<16xf32>,
        %parallel_loop3A_210 = arith.mulf %parallel_loop3A_209, %parallel_loop3A_157 : vector<16xf32>
        %parallel_loop3A_211 = arith.index_cast %parallel_loop3A_152 : i32 to index
        %parallel_loop3A_212 = arith.constant 112 : index
        %parallel_loop3A_213 = tpu.vector_load %arg11[%parallel_loop3A_211, %parallel_loop3A_212] {strides = array<i32>} : memref<128x128xf32, #tpu.memory_space<vmem>>, vector<16xf32>,
        tpu.vector_store %arg11[%parallel_loop3A_211, %parallel_loop3A_212], %parallel_loop3A_210 {strides = array<i32>} : memref<128x128xf32, #tpu.memory_space<vmem>>, vector<16xf32>,
      } {sc.loop_unroll_factor = 4 : i64, sc.parallel_access}
      %run_scoped3A = arith.constant 1 : i32
      "tpu.region"() ({
        %run_scoped3A_152 = tpu.sem_alloc : memref<!tpu.dma_semaphore, #tpu.memory_space<semaphore_mem>>
        %dma_start3A_153 = arith.constant 0 : i32
        %dma_start3A_154 = tpu.memref_slice %arg7[%run_scoped3A, %dma_start3A_153] : memref<2x128xi32, #tpu.memory_space<vmem>> -> memref<1x128xi32, #tpu.memory_space<vmem>>
        %dma_start3A_155 = tpu.memref_squeeze %dma_start3A_154 : memref<1x128xi32, #tpu.memory_space<vmem>> -> memref<128xi32, #tpu.memory_space<vmem>>
        %dma_start3A_156 = arith.constant 0 : i32
        %dma_start3A_157 = arith.constant 0 : i32
        %dma_start3A_158 = tpu.memref_slice %arg13[%dma_start3A_156, %dma_start3A_157] : memref<10240x128xf32, #tpu.memory_space<vmem_shared>> -> memref<10240x128xf32, #tpu.memory_space<vmem_shared>>
        tpu.enqueue_indirect_dma source(%arg11 : memref<128x128xf32, #tpu.memory_space<vmem>>) target(%dma_start3A_158 : memref<10240x128xf32, #tpu.memory_space<vmem_shared>>) offsets(%dma_start3A_155 : memref<128xi32, #tpu.memory_space<vmem>>) semaphore(%run_scoped3A_152 : memref<!tpu.dma_semaphore, #tpu.memory_space<semaphore_mem>>) {add = true}
        %dma_wait3A_159 = arith.constant 0 : i32
        %dma_wait3A_160 = tpu.memref_slice %arg7[%run_scoped3A, %dma_wait3A_159] : memref<2x128xi32, #tpu.memory_space<vmem>> -> memref<1x128xi32, #tpu.memory_space<vmem>>
        %dma_wait3A_161 = tpu.memref_squeeze %dma_wait3A_160 : memref<1x128xi32, #tpu.memory_space<vmem>> -> memref<128xi32, #tpu.memory_space<vmem>>
        %dma_wait3A_162 = arith.constant 0 : i32
        %dma_wait3A_163 = arith.constant 0 : i32
        %dma_wait3A_164 = tpu.memref_slice %arg13[%dma_wait3A_162, %dma_wait3A_163] : memref<10240x128xf32, #tpu.memory_space<vmem_shared>> -> memref<10240x128xf32, #tpu.memory_space<vmem_shared>>
        tpu.wait_indirect_dma semaphore(%run_scoped3A_152 : memref<!tpu.dma_semaphore, #tpu.memory_space<semaphore_mem>>) src(%arg11 : memref<128x128xf32, #tpu.memory_space<vmem>>) dst(%dma_wait3A_164 : memref<10240x128xf32, #tpu.memory_space<vmem_shared>>)
        tpu.yield
      }) : () -> ()
      %add3A_116 = arith.constant 2 : i32
      %add3A_117 = arith.addi %add3A_102, %add3A_116 : i32
      %lt3A_118 = arith.constant 80 : i32
      %lt3A_119 = arith.cmpi slt, %add3A_117, %lt3A_118 : i32
      %convert_element_type3A_120 = arith.extui %lt3A_119 : i1 to i32
      %cond3A_121 = arith.constant 0 : i32
      %cond3A_122 = arith.cmpi ne, %convert_element_type3A_120, %cond3A_121 : i32
      scf.if %cond3A_122 {
        %add3A_152 = arith.constant 2 : i32
        %add3A_153 = arith.addi %add3A_102, %add3A_152 : i32
        %mul3A_154 = arith.constant 128 : i32
        %mul3A_155 = arith.muli %add3A_153, %mul3A_154 : i32
        %add3A_156 = arith.addi %mul3A_2, %mul3A_155 : i32
        %dma_start3A_157 = arith.constant 0 : i32
        %dma_start3A_158 = arith.constant 0 : i32
        %dma_start3A_159 = tpu.memref_slice %arg7[%dma_start3A_157, %dma_start3A_158] : memref<2x128xi32, #tpu.memory_space<vmem>> -> memref<1x128xi32, #tpu.memory_space<vmem>>
        %dma_start3A_160 = tpu.memref_squeeze %dma_start3A_159 : memref<1x128xi32, #tpu.memory_space<vmem>> -> memref<128xi32, #tpu.memory_space<vmem>>
        %dma_start3A_161 = tpu.memref_slice %arg3[%add3A_156] : memref<327680xi32, #tpu.memory_space<hbm>> -> memref<128xi32, #tpu.memory_space<hbm>>
        %dma_start3A_162 = arith.constant 0 : i32
        %dma_start3A_163 = tpu.memref_slice %arg7[%dma_start3A_157, %dma_start3A_162] : memref<2x128xi32, #tpu.memory_space<vmem>> -> memref<1x128xi32, #tpu.memory_space<vmem>>
        %dma_start3A_164 = tpu.memref_squeeze %dma_start3A_163 : memref<1x128xi32, #tpu.memory_space<vmem>> -> memref<128xi32, #tpu.memory_space<vmem>>
        %dma_start3A_165 = tpu.memref_slice %arg3[%add3A_156] : memref<327680xi32, #tpu.memory_space<hbm>> -> memref<128xi32, #tpu.memory_space<hbm>>
        tpu.enqueue_dma source(%dma_start3A_165 : memref<128xi32, #tpu.memory_space<hbm>>) target(%dma_start3A_164 : memref<128xi32, #tpu.memory_space<vmem>>) target_semaphore(%arg14 : memref<!tpu.dma_semaphore, #tpu.memory_space<semaphore_mem>>)
        %dma_start3A_166 = arith.constant 1 : i32
        %dma_start3A_167 = arith.constant 0 : i32
        %dma_start3A_168 = tpu.memref_slice %arg7[%dma_start3A_166, %dma_start3A_167] : memref<2x128xi32, #tpu.memory_space<vmem>> -> memref<1x128xi32, #tpu.memory_space<vmem>>
        %dma_start3A_169 = tpu.memref_squeeze %dma_start3A_168 : memref<1x128xi32, #tpu.memory_space<vmem>> -> memref<128xi32, #tpu.memory_space<vmem>>
        %dma_start3A_170 = tpu.memref_slice %arg4[%add3A_156] : memref<327680xi32, #tpu.memory_space<hbm>> -> memref<128xi32, #tpu.memory_space<hbm>>
        %dma_start3A_171 = arith.constant 0 : i32
        %dma_start3A_172 = tpu.memref_slice %arg7[%dma_start3A_166, %dma_start3A_171] : memref<2x128xi32, #tpu.memory_space<vmem>> -> memref<1x128xi32, #tpu.memory_space<vmem>>
        %dma_start3A_173 = tpu.memref_squeeze %dma_start3A_172 : memref<1x128xi32, #tpu.memory_space<vmem>> -> memref<128xi32, #tpu.memory_space<vmem>>
        %dma_start3A_174 = tpu.memref_slice %arg4[%add3A_156] : memref<327680xi32, #tpu.memory_space<hbm>> -> memref<128xi32, #tpu.memory_space<hbm>>
        tpu.enqueue_dma source(%dma_start3A_174 : memref<128xi32, #tpu.memory_space<hbm>>) target(%dma_start3A_173 : memref<128xi32, #tpu.memory_space<vmem>>) target_semaphore(%arg14 : memref<!tpu.dma_semaphore, #tpu.memory_space<semaphore_mem>>)
        %dma_start3A_175 = tpu.memref_slice %arg5[%add3A_156] : memref<327680xf32, #tpu.memory_space<hbm>> -> memref<128xf32, #tpu.memory_space<hbm>>
        %dma_start3A_176 = tpu.memref_slice %arg5[%add3A_156] : memref<327680xf32, #tpu.memory_space<hbm>> -> memref<128xf32, #tpu.memory_space<hbm>>
        tpu.enqueue_dma source(%dma_start3A_176 : memref<128xf32, #tpu.memory_space<hbm>>) target(%arg9 : memref<128xf32, #tpu.memory_space<vmem>>) target_semaphore(%arg14 : memref<!tpu.dma_semaphore, #tpu.memory_space<semaphore_mem>>)
      } else {
      }
      %mul3A_123 = arith.constant 2 : i32
      %mul3A_124 = arith.muli %add3A_98, %mul3A_123 : i32
      %add3A_125 = arith.constant 1 : i32
      %add3A_126 = arith.addi %mul3A_124, %add3A_125 : i32
      %add3A_127 = arith.constant 1 : i32
      %add3A_128 = arith.addi %add3A_126, %add3A_127 : i32
      %lt3A_129 = arith.constant 80 : i32
      %lt3A_130 = arith.cmpi slt, %add3A_128, %lt3A_129 : i32
      %convert_element_type3A_131 = arith.extui %lt3A_130 : i1 to i32
      %cond3A_132 = arith.constant 0 : i32
      %cond3A_133 = arith.cmpi ne, %convert_element_type3A_131, %cond3A_132 : i32
      scf.if %cond3A_133 {
        %add3A_152 = arith.constant 1 : i32
        %add3A_153 = arith.addi %add3A_126, %add3A_152 : i32
        %mul3A_154 = arith.constant 128 : i32
        %mul3A_155 = arith.muli %add3A_153, %mul3A_154 : i32
        %add3A_156 = arith.addi %mul3A_2, %mul3A_155 : i32
        %dma_wait3A_157 = arith.constant 0 : i32
        %dma_wait3A_158 = arith.constant 0 : i32
        %dma_wait3A_159 = tpu.memref_slice %arg7[%dma_wait3A_157, %dma_wait3A_158] : memref<2x128xi32, #tpu.memory_space<vmem>> -> memref<1x128xi32, #tpu.memory_space<vmem>>
        %dma_wait3A_160 = tpu.memref_squeeze %dma_wait3A_159 : memref<1x128xi32, #tpu.memory_space<vmem>> -> memref<128xi32, #tpu.memory_space<vmem>>
        %dma_wait3A_161 = tpu.memref_slice %arg3[%add3A_156] : memref<327680xi32, #tpu.memory_space<hbm>> -> memref<128xi32, #tpu.memory_space<hbm>>
        %dma_wait3A_162 = arith.constant 0 : i32
        %dma_wait3A_163 = tpu.memref_slice %arg7[%dma_wait3A_157, %dma_wait3A_162] : memref<2x128xi32, #tpu.memory_space<vmem>> -> memref<1x128xi32, #tpu.memory_space<vmem>>
        %dma_wait3A_164 = tpu.memref_squeeze %dma_wait3A_163 : memref<1x128xi32, #tpu.memory_space<vmem>> -> memref<128xi32, #tpu.memory_space<vmem>>
        %dma_wait3A_165 = tpu.memref_slice %arg3[%add3A_156] : memref<327680xi32, #tpu.memory_space<hbm>> -> memref<128xi32, #tpu.memory_space<hbm>>
        tpu.wait_dma2 semaphore(%arg14 : memref<!tpu.dma_semaphore, #tpu.memory_space<semaphore_mem>>) src(%dma_wait3A_165 : memref<128xi32, #tpu.memory_space<hbm>>) dst(%dma_wait3A_164 : memref<128xi32, #tpu.memory_space<vmem>>)
        %dma_wait3A_166 = arith.constant 1 : i32
        %dma_wait3A_167 = arith.constant 0 : i32
        %dma_wait3A_168 = tpu.memref_slice %arg7[%dma_wait3A_166, %dma_wait3A_167] : memref<2x128xi32, #tpu.memory_space<vmem>> -> memref<1x128xi32, #tpu.memory_space<vmem>>
        %dma_wait3A_169 = tpu.memref_squeeze %dma_wait3A_168 : memref<1x128xi32, #tpu.memory_space<vmem>> -> memref<128xi32, #tpu.memory_space<vmem>>
        %dma_wait3A_170 = tpu.memref_slice %arg4[%add3A_156] : memref<327680xi32, #tpu.memory_space<hbm>> -> memref<128xi32, #tpu.memory_space<hbm>>
        %dma_wait3A_171 = arith.constant 0 : i32
        %dma_wait3A_172 = tpu.memref_slice %arg7[%dma_wait3A_166, %dma_wait3A_171] : memref<2x128xi32, #tpu.memory_space<vmem>> -> memref<1x128xi32, #tpu.memory_space<vmem>>
        %dma_wait3A_173 = tpu.memref_squeeze %dma_wait3A_172 : memref<1x128xi32, #tpu.memory_space<vmem>> -> memref<128xi32, #tpu.memory_space<vmem>>
        %dma_wait3A_174 = tpu.memref_slice %arg4[%add3A_156] : memref<327680xi32, #tpu.memory_space<hbm>> -> memref<128xi32, #tpu.memory_space<hbm>>
        tpu.wait_dma2 semaphore(%arg14 : memref<!tpu.dma_semaphore, #tpu.memory_space<semaphore_mem>>) src(%dma_wait3A_174 : memref<128xi32, #tpu.memory_space<hbm>>) dst(%dma_wait3A_173 : memref<128xi32, #tpu.memory_space<vmem>>)
        %dma_wait3A_175 = tpu.memref_slice %arg5[%add3A_156] : memref<327680xf32, #tpu.memory_space<hbm>> -> memref<128xf32, #tpu.memory_space<hbm>>
        %dma_wait3A_176 = tpu.memref_slice %arg5[%add3A_156] : memref<327680xf32, #tpu.memory_space<hbm>> -> memref<128xf32, #tpu.memory_space<hbm>>
        tpu.wait_dma2 semaphore(%arg14 : memref<!tpu.dma_semaphore, #tpu.memory_space<semaphore_mem>>) src(%dma_wait3A_176 : memref<128xf32, #tpu.memory_space<hbm>>) dst(%arg9 : memref<128xf32, #tpu.memory_space<vmem>>)
        %dma_start3A_177 = arith.constant 0 : i32
        %dma_start3A_178 = arith.constant 0 : i32
        %dma_start3A_179 = tpu.memref_slice %arg7[%dma_start3A_177, %dma_start3A_178] : memref<2x128xi32, #tpu.memory_space<vmem>> -> memref<1x128xi32, #tpu.memory_space<vmem>>
        %dma_start3A_180 = tpu.memref_squeeze %dma_start3A_179 : memref<1x128xi32, #tpu.memory_space<vmem>> -> memref<128xi32, #tpu.memory_space<vmem>>
        %dma_start3A_181 = arith.constant 0 : i32
        %dma_start3A_182 = arith.constant 0 : i32
        %dma_start3A_183 = tpu.memref_slice %arg2[%dma_start3A_181, %dma_start3A_182] : memref<10000x128xf32, #tpu.memory_space<hbm>> -> memref<10000x128xf32, #tpu.memory_space<hbm>>
        tpu.enqueue_indirect_dma source(%dma_start3A_183 : memref<10000x128xf32, #tpu.memory_space<hbm>>) target(%arg11 : memref<128x128xf32, #tpu.memory_space<vmem>>) offsets(%dma_start3A_180 : memref<128xi32, #tpu.memory_space<vmem>>) semaphore(%arg16 : memref<!tpu.dma_semaphore, #tpu.memory_space<semaphore_mem>>)
      } else {
      }
      %dma_wait3A_134 = arith.constant 0 : i32
      %dma_wait3A_135 = arith.constant 0 : i32
      %dma_wait3A_136 = tpu.memref_slice %arg8[%dma_wait3A_134, %dma_wait3A_135] : memref<2x128xi32, #tpu.memory_space<vmem>> -> memref<1x128xi32, #tpu.memory_space<vmem>>
      %dma_wait3A_137 = tpu.memref_squeeze %dma_wait3A_136 : memref<1x128xi32, #tpu.memory_space<vmem>> -> memref<128xi32, #tpu.memory_space<vmem>>
      %dma_wait3A_138 = arith.constant 0 : i32
      %dma_wait3A_139 = arith.constant 0 : i32
      %dma_wait3A_140 = tpu.memref_slice %arg2[%dma_wait3A_138, %dma_wait3A_139] : memref<10000x128xf32, #tpu.memory_space<hbm>> -> memref<10000x128xf32, #tpu.memory_space<hbm>>
      tpu.wait_indirect_dma semaphore(%arg17 : memref<!tpu.dma_semaphore, #tpu.memory_space<semaphore_mem>>) src(%dma_wait3A_140 : memref<10000x128xf32, #tpu.memory_space<hbm>>) dst(%arg12 : memref<128x128xf32, #tpu.memory_space<vmem>>)
      %parallel_loop3A_141 = arith.constant 0 : i32
      %parallel_loop3A_142 = arith.constant 128 : i32
      %parallel_loop3A_143 = arith.constant 1 : i32
      scf.for %parallel_loop3A_152 = %parallel_loop3A_141 to %parallel_loop3A_142 step %parallel_loop3A_143  : i32 {
        %parallel_loop3A_153 = arith.constant 0 : i32
        %parallel_loop3A_154 = vector.broadcast %parallel_loop3A_153 : i32 to vector<16xi32>
        %parallel_loop3A_155 = vector.broadcast %parallel_loop3A_152 : i32 to vector<16xi32>
        %parallel_loop3A_156 = arith.addi %parallel_loop3A_154, %parallel_loop3A_155 : vector<16xi32>
        %parallel_loop3A_157 = tpu.vector_load_idx %arg10[%parallel_loop3A_156] : memref<128xf32, #tpu.memory_space<vmem>>[vector<16xi32>], vector<16xf32>,
        %parallel_loop3A_158 = arith.index_cast %parallel_loop3A_152 : i32 to index
        %parallel_loop3A_159 = arith.constant 0 : index
        %parallel_loop3A_160 = tpu.vector_load %arg12[%parallel_loop3A_158, %parallel_loop3A_159] {strides = array<i32>} : memref<128x128xf32, #tpu.memory_space<vmem>>, vector<16xf32>,
        %parallel_loop3A_161 = arith.mulf %parallel_loop3A_160, %parallel_loop3A_157 : vector<16xf32>
        %parallel_loop3A_162 = arith.index_cast %parallel_loop3A_152 : i32 to index
        %parallel_loop3A_163 = arith.constant 0 : index
        %parallel_loop3A_164 = tpu.vector_load %arg12[%parallel_loop3A_162, %parallel_loop3A_163] {strides = array<i32>} : memref<128x128xf32, #tpu.memory_space<vmem>>, vector<16xf32>,
        tpu.vector_store %arg12[%parallel_loop3A_162, %parallel_loop3A_163], %parallel_loop3A_161 {strides = array<i32>} : memref<128x128xf32, #tpu.memory_space<vmem>>, vector<16xf32>,
        %parallel_loop3A_165 = arith.index_cast %parallel_loop3A_152 : i32 to index
        %parallel_loop3A_166 = arith.constant 16 : index
        %parallel_loop3A_167 = tpu.vector_load %arg12[%parallel_loop3A_165, %parallel_loop3A_166] {strides = array<i32>} : memref<128x128xf32, #tpu.memory_space<vmem>>, vector<16xf32>,
        %parallel_loop3A_168 = arith.mulf %parallel_loop3A_167, %parallel_loop3A_157 : vector<16xf32>
        %parallel_loop3A_169 = arith.index_cast %parallel_loop3A_152 : i32 to index
        %parallel_loop3A_170 = arith.constant 16 : index
        %parallel_loop3A_171 = tpu.vector_load %arg12[%parallel_loop3A_169, %parallel_loop3A_170] {strides = array<i32>} : memref<128x128xf32, #tpu.memory_space<vmem>>, vector<16xf32>,
        tpu.vector_store %arg12[%parallel_loop3A_169, %parallel_loop3A_170], %parallel_loop3A_168 {strides = array<i32>} : memref<128x128xf32, #tpu.memory_space<vmem>>, vector<16xf32>,
        %parallel_loop3A_172 = arith.index_cast %parallel_loop3A_152 : i32 to index
        %parallel_loop3A_173 = arith.constant 32 : index
        %parallel_loop3A_174 = tpu.vector_load %arg12[%parallel_loop3A_172, %parallel_loop3A_173] {strides = array<i32>} : memref<128x128xf32, #tpu.memory_space<vmem>>, vector<16xf32>,
        %parallel_loop3A_175 = arith.mulf %parallel_loop3A_174, %parallel_loop3A_157 : vector<16xf32>
        %parallel_loop3A_176 = arith.index_cast %parallel_loop3A_152 : i32 to index
        %parallel_loop3A_177 = arith.constant 32 : index
        %parallel_loop3A_178 = tpu.vector_load %arg12[%parallel_loop3A_176, %parallel_loop3A_177] {strides = array<i32>} : memref<128x128xf32, #tpu.memory_space<vmem>>, vector<16xf32>,
        tpu.vector_store %arg12[%parallel_loop3A_176, %parallel_loop3A_177], %parallel_loop3A_175 {strides = array<i32>} : memref<128x128xf32, #tpu.memory_space<vmem>>, vector<16xf32>,
        %parallel_loop3A_179 = arith.index_cast %parallel_loop3A_152 : i32 to index
        %parallel_loop3A_180 = arith.constant 48 : index
        %parallel_loop3A_181 = tpu.vector_load %arg12[%parallel_loop3A_179, %parallel_loop3A_180] {strides = array<i32>} : memref<128x128xf32, #tpu.memory_space<vmem>>, vector<16xf32>,
        %parallel_loop3A_182 = arith.mulf %parallel_loop3A_181, %parallel_loop3A_157 : vector<16xf32>
        %parallel_loop3A_183 = arith.index_cast %parallel_loop3A_152 : i32 to index
        %parallel_loop3A_184 = arith.constant 48 : index
        %parallel_loop3A_185 = tpu.vector_load %arg12[%parallel_loop3A_183, %parallel_loop3A_184] {strides = array<i32>} : memref<128x128xf32, #tpu.memory_space<vmem>>, vector<16xf32>,
        tpu.vector_store %arg12[%parallel_loop3A_183, %parallel_loop3A_184], %parallel_loop3A_182 {strides = array<i32>} : memref<128x128xf32, #tpu.memory_space<vmem>>, vector<16xf32>,
        %parallel_loop3A_186 = arith.index_cast %parallel_loop3A_152 : i32 to index
        %parallel_loop3A_187 = arith.constant 64 : index
        %parallel_loop3A_188 = tpu.vector_load %arg12[%parallel_loop3A_186, %parallel_loop3A_187] {strides = array<i32>} : memref<128x128xf32, #tpu.memory_space<vmem>>, vector<16xf32>,
        %parallel_loop3A_189 = arith.mulf %parallel_loop3A_188, %parallel_loop3A_157 : vector<16xf32>
        %parallel_loop3A_190 = arith.index_cast %parallel_loop3A_152 : i32 to index
        %parallel_loop3A_191 = arith.constant 64 : index
        %parallel_loop3A_192 = tpu.vector_load %arg12[%parallel_loop3A_190, %parallel_loop3A_191] {strides = array<i32>} : memref<128x128xf32, #tpu.memory_space<vmem>>, vector<16xf32>,
        tpu.vector_store %arg12[%parallel_loop3A_190, %parallel_loop3A_191], %parallel_loop3A_189 {strides = array<i32>} : memref<128x128xf32, #tpu.memory_space<vmem>>, vector<16xf32>,
        %parallel_loop3A_193 = arith.index_cast %parallel_loop3A_152 : i32 to index
        %parallel_loop3A_194 = arith.constant 80 : index
        %parallel_loop3A_195 = tpu.vector_load %arg12[%parallel_loop3A_193, %parallel_loop3A_194] {strides = array<i32>} : memref<128x128xf32, #tpu.memory_space<vmem>>, vector<16xf32>,
        %parallel_loop3A_196 = arith.mulf %parallel_loop3A_195, %parallel_loop3A_157 : vector<16xf32>
        %parallel_loop3A_197 = arith.index_cast %parallel_loop3A_152 : i32 to index
        %parallel_loop3A_198 = arith.constant 80 : index
        %parallel_loop3A_199 = tpu.vector_load %arg12[%parallel_loop3A_197, %parallel_loop3A_198] {strides = array<i32>} : memref<128x128xf32, #tpu.memory_space<vmem>>, vector<16xf32>,
        tpu.vector_store %arg12[%parallel_loop3A_197, %parallel_loop3A_198], %parallel_loop3A_196 {strides = array<i32>} : memref<128x128xf32, #tpu.memory_space<vmem>>, vector<16xf32>,
        %parallel_loop3A_200 = arith.index_cast %parallel_loop3A_152 : i32 to index
        %parallel_loop3A_201 = arith.constant 96 : index
        %parallel_loop3A_202 = tpu.vector_load %arg12[%parallel_loop3A_200, %parallel_loop3A_201] {strides = array<i32>} : memref<128x128xf32, #tpu.memory_space<vmem>>, vector<16xf32>,
        %parallel_loop3A_203 = arith.mulf %parallel_loop3A_202, %parallel_loop3A_157 : vector<16xf32>
        %parallel_loop3A_204 = arith.index_cast %parallel_loop3A_152 : i32 to index
        %parallel_loop3A_205 = arith.constant 96 : index
        %parallel_loop3A_206 = tpu.vector_load %arg12[%parallel_loop3A_204, %parallel_loop3A_205] {strides = array<i32>} : memref<128x128xf32, #tpu.memory_space<vmem>>, vector<16xf32>,
        tpu.vector_store %arg12[%parallel_loop3A_204, %parallel_loop3A_205], %parallel_loop3A_203 {strides = array<i32>} : memref<128x128xf32, #tpu.memory_space<vmem>>, vector<16xf32>,
        %parallel_loop3A_207 = arith.index_cast %parallel_loop3A_152 : i32 to index
        %parallel_loop3A_208 = arith.constant 112 : index
        %parallel_loop3A_209 = tpu.vector_load %arg12[%parallel_loop3A_207, %parallel_loop3A_208] {strides = array<i32>} : memref<128x128xf32, #tpu.memory_space<vmem>>, vector<16xf32>,
        %parallel_loop3A_210 = arith.mulf %parallel_loop3A_209, %parallel_loop3A_157 : vector<16xf32>
        %parallel_loop3A_211 = arith.index_cast %parallel_loop3A_152 : i32 to index
        %parallel_loop3A_212 = arith.constant 112 : index
        %parallel_loop3A_213 = tpu.vector_load %arg12[%parallel_loop3A_211, %parallel_loop3A_212] {strides = array<i32>} : memref<128x128xf32, #tpu.memory_space<vmem>>, vector<16xf32>,
        tpu.vector_store %arg12[%parallel_loop3A_211, %parallel_loop3A_212], %parallel_loop3A_210 {strides = array<i32>} : memref<128x128xf32, #tpu.memory_space<vmem>>, vector<16xf32>,
      } {sc.loop_unroll_factor = 4 : i64, sc.parallel_access}
      %run_scoped3A_144 = arith.constant 1 : i32
      "tpu.region"() ({
        %run_scoped3A_152 = tpu.sem_alloc : memref<!tpu.dma_semaphore, #tpu.memory_space<semaphore_mem>>
        %dma_start3A_153 = arith.constant 0 : i32
        %dma_start3A_154 = tpu.memref_slice %arg8[%run_scoped3A_144, %dma_start3A_153] : memref<2x128xi32, #tpu.memory_space<vmem>> -> memref<1x128xi32, #tpu.memory_space<vmem>>
        %dma_start3A_155 = tpu.memref_squeeze %dma_start3A_154 : memref<1x128xi32, #tpu.memory_space<vmem>> -> memref<128xi32, #tpu.memory_space<vmem>>
        %dma_start3A_156 = arith.constant 0 : i32
        %dma_start3A_157 = arith.constant 0 : i32
        %dma_start3A_158 = tpu.memref_slice %arg13[%dma_start3A_156, %dma_start3A_157] : memref<10240x128xf32, #tpu.memory_space<vmem_shared>> -> memref<10240x128xf32, #tpu.memory_space<vmem_shared>>
        tpu.enqueue_indirect_dma source(%arg12 : memref<128x128xf32, #tpu.memory_space<vmem>>) target(%dma_start3A_158 : memref<10240x128xf32, #tpu.memory_space<vmem_shared>>) offsets(%dma_start3A_155 : memref<128xi32, #tpu.memory_space<vmem>>) semaphore(%run_scoped3A_152 : memref<!tpu.dma_semaphore, #tpu.memory_space<semaphore_mem>>) {add = true}
        %dma_wait3A_159 = arith.constant 0 : i32
        %dma_wait3A_160 = tpu.memref_slice %arg8[%run_scoped3A_144, %dma_wait3A_159] : memref<2x128xi32, #tpu.memory_space<vmem>> -> memref<1x128xi32, #tpu.memory_space<vmem>>
        %dma_wait3A_161 = tpu.memref_squeeze %dma_wait3A_160 : memref<1x128xi32, #tpu.memory_space<vmem>> -> memref<128xi32, #tpu.memory_space<vmem>>
        %dma_wait3A_162 = arith.constant 0 : i32
        %dma_wait3A_163 = arith.constant 0 : i32
        %dma_wait3A_164 = tpu.memref_slice %arg13[%dma_wait3A_162, %dma_wait3A_163] : memref<10240x128xf32, #tpu.memory_space<vmem_shared>> -> memref<10240x128xf32, #tpu.memory_space<vmem_shared>>
        tpu.wait_indirect_dma semaphore(%run_scoped3A_152 : memref<!tpu.dma_semaphore, #tpu.memory_space<semaphore_mem>>) src(%arg12 : memref<128x128xf32, #tpu.memory_space<vmem>>) dst(%dma_wait3A_164 : memref<10240x128xf32, #tpu.memory_space<vmem_shared>>)
        tpu.yield
      }) : () -> ()
      %add3A_145 = arith.constant 2 : i32
      %add3A_146 = arith.addi %add3A_126, %add3A_145 : i32
      %lt3A_147 = arith.constant 80 : i32
      %lt3A_148 = arith.cmpi slt, %add3A_146, %lt3A_147 : i32
      %convert_element_type3A_149 = arith.extui %lt3A_148 : i1 to i32
      %cond3A_150 = arith.constant 0 : i32
      %cond3A_151 = arith.cmpi ne, %convert_element_type3A_149, %cond3A_150 : i32
      scf.if %cond3A_151 {
        %add3A_152 = arith.constant 2 : i32
        %add3A_153 = arith.addi %add3A_126, %add3A_152 : i32
        %mul3A_154 = arith.constant 128 : i32
        %mul3A_155 = arith.muli %add3A_153, %mul3A_154 : i32
        %add3A_156 = arith.addi %mul3A_2, %mul3A_155 : i32
        %dma_start3A_157 = arith.constant 0 : i32
        %dma_start3A_158 = arith.constant 0 : i32
        %dma_start3A_159 = tpu.memref_slice %arg8[%dma_start3A_157, %dma_start3A_158] : memref<2x128xi32, #tpu.memory_space<vmem>> -> memref<1x128xi32, #tpu.memory_space<vmem>>
        %dma_start3A_160 = tpu.memref_squeeze %dma_start3A_159 : memref<1x128xi32, #tpu.memory_space<vmem>> -> memref<128xi32, #tpu.memory_space<vmem>>
        %dma_start3A_161 = tpu.memref_slice %arg3[%add3A_156] : memref<327680xi32, #tpu.memory_space<hbm>> -> memref<128xi32, #tpu.memory_space<hbm>>
        %dma_start3A_162 = arith.constant 0 : i32
        %dma_start3A_163 = tpu.memref_slice %arg8[%dma_start3A_157, %dma_start3A_162] : memref<2x128xi32, #tpu.memory_space<vmem>> -> memref<1x128xi32, #tpu.memory_space<vmem>>
        %dma_start3A_164 = tpu.memref_squeeze %dma_start3A_163 : memref<1x128xi32, #tpu.memory_space<vmem>> -> memref<128xi32, #tpu.memory_space<vmem>>
        %dma_start3A_165 = tpu.memref_slice %arg3[%add3A_156] : memref<327680xi32, #tpu.memory_space<hbm>> -> memref<128xi32, #tpu.memory_space<hbm>>
        tpu.enqueue_dma source(%dma_start3A_165 : memref<128xi32, #tpu.memory_space<hbm>>) target(%dma_start3A_164 : memref<128xi32, #tpu.memory_space<vmem>>) target_semaphore(%arg15 : memref<!tpu.dma_semaphore, #tpu.memory_space<semaphore_mem>>)
        %dma_start3A_166 = arith.constant 1 : i32
        %dma_start3A_167 = arith.constant 0 : i32
        %dma_start3A_168 = tpu.memref_slice %arg8[%dma_start3A_166, %dma_start3A_167] : memref<2x128xi32, #tpu.memory_space<vmem>> -> memref<1x128xi32, #tpu.memory_space<vmem>>
        %dma_start3A_169 = tpu.memref_squeeze %dma_start3A_168 : memref<1x128xi32, #tpu.memory_space<vmem>> -> memref<128xi32, #tpu.memory_space<vmem>>
        %dma_start3A_170 = tpu.memref_slice %arg4[%add3A_156] : memref<327680xi32, #tpu.memory_space<hbm>> -> memref<128xi32, #tpu.memory_space<hbm>>
        %dma_start3A_171 = arith.constant 0 : i32
        %dma_start3A_172 = tpu.memref_slice %arg8[%dma_start3A_166, %dma_start3A_171] : memref<2x128xi32, #tpu.memory_space<vmem>> -> memref<1x128xi32, #tpu.memory_space<vmem>>
        %dma_start3A_173 = tpu.memref_squeeze %dma_start3A_172 : memref<1x128xi32, #tpu.memory_space<vmem>> -> memref<128xi32, #tpu.memory_space<vmem>>
        %dma_start3A_174 = tpu.memref_slice %arg4[%add3A_156] : memref<327680xi32, #tpu.memory_space<hbm>> -> memref<128xi32, #tpu.memory_space<hbm>>
        tpu.enqueue_dma source(%dma_start3A_174 : memref<128xi32, #tpu.memory_space<hbm>>) target(%dma_start3A_173 : memref<128xi32, #tpu.memory_space<vmem>>) target_semaphore(%arg15 : memref<!tpu.dma_semaphore, #tpu.memory_space<semaphore_mem>>)
        %dma_start3A_175 = tpu.memref_slice %arg5[%add3A_156] : memref<327680xf32, #tpu.memory_space<hbm>> -> memref<128xf32, #tpu.memory_space<hbm>>
        %dma_start3A_176 = tpu.memref_slice %arg5[%add3A_156] : memref<327680xf32, #tpu.memory_space<hbm>> -> memref<128xf32, #tpu.memory_space<hbm>>
        tpu.enqueue_dma source(%dma_start3A_176 : memref<128xf32, #tpu.memory_space<hbm>>) target(%arg10 : memref<128xf32, #tpu.memory_space<vmem>>) target_semaphore(%arg15 : memref<!tpu.dma_semaphore, #tpu.memory_space<semaphore_mem>>)
      } else {
      }
    }
    %scan3A_87 = arith.constant 40 : i32
    %barrier3A_88 = arith.constant 0 : index
    tpu.barrier barrier_id(%barrier3A_88)
    %scan3A_89 = arith.constant 0 : i32
    %scan3A_90 = arith.constant 5 : i32
    %scan3A_91 = arith.addi %scan3A_89, %scan3A_90 : i32
    %scan3A_92 = arith.constant 1 : i32
    scf.for %scan3A_94 = %scan3A_89 to %scan3A_91 step %scan3A_92  : i32 {
      %mul3A_95 = arith.constant 1 : i32
      %mul3A_96 = arith.muli %scan3A_94, %mul3A_95 : i32
      %add3A_97 = arith.constant 0 : i32
      %add3A_98 = arith.addi %add3A_97, %mul3A_96 : i32
      %mul3A_99 = arith.constant 640 : i32
      %mul3A_100 = arith.muli %arg1, %mul3A_99 : i32
      %mul3A_101 = arith.constant 128 : i32
      %mul3A_102 = arith.muli %add3A_98, %mul3A_101 : i32
      %add3A_103 = arith.addi %mul3A_100, %mul3A_102 : i32
      "tpu.region"() ({
        %run_scoped3A = tpu.sem_alloc : memref<!tpu.dma_semaphore, #tpu.memory_space<semaphore_mem>>
        %dma_start3A_104 = arith.constant 0 : i32
        %dma_start3A_105 = tpu.memref_slice %arg6[%arg0, %add3A_103, %dma_start3A_104] : memref<2x10240x128xf32, #tpu.memory_space<hbm>> -> memref<1x128x128xf32, #tpu.memory_space<hbm>>
        %dma_start3A_106 = tpu.memref_squeeze %dma_start3A_105 : memref<1x128x128xf32, #tpu.memory_space<hbm>> -> memref<128x128xf32, #tpu.memory_space<hbm>>
        %dma_start3A_107 = arith.constant 0 : i32
        %dma_start3A_108 = tpu.memref_slice %arg13[%add3A_103, %dma_start3A_107] : memref<10240x128xf32, #tpu.memory_space<vmem_shared>> -> memref<128x128xf32, #tpu.memory_space<vmem_shared>>
        tpu.enqueue_dma source(%dma_start3A_108 : memref<128x128xf32, #tpu.memory_space<vmem_shared>>) target(%dma_start3A_106 : memref<128x128xf32, #tpu.memory_space<hbm>>) target_semaphore(%run_scoped3A : memref<!tpu.dma_semaphore, #tpu.memory_space<semaphore_mem>>)
        %dma_wait3A_109 = arith.constant 0 : i32
        %dma_wait3A_110 = tpu.memref_slice %arg6[%arg0, %add3A_103, %dma_wait3A_109] : memref<2x10240x128xf32, #tpu.memory_space<hbm>> -> memref<1x128x128xf32, #tpu.memory_space<hbm>>
        %dma_wait3A_111 = tpu.memref_squeeze %dma_wait3A_110 : memref<1x128x128xf32, #tpu.memory_space<hbm>> -> memref<128x128xf32, #tpu.memory_space<hbm>>
        %dma_wait3A_112 = arith.constant 0 : i32
        %dma_wait3A_113 = tpu.memref_slice %arg13[%add3A_103, %dma_wait3A_112] : memref<10240x128xf32, #tpu.memory_space<vmem_shared>> -> memref<128x128xf32, #tpu.memory_space<vmem_shared>>
        tpu.wait_dma2 semaphore(%run_scoped3A : memref<!tpu.dma_semaphore, #tpu.memory_space<semaphore_mem>>) src(%dma_wait3A_113 : memref<128x128xf32, #tpu.memory_space<vmem_shared>>) dst(%dma_wait3A_111 : memref<128x128xf32, #tpu.memory_space<hbm>>)
        tpu.yield
      }) : () -> ()
    }
    %scan3A_93 = arith.constant 5 : i32
    return
  }
}

module attributes {stable_mosaic.version = 14 : i64} {
  func.func @body(%arg0: memref<10000x128xf32, #tpu.memory_space<vmem>>, %arg1: memref<128xf32, #tpu.memory_space<vmem>>, %arg2: memref<128xf32, #tpu.memory_space<vmem>>, %arg3: memref<128x128xf32, #tpu.memory_space<vmem>>, %arg4: memref<10000x128xf32, #tpu.memory_space<vmem>>) attributes {dimension_semantics = [], scalar_prefetch = 0 : i64, scratch_operands = 0 : i64, tpu.core_type = #tpu.core_type<tc>} {
    %get3A = arith.constant 0 : index
    %get3A_0 = arith.constant 0 : index
    %get3A_1 = vector.load %arg0[%get3A, %get3A_0] : memref<10000x128xf32, #tpu.memory_space<vmem>>, vector<10000x128xf32>
    %get3A_2 = arith.constant 0 : index
    %get3A_3 = vector.load %arg1[%get3A_2] : memref<128xf32, #tpu.memory_space<vmem>>, vector<128xf32>
    %get3A_4 = arith.constant 0 : index
    %get3A_5 = vector.load %arg2[%get3A_4] : memref<128xf32, #tpu.memory_space<vmem>>, vector<128xf32>
    %reduce_sum3A = arith.constant dense<0.000000e+00> : vector<128xf32>
    %reduce_sum3A_6 = vector.multi_reduction <add>, %get3A_1, %reduce_sum3A [0] : vector<10000x128xf32> to vector<128xf32>
    %div3A = arith.constant 1.000000e+04 : f32
    %div3A_7 = vector.broadcast %div3A : f32 to vector<128xf32>
    %div3A_8 = arith.divf %reduce_sum3A_6, %div3A_7 : vector<128xf32>
    %broadcast_in_dim3A = vector.shape_cast %div3A_8 : vector<128xf32> to vector<1x128xf32>
    %sub3A = vector.broadcast %broadcast_in_dim3A : vector<1x128xf32> to vector<10000x128xf32>
    %sub3A_9 = arith.subf %get3A_1, %sub3A : vector<10000x128xf32>
    %mul3A = arith.mulf %sub3A_9, %sub3A_9 : vector<10000x128xf32>
    %reduce_sum3A_10 = arith.constant dense<0.000000e+00> : vector<128xf32>
    %reduce_sum3A_11 = vector.multi_reduction <add>, %mul3A, %reduce_sum3A_10 [0] : vector<10000x128xf32> to vector<128xf32>
    %div3A_12 = arith.constant 1.000000e+04 : f32
    %div3A_13 = vector.broadcast %div3A_12 : f32 to vector<128xf32>
    %div3A_14 = arith.divf %reduce_sum3A_11, %div3A_13 : vector<128xf32>
    %broadcast_in_dim3A_15 = vector.shape_cast %get3A_3 : vector<128xf32> to vector<1x128xf32>
    %mul3A_16 = vector.broadcast %broadcast_in_dim3A_15 : vector<1x128xf32> to vector<10000x128xf32>
    %mul3A_17 = arith.mulf %mul3A_16, %sub3A_9 : vector<10000x128xf32>
    %add3A = arith.constant 9.99999974E-6 : f32
    %add3A_18 = vector.broadcast %add3A : f32 to vector<128xf32>
    %add3A_19 = arith.addf %div3A_14, %add3A_18 : vector<128xf32>
    %sqrt3A = math.sqrt %add3A_19 : vector<128xf32>
    %broadcast_in_dim3A_20 = vector.shape_cast %sqrt3A : vector<128xf32> to vector<1x128xf32>
    %div3A_21 = vector.broadcast %broadcast_in_dim3A_20 : vector<1x128xf32> to vector<10000x128xf32>
    %div3A_22 = arith.divf %mul3A_17, %div3A_21 : vector<10000x128xf32>
    %broadcast_in_dim3A_23 = vector.shape_cast %get3A_5 : vector<128xf32> to vector<1x128xf32>
    %add3A_24 = vector.broadcast %broadcast_in_dim3A_23 : vector<1x128xf32> to vector<10000x128xf32>
    %add3A_25 = arith.addf %div3A_22, %add3A_24 : vector<10000x128xf32>
    %get3A_26 = arith.constant 0 : index
    %get3A_27 = arith.constant 0 : index
    %get3A_28 = vector.load %arg3[%get3A_26, %get3A_27] : memref<128x128xf32, #tpu.memory_space<vmem>>, vector<128x128xf32>
    %dot_general3A = arith.constant dense<0.000000e+00> : vector<10000x128xf32>
    %dot_general3A_29 = tpu.matmul %add3A_25, %get3A_28, %dot_general3A {dimension_numbers = #tpu.dot_dimension_numbers<[1], [0], [0], [1], [0, 0, 1, 1], [], []>, transpose_lhs_hint = false} : vector<10000x128xf32>, vector<128x128xf32>, vector<10000x128xf32> -> vector<10000x128xf32>
    %swap3A = arith.constant 0 : index
    %swap3A_30 = arith.constant 0 : index
    %swap3A_31 = vector.load %arg4[%swap3A, %swap3A_30] : memref<10000x128xf32, #tpu.memory_space<vmem>>, vector<10000x128xf32>
    tpu.vector_store %arg4[%swap3A, %swap3A_30], %dot_general3A_29 {strides = array<i32>} : memref<10000x128xf32, #tpu.memory_space<vmem>>, vector<10000x128xf32>,
    return
  }
}

module attributes {stable_mosaic.version = 14 : i64} {
  func.func @body(%arg0: memref<2x10240x128xf32, #tpu.memory_space<vmem>>, %arg1: memref<10000x128xf32, #tpu.memory_space<vmem>>, %arg2: memref<10000x16xf32, #tpu.memory_space<vmem>>, %arg3: memref<10000x128xf32, #tpu.memory_space<vmem>>) attributes {dimension_semantics = [], scalar_prefetch = 0 : i64, scratch_operands = 0 : i64, tpu.core_type = #tpu.core_type<tc>} {
    %get3A = arith.constant 0 : index
    %get3A_0 = arith.constant 0 : index
    %get3A_1 = arith.constant 0 : index
    %get3A_2 = vector.load %arg0[%get3A, %get3A_0, %get3A_1] : memref<2x10240x128xf32, #tpu.memory_space<vmem>>, vector<1x10000x16xf32>
    %get3A_3 = vector.shape_cast %get3A_2 : vector<1x10000x16xf32> to vector<10000x16xf32>
    %get3A_4 = arith.constant 1 : index
    %get3A_5 = arith.constant 0 : index
    %get3A_6 = arith.constant 0 : index
    %get3A_7 = vector.load %arg0[%get3A_4, %get3A_5, %get3A_6] : memref<2x10240x128xf32, #tpu.memory_space<vmem>>, vector<1x10000x16xf32>
    %get3A_8 = vector.shape_cast %get3A_7 : vector<1x10000x16xf32> to vector<10000x16xf32>
    %add3A = arith.addf %get3A_3, %get3A_8 : vector<10000x16xf32>
    %add3A_9 = arith.constant 2.000000e+00 : f32
    %add3A_10 = vector.broadcast %add3A_9 : f32 to vector<10000x16xf32>
    %add3A_11 = arith.addf %add3A, %add3A_10 : vector<10000x16xf32>
    %gt3A = arith.constant 0.000000e+00 : f32
    %gt3A_12 = vector.broadcast %gt3A : f32 to vector<10000x16xf32>
    %gt3A_13 = arith.cmpf ogt, %add3A_11, %gt3A_12 : vector<10000x16xf32>
    %rsqrt3A = math.rsqrt %add3A_11 : vector<10000x16xf32>
    %jit3A = arith.constant 0.000000e+00 : f32
    %broadcast_in_dim3A = vector.broadcast %jit3A : f32 to vector<10000x16xf32>
    %select_n3A = arith.select %gt3A_13, %rsqrt3A, %broadcast_in_dim3A : vector<10000x16xi1>, vector<10000x16xf32>
    %swap3A = arith.constant 0 : index
    %swap3A_14 = arith.constant 0 : index
    %swap3A_15 = vector.load %arg2[%swap3A, %swap3A_14] : memref<10000x16xf32, #tpu.memory_space<vmem>>, vector<10000x16xf32>
    tpu.vector_store %arg2[%swap3A, %swap3A_14], %select_n3A {strides = array<i32>} : memref<10000x16xf32, #tpu.memory_space<vmem>>, vector<10000x16xf32>,
    %slice3A = vector.extract_strided_slice %select_n3A {offsets = [0, 0], sizes = [10000, 1], strides = [1, 1]} : vector<10000x16xf32> to vector<10000x1xf32>
    %get3A_16 = arith.constant 0 : index
    %get3A_17 = arith.constant 0 : index
    %get3A_18 = vector.load %arg1[%get3A_16, %get3A_17] : memref<10000x128xf32, #tpu.memory_space<vmem>>, vector<10000x128xf32>
    %mul3A = vector.broadcast %slice3A : vector<10000x1xf32> to vector<10000x128xf32>
    %mul3A_19 = arith.mulf %mul3A, %get3A_18 : vector<10000x128xf32>
    %swap3A_20 = arith.constant 0 : index
    %swap3A_21 = arith.constant 0 : index
    %swap3A_22 = vector.load %arg3[%swap3A_20, %swap3A_21] : memref<10000x128xf32, #tpu.memory_space<vmem>>, vector<10000x128xf32>
    tpu.vector_store %arg3[%swap3A_20, %swap3A_21], %mul3A_19 {strides = array<i32>} : memref<10000x128xf32, #tpu.memory_space<vmem>>, vector<10000x128xf32>,
    return
  }
}

module attributes {stable_mosaic.version = 14 : i64} {
  func.func @body(%arg0: memref<2x10240x128xf32, #tpu.memory_space<vmem>>, %arg1: memref<10000x128xf32, #tpu.memory_space<vmem>>, %arg2: memref<10000x16xf32, #tpu.memory_space<vmem>>, %arg3: memref<128xf32, #tpu.memory_space<vmem>>, %arg4: memref<128xf32, #tpu.memory_space<vmem>>, %arg5: memref<128xf32, #tpu.memory_space<vmem>>, %arg6: memref<128x128xf32, #tpu.memory_space<vmem>>, %arg7: memref<10000x128xf32, #tpu.memory_space<vmem>>, %arg8: memref<10000x128xf32, #tpu.memory_space<vmem>>) attributes {dimension_semantics = [], scalar_prefetch = 0 : i64, scratch_operands = 0 : i64, tpu.core_type = #tpu.core_type<tc>} {
    %get3A = arith.constant 0 : index
    %get3A_0 = arith.constant 0 : index
    %get3A_1 = vector.load %arg2[%get3A, %get3A_0] : memref<10000x16xf32, #tpu.memory_space<vmem>>, vector<10000x1xf32>
    %get3A_2 = arith.constant 0 : index
    %get3A_3 = arith.constant 0 : index
    %get3A_4 = arith.constant 0 : index
    %get3A_5 = vector.load %arg0[%get3A_2, %get3A_3, %get3A_4] : memref<2x10240x128xf32, #tpu.memory_space<vmem>>, vector<1x10000x128xf32>
    %get3A_6 = vector.shape_cast %get3A_5 : vector<1x10000x128xf32> to vector<10000x128xf32>
    %get3A_7 = arith.constant 1 : index
    %get3A_8 = arith.constant 0 : index
    %get3A_9 = arith.constant 0 : index
    %get3A_10 = vector.load %arg0[%get3A_7, %get3A_8, %get3A_9] : memref<2x10240x128xf32, #tpu.memory_space<vmem>>, vector<1x10000x128xf32>
    %get3A_11 = vector.shape_cast %get3A_10 : vector<1x10000x128xf32> to vector<10000x128xf32>
    %add3A = arith.addf %get3A_6, %get3A_11 : vector<10000x128xf32>
    %mul3A = vector.broadcast %get3A_1 : vector<10000x1xf32> to vector<10000x128xf32>
    %mul3A_12 = arith.mulf %mul3A, %add3A : vector<10000x128xf32>
    %mul3A_13 = arith.constant 2.000000e+00 : f32
    %mul3A_14 = vector.broadcast %mul3A_13 : f32 to vector<10000x1xf32>
    %mul3A_15 = arith.mulf %mul3A_14, %get3A_1 : vector<10000x1xf32>
    %mul3A_16 = arith.mulf %mul3A_15, %get3A_1 : vector<10000x1xf32>
    %get3A_17 = arith.constant 0 : index
    %get3A_18 = arith.constant 0 : index
    %get3A_19 = vector.load %arg1[%get3A_17, %get3A_18] : memref<10000x128xf32, #tpu.memory_space<vmem>>, vector<10000x128xf32>
    %mul3A_20 = vector.broadcast %mul3A_16 : vector<10000x1xf32> to vector<10000x128xf32>
    %mul3A_21 = arith.mulf %mul3A_20, %get3A_19 : vector<10000x128xf32>
    %add3A_22 = arith.addf %mul3A_12, %mul3A_21 : vector<10000x128xf32>
    %get3A_23 = arith.constant 0 : index
    %get3A_24 = vector.load %arg3[%get3A_23] : memref<128xf32, #tpu.memory_space<vmem>>, vector<128xf32>
    %broadcast_in_dim3A = vector.shape_cast %get3A_24 : vector<128xf32> to vector<1x128xf32>
    %add3A_25 = vector.broadcast %broadcast_in_dim3A : vector<1x128xf32> to vector<10000x128xf32>
    %add3A_26 = arith.addf %add3A_22, %add3A_25 : vector<10000x128xf32>
    %ge3A = arith.constant 0.000000e+00 : f32
    %ge3A_27 = vector.broadcast %ge3A : f32 to vector<10000x128xf32>
    %ge3A_28 = arith.cmpf oge, %add3A_26, %ge3A_27 : vector<10000x128xf32>
    %mul3A_29 = arith.constant 0.00999999977 : f32
    %mul3A_30 = vector.broadcast %mul3A_29 : f32 to vector<10000x128xf32>
    %mul3A_31 = arith.mulf %mul3A_30, %add3A_26 : vector<10000x128xf32>
    %select_n3A = arith.select %ge3A_28, %add3A_26, %mul3A_31 : vector<10000x128xi1>, vector<10000x128xf32>
    %get3A_32 = arith.constant 0 : index
    %get3A_33 = vector.load %arg4[%get3A_32] : memref<128xf32, #tpu.memory_space<vmem>>, vector<128xf32>
    %get3A_34 = arith.constant 0 : index
    %get3A_35 = vector.load %arg5[%get3A_34] : memref<128xf32, #tpu.memory_space<vmem>>, vector<128xf32>
    %reduce_sum3A = arith.constant dense<0.000000e+00> : vector<128xf32>
    %reduce_sum3A_36 = vector.multi_reduction <add>, %select_n3A, %reduce_sum3A [0] : vector<10000x128xf32> to vector<128xf32>
    %div3A = arith.constant 1.000000e+04 : f32
    %div3A_37 = vector.broadcast %div3A : f32 to vector<128xf32>
    %div3A_38 = arith.divf %reduce_sum3A_36, %div3A_37 : vector<128xf32>
    %broadcast_in_dim3A_39 = vector.shape_cast %div3A_38 : vector<128xf32> to vector<1x128xf32>
    %sub3A = vector.broadcast %broadcast_in_dim3A_39 : vector<1x128xf32> to vector<10000x128xf32>
    %sub3A_40 = arith.subf %select_n3A, %sub3A : vector<10000x128xf32>
    %mul3A_41 = arith.mulf %sub3A_40, %sub3A_40 : vector<10000x128xf32>
    %reduce_sum3A_42 = arith.constant dense<0.000000e+00> : vector<128xf32>
    %reduce_sum3A_43 = vector.multi_reduction <add>, %mul3A_41, %reduce_sum3A_42 [0] : vector<10000x128xf32> to vector<128xf32>
    %div3A_44 = arith.constant 1.000000e+04 : f32
    %div3A_45 = vector.broadcast %div3A_44 : f32 to vector<128xf32>
    %div3A_46 = arith.divf %reduce_sum3A_43, %div3A_45 : vector<128xf32>
    %broadcast_in_dim3A_47 = vector.shape_cast %get3A_33 : vector<128xf32> to vector<1x128xf32>
    %mul3A_48 = vector.broadcast %broadcast_in_dim3A_47 : vector<1x128xf32> to vector<10000x128xf32>
    %mul3A_49 = arith.mulf %mul3A_48, %sub3A_40 : vector<10000x128xf32>
    %add3A_50 = arith.constant 9.99999974E-6 : f32
    %add3A_51 = vector.broadcast %add3A_50 : f32 to vector<128xf32>
    %add3A_52 = arith.addf %div3A_46, %add3A_51 : vector<128xf32>
    %sqrt3A = math.sqrt %add3A_52 : vector<128xf32>
    %broadcast_in_dim3A_53 = vector.shape_cast %sqrt3A : vector<128xf32> to vector<1x128xf32>
    %div3A_54 = vector.broadcast %broadcast_in_dim3A_53 : vector<1x128xf32> to vector<10000x128xf32>
    %div3A_55 = arith.divf %mul3A_49, %div3A_54 : vector<10000x128xf32>
    %broadcast_in_dim3A_56 = vector.shape_cast %get3A_35 : vector<128xf32> to vector<1x128xf32>
    %add3A_57 = vector.broadcast %broadcast_in_dim3A_56 : vector<1x128xf32> to vector<10000x128xf32>
    %add3A_58 = arith.addf %div3A_55, %add3A_57 : vector<10000x128xf32>
    %get3A_59 = arith.constant 0 : index
    %get3A_60 = arith.constant 0 : index
    %get3A_61 = vector.load %arg6[%get3A_59, %get3A_60] : memref<128x128xf32, #tpu.memory_space<vmem>>, vector<128x128xf32>
    %dot_general3A = arith.constant dense<0.000000e+00> : vector<10000x128xf32>
    %dot_general3A_62 = tpu.matmul %add3A_58, %get3A_61, %dot_general3A {dimension_numbers = #tpu.dot_dimension_numbers<[1], [0], [0], [1], [0, 0, 1, 1], [], []>, transpose_lhs_hint = false} : vector<10000x128xf32>, vector<128x128xf32>, vector<10000x128xf32> -> vector<10000x128xf32>
    %swap3A = arith.constant 0 : index
    %swap3A_63 = arith.constant 0 : index
    %swap3A_64 = vector.load %arg7[%swap3A, %swap3A_63] : memref<10000x128xf32, #tpu.memory_space<vmem>>, vector<10000x128xf32>
    tpu.vector_store %arg7[%swap3A, %swap3A_63], %dot_general3A_62 {strides = array<i32>} : memref<10000x128xf32, #tpu.memory_space<vmem>>, vector<10000x128xf32>,
    %mul3A_65 = vector.broadcast %get3A_1 : vector<10000x1xf32> to vector<10000x128xf32>
    %mul3A_66 = arith.mulf %mul3A_65, %dot_general3A_62 : vector<10000x128xf32>
    %swap3A_67 = arith.constant 0 : index
    %swap3A_68 = arith.constant 0 : index
    %swap3A_69 = vector.load %arg8[%swap3A_67, %swap3A_68] : memref<10000x128xf32, #tpu.memory_space<vmem>>, vector<10000x128xf32>
    tpu.vector_store %arg8[%swap3A_67, %swap3A_68], %mul3A_66 {strides = array<i32>} : memref<10000x128xf32, #tpu.memory_space<vmem>>, vector<10000x128xf32>,
    return
  }
}

module attributes {stable_mosaic.version = 14 : i64} {
  func.func @body(%arg0: memref<2x10240x128xf32, #tpu.memory_space<vmem>>, %arg1: memref<10000x128xf32, #tpu.memory_space<vmem>>, %arg2: memref<10000x16xf32, #tpu.memory_space<vmem>>, %arg3: memref<128xf32, #tpu.memory_space<vmem>>, %arg4: memref<10000xi32, #tpu.memory_space<vmem>>, %arg5: memref<64x128xf32, #tpu.memory_space<vmem>>) attributes {dimension_semantics = [], scalar_prefetch = 0 : i64, scratch_operands = 0 : i64, tpu.core_type = #tpu.core_type<tc>} {
    %get3A = arith.constant 0 : index
    %get3A_0 = arith.constant 0 : index
    %get3A_1 = vector.load %arg2[%get3A, %get3A_0] : memref<10000x16xf32, #tpu.memory_space<vmem>>, vector<10000x1xf32>
    %get3A_2 = arith.constant 0 : index
    %get3A_3 = arith.constant 0 : index
    %get3A_4 = arith.constant 0 : index
    %get3A_5 = vector.load %arg0[%get3A_2, %get3A_3, %get3A_4] : memref<2x10240x128xf32, #tpu.memory_space<vmem>>, vector<1x10000x128xf32>
    %get3A_6 = vector.shape_cast %get3A_5 : vector<1x10000x128xf32> to vector<10000x128xf32>
    %get3A_7 = arith.constant 1 : index
    %get3A_8 = arith.constant 0 : index
    %get3A_9 = arith.constant 0 : index
    %get3A_10 = vector.load %arg0[%get3A_7, %get3A_8, %get3A_9] : memref<2x10240x128xf32, #tpu.memory_space<vmem>>, vector<1x10000x128xf32>
    %get3A_11 = vector.shape_cast %get3A_10 : vector<1x10000x128xf32> to vector<10000x128xf32>
    %add3A = arith.addf %get3A_6, %get3A_11 : vector<10000x128xf32>
    %mul3A = vector.broadcast %get3A_1 : vector<10000x1xf32> to vector<10000x128xf32>
    %mul3A_12 = arith.mulf %mul3A, %add3A : vector<10000x128xf32>
    %mul3A_13 = arith.constant 2.000000e+00 : f32
    %mul3A_14 = vector.broadcast %mul3A_13 : f32 to vector<10000x1xf32>
    %mul3A_15 = arith.mulf %mul3A_14, %get3A_1 : vector<10000x1xf32>
    %mul3A_16 = arith.mulf %mul3A_15, %get3A_1 : vector<10000x1xf32>
    %get3A_17 = arith.constant 0 : index
    %get3A_18 = arith.constant 0 : index
    %get3A_19 = vector.load %arg1[%get3A_17, %get3A_18] : memref<10000x128xf32, #tpu.memory_space<vmem>>, vector<10000x128xf32>
    %mul3A_20 = vector.broadcast %mul3A_16 : vector<10000x1xf32> to vector<10000x128xf32>
    %mul3A_21 = arith.mulf %mul3A_20, %get3A_19 : vector<10000x128xf32>
    %add3A_22 = arith.addf %mul3A_12, %mul3A_21 : vector<10000x128xf32>
    %get3A_23 = arith.constant 0 : index
    %get3A_24 = vector.load %arg3[%get3A_23] : memref<128xf32, #tpu.memory_space<vmem>>, vector<128xf32>
    %broadcast_in_dim3A = vector.shape_cast %get3A_24 : vector<128xf32> to vector<1x128xf32>
    %add3A_25 = vector.broadcast %broadcast_in_dim3A : vector<1x128xf32> to vector<10000x128xf32>
    %add3A_26 = arith.addf %add3A_22, %add3A_25 : vector<10000x128xf32>
    %ge3A = arith.constant 0.000000e+00 : f32
    %ge3A_27 = vector.broadcast %ge3A : f32 to vector<10000x128xf32>
    %ge3A_28 = arith.cmpf oge, %add3A_26, %ge3A_27 : vector<10000x128xf32>
    %mul3A_29 = arith.constant 0.00999999977 : f32
    %mul3A_30 = vector.broadcast %mul3A_29 : f32 to vector<10000x128xf32>
    %mul3A_31 = arith.mulf %mul3A_30, %add3A_26 : vector<10000x128xf32>
    %select_n3A = arith.select %ge3A_28, %add3A_26, %mul3A_31 : vector<10000x128xi1>, vector<10000x128xf32>
    %iota3A = tpu.iota {dimensions = array<i32: 0>} : vector<64x10000xi32>
    %get3A_32 = arith.constant 0 : index
    %get3A_33 = vector.load %arg4[%get3A_32] : memref<10000xi32, #tpu.memory_space<vmem>>, vector<10000xi32>
    %broadcast_in_dim3A_34 = vector.shape_cast %get3A_33 : vector<10000xi32> to vector<1x10000xi32>
    %eq3A = vector.broadcast %broadcast_in_dim3A_34 : vector<1x10000xi32> to vector<64x10000xi32>
    %eq3A_35 = arith.cmpi eq, %iota3A, %eq3A : vector<64x10000xi32>
    %convert_element_type3A = arith.extui %eq3A_35 : vector<64x10000xi1> to vector<64x10000xi32>
    %convert_element_type3A_36 = arith.sitofp %convert_element_type3A : vector<64x10000xi32> to vector<64x10000xf32>
    %dot_general3A = arith.constant dense<0.000000e+00> : vector<64x128xf32>
    %dot_general3A_37 = tpu.matmul %convert_element_type3A_36, %select_n3A, %dot_general3A {dimension_numbers = #tpu.dot_dimension_numbers<[1], [0], [0], [1], [0, 0, 1, 1], [], []>, transpose_lhs_hint = false} : vector<64x10000xf32>, vector<10000x128xf32>, vector<64x128xf32> -> vector<64x128xf32>
    %reduce_sum3A = arith.constant dense<0.000000e+00> : vector<64xf32>
    %reduce_sum3A_38 = vector.multi_reduction <add>, %convert_element_type3A_36, %reduce_sum3A [1] : vector<64x10000xf32> to vector<64xf32>
    %max3A = arith.constant 1.000000e+00 : f32
    %max3A_39 = vector.broadcast %max3A : f32 to vector<64xf32>
    %max3A_40 = arith.maximumf %reduce_sum3A_38, %max3A_39 : vector<64xf32>
    %broadcast_in_dim3A_41 = vector.shape_cast %max3A_40 : vector<64xf32> to vector<64x1xf32>
    %div3A = vector.broadcast %broadcast_in_dim3A_41 : vector<64x1xf32> to vector<64x128xf32>
    %div3A_42 = arith.divf %dot_general3A_37, %div3A : vector<64x128xf32>
    %swap3A = arith.constant 0 : index
    %swap3A_43 = arith.constant 0 : index
    %swap3A_44 = vector.load %arg5[%swap3A, %swap3A_43] : memref<64x128xf32, #tpu.memory_space<vmem>>, vector<64x128xf32>
    tpu.vector_store %arg5[%swap3A, %swap3A_43], %div3A_42 {strides = array<i32>} : memref<64x128xf32, #tpu.memory_space<vmem>>, vector<64x128xf32>,
    return
  }
}

</mosaic_0001>

<sc_bundles>
// kernel: kernel.11.cloned.1.call-start
scs
__scs_entry_jumppad:
0x0: {  	(pc) =	sbr.rel $0x88, $3  }
0x1: {  	(tag) =	ssettag $0x0;
	lr =	simm.s32 $0x1  }
0x2: {  	[smem:$0x3F91] =	sst lr;
	_ =	strace $0xD0000000  }
0x3: {  	_ = 	snop  }
0x4: {  	_ = 	snop  }
0x5: {  	_ = 	snop  }
0x6: {  	_ = 	snop  }
0x7: {  	_ = 	snop  }
__scs_overlays_trampoline_lowered:
0x8: {  	[smem:$0x3FA0] =	sst s0  }
0x9: {  	[smem:$0x3FA1] =	sst s1  }
0xa: {  	[smem:$0x3FA2] =	sst s2  }
0xb: {  	[smem:$0x3FA3] =	sst s3  }
0xc: {  	[smem:$0x3FA4] =	sst s4  }
0xd: {  	[smem:$0x3FA5] =	sst s5  }
0xe: {  	[smem:$0x3FA6] =	sst s6  }
0xf: {  	[smem:$0x3FA7] =	sst s7  }
0x10: {  	[smem:$0x3FA8] =	sst s8  }
0x11: {  	[smem:$0x3FA9] =	sst s9;
	s0 =	simm.s32 @!p0 $0x0  }
0x12: {  	s1 =	sld [smem:$0x3F8F];
	s0 =	simm.s32 @p0 $0x1  }
0x13: {  	[smem:$0x3FAA] =	sst s0;
	s0 =	simm.s32 @!p1 $0x0  }
0x14: {  	s2 =	sld [smem:$0x3F8E];
	s0 =	simm.s32 @p1 $0x1  }
0x15: {  	[smem:$0x3FAB] =	sst s0;
	s0 =	simm.s32 @!p2 $0x0  }
0x16: {  	s3 =	sld [smem:$0x3FDB];
	s0 =	simm.s32 @p2 $0x1  }
0x17: {  	s4 =	simm.s32 $0x1BF5;
	[smem:$0x3FAD] =	sst s0  }
0x18: {  	s0 =	sld [smem:$0x3F90];
	_ =	swait.ge [sflag:s4], $0x0  }
0x19: {  	s7 =	sld [smem:$0x3F91]  }
0x1a: {  	s8 =	sadd.s32 $0xFFFFE003, lr  }
0x1b: {  	s9 =	sadd.s32 $0xFFFFFEF7, lr;
	s5 =	simm.s32 $0xFFFFFFFF;
	p2 =	slt.u32 s8, $0xFFFFF086  }
0x1c: {  	p1 =	slt.u32 s9, $0xF7A;
	s5 =	simm.s32 @!p2 $0x0  }
0x1d: {  	s5 =	simm.s32 @p1 $0x1;
	p0 =	seq.s32 s7, s2  }
0x1e: {  	s7 =	smul.u32 @!p0 $0xF7A, s2;
	p2 =	seq.s32 @!p0 s5, $0x0  }
0x1f: {  	s9 =	smul.u32 $0xF7A, s1;
	s8 =	simm.s32 @!p0 $0x1BF5;
	p2 =	por !p2, p0  }
0x20: {  	[sflag:s8] =	ssyncset.s32 @!p0 $0xFFFFF086;
	s6 =	sadd.s32 @!p0 s3, s7;
	s7 =	simm.s32 @!p0 $0x108  }
0x21: {  	s3 =	sadd.s32 s3, s9;
	s6 =	sadd.s32 @!p0 $0x88, s6;
	s7 =	simm.s32 @p2 $0x1082  }
0x22: {  	[simem:s7], [sflag:s8] =	dma.local @!p0 [hbm:s6], $0xF7A  }
0x23: {  	s9 =	sor.u32 $0xD0000000, s2;
	s6 =	simm.s32 $0x108;
	_ =	swait.ge @!p0 [sflag:s8], $0x0  }
0x24: {  	s3 =	sadd.s32 $0x88, s3;
	s6 =	simm.s32 @!p1 $0x1082;
	[sflag:s4] =	ssyncset.s32 $0xFFFFF086  }
0x25: {  	[simem:s6], [sflag:s4] =	dma.local [hbm:s3], $0xF7A  }
0x26: {  	[smem:$0x3F91] =	sst s1;
	(tag) =	ssettag s2;
	_ =	strace s9  }
0x27: {  	s1 =	sld [smem:$0x3FA1]  }
0x28: {  	s2 =	sld [smem:$0x3FA2]  }
0x29: {  	s4 =	sld [smem:$0x3FA4]  }
0x2a: {  	p0 =	seq.s32 s5, $0x0;
	s5 =	sld [smem:$0x3FA5]  }
0x2b: {  	s6 =	sld [smem:$0x3FA6]  }
0x2c: {  	s7 =	sld [smem:$0x3FA7]  }
0x2d: {  	s3 =	simm.s32 $0x108;
	s8 =	sld [smem:$0x3FA8]  }
0x2e: {  	s3 =	simm.s32 @!p0 $0x1082;
	s9 =	sld [smem:$0x3FA9]  }
0x2f: {  	lr =	sadd.s32 s0, s3;
	s0 =	sld [smem:$0x3FA0]  }
0x30: {  	s3 =	sld [smem:$0x3FA3]  }
0x31: {  	[smem:$0x3FAC] =	sst s10  }
0x32: {  	s10 =	sld [smem:$0x3FAA];
	_ =	sdelay $0x3  }
0x33: {  	p0 =	seq.s32 s10, $0x1;
	s10 =	sld [smem:$0x3FAC];
	_ =	sdelay $0x3  }
0x34: {  	[smem:$0x3FAC] =	sst s10  }
0x35: {  	s10 =	sld [smem:$0x3FAB];
	_ =	sdelay $0x3  }
0x36: {  	p1 =	seq.s32 s10, $0x1;
	s10 =	sld [smem:$0x3FAC];
	_ =	sdelay $0x3  }
0x37: {  	[smem:$0x3FAC] =	sst s10  }
0x38: {  	s10 =	sld [smem:$0x3FAD]  }
0x39: {  	_ = 	snop;
	(pc) =	sbr.ind lr, $3  }
0x3a: {  	_ = 	snop  }
0x3b: {  	_ = 	snop  }
0x3c: {  	p2 =	seq.s32 s10, $0x1;
	s10 =	sld [smem:$0x3FAC]  }
0x3d: {  	_ =	shalt  }
0x3e: {  	_ =	shalt  }
0x3f: {  	_ =	shalt  }
0x40: {  	_ =	shalt  }
0x41: {  	_ =	shalt  }
0x42: {  	_ =	shalt  }
0x43: {  	_ =	shalt  }
0x44: {  	_ =	shalt  }
0x45: {  	_ =	shalt  }
0x46: {  	_ =	shalt  }
0x47: {  	_ =	shalt  }
0x48: {  	_ =	shalt  }
0x49: {  	_ =	shalt  }
0x4a: {  	_ =	shalt  }
0x4b: {  	_ =	shalt  }
0x4c: {  	_ =	shalt  }
0x4d: {  	_ =	shalt  }
0x4e: {  	_ =	shalt  }
0x4f: {  	_ =	shalt  }
0x50: {  	_ =	shalt  }
0x51: {  	_ =	shalt  }
0x52: {  	_ =	shalt  }
0x53: {  	_ =	shalt  }
0x54: {  	_ =	shalt  }
0x55: {  	_ =	shalt  }
0x56: {  	_ =	shalt  }
0x57: {  	_ =	shalt  }
0x58: {  	_ =	shalt  }
0x59: {  	_ =	shalt  }
0x5a: {  	_ =	shalt  }
0x5b: {  	_ =	shalt  }
0x5c: {  	_ =	shalt  }
0x5d: {  	_ =	shalt  }
0x5e: {  	_ =	shalt  }
0x5f: {  	_ =	shalt  }
0x60: {  	_ =	shalt  }
0x61: {  	_ =	shalt  }
0x62: {  	_ =	shalt  }
0x63: {  	_ =	shalt  }
0x64: {  	_ =	shalt  }
0x65: {  	_ =	shalt  }
0x66: {  	_ =	shalt  }
0x67: {  	_ =	shalt  }
0x68: {  	_ =	shalt  }
0x69: {  	_ =	shalt  }
0x6a: {  	_ =	shalt  }
0x6b: {  	_ =	shalt  }
0x6c: {  	_ =	shalt  }
0x6d: {  	_ =	shalt  }
0x6e: {  	_ =	shalt  }
0x6f: {  	_ =	shalt  }
0x70: {  	_ =	shalt  }
0x71: {  	_ =	shalt  }
0x72: {  	_ =	shalt  }
0x73: {  	_ =	shalt  }
0x74: {  	_ =	shalt  }
0x75: {  	_ =	shalt  }
0x76: {  	_ =	shalt  }
0x77: {  	_ =	shalt  }
0x78: {  	_ =	shalt  }
0x79: {  	_ =	shalt  }
0x7a: {  	_ =	shalt  }
0x7b: {  	_ =	shalt  }
0x7c: {  	_ =	shalt  }
0x7d: {  	_ =	shalt  }
0x7e: {  	_ =	shalt  }
0x7f: {  	_ =	shalt  }
0x80: {  	_ =	shalt  }
0x81: {  	_ =	shalt  }
0x82: {  	_ =	shalt  }
0x83: {  	_ =	shalt  }
0x84: {  	_ =	shalt  }
0x85: {  	_ =	shalt  }
0x86: {  	_ =	shalt  }
0x87: {  	_ =	shalt  }
.Lfunc_end0:
.L_simem_size_0:
called_computation_lowered:
.L_overlay_start_0:
0x88: {  	s2 =	sld [smem:$0x3FD9]  }
0x89: {  	s3 =	sld [smem:$0x3FFE];
	_ =	sdelay $0x1  }
0x8a: {  	s1 =	srdreg.scid  }
0x8b: {  	s0 =	sand.u32 $0x1, s1  }
0x8c: {  	s16 =	sshll.u32 s0, $0xA;
	s2 =	sadd.s32 s3, s2  }
0x8d: {  	s2 =	sadd.s32 s2, s16  }
0x8e: {  	[smem:$0x3FB8] =	sst s2  }
0x8f: {  	_ = 	snop  }
0x90: {  	(tm) =	ssettm $0x1  }
0x91: {  	s17 =	sld [smem:$0x3FFB];
	_ =	sdelay $0x3  }
0x92: {  	_ =	strace s17  }
0x93: {  	s2 =	sld [smem:$0x3FFC];
	_ =	sdelay $0x3  }
0x94: {  	_ =	strace s2  }
0x95: {  	s2 =	sld [smem:$0x3FFD];
	_ =	sdelay $0x3  }
0x96: {  	_ =	strace s2  }
0x97: {  	_ =	strace $0x8FFFFFFF  }
0x98: {  	s18 =	sld [smem:$0x3FDB];
	_ =	sdelay $0x1  }
0x99: {  	s19 =	simm.s32 $_scs_section_size  }
0x9a: {  	s4 =	simm.s32 $_size__tile_overlayer_lowered;
	s5 =	simm.s32 $_tile_overlayer_lowered  }
0x9b: {  	s22 =	simm.s32 $0x1BFF;
	s21 =	sshll.u32 s5, $0x1;
	s2 =	sadd.s32 s19, s18  }
0x9c: {  	s6 =	simm.s32 $0x0;
	s20 =	sshll.u32 s4, $0x1;
	s4 =	sadd.s32 s21, s2  }
0x9d: {  	[timem:s6], [sflag:s22] =	dma.local [hbm:s4], s20  }
0x9e: {  	_ =	swait.ge [sflag:s22], s20  }
0x9f: {  	s3 =	ssub.s32 $0x0, s20;
	[sflag:s22] =	ssyncset.done $0x0  }
0xa0: {  	[sflag:s22] =	ssyncadd.s32 s3;
	_ =	sdelay $0x1  }
0xa1: {  	s23 =	simm.s32 $0x1B8B  }
0xa2: {  	_ =	swait.ge [sflag:s23], $0x1  }
0xa3: {  	[sflag:s23] =	ssyncset.done $0x0  }
0xa4: {  	s25 =	simm.s32 $0x1B8E;
	s24 =	sld [smem:$0x3FFE];
	[sflag:s23] =	ssyncadd.s32 $0xFFFFFFFF  }
0xa5: {  	s26 =	simm.s32 $execute0_lowered;
	[smem:$0x3FD2] =	sst s25  }
0xa6: {  	s4 =	sshll.u32 s26, $0x1;
	_ =	strace $0x80000046;
	[dreg:$0x1] =	wrdreg $0xFFFFFFFF  }
0xa7: {  	s28 =	simm.s32 $_size_execute0_lowered;
	s2 =	sadd.s32 s2, s4;
	[dreg:$0x0] =	wrdreg $0x0  }
0xa8: {  	s4 =	sshll.u32 s28, $0x1;
	[dreg:$0x2] =	wrdreg s2  }
0xa9: {  	[dreg:$0x3] =	wrdreg s4  }
0xaa: {  	[dreg:$0x4] =	wrdreg $0xC0  }
0xab: {  	_ =	task [dreg:s6], $0x5FFFF  }
0xac: {  	[dreg:$0x1] =	wrdreg $0xFFFFFFFF  }
0xad: {  	[dreg:$0x0] =	wrdreg $0x60  }
0xae: {  	[dreg:$0x2] =	wrdreg s24  }
0xaf: {  	[dreg:$0x3] =	wrdreg $0x42000  }
0xb0: {  	[dreg:$0x4] =	wrdreg $0x9  }
0xb1: {  	_ =	task.clear_ibuf [dreg:s6], $0x5FFFF;
	_ =	strace $0x90000046  }
0xb2: {  	s29 =	simm.s32 $0x9;
	_ =	strace $0x80000048  }
0xb3: {  	_ =	swait.ge [sflag:s29], $0x1  }
0xb4: {  	[sflag:s29] =	ssyncadd.s32 $0xFFFFFFFF  }
0xb5: {  	_ =	strace $0x90000048  }
0xb6: {  	_ =	sfence  }
0xb7: {  	s30 =	sld [smem:$0x0];
	_ =	sdelay $0x2  }
0xb8: {  	s31 =	sshll.u32 s1, $0xD;
	s1 =	sshrl.u32 s1, $0x2  }
0xb9: {  	s3 =	sand.u32 $0x4000, s31;
	s1 =	sadd.s32 s1, s30  }
0xba: {  	s0 =	sor.u32 s3, s0;
	s1 =	sshll.u32 s1, $0x11  }
0xbb: {  	s0 =	sor.u32 s1, s0  }
0xbc: {  	s0 =	sadd.s32 $0x8F2B, s0  }
0xbd: {  	[sflag:s0] =	ssyncadd.remote.s32 $0x1  }
0xbe: {  	_ =	sfence.sel $0xFFFF  }
0xbf: {  	[dreg:$0x0] =	wrdreg $0xFFFFFFFF;
	(pc) =	sbr.abs _section_cstart, $3  }
0xc0: {  	[dreg:$0x1] =	wrdreg $0xFFFFFFFF  }
0xc1: {  	_ =	task.clear_ibuf [dreg:s6], $0x2FFFF;
	_ =	strace $0x9FFFFFFF  }
0xc2: {  	(tm) =	ssettm $0x7FFFFFFF  }
0xc3: {  	_ =	shalt  }
tec
execute0_lowered:
.L_overlay_start_1:
0x0: {  	(tag) =	ssettag $0x1  }
0x1: {  	s0 =	rddreg [dreg:$0x0]  }
0x2: {  	s1 =	rddreg [dreg:$0x1];
	s3 =	simm.s32 $0x0;
	s2 =	srdreg.scid  }
0x3: {  	s11 =	stileid.u32;
	s28 =	simm.s32 $0x200;
	s29 =	simm.s32 $0x3  }
0x4: {  	s30 =	simm.s32 $0x100;
	s31 =	simm.s32 $0x80;
	[smem:$0x7FF] =	sst s3  }
0x5: {  	s4 =	sadd.s32 $0xD400, s0;
	s2 =	sand.u32 $0x1, s2;
	s8 =	smul.u32 $0x50000, s11  }
0x6: {  	s5 =	sshll.u32 s11, $0x1;
	s13 =	smul.u32 $0x14000, s11;
	_ =	strace $0x80000047  }
0x7: {  	s6 =	ssub.s32 $0x2, s2;
	s7 =	sor.u32 s2, s5;
	s5 =	sadd.s32 $0x3400, s0  }
0x8: {  	s0 =	sadd.s32 $0x17400, s0;
	s2 =	smul.u32 $0x140000, s2;
	s9 =	sshrl.u32 s6, $0x1  }
0x9: {  	s7 =	smul.u32 $0x2800, s7;
	s18 =	sshrl.u32 s8, $0x2;
	s24 =	sadd.s32 $0x4000, s13  }
0xa: {  	s17 =	sadd.s32 $0x8000, s13;
	s9 =	ssub.s32 s6, s9;
	s6 =	sadd.s32 s18, s1  }
0xb: {  	s23 =	sadd.s32 s2, s13;
	s26 =	sadd.s32 s2, s24;
	s18 =	sadd.s32 $0xC000, s13  }
0xc: {  	s19 =	sshrl.u32 s7, $0x3;
	s11 =	sor.u32 $0x100, s7;
	s12 =	sor.u32 $0x180, s7  }
0xd: {  	s25 =	sshrl.u32 s23, $0x3;
	s9 =	smax.u32 s9, $0x1;
	s14 =	sshrl.u32 s26, $0x3  }
0xe: {  	s15 =	sadd.s32 $0x4000, s6;
	s16 =	sadd.s32 $0x8000, s6;
	[dreg:$0x8] =	wrdreg s9  }
0xf: {  	s23 =	sadd.s32 s24, s1;
	s24 =	sadd.s32 s17, s1;
	[dreg:$0x9] =	wrdreg s15  }
0x10: {  	s10 =	sadd.s32 s4, s19;
	s20 =	sor.u32 $0x10, s19;
	[dreg:$0xa] =	wrdreg s16  }
0x11: {  	s8 =	sadd.s32 s5, s19;
	s7 =	sadd.s32 s0, s25;
	[dreg:$0x3] =	wrdreg s10  }
0x12: {  	s19 =	sadd.s32 $0x10000, s13;
	s25 =	sadd.s32 s18, s1;
	[dreg:$0x4] =	wrdreg s8  }
0x13: {  	s21 =	sadd.s32 s4, s20;
	s22 =	sadd.s32 s5, s20;
	[dreg:$0x7] =	wrdreg s7  }
0x14: {  	s7 =	sadd.s32 s0, s14;
	s14 =	sadd.s32 s2, s18;
	[dreg:$0x5] =	wrdreg s21  }
0x15: {  	s26 =	sadd.s32 s19, s1;
	s8 =	simm.s32 $0x0;
	[dreg:$0x6] =	wrdreg s22  }
0x16: {  	[dreg:$0xb] =	wrdreg s7;
	s21 =	sadd.s32 s2, s17;
	s2 =	sadd.s32 s2, s19  }
0x17: {  	s14 =	sshrl.u32 s14, $0x3;
	s7 =	simm.s32 $0x2;
	s13 =	sshrl.u32 s21, $0x3  }
.Ltmp0:
0x18: {  	s2 =	sshrl.u32 s2, $0x3;
	s22 =	sadd.s32 s0, s14;
	(pc) =	sbr.rel .LBB2_1-.Ltmp0, $4  }
0x19: {  	s21 =	sadd.s32 $0xC000, s6;
	s13 =	sadd.s32 s0, s13;
	[dreg:$0xd] =	wrdreg s22  }
0x1a: {  	s20 =	sadd.s32 s0, s2;
	s22 =	sshrl.u32 s23, $0x3;
	s23 =	sshrl.u32 s24, $0x3  }
0x1b: {  	s24 =	sshrl.u32 s25, $0x3;
	s25 =	sshrl.u32 s26, $0x3;
	s26 =	sadd.s32 $0x10000, s6  }
0x1c: {  	v0 =	vimm.f32 $0.0e+00;
	s0 =	simm.s32 $0x180;
	s2 =	simm.s32 $0x1;
	[dreg:$0xc] =	wrdreg s13  }
.LBB2_10:
0x1d: {  	s9 =	stileid.u32  }
0x1e: {  	[bflag:$0x0] =	sbarrier.arrive $0xFFFF;
	s9 =	sshll.u32 s9, $0x6  }
0x1f: {  	s10 =	sshrl.u32 s6, $0x3;
	s13 =	rddreg [dreg:$0x7];
	s9 =	sor.u32 $0x1C03, s9  }
0x20: {  	[hbm:s13], [sflag:s9] =	dma.local [spmem:s10], $0x800  }
0x21: {  	_ =	swait.ge [sflag:s29], $0x800  }
0x22: {  	[sflag:s29] =	ssyncset.done $0x0  }
0x23: {  	s16 =	rddreg [dreg:$0xb];
	[sflag:s29] =	ssyncadd.s32 $0xFFFFF800  }
0x24: {  	[hbm:s16], [sflag:s9] =	dma.local [spmem:s22], $0x800  }
0x25: {  	_ =	swait.ge [sflag:s29], $0x800  }
0x26: {  	[sflag:s29] =	ssyncset.done $0x0  }
0x27: {  	s17 =	rddreg [dreg:$0xc];
	[sflag:s29] =	ssyncadd.s32 $0xFFFFF800  }
0x28: {  	[hbm:s17], [sflag:s9] =	dma.local [spmem:s23], $0x800  }
0x29: {  	_ =	swait.ge [sflag:s29], $0x800  }
0x2a: {  	[sflag:s29] =	ssyncset.done $0x0  }
0x2b: {  	s18 =	rddreg [dreg:$0xd];
	[sflag:s29] =	ssyncadd.s32 $0xFFFFF800  }
0x2c: {  	[hbm:s18], [sflag:s9] =	dma.local [spmem:s24], $0x800  }
0x2d: {  	_ =	swait.ge [sflag:s29], $0x800  }
0x2e: {  	[sflag:s29] =	ssyncset.done $0x0  }
0x2f: {  	[sflag:s29] =	ssyncadd.s32 $0xFFFFF800  }
0x30: {  	[hbm:s20], [sflag:s9] =	dma.local [spmem:s25], $0x800  }
0x31: {  	_ =	swait.ge [sflag:s29], $0x800  }
0x32: {  	s8 =	sadd.s32 $0x1, s8;
	s19 =	rddreg [dreg:$0x8]  }
0x33: {  	p0 =	sne.s32 s8, s19  }
.Ltmp1:
0x34: {  	_ = 	snop;
	(pc) =	sbr.rel @!p0 .LBB2_11-.Ltmp1, $3  }
0x35: {  	_ =	sdelay $0x1  }
0x36: {  	[sflag:s29] =	ssyncset.done $0x0  }
0x37: {  	[sflag:s29] =	ssyncadd.s32 $0xFFFFF800  }
.LBB2_1:
0x38: {  	s9 =	simm.s32 $0x0;
	s10 =	simm.s32 $0x200  }
.LBB2_2:
0x39: {  	p0 =	sne.s32 s10, $0xFE00;
	[tilespmem:s9+$0x270] =	vst v0  }
0x3a: {  	[tilespmem:s9+$0x200] =	vst v0  }
0x3b: {  	[tilespmem:s9+$0x210] =	vst v0  }
.Ltmp2:
0x3c: {  	[tilespmem:s9+$0x220] =	vst v0;
	(pc) =	sbr.rel @p0 .LBB2_2-.Ltmp2, $4  }
0x3d: {  	[tilespmem:s9+$0x230] =	vst v0  }
0x3e: {  	[tilespmem:s9+$0x240] =	vst v0  }
0x3f: {  	[tilespmem:s9+$0x250] =	vst v0  }
0x40: {  	[tilespmem:s9+$0x260] =	vst v0;
	s9 =	sshra.s32 s10, $0x2;
	s10 =	sadd.s32 $0x200, s10  }
0x41: {  	[tilespmem:s9+$0x270] =	vst v0  }
0x42: {  	[tilespmem:s9+$0x200] =	vst v0  }
0x43: {  	[tilespmem:s9+$0x210] =	vst v0  }
0x44: {  	[tilespmem:s9+$0x220] =	vst v0  }
0x45: {  	[tilespmem:s9+$0x230] =	vst v0  }
0x46: {  	[tilespmem:s9+$0x240] =	vst v0  }
0x47: {  	[tilespmem:s9+$0x250] =	vst v0  }
0x48: {  	[tilespmem:s9+$0x260] =	vst v0  }
0x49: {  	[spmem:s6] =	stream.linear.scatter [tilespmem:s28], [sflag:$0x3], $0x4000, $0x38;
	[tilespmem:$0x18200] =	vst v63  }
0x4a: {  	_ =	swait.ge [sflag:s29], $0x4000  }
0x4b: {  	[sflag:s29] =	ssyncset.done $0x0  }
0x4c: {  	s15 =	rddreg [dreg:$0x9];
	[sflag:s29] =	ssyncadd.s32 $0xFFFFC000  }
0x4d: {  	[spmem:s15] =	stream.linear.scatter [tilespmem:s28], [sflag:$0x3], $0x4000, $0x38;
	[tilespmem:$0x18200] =	vst v63  }
0x4e: {  	_ =	swait.ge [sflag:s29], $0x4000  }
0x4f: {  	[sflag:s29] =	ssyncset.done $0x0  }
0x50: {  	s16 =	rddreg [dreg:$0xa];
	[sflag:s29] =	ssyncadd.s32 $0xFFFFC000  }
0x51: {  	[spmem:s16] =	stream.linear.scatter [tilespmem:s28], [sflag:$0x3], $0x4000, $0x38;
	[tilespmem:$0x18200] =	vst v63  }
0x52: {  	_ =	swait.ge [sflag:s29], $0x4000  }
0x53: {  	[sflag:s29] =	ssyncset.done $0x0  }
0x54: {  	[sflag:s29] =	ssyncadd.s32 $0xFFFFC000  }
0x55: {  	[spmem:s21] =	stream.linear.scatter [tilespmem:s28], [sflag:$0x3], $0x4000, $0x38;
	[tilespmem:$0x18200] =	vst v63  }
0x56: {  	_ =	swait.ge [sflag:s29], $0x4000  }
0x57: {  	[sflag:s29] =	ssyncset.done $0x0  }
0x58: {  	[sflag:s29] =	ssyncadd.s32 $0xFFFFC000  }
0x59: {  	[spmem:s26] =	stream.linear.scatter [tilespmem:s28], [sflag:$0x3], $0x4000, $0x38;
	[tilespmem:$0x18200] =	vst v63  }
0x5a: {  	_ =	swait.ge [sflag:s29], $0x4000  }
0x5b: {  	[sflag:s29] =	ssyncset.done $0x0  }
0x5c: {  	[sflag:s29] =	ssyncadd.s32 $0xFFFFC000  }
0x5d: {  	[bflag:$0x0] =	sbarrier.arrive $0xFFFF  }
0x5e: {  	s9 =	simm.s32 $0x0;
	s10 =	rddreg [dreg:$0x3]  }
0x5f: {  	[tilespmem:s9], [sflag:$0x1] =	stream.linear.gather [hbm4b:s10+s9], $0x80, $0x38;
	[tilespmem:$0x18200] =	vst v63  }
0x60: {  	s17 =	rddreg [dreg:$0x4]  }
0x61: {  	[tilespmem:s30], [sflag:$0x1] =	stream.linear.gather [hbm4b:s17+s9], $0x80, $0x38;
	[tilespmem:$0x18200] =	vst v63  }
0x62: {  	s18 =	rddreg [dreg:$0x5]  }
0x63: {  	[tilespmem:s31], [sflag:$0x2] =	stream.linear.gather [hbm4b:s18+s9], $0x80, $0x38;
	[tilespmem:$0x18200] =	vst v63  }
0x64: {  	s19 =	rddreg [dreg:$0x6];
	s10 =	simm.s32 $0x0  }
0x65: {  	[tilespmem:s0], [sflag:$0x2] =	stream.linear.gather [hbm4b:s19+s9], $0x80, $0x38;
	[tilespmem:$0x18200] =	vst v63  }
.LBB2_4:
0x66: {  	s13 =	simm.s32 $0x2  }
0x67: {  	v1 =	vmov s13  }
0x68: {  	v1 =	vand.u32 $0xFFFFFFFE, v1  }
0x69: {  	s14 =	simm.s32 $0x1;
	_ =	swait.ge [sflag:s2], $0x80;
	v3 =	vmov s9;
	v1 =	vbroadcast v1, $0x0  }
0x6a: {  	v2 =	vmov s14;
	[sflag:s2] =	ssyncset.done $0x0;
	v3 =	vand.u32 $0xFFFFFFFC, v3  }
0x6b: {  	v2 =	vand.u32 $0xFFFFFFFD, v2;
	[sflag:s2] =	ssyncadd.s32 $0xFFFFFF80;
	v3 =	vbroadcast v3, $0x0  }
0x6c: {  	s15 =	simm.s32 $0x5;
	v2 =	vbroadcast v2, $0x0;
	_ =	swait.ge [sflag:s2], $0x80  }
0x6d: {  	s18 =	simm.s32 $0x6;
	s19 =	simm.s32 $0x3;
	v6 =	vmov s15;
	[sflag:s2] =	ssyncset.done $0x0  }
0x6e: {  	s16 =	simm.s32 $0x4;
	v4 =	vmov s18;
	v5 =	vmov s19;
	v6 =	vand.u32 $0xFFFFFFFD, v6;
	[sflag:s2] =	ssyncadd.s32 $0xFFFFFF80  }
0x6f: {  	v7 =	vmov s16;
	v4 =	vand.u32 $0xFFFFFFFE, v4;
	v6 =	vbroadcast v6, $0x0;
	v8 =	vld.idx.msk [tilespmem:v1+s30+$0x0], $0xffff  }
0x70: {  	v4 =	vbroadcast v4, $0x0;
	v1 =	vand.u32 $0xFFFFFFFC, v7  }
0x71: {  	v10 =	vld.idx.msk [tilespmem:v3+s30+$0x0], $0xffff;
	v9 =	vbroadcast v1, $0x0  }
0x72: {  	s16 =	simm.s32 $0x9;
	v7 =	vld.idx.msk [tilespmem:v2+s30+$0x0], $0xffff  }
0x73: {  	s17 =	simm.s32 $0xA;
	s13 =	simm.s32 $0x300;
	s19 =	simm.s32 $0x7;
	v3 =	vmov s16  }
0x74: {  	s18 =	simm.s32 $0x8;
	v2 =	vmov s17;
	v1 =	vld.idx.msk [tilespmem:v5+s30+$0x0], $0xffff;
	[tilespmem:s13+$0x0] =	vst v8;
	v8 =	vmov s19  }
0x75: {  	v11 =	vmov s18;
	v12 =	vand.u32 $0xFFFFFFFD, v3;
	v3 =	vld.idx.msk [tilespmem:v6+s30+$0x0], $0xffff;
	v5 =	vand.u32 $0xFFFFFFFE, v2  }
0x76: {  	v2 =	vld.idx.msk [tilespmem:v4+s30+$0x0], $0xffff;
	v4 =	vbroadcast v5, $0x0;
	v5 =	vand.u32 $0xFFFFFFFC, v11;
	[tilespmem:s13+$0xFFFFFF00] =	vst v10  }
0x77: {  	s14 =	simm.s32 $0xC;
	s15 =	simm.s32 $0xB;
	v6 =	vbroadcast v12, $0x0;
	v5 =	vbroadcast v5, $0x0;
	[tilespmem:s13+$0xFFFFFF80] =	vst v7;
	v7 =	vld.idx.msk [tilespmem:v9+s30+$0x0], $0xffff  }
.LBB2_5:
0x78: {  	s16 =	sadd.s32 $0x2, s14  }
0x79: {  	p0 =	slt.u32 s14, $0x7C;
	[tilespmem:s13+$0x80] =	vst v1;
	v1 =	vld.idx.msk [tilespmem:v8+s30+$0x0], $0xffff;
	s17 =	smov.u32 s14;
	s14 =	sadd.s32 $0x4, s14  }
.Ltmp3:
0x7a: {  	v8 =	vmov s15;
	s18 =	sadd.s32 $0x1, s17;
	v9 =	vmov s16;
	(pc) =	sbr.rel @p0 .LBB2_5-.Ltmp3, $4  }
0x7b: {  	s13 =	sadd.s32 $0x200, s13;
	v10 =	vmov s18;
	v9 =	vand.u32 $0xFFFFFFFE, v9  }
0x7c: {  	v11 =	vmov s17;
	v10 =	vand.u32 $0xFFFFFFFD, v10;
	[tilespmem:s13+$0x0] =	vst v2;
	v2 =	vld.idx.msk [tilespmem:v4+s30+$0x0], $0xffff;
	v4 =	vbroadcast v9, $0x0  }
0x7d: {  	v9 =	vand.u32 $0xFFFFFFFC, v11;
	[tilespmem:s13+$0xFFFFFF80] =	vst v3;
	v3 =	vld.idx.msk [tilespmem:v6+s30+$0x0], $0xffff;
	v6 =	vbroadcast v10, $0x0  }
0x7e: {  	s15 =	sadd.s32 $0x3, s17;
	[tilespmem:s13+$0xFFFFFF00] =	vst v7;
	v7 =	vld.idx.msk [tilespmem:v5+s30+$0x0], $0xffff;
	v5 =	vbroadcast v9, $0x0  }
0x7f: {  	_ =	sdelay $0x2  }
0x80: {  	v9 =	vmov s15  }
0x81: {  	v8 =	vld.idx.msk [tilespmem:v8+s30+$0x0], $0xffff  }
0x82: {  	[tilespmem:s13+$0x80] =	vst v1;
	s16 =	sadd.s32 $0x200, s13;
	v1 =	vld.idx.msk [tilespmem:v4+s30+$0x0], $0xffff  }
0x83: {  	[tilespmem:s16+$0x0] =	vst v2;
	v2 =	vld.idx.msk [tilespmem:v6+s30+$0x0], $0xffff  }
0x84: {  	[tilespmem:s16+$0xFFFFFF80] =	vst v3;
	v3 =	vld.idx.msk [tilespmem:v5+s30+$0x0], $0xffff  }
0x85: {  	[tilespmem:s16+$0xFFFFFF00] =	vst v7;
	v4 =	vld.idx.msk [tilespmem:v9+s30+$0x0], $0xffff  }
0x86: {  	s13 =	sadd.s32 $0x200, s16;
	[tilespmem:s16+$0x80] =	vst v8  }
0x87: {  	[tilespmem:s13+$0x0] =	vst v1  }
0x88: {  	[tilespmem:s13+$0xFFFFFF80] =	vst v2  }
0x89: {  	[tilespmem:s13+$0xFFFFFF00] =	vst v3  }
0x8a: {  	p0 =	seq.s32 s10, $0x27;
	[tilespmem:s13+$0x80] =	vst v4;
	s13 =	sshll.u32 s10, $0x8  }
0x8b: {  	[spmem:s1] =	stream.indirect.scatter.add.f32 [tilespmem:s28], [sflag:$0x3], $0x80, s3, s31, $0xb8;
	[tilespmem:$0x18200] =	vst v63  }
0x8c: {  	s14 =	sadd.s32 @!p0 s13, s11;
	_ =	swait.ge [sflag:s29], $0x4000  }
0x8d: {  	s17 =	simm.s32 $0x2;
	s14 =	sshrl.u32 @!p0 s14, $0x3;
	[sflag:s29] =	ssyncset.done $0x0  }
0x8e: {  	s16 =	simm.s32 @!p0 $0x0;
	s15 =	sadd.s32 @!p0 s4, s14;
	[sflag:s29] =	ssyncadd.s32 $0xFFFFC000  }
0x8f: {  	[tilespmem:s16], [sflag:$0x1] =	stream.linear.gather @!p0 [hbm4b:s15+s16], $0x80, $0x38;
	[tilespmem:$0x18200] =	vst v63  }
0x90: {  	s18 =	simm.s32 $0x1;
	v1 =	vmov s17;
	s14 =	sadd.s32 @!p0 s5, s14;
	s15 =	simm.s32 @!p0 $0x100  }
0x91: {  	v1 =	vand.u32 $0xFFFFFFFE, v1;
	[tilespmem:s15], [sflag:$0x1] =	stream.linear.gather @!p0 [hbm4b:s14+s16], $0x80, $0x38;
	[tilespmem:$0x18200] =	vst v63  }
0x92: {  	s19 =	simm.s32 $0x0;
	v2 =	vmov s18;
	v1 =	vbroadcast v1, $0x0;
	_ =	swait.ge [sflag:s7], $0x80  }
0x93: {  	v3 =	vmov s19;
	v2 =	vand.u32 $0xFFFFFFFD, v2;
	[sflag:s7] =	ssyncset.done $0x0  }
0x94: {  	v3 =	vand.u32 $0xFFFFFFFC, v3;
	v2 =	vbroadcast v2, $0x0;
	[sflag:s7] =	ssyncadd.s32 $0xFFFFFF80  }
0x95: {  	s18 =	simm.s32 $0x5;
	v3 =	vbroadcast v3, $0x0;
	_ =	swait.ge [sflag:s7], $0x80  }
0x96: {  	s17 =	simm.s32 $0x3;
	v6 =	vmov s18;
	s16 =	simm.s32 $0x6;
	[sflag:s7] =	ssyncset.done $0x0  }
0x97: {  	v5 =	vmov s17;
	s19 =	simm.s32 $0x4;
	v6 =	vand.u32 $0xFFFFFFFD, v6;
	v4 =	vmov s16;
	[sflag:s7] =	ssyncadd.s32 $0xFFFFFF80  }
0x98: {  	v7 =	vmov s19;
	v6 =	vbroadcast v6, $0x0;
	v4 =	vand.u32 $0xFFFFFFFE, v4;
	v8 =	vld.idx.msk [tilespmem:v1+s0+$0x0], $0xffff  }
0x99: {  	v4 =	vbroadcast v4, $0x0;
	v1 =	vand.u32 $0xFFFFFFFC, v7  }
0x9a: {  	v7 =	vld.idx.msk [tilespmem:v2+s0+$0x0], $0xffff;
	v9 =	vbroadcast v1, $0x0  }
0x9b: {  	s16 =	simm.s32 $0xA;
	v10 =	vld.idx.msk [tilespmem:v3+s0+$0x0], $0xffff  }
0x9c: {  	s17 =	simm.s32 $0x9;
	s19 =	simm.s32 $0x7;
	s14 =	simm.s32 $0x300;
	v2 =	vmov s16  }
0x9d: {  	s18 =	simm.s32 $0x8;
	v3 =	vmov s17;
	v1 =	vld.idx.msk [tilespmem:v5+s0+$0x0], $0xffff;
	[tilespmem:s14+$0x0] =	vst v8;
	v8 =	vmov s19  }
0x9e: {  	v11 =	vmov s18;
	v5 =	vand.u32 $0xFFFFFFFE, v2;
	v12 =	vand.u32 $0xFFFFFFFD, v3;
	v3 =	vld.idx.msk [tilespmem:v6+s0+$0x0], $0xffff  }
0x9f: {  	v2 =	vld.idx.msk [tilespmem:v4+s0+$0x0], $0xffff;
	v4 =	vbroadcast v5, $0x0;
	v5 =	vand.u32 $0xFFFFFFFC, v11;
	[tilespmem:s14+$0xFFFFFF80] =	vst v7  }
0xa0: {  	s15 =	simm.s32 $0xC;
	s16 =	simm.s32 $0xB;
	v6 =	vbroadcast v12, $0x0;
	v5 =	vbroadcast v5, $0x0;
	[tilespmem:s14+$0xFFFFFF00] =	vst v10;
	v7 =	vld.idx.msk [tilespmem:v9+s0+$0x0], $0xffff  }
.LBB2_7:
0xa1: {  	s17 =	sadd.s32 $0x2, s15  }
0xa2: {  	p1 =	slt.u32 s15, $0x7C;
	[tilespmem:s14+$0x80] =	vst v1;
	v1 =	vld.idx.msk [tilespmem:v8+s0+$0x0], $0xffff;
	s18 =	smov.u32 s15;
	s15 =	sadd.s32 $0x4, s15  }
.Ltmp4:
0xa3: {  	v8 =	vmov s16;
	s19 =	sadd.s32 $0x1, s18;
	v9 =	vmov s17;
	(pc) =	sbr.rel @p1 .LBB2_7-.Ltmp4, $4  }
0xa4: {  	s14 =	sadd.s32 $0x200, s14;
	v10 =	vmov s19;
	v9 =	vand.u32 $0xFFFFFFFE, v9  }
0xa5: {  	v11 =	vmov s18;
	v10 =	vand.u32 $0xFFFFFFFD, v10;
	[tilespmem:s14+$0x0] =	vst v2;
	v2 =	vld.idx.msk [tilespmem:v4+s0+$0x0], $0xffff;
	v4 =	vbroadcast v9, $0x0  }
0xa6: {  	v9 =	vand.u32 $0xFFFFFFFC, v11;
	[tilespmem:s14+$0xFFFFFF80] =	vst v3;
	v3 =	vld.idx.msk [tilespmem:v6+s0+$0x0], $0xffff;
	v6 =	vbroadcast v10, $0x0  }
0xa7: {  	s16 =	sadd.s32 $0x3, s18;
	[tilespmem:s14+$0xFFFFFF00] =	vst v7;
	v7 =	vld.idx.msk [tilespmem:v5+s0+$0x0], $0xffff;
	v5 =	vbroadcast v9, $0x0  }
0xa8: {  	_ =	sdelay $0x2  }
0xa9: {  	v9 =	vmov s16  }
0xaa: {  	v8 =	vld.idx.msk [tilespmem:v8+s0+$0x0], $0xffff  }
0xab: {  	[tilespmem:s14+$0x80] =	vst v1;
	s19 =	sadd.s32 $0x200, s14;
	v1 =	vld.idx.msk [tilespmem:v4+s0+$0x0], $0xffff  }
0xac: {  	[tilespmem:s19+$0x0] =	vst v2;
	v2 =	vld.idx.msk [tilespmem:v6+s0+$0x0], $0xffff  }
0xad: {  	[tilespmem:s19+$0xFFFFFF80] =	vst v3;
	v3 =	vld.idx.msk [tilespmem:v5+s0+$0x0], $0xffff  }
0xae: {  	[tilespmem:s19+$0xFFFFFF00] =	vst v7;
	v63 =	vld.idx.msk [tilespmem:v9+s0+$0x0], $0xffff  }
0xaf: {  	s14 =	sadd.s32 $0x200, s19;
	[tilespmem:s19+$0x80] =	vst v8  }
0xb0: {  	[tilespmem:s14+$0x0] =	vst v1  }
0xb1: {  	[tilespmem:s14+$0xFFFFFF80] =	vst v2  }
0xb2: {  	[tilespmem:s14+$0xFFFFFF00] =	vst v3  }
.Ltmp5:
0xb3: {  	[tilespmem:s14+$0x80] =	vst v63;
	(pc) =	sbr.rel @p0 .LBB2_10-.Ltmp5, $4  }
0xb4: {  	[spmem:s1] =	stream.indirect.scatter.add.f32 [tilespmem:s28], [sflag:$0x3], $0x80, s31, s31, $0xb8;
	[tilespmem:$0x18200] =	vst v63  }
0xb5: {  	_ =	swait.ge [sflag:s29], $0x4000  }
0xb6: {  	[sflag:s29] =	ssyncset.done $0x0  }
0xb7: {  	[sflag:s29] =	ssyncadd.s32 $0xFFFFC000  }
0xb8: {  	s13 =	sadd.s32 s13, s12  }
.Ltmp6:
0xb9: {  	s13 =	sshrl.u32 s13, $0x3;
	(pc) =	sbr.rel .LBB2_4-.Ltmp6, $4  }
0xba: {  	s14 =	sadd.s32 s4, s13  }
0xbb: {  	[tilespmem:s31], [sflag:$0x2] =	stream.linear.gather [hbm4b:s14+s3], $0x80, $0x38;
	[tilespmem:$0x18200] =	vst v63  }
0xbc: {  	s10 =	sadd.s32 $0x1, s10;
	s13 =	sadd.s32 s5, s13  }
0xbd: {  	[tilespmem:s0], [sflag:$0x2] =	stream.linear.gather [hbm4b:s13+s3], $0x80, $0x38;
	[tilespmem:$0x18200] =	vst v63  }
.LBB2_11:
0xbe: {  	_ =	sfence.sel $0x180000  }
0xbf: {  	[bflag:$0x0] =	sbarrier.arrive $0xFFFF  }
0xc0: {  	_ =	strace $0x90000047  }
0xc1: {  	s0 =	stileid.u32;
	[bflag:$0x2] =	sbarrier.arrive $0xFFFF  }
0xc2: {  	p0 =	sne.s32 s0, $0x0;
	s0 =	rddreg [dreg:$0x2]  }
0xc3: {  	s0 =	sadd.s32 @!p0 $0x100000, s0  }
0xc4: {  	[sflag:s0] =	ssyncadd.tile.s32 @!p0 $0x1;
	_ =	shalt  }
.Lfunc_end2:
_tile_overlayer_lowered:
.L_overlay_start_2:
0xc5: {  	(tag) =	ssettag $0x2  }
0xc6: {  	s0 =	rddreg [dreg:$0x0];
	s2 =	stileid.u32  }
0xc7: {  	s1 =	rddreg [dreg:$0x1];
	p0 =	sne.s32 s2, $0x0  }
0xc8: {  	s3 =	rddreg [dreg:$0x2];
	[bflag:$0x3] =	sbarrier.arrive $0xFFFF;
	s2 =	simm.s32 @!p0 $0x1C03  }
0xc9: {  	[timem:s3], [sflag:s2] =	dma.local @!p0 [hbm:s0], s1  }
0xca: {  	s0 =	simm.s32 @!p0 $0x3  }
0xcb: {  	_ =	swait.ge @!p0 [sflag:s0], s1  }
0xcc: {  	s1 =	ssub.s32 @!p0 $0x0, s1;
	[sflag:s0] =	ssyncset.done @!p0 $0x0  }
0xcd: {  	[sflag:s0] =	ssyncadd.s32 @!p0 s1  }
0xce: {  	[bflag:$0x3] =	sbarrier.arrive $0xFFFF  }
0xcf: {  	_ =	shalt  }

// kernel: kernel.14.cloned.1.call-start
scs
__scs_entry_jumppad:
0x0: {  	(pc) =	sbr.rel $0x88, $3  }
0x1: {  	(tag) =	ssettag $0x0;
	lr =	simm.s32 $0x1  }
0x2: {  	[smem:$0x3F91] =	sst lr;
	_ =	strace $0xD0000000  }
0x3: {  	_ = 	snop  }
0x4: {  	_ = 	snop  }
0x5: {  	_ = 	snop  }
0x6: {  	_ = 	snop  }
0x7: {  	_ = 	snop  }
__scs_overlays_trampoline_lowered:
0x8: {  	[smem:$0x3FA0] =	sst s0  }
0x9: {  	[smem:$0x3FA1] =	sst s1  }
0xa: {  	[smem:$0x3FA2] =	sst s2  }
0xb: {  	[smem:$0x3FA3] =	sst s3  }
0xc: {  	[smem:$0x3FA4] =	sst s4  }
0xd: {  	[smem:$0x3FA5] =	sst s5  }
0xe: {  	[smem:$0x3FA6] =	sst s6  }
0xf: {  	[smem:$0x3FA7] =	sst s7  }
0x10: {  	[smem:$0x3FA8] =	sst s8  }
0x11: {  	[smem:$0x3FA9] =	sst s9;
	s0 =	simm.s32 @!p0 $0x0  }
0x12: {  	s1 =	sld [smem:$0x3F8F];
	s0 =	simm.s32 @p0 $0x1  }
0x13: {  	[smem:$0x3FAA] =	sst s0;
	s0 =	simm.s32 @!p1 $0x0  }
0x14: {  	s2 =	sld [smem:$0x3F8E];
	s0 =	simm.s32 @p1 $0x1  }
0x15: {  	[smem:$0x3FAB] =	sst s0;
	s0 =	simm.s32 @!p2 $0x0  }
0x16: {  	s3 =	sld [smem:$0x3FDB];
	s0 =	simm.s32 @p2 $0x1  }
0x17: {  	s4 =	simm.s32 $0x1BF5;
	[smem:$0x3FAD] =	sst s0  }
0x18: {  	s0 =	sld [smem:$0x3F90];
	_ =	swait.ge [sflag:s4], $0x0  }
0x19: {  	s7 =	sld [smem:$0x3F91]  }
0x1a: {  	s8 =	sadd.s32 $0xFFFFE003, lr  }
0x1b: {  	s9 =	sadd.s32 $0xFFFFFEF7, lr;
	s5 =	simm.s32 $0xFFFFFFFF;
	p2 =	slt.u32 s8, $0xFFFFF086  }
0x1c: {  	p1 =	slt.u32 s9, $0xF7A;
	s5 =	simm.s32 @!p2 $0x0  }
0x1d: {  	s5 =	simm.s32 @p1 $0x1;
	p0 =	seq.s32 s7, s2  }
0x1e: {  	s7 =	smul.u32 @!p0 $0xF7A, s2;
	p2 =	seq.s32 @!p0 s5, $0x0  }
0x1f: {  	s9 =	smul.u32 $0xF7A, s1;
	s8 =	simm.s32 @!p0 $0x1BF5;
	p2 =	por !p2, p0  }
0x20: {  	[sflag:s8] =	ssyncset.s32 @!p0 $0xFFFFF086;
	s6 =	sadd.s32 @!p0 s3, s7;
	s7 =	simm.s32 @!p0 $0x108  }
0x21: {  	s3 =	sadd.s32 s3, s9;
	s6 =	sadd.s32 @!p0 $0x88, s6;
	s7 =	simm.s32 @p2 $0x1082  }
0x22: {  	[simem:s7], [sflag:s8] =	dma.local @!p0 [hbm:s6], $0xF7A  }
0x23: {  	s9 =	sor.u32 $0xD0000000, s2;
	s6 =	simm.s32 $0x108;
	_ =	swait.ge @!p0 [sflag:s8], $0x0  }
0x24: {  	s3 =	sadd.s32 $0x88, s3;
	s6 =	simm.s32 @!p1 $0x1082;
	[sflag:s4] =	ssyncset.s32 $0xFFFFF086  }
0x25: {  	[simem:s6], [sflag:s4] =	dma.local [hbm:s3], $0xF7A  }
0x26: {  	[smem:$0x3F91] =	sst s1;
	(tag) =	ssettag s2;
	_ =	strace s9  }
0x27: {  	s1 =	sld [smem:$0x3FA1]  }
0x28: {  	s2 =	sld [smem:$0x3FA2]  }
0x29: {  	s4 =	sld [smem:$0x3FA4]  }
0x2a: {  	p0 =	seq.s32 s5, $0x0;
	s5 =	sld [smem:$0x3FA5]  }
0x2b: {  	s6 =	sld [smem:$0x3FA6]  }
0x2c: {  	s7 =	sld [smem:$0x3FA7]  }
0x2d: {  	s3 =	simm.s32 $0x108;
	s8 =	sld [smem:$0x3FA8]  }
0x2e: {  	s3 =	simm.s32 @!p0 $0x1082;
	s9 =	sld [smem:$0x3FA9]  }
0x2f: {  	lr =	sadd.s32 s0, s3;
	s0 =	sld [smem:$0x3FA0]  }
0x30: {  	s3 =	sld [smem:$0x3FA3]  }
0x31: {  	[smem:$0x3FAC] =	sst s10  }
0x32: {  	s10 =	sld [smem:$0x3FAA];
	_ =	sdelay $0x3  }
0x33: {  	p0 =	seq.s32 s10, $0x1;
	s10 =	sld [smem:$0x3FAC];
	_ =	sdelay $0x3  }
0x34: {  	[smem:$0x3FAC] =	sst s10  }
0x35: {  	s10 =	sld [smem:$0x3FAB];
	_ =	sdelay $0x3  }
0x36: {  	p1 =	seq.s32 s10, $0x1;
	s10 =	sld [smem:$0x3FAC];
	_ =	sdelay $0x3  }
0x37: {  	[smem:$0x3FAC] =	sst s10  }
0x38: {  	s10 =	sld [smem:$0x3FAD]  }
0x39: {  	_ = 	snop;
	(pc) =	sbr.ind lr, $3  }
0x3a: {  	_ = 	snop  }
0x3b: {  	_ = 	snop  }
0x3c: {  	p2 =	seq.s32 s10, $0x1;
	s10 =	sld [smem:$0x3FAC]  }
0x3d: {  	_ =	shalt  }
0x3e: {  	_ =	shalt  }
0x3f: {  	_ =	shalt  }
0x40: {  	_ =	shalt  }
0x41: {  	_ =	shalt  }
0x42: {  	_ =	shalt  }
0x43: {  	_ =	shalt  }
0x44: {  	_ =	shalt  }
0x45: {  	_ =	shalt  }
0x46: {  	_ =	shalt  }
0x47: {  	_ =	shalt  }
0x48: {  	_ =	shalt  }
0x49: {  	_ =	shalt  }
0x4a: {  	_ =	shalt  }
0x4b: {  	_ =	shalt  }
0x4c: {  	_ =	shalt  }
0x4d: {  	_ =	shalt  }
0x4e: {  	_ =	shalt  }
0x4f: {  	_ =	shalt  }
0x50: {  	_ =	shalt  }
0x51: {  	_ =	shalt  }
0x52: {  	_ =	shalt  }
0x53: {  	_ =	shalt  }
0x54: {  	_ =	shalt  }
0x55: {  	_ =	shalt  }
0x56: {  	_ =	shalt  }
0x57: {  	_ =	shalt  }
0x58: {  	_ =	shalt  }
0x59: {  	_ =	shalt  }
0x5a: {  	_ =	shalt  }
0x5b: {  	_ =	shalt  }
0x5c: {  	_ =	shalt  }
0x5d: {  	_ =	shalt  }
0x5e: {  	_ =	shalt  }
0x5f: {  	_ =	shalt  }
0x60: {  	_ =	shalt  }
0x61: {  	_ =	shalt  }
0x62: {  	_ =	shalt  }
0x63: {  	_ =	shalt  }
0x64: {  	_ =	shalt  }
0x65: {  	_ =	shalt  }
0x66: {  	_ =	shalt  }
0x67: {  	_ =	shalt  }
0x68: {  	_ =	shalt  }
0x69: {  	_ =	shalt  }
0x6a: {  	_ =	shalt  }
0x6b: {  	_ =	shalt  }
0x6c: {  	_ =	shalt  }
0x6d: {  	_ =	shalt  }
0x6e: {  	_ =	shalt  }
0x6f: {  	_ =	shalt  }
0x70: {  	_ =	shalt  }
0x71: {  	_ =	shalt  }
0x72: {  	_ =	shalt  }
0x73: {  	_ =	shalt  }
0x74: {  	_ =	shalt  }
0x75: {  	_ =	shalt  }
0x76: {  	_ =	shalt  }
0x77: {  	_ =	shalt  }
0x78: {  	_ =	shalt  }
0x79: {  	_ =	shalt  }
0x7a: {  	_ =	shalt  }
0x7b: {  	_ =	shalt  }
0x7c: {  	_ =	shalt  }
0x7d: {  	_ =	shalt  }
0x7e: {  	_ =	shalt  }
0x7f: {  	_ =	shalt  }
0x80: {  	_ =	shalt  }
0x81: {  	_ =	shalt  }
0x82: {  	_ =	shalt  }
0x83: {  	_ =	shalt  }
0x84: {  	_ =	shalt  }
0x85: {  	_ =	shalt  }
0x86: {  	_ =	shalt  }
0x87: {  	_ =	shalt  }
.Lfunc_end0:
.L_simem_size_0:
called_computation.1_lowered:
.L_overlay_start_0:
0x88: {  	s2 =	sld [smem:$0x3FD9]  }
0x89: {  	s3 =	sld [smem:$0x3FFE];
	_ =	sdelay $0x1  }
0x8a: {  	s1 =	srdreg.scid  }
0x8b: {  	s0 =	sand.u32 $0x1, s1  }
0x8c: {  	s16 =	sshll.u32 s0, $0xA;
	s2 =	sadd.s32 s3, s2  }
0x8d: {  	s2 =	sadd.s32 s2, s16  }
0x8e: {  	[smem:$0x3FB8] =	sst s2  }
0x8f: {  	_ = 	snop  }
0x90: {  	(tm) =	ssettm $0x1  }
0x91: {  	s17 =	sld [smem:$0x3FFB];
	_ =	sdelay $0x3  }
0x92: {  	_ =	strace s17  }
0x93: {  	s2 =	sld [smem:$0x3FFC];
	_ =	sdelay $0x3  }
0x94: {  	_ =	strace s2  }
0x95: {  	s2 =	sld [smem:$0x3FFD];
	_ =	sdelay $0x3  }
0x96: {  	_ =	strace s2  }
0x97: {  	_ =	strace $0x8FFFFFFF  }
0x98: {  	s18 =	sld [smem:$0x3FDB];
	_ =	sdelay $0x1  }
0x99: {  	s19 =	simm.s32 $_scs_section_size  }
0x9a: {  	s4 =	simm.s32 $_size__tile_overlayer_lowered;
	s5 =	simm.s32 $_tile_overlayer_lowered  }
0x9b: {  	s22 =	simm.s32 $0x1BFF;
	s21 =	sshll.u32 s5, $0x1;
	s2 =	sadd.s32 s19, s18  }
0x9c: {  	s6 =	simm.s32 $0x0;
	s20 =	sshll.u32 s4, $0x1;
	s4 =	sadd.s32 s21, s2  }
0x9d: {  	[timem:s6], [sflag:s22] =	dma.local [hbm:s4], s20  }
0x9e: {  	_ =	swait.ge [sflag:s22], s20  }
0x9f: {  	s3 =	ssub.s32 $0x0, s20;
	[sflag:s22] =	ssyncset.done $0x0  }
0xa0: {  	[sflag:s22] =	ssyncadd.s32 s3;
	_ =	sdelay $0x1  }
0xa1: {  	s23 =	simm.s32 $0x1B8B  }
0xa2: {  	_ =	swait.ge [sflag:s23], $0x1  }
0xa3: {  	[sflag:s23] =	ssyncset.done $0x0  }
0xa4: {  	s25 =	simm.s32 $0x1B8E;
	s24 =	sld [smem:$0x3FFE];
	[sflag:s23] =	ssyncadd.s32 $0xFFFFFFFF  }
0xa5: {  	s26 =	simm.s32 $execute0_lowered;
	[smem:$0x3FD2] =	sst s25  }
0xa6: {  	s4 =	sshll.u32 s26, $0x1;
	_ =	strace $0x80000049;
	[dreg:$0x1] =	wrdreg $0xFFFFFFFF  }
0xa7: {  	s28 =	simm.s32 $_size_execute0_lowered;
	s2 =	sadd.s32 s2, s4;
	[dreg:$0x0] =	wrdreg $0x0  }
0xa8: {  	s4 =	sshll.u32 s28, $0x1;
	[dreg:$0x2] =	wrdreg s2  }
0xa9: {  	[dreg:$0x3] =	wrdreg s4  }
0xaa: {  	[dreg:$0x4] =	wrdreg $0xC0  }
0xab: {  	_ =	task [dreg:s6], $0x5FFFF  }
0xac: {  	[dreg:$0x1] =	wrdreg $0xFFFFFFFF  }
0xad: {  	[dreg:$0x0] =	wrdreg $0x60  }
0xae: {  	[dreg:$0x2] =	wrdreg s24  }
0xaf: {  	[dreg:$0x3] =	wrdreg $0x83000  }
0xb0: {  	[dreg:$0x4] =	wrdreg $0x9  }
0xb1: {  	_ =	task.clear_ibuf [dreg:s6], $0x5FFFF;
	_ =	strace $0x90000049  }
0xb2: {  	s29 =	simm.s32 $0x9;
	_ =	strace $0x8000004B  }
0xb3: {  	_ =	swait.ge [sflag:s29], $0x1  }
0xb4: {  	[sflag:s29] =	ssyncadd.s32 $0xFFFFFFFF  }
0xb5: {  	_ =	strace $0x9000004B  }
0xb6: {  	_ =	sfence  }
0xb7: {  	s30 =	sld [smem:$0x0];
	_ =	sdelay $0x2  }
0xb8: {  	s31 =	sshll.u32 s1, $0xD;
	s1 =	sshrl.u32 s1, $0x2  }
0xb9: {  	s3 =	sand.u32 $0x4000, s31;
	s1 =	sadd.s32 s1, s30  }
0xba: {  	s0 =	sor.u32 s3, s0;
	s1 =	sshll.u32 s1, $0x11  }
0xbb: {  	s0 =	sor.u32 s1, s0  }
0xbc: {  	s0 =	sadd.s32 $0x8F2B, s0  }
0xbd: {  	[sflag:s0] =	ssyncadd.remote.s32 $0x1  }
0xbe: {  	_ =	sfence.sel $0xFFFF  }
0xbf: {  	[dreg:$0x0] =	wrdreg $0xFFFFFFFF;
	(pc) =	sbr.abs _section_cstart, $3  }
0xc0: {  	[dreg:$0x1] =	wrdreg $0xFFFFFFFF  }
0xc1: {  	_ =	task.clear_ibuf [dreg:s6], $0x2FFFF;
	_ =	strace $0x9FFFFFFF  }
0xc2: {  	(tm) =	ssettm $0x7FFFFFFF  }
0xc3: {  	_ =	shalt  }
tec
execute0_lowered:
.L_overlay_start_1:
0x0: {  	(tag) =	ssettag $0x1  }
0x1: {  	s0 =	rddreg [dreg:$0x0]  }
0x2: {  	s1 =	rddreg [dreg:$0x1];
	s2 =	simm.s32 $0x0;
	s3 =	srdreg.scid  }
0x3: {  	s13 =	stileid.u32;
	[smem:$0x7FF] =	sst s2  }
0x4: {  	s4 =	sadd.s32 $0x17400, s0;
	s5 =	sadd.s32 $0x67400, s0;
	s6 =	sadd.s32 $0xD400, s0  }
0x5: {  	s7 =	sadd.s32 $0x3400, s0;
	s3 =	sand.u32 $0x1, s3;
	s10 =	smul.u32 $0x50000, s13  }
0x6: {  	s8 =	sshll.u32 s13, $0x1;
	s0 =	sadd.s32 $0x71400, s0;
	s19 =	smul.u32 $0x14000, s13  }
0x7: {  	s13 =	simm.s32 $0x280;
	_ =	strace $0x8000004A;
	s9 =	ssub.s32 $0x2, s3  }
0x8: {  	s8 =	sor.u32 s3, s8;
	s3 =	smul.u32 $0x140000, s3;
	s11 =	sshrl.u32 s9, $0x1  }
0x9: {  	s12 =	smul.u32 $0x2800, s8;
	s18 =	sshrl.u32 s10, $0x2;
	s23 =	sadd.s32 $0x4000, s19  }
0xa: {  	s26 =	sadd.s32 $0x8000, s19;
	s28 =	sadd.s32 $0xC000, s19;
	s10 =	sadd.s32 $0x10000, s19  }
0xb: {  	s9 =	ssub.s32 s9, s11;
	s8 =	sadd.s32 s18, s1;
	s24 =	sadd.s32 s3, s19  }
0xc: {  	s15 =	sadd.s32 s3, s23;
	s29 =	sadd.s32 s3, s26;
	s17 =	sadd.s32 s3, s28  }
0xd: {  	s3 =	sadd.s32 s3, s10;
	s19 =	sadd.s32 s23, s1;
	s23 =	sadd.s32 s28, s1  }
0xe: {  	s10 =	sadd.s32 s10, s1;
	s20 =	sshrl.u32 s12, $0x3;
	s15 =	sshrl.u32 s15, $0x3  }
0xf: {  	s17 =	sshrl.u32 s17, $0x3;
	s3 =	sshrl.u32 s3, $0x3;
	s18 =	smax.u32 s9, $0x1  }
0x10: {  	s28 =	sadd.s32 $0x4000, s8;
	s31 =	sadd.s32 $0x10000, s8;
	[dreg:$0xe] =	wrdreg s18  }
0x11: {  	s9 =	simm.s32 $0x80;
	s21 =	sadd.s32 s5, s20;
	[dreg:$0x13] =	wrdreg s28  }
0x12: {  	s22 =	sadd.s32 s6, s20;
	s14 =	sadd.s32 s7, s20;
	[dreg:$0x3] =	wrdreg s21  }
0x13: {  	s11 =	sor.u32 $0x10, s20;
	s25 =	sadd.s32 s0, s15;
	[dreg:$0x4] =	wrdreg s22  }
0x14: {  	s30 =	sadd.s32 s0, s17;
	s20 =	sor.u32 $0x100, s12;
	[dreg:$0x5] =	wrdreg s14  }
0x15: {  	s15 =	simm.s32 $0x2;
	s18 =	simm.s32 $0x4;
	[dreg:$0x8] =	wrdreg s25  }
0x16: {  	s14 =	sshrl.u32 s24, $0x3;
	s16 =	sadd.s32 s5, s11;
	[dreg:$0xa] =	wrdreg s30  }
0x17: {  	s17 =	sadd.s32 s7, s11;
	s21 =	sor.u32 $0x180, s12;
	[dreg:$0x6] =	wrdreg s16  }
0x18: {  	s22 =	sadd.s32 s26, s1;
	s25 =	sshrl.u32 s23, $0x3;
	[dreg:$0xd] =	wrdreg s17  }
0x19: {  	s26 =	sshrl.u32 s10, $0x3;
	s30 =	sadd.s32 $0xC000, s8;
	[dreg:$0x11] =	wrdreg s25  }
0x1a: {  	s10 =	simm.s32 $0x200;
	s12 =	simm.s32 $0x180;
	[dreg:$0x12] =	wrdreg s26  }
0x1b: {  	s14 =	sadd.s32 s0, s14;
	s16 =	sshrl.u32 s29, $0x3;
	[dreg:$0x15] =	wrdreg s30  }
0x1c: {  	s24 =	sshrl.u32 s22, $0x3;
	s29 =	sadd.s32 $0x8000, s8;
	[dreg:$0x7] =	wrdreg s14  }
0x1d: {  	s17 =	simm.s32 $0x3;
	s16 =	sadd.s32 s0, s16;
	[dreg:$0x10] =	wrdreg s24  }
.Ltmp0:
0x1e: {  	s0 =	sadd.s32 s0, s3;
	[dreg:$0x14] =	wrdreg s29;
	(pc) =	sbr.rel .LBB2_1-.Ltmp0, $4  }
0x1f: {  	s3 =	simm.s32 $0x5;
	s14 =	simm.s32 $0x1;
	[dreg:$0x9] =	wrdreg s16  }
0x20: {  	[dreg:$0xb] =	wrdreg s0;
	s16 =	sadd.s32 s6, s11;
	s0 =	sshrl.u32 s19, $0x3  }
0x21: {  	s11 =	simm.s32 $0x100;
	s19 =	simm.s32 $0x0;
	[dreg:$0xc] =	wrdreg s16  }
0x22: {  	v0 =	vimm.f32 $0.0e+00;
	[dreg:$0xf] =	wrdreg s0;
	s0 =	simm.s32 $0x300;
	s16 =	simm.s32 $0x4300  }
.LBB2_10:
0x23: {  	s22 =	stileid.u32  }
0x24: {  	[bflag:$0x0] =	sbarrier.arrive $0xFFFF;
	s22 =	sshll.u32 s22, $0x6  }
0x25: {  	s23 =	sshrl.u32 s8, $0x3;
	s24 =	rddreg [dreg:$0x7];
	s22 =	sor.u32 $0x1C05, s22  }
0x26: {  	[hbm:s24], [sflag:s22] =	dma.local [spmem:s23], $0x800  }
0x27: {  	_ =	swait.ge [sflag:s3], $0x800  }
0x28: {  	[sflag:s3] =	ssyncset.done $0x0;
	s26 =	rddreg [dreg:$0x8]  }
0x29: {  	s28 =	rddreg [dreg:$0xf];
	[sflag:s3] =	ssyncadd.s32 $0xFFFFF800  }
0x2a: {  	[hbm:s26], [sflag:s22] =	dma.local [spmem:s28], $0x800  }
0x2b: {  	_ =	swait.ge [sflag:s3], $0x800  }
0x2c: {  	[sflag:s3] =	ssyncset.done $0x0;
	s29 =	rddreg [dreg:$0x9]  }
0x2d: {  	s30 =	rddreg [dreg:$0x10];
	[sflag:s3] =	ssyncadd.s32 $0xFFFFF800  }
0x2e: {  	[hbm:s29], [sflag:s22] =	dma.local [spmem:s30], $0x800  }
0x2f: {  	_ =	swait.ge [sflag:s3], $0x800  }
0x30: {  	[sflag:s3] =	ssyncset.done $0x0;
	s25 =	rddreg [dreg:$0xa]  }
0x31: {  	s26 =	rddreg [dreg:$0x11];
	[sflag:s3] =	ssyncadd.s32 $0xFFFFF800  }
0x32: {  	[hbm:s25], [sflag:s22] =	dma.local [spmem:s26], $0x800  }
0x33: {  	_ =	swait.ge [sflag:s3], $0x800  }
0x34: {  	[sflag:s3] =	ssyncset.done $0x0;
	s28 =	rddreg [dreg:$0xb]  }
0x35: {  	s29 =	rddreg [dreg:$0x12];
	[sflag:s3] =	ssyncadd.s32 $0xFFFFF800  }
0x36: {  	[hbm:s28], [sflag:s22] =	dma.local [spmem:s29], $0x800  }
0x37: {  	_ =	swait.ge [sflag:s3], $0x800  }
0x38: {  	s19 =	sadd.s32 $0x1, s19;
	s30 =	rddreg [dreg:$0xe]  }
0x39: {  	p0 =	sne.s32 s19, s30  }
.Ltmp1:
0x3a: {  	_ = 	snop;
	(pc) =	sbr.rel @!p0 .LBB2_11-.Ltmp1, $3  }
0x3b: {  	_ =	sdelay $0x1  }
0x3c: {  	[sflag:s3] =	ssyncset.done $0x0  }
0x3d: {  	[sflag:s3] =	ssyncadd.s32 $0xFFFFF800  }
.LBB2_1:
0x3e: {  	s22 =	simm.s32 $0x0;
	s23 =	simm.s32 $0x200  }
.LBB2_2:
0x3f: {  	p0 =	sne.s32 s23, $0xFE00;
	[tilespmem:s22+$0x370] =	vst v0  }
0x40: {  	[tilespmem:s22+$0x300] =	vst v0  }
0x41: {  	[tilespmem:s22+$0x310] =	vst v0  }
.Ltmp2:
0x42: {  	[tilespmem:s22+$0x320] =	vst v0;
	(pc) =	sbr.rel @p0 .LBB2_2-.Ltmp2, $4  }
0x43: {  	[tilespmem:s22+$0x330] =	vst v0  }
0x44: {  	[tilespmem:s22+$0x340] =	vst v0  }
0x45: {  	[tilespmem:s22+$0x350] =	vst v0  }
0x46: {  	[tilespmem:s22+$0x360] =	vst v0;
	s22 =	sshra.s32 s23, $0x2;
	s23 =	sadd.s32 $0x200, s23  }
0x47: {  	[tilespmem:s22+$0x370] =	vst v0  }
0x48: {  	[tilespmem:s22+$0x300] =	vst v0  }
0x49: {  	[tilespmem:s22+$0x310] =	vst v0  }
0x4a: {  	[tilespmem:s22+$0x320] =	vst v0  }
0x4b: {  	[tilespmem:s22+$0x330] =	vst v0  }
0x4c: {  	[tilespmem:s22+$0x340] =	vst v0  }
0x4d: {  	[tilespmem:s22+$0x350] =	vst v0  }
0x4e: {  	[tilespmem:s22+$0x360] =	vst v0  }
0x4f: {  	[spmem:s8] =	stream.linear.scatter [tilespmem:s0], [sflag:$0x5], $0x4000, $0x38;
	[tilespmem:$0x1C300] =	vst v63  }
0x50: {  	_ =	swait.ge [sflag:s3], $0x4000  }
0x51: {  	[sflag:s3] =	ssyncset.done $0x0  }
0x52: {  	s30 =	rddreg [dreg:$0x13];
	[sflag:s3] =	ssyncadd.s32 $0xFFFFC000  }
0x53: {  	[spmem:s30] =	stream.linear.scatter [tilespmem:s0], [sflag:$0x5], $0x4000, $0x38;
	[tilespmem:$0x1C300] =	vst v63  }
0x54: {  	_ =	swait.ge [sflag:s3], $0x4000  }
0x55: {  	[sflag:s3] =	ssyncset.done $0x0  }
0x56: {  	s23 =	rddreg [dreg:$0x14];
	[sflag:s3] =	ssyncadd.s32 $0xFFFFC000  }
0x57: {  	[spmem:s23] =	stream.linear.scatter [tilespmem:s0], [sflag:$0x5], $0x4000, $0x38;
	[tilespmem:$0x1C300] =	vst v63  }
0x58: {  	_ =	swait.ge [sflag:s3], $0x4000  }
0x59: {  	[sflag:s3] =	ssyncset.done $0x0  }
0x5a: {  	s24 =	rddreg [dreg:$0x15];
	[sflag:s3] =	ssyncadd.s32 $0xFFFFC000  }
0x5b: {  	[spmem:s24] =	stream.linear.scatter [tilespmem:s0], [sflag:$0x5], $0x4000, $0x38;
	[tilespmem:$0x1C300] =	vst v63  }
0x5c: {  	_ =	swait.ge [sflag:s3], $0x4000  }
0x5d: {  	[sflag:s3] =	ssyncset.done $0x0  }
0x5e: {  	[sflag:s3] =	ssyncadd.s32 $0xFFFFC000  }
0x5f: {  	[spmem:s31] =	stream.linear.scatter [tilespmem:s0], [sflag:$0x5], $0x4000, $0x38;
	[tilespmem:$0x1C300] =	vst v63  }
0x60: {  	_ =	swait.ge [sflag:s3], $0x4000  }
0x61: {  	[sflag:s3] =	ssyncset.done $0x0  }
0x62: {  	[sflag:s3] =	ssyncadd.s32 $0xFFFFC000  }
0x63: {  	[bflag:$0x0] =	sbarrier.arrive $0xFFFF  }
0x64: {  	s22 =	simm.s32 $0x0;
	s23 =	rddreg [dreg:$0x3]  }
0x65: {  	[tilespmem:s22], [sflag:$0x1] =	stream.linear.gather [hbm4b:s23+s22], $0x80, $0x38;
	[tilespmem:$0x1C300] =	vst v63  }
0x66: {  	s25 =	rddreg [dreg:$0x4]  }
0x67: {  	[tilespmem:s9], [sflag:$0x1] =	stream.linear.gather [hbm4b:s25+s22], $0x80, $0x38;
	[tilespmem:$0x1C300] =	vst v63  }
0x68: {  	s26 =	rddreg [dreg:$0x5]  }
0x69: {  	[tilespmem:s10], [sflag:$0x1] =	stream.linear.gather [hbm4b:s26+s22], $0x80, $0x38;
	[tilespmem:$0x1C300] =	vst v63  }
0x6a: {  	s28 =	rddreg [dreg:$0x6]  }
0x6b: {  	[tilespmem:s11], [sflag:$0x2] =	stream.linear.gather [hbm4b:s28+s22], $0x80, $0x38;
	[tilespmem:$0x1C300] =	vst v63  }
0x6c: {  	s29 =	rddreg [dreg:$0xc]  }
0x6d: {  	[tilespmem:s12], [sflag:$0x2] =	stream.linear.gather [hbm4b:s29+s22], $0x80, $0x38;
	[tilespmem:$0x1C300] =	vst v63  }
0x6e: {  	s30 =	rddreg [dreg:$0xd]  }
0x6f: {  	[tilespmem:s13], [sflag:$0x2] =	stream.linear.gather [hbm4b:s30+s22], $0x80, $0x38;
	[tilespmem:$0x1C300] =	vst v63  }
0x70: {  	_ =	swait.ge [sflag:s14], $0x80  }
0x71: {  	[sflag:s14] =	ssyncset.done $0x0  }
0x72: {  	[sflag:s14] =	ssyncadd.s32 $0xFFFFFF80  }
0x73: {  	_ =	swait.ge [sflag:s14], $0x80  }
0x74: {  	[sflag:s14] =	ssyncset.done $0x0  }
0x75: {  	[sflag:s14] =	ssyncadd.s32 $0xFFFFFF80  }
0x76: {  	_ =	swait.ge [sflag:s14], $0x80  }
0x77: {  	[sflag:s14] =	ssyncset.done $0x0  }
0x78: {  	s23 =	simm.s32 $0x0;
	[sflag:s14] =	ssyncadd.s32 $0xFFFFFF80  }
0x79: {  	[tilespmem:s0], [sflag:$0x3] =	stream.indirect.gather [hbm4b:s4+s9], $0x80, s22, s9, $0xb8;
	[tilespmem:$0x1C300] =	vst v63  }
.LBB2_4:
0x7a: {  	_ =	swait.ge [sflag:s15], $0x80  }
0x7b: {  	[sflag:s15] =	ssyncset.done $0x0  }
0x7c: {  	[sflag:s15] =	ssyncadd.s32 $0xFFFFFF80  }
0x7d: {  	_ =	swait.ge [sflag:s15], $0x80  }
0x7e: {  	[sflag:s15] =	ssyncset.done $0x0  }
0x7f: {  	v1 =	vmov s22;
	s24 =	simm.s32 $0x2;
	[sflag:s15] =	ssyncadd.s32 $0xFFFFFF80  }
0x80: {  	v1 =	vand.u32 $0xFFFFFFFC, v1;
	v2 =	vmov s24;
	_ =	swait.ge [sflag:s15], $0x80  }
0x81: {  	v1 =	vbroadcast v1, $0x0;
	v2 =	vand.u32 $0xFFFFFFFE, v2;
	[sflag:s15] =	ssyncset.done $0x0  }
0x82: {  	v2 =	vbroadcast v2, $0x0;
	[sflag:s15] =	ssyncadd.s32 $0xFFFFFF80  }
0x83: {  	[tilespmem:s16], [sflag:$0x4] =	stream.indirect.gather [hbm4b:s4+s9], $0x80, s11, s9, $0xb8;
	[tilespmem:$0x1C300] =	vst v63  }
0x84: {  	_ =	swait.ge [sflag:s17], $0x4000  }
0x85: {  	[sflag:s17] =	ssyncset.done $0x0  }
0x86: {  	[sflag:s17] =	ssyncadd.s32 $0xFFFFC000  }
0x87: {  	v1 =	vld.idx.msk [tilespmem:v1+s10+$0x0], $0xffff  }
0x88: {  	s25 =	simm.s32 $0x1;
	s24 =	simm.s32 $0x400;
	v2 =	vld.idx.msk [tilespmem:v2+s10+$0x0], $0xffff  }
0x89: {  	v3 =	vmov s25;
	v4 =	vld [tilespmem:s24+$0x70]  }
0x8a: {  	v3 =	vand.u32 $0xFFFFFFFD, v3;
	v5 =	vld [tilespmem:s24+$0xFFFFFF00]  }
0x8b: {  	v3 =	vbroadcast v3, $0x0;
	v6 =	vld [tilespmem:s24+$0xFFFFFF10]  }
0x8c: {  	v7 =	vld [tilespmem:s24+$0xFFFFFF20]  }
0x8d: {  	v8 =	vld [tilespmem:s24+$0xFFFFFF30]  }
0x8e: {  	v9 =	vld [tilespmem:s24+$0xFFFFFF40]  }
0x8f: {  	v10 =	vld [tilespmem:s24+$0xFFFFFF50]  }
0x90: {  	v11 =	vld [tilespmem:s24+$0xFFFFFF60];
	v5 =	vmul.f32 v5, v1  }
0x91: {  	v3 =	vld.idx.msk [tilespmem:v3+s10+$0x0], $0xffff;
	v4 =	vmul.f32 v4, v2  }
0x92: {  	v13 =	vld [tilespmem:s24+$0x40];
	[tilespmem:s24+$0xFFFFFF00] =	vst v5;
	v5 =	vmul.f32 v6, v1  }
0x93: {  	v6 =	vld [tilespmem:s24+$0xFFFFFF70];
	[tilespmem:s24+$0x70] =	vst v4;
	v4 =	vmul.f32 v7, v1  }
0x94: {  	v7 =	vld [tilespmem:s24+$0xFFFFFF80];
	[tilespmem:s24+$0xFFFFFF10] =	vst v5;
	v5 =	vmul.f32 v8, v1  }
0x95: {  	v8 =	vld [tilespmem:s24+$0xFFFFFF90];
	[tilespmem:s24+$0xFFFFFF20] =	vst v4;
	v4 =	vmul.f32 v9, v1  }
0x96: {  	v9 =	vld [tilespmem:s24+$0xFFFFFFA0];
	[tilespmem:s24+$0xFFFFFF30] =	vst v5;
	v5 =	vmul.f32 v10, v1  }
0x97: {  	v10 =	vld [tilespmem:s24+$0xFFFFFFB0];
	[tilespmem:s24+$0xFFFFFF40] =	vst v4;
	v4 =	vmul.f32 v11, v1  }
0x98: {  	v11 =	vld [tilespmem:s24+$0xFFFFFFC0];
	v6 =	vmul.f32 v6, v1;
	[tilespmem:s24+$0xFFFFFF50] =	vst v5  }
0x99: {  	v5 =	vmul.f32 v7, v3;
	v7 =	vld [tilespmem:s24+$0xFFFFFFD0];
	[tilespmem:s24+$0xFFFFFF60] =	vst v4  }
0x9a: {  	s26 =	simm.s32 $0x3;
	v4 =	vld [tilespmem:s24+$0xFFFFFFE0];
	v8 =	vmul.f32 v8, v3;
	[tilespmem:s24+$0xFFFFFF70] =	vst v6  }
0x9b: {  	v12 =	vmov s26;
	v6 =	vld [tilespmem:s24+$0xFFFFFFF0];
	[tilespmem:s24+$0xFFFFFF80] =	vst v5;
	v5 =	vmul.f32 v9, v3  }
0x9c: {  	v9 =	vld [tilespmem:s24+$0x0];
	[tilespmem:s24+$0xFFFFFF90] =	vst v8;
	v8 =	vmul.f32 v10, v3  }
0x9d: {  	v10 =	vld [tilespmem:s24+$0x10];
	[tilespmem:s24+$0xFFFFFFA0] =	vst v5;
	v5 =	vmul.f32 v11, v3  }
0x9e: {  	[tilespmem:s24+$0xFFFFFFB0] =	vst v8;
	v7 =	vmul.f32 v7, v3;
	v8 =	vld [tilespmem:s24+$0x20]  }
0x9f: {  	v11 =	vld [tilespmem:s24+$0x30];
	v4 =	vmul.f32 v4, v3;
	[tilespmem:s24+$0xFFFFFFC0] =	vst v5  }
0xa0: {  	v1 =	vld.idx.msk [tilespmem:v12+s10+$0x0], $0xffff;
	v3 =	vmul.f32 v6, v3;
	[tilespmem:s24+$0xFFFFFFD0] =	vst v7  }
0xa1: {  	[tilespmem:s24+$0xFFFFFFE0] =	vst v4;
	v5 =	vmul.f32 v9, v2;
	v4 =	vld [tilespmem:s24+$0x50]  }
0xa2: {  	s29 =	simm.s32 $0x4;
	[tilespmem:s24+$0xFFFFFFF0] =	vst v3;
	v6 =	vmul.f32 v10, v2;
	v3 =	vld [tilespmem:s24+$0x60]  }
0xa3: {  	s30 =	simm.s32 $0x7;
	v7 =	vmov s29;
	[tilespmem:s24+$0x0] =	vst v5;
	v9 =	vmul.f32 v8, v2;
	v8 =	vld [tilespmem:s24+$0x80]  }
0xa4: {  	s26 =	simm.s32 $0x5;
	v12 =	vand.u32 $0xFFFFFFFC, v7;
	v7 =	vld [tilespmem:s24+$0x90];
	v5 =	vmov s30;
	v10 =	vmul.f32 v11, v2;
	[tilespmem:s24+$0x10] =	vst v6  }
0xa5: {  	s28 =	simm.s32 $0x6;
	s25 =	simm.s32 $0x400;
	v11 =	vmul.f32 v13, v2;
	v6 =	vbroadcast v12, $0x0;
	v12 =	vmov s26;
	s26 =	simm.s32 $0x8;
	[tilespmem:s24+$0x20] =	vst v9;
	v9 =	vld [tilespmem:s24+$0xA0]  }
.LBB2_5:
0xa6: {  	p0 =	slt.u32 s26, $0x7C;
	v12 =	vand.u32 $0xFFFFFFFD, v12;
	v13 =	vmov s28;
	[tilespmem:s24+$0x30] =	vst v10;
	v4 =	vmul.f32 v4, v2;
	v10 =	vld [tilespmem:s24+$0xB0]  }
0xa7: {  	v12 =	vbroadcast v12, $0x0;
	v13 =	vand.u32 $0xFFFFFFFE, v13;
	[tilespmem:s24+$0x40] =	vst v11;
	v2 =	vmul.f32 v3, v2;
	v3 =	vld [tilespmem:s24+$0xC0]  }
0xa8: {  	v11 =	vbroadcast v13, $0x0;
	[tilespmem:s24+$0x50] =	vst v4;
	v4 =	vmul.f32 v8, v1;
	v8 =	vld [tilespmem:s24+$0xD0]  }
0xa9: {  	[tilespmem:s24+$0x60] =	vst v2;
	v2 =	vmul.f32 v7, v1;
	v7 =	vld [tilespmem:s24+$0xE0]  }
0xaa: {  	[tilespmem:s24+$0x80] =	vst v4;
	v4 =	vmul.f32 v9, v1;
	v9 =	vld [tilespmem:s24+$0xF0]  }
0xab: {  	v5 =	vld.idx.msk [tilespmem:v5+s10+$0x0], $0xffff;
	[tilespmem:s24+$0x90] =	vst v2;
	v2 =	vmul.f32 v10, v1  }
0xac: {  	v6 =	vld.idx.msk [tilespmem:v6+s10+$0x0], $0xffff;
	[tilespmem:s24+$0xA0] =	vst v4;
	v3 =	vmul.f32 v3, v1  }
0xad: {  	v4 =	vld.idx.msk [tilespmem:v12+s10+$0x0], $0xffff;
	[tilespmem:s24+$0xB0] =	vst v2;
	v8 =	vmul.f32 v8, v1  }
0xae: {  	s24 =	sadd.s32 $0x200, s24;
	v2 =	vld.idx.msk [tilespmem:v11+s10+$0x0], $0xffff;
	[tilespmem:s25+$0xC0] =	vst v3;
	v3 =	vmul.f32 v7, v1  }
0xaf: {  	v7 =	vld [tilespmem:s24+$0x70];
	[tilespmem:s25+$0xD0] =	vst v8;
	v9 =	vmul.f32 v9, v1  }
0xb0: {  	v8 =	vld [tilespmem:s24+$0xFFFFFF00];
	[tilespmem:s25+$0xE0] =	vst v3  }
0xb1: {  	v1 =	vmov v5;
	v3 =	vld [tilespmem:s24+$0xFFFFFF10];
	[tilespmem:s25+$0xF0] =	vst v9;
	s25 =	smov.u32 s24  }
0xb2: {  	v5 =	vld [tilespmem:s24+$0xFFFFFF20]  }
0xb3: {  	v9 =	vld [tilespmem:s24+$0xFFFFFF30]  }
0xb4: {  	v10 =	vld [tilespmem:s24+$0xFFFFFF40];
	v7 =	vmul.f32 v7, v2  }
0xb5: {  	v8 =	vmul.f32 v8, v6;
	v11 =	vld [tilespmem:s24+$0xFFFFFF50]  }
0xb6: {  	v3 =	vmul.f32 v3, v6;
	v12 =	vld [tilespmem:s24+$0xFFFFFF60];
	[tilespmem:s24+$0x70] =	vst v7  }
0xb7: {  	[tilespmem:s24+$0xFFFFFF00] =	vst v8;
	v5 =	vmul.f32 v5, v6;
	v7 =	vld [tilespmem:s24+$0xFFFFFF70]  }
0xb8: {  	[tilespmem:s24+$0xFFFFFF10] =	vst v3;
	v3 =	vmul.f32 v9, v6;
	v8 =	vld [tilespmem:s24+$0xFFFFFF80]  }
0xb9: {  	[tilespmem:s24+$0xFFFFFF20] =	vst v5;
	v5 =	vmul.f32 v10, v6;
	v9 =	vld [tilespmem:s24+$0xFFFFFF90]  }
0xba: {  	[tilespmem:s24+$0xFFFFFF30] =	vst v3;
	v3 =	vmul.f32 v11, v6;
	v10 =	vld [tilespmem:s24+$0xFFFFFFA0]  }
0xbb: {  	[tilespmem:s24+$0xFFFFFF40] =	vst v5;
	v5 =	vmul.f32 v12, v6;
	v11 =	vld [tilespmem:s24+$0xFFFFFFB0]  }
0xbc: {  	[tilespmem:s24+$0xFFFFFF50] =	vst v3;
	v3 =	vmul.f32 v7, v6;
	v6 =	vld [tilespmem:s24+$0xFFFFFFC0]  }
0xbd: {  	[tilespmem:s24+$0xFFFFFF60] =	vst v5;
	v5 =	vmul.f32 v8, v4;
	v7 =	vld [tilespmem:s24+$0xFFFFFFD0]  }
0xbe: {  	[tilespmem:s24+$0xFFFFFF70] =	vst v3;
	v3 =	vmul.f32 v9, v4;
	v8 =	vld [tilespmem:s24+$0xFFFFFFE0]  }
0xbf: {  	[tilespmem:s24+$0xFFFFFF80] =	vst v5;
	v5 =	vmul.f32 v10, v4;
	v9 =	vld [tilespmem:s24+$0xFFFFFFF0]  }
0xc0: {  	[tilespmem:s24+$0xFFFFFF90] =	vst v3;
	v3 =	vmul.f32 v11, v4;
	v10 =	vld [tilespmem:s24+$0x0]  }
0xc1: {  	[tilespmem:s24+$0xFFFFFFA0] =	vst v5;
	v5 =	vmul.f32 v6, v4;
	v6 =	vld [tilespmem:s24+$0x10]  }
0xc2: {  	[tilespmem:s24+$0xFFFFFFB0] =	vst v3;
	v3 =	vmul.f32 v7, v4;
	v7 =	vld [tilespmem:s24+$0x20]  }
0xc3: {  	[tilespmem:s24+$0xFFFFFFC0] =	vst v5;
	v5 =	vmul.f32 v8, v4;
	v11 =	vld [tilespmem:s24+$0x30]  }
0xc4: {  	[tilespmem:s24+$0xFFFFFFD0] =	vst v3;
	v3 =	vmul.f32 v9, v4;
	v9 =	vld [tilespmem:s24+$0x40]  }
.Ltmp3:
0xc5: {  	[tilespmem:s24+$0xFFFFFFE0] =	vst v5;
	v5 =	vmul.f32 v10, v2;
	v4 =	vld [tilespmem:s24+$0x50];
	(pc) =	sbr.rel @p0 .LBB2_5-.Ltmp3, $4  }
0xc6: {  	[tilespmem:s24+$0xFFFFFFF0] =	vst v3;
	v6 =	vmul.f32 v6, v2;
	v3 =	vld [tilespmem:s24+$0x60]  }
0xc7: {  	s28 =	sadd.s32 $0x3, s26;
	v10 =	vmov s26;
	[tilespmem:s24+$0x0] =	vst v5;
	v13 =	vmul.f32 v7, v2;
	v8 =	vld [tilespmem:s24+$0x80]  }
0xc8: {  	s29 =	sadd.s32 $0x1, s26;
	v12 =	vand.u32 $0xFFFFFFFC, v10;
	v5 =	vmov s28;
	[tilespmem:s24+$0x10] =	vst v6;
	v10 =	vmul.f32 v11, v2;
	v7 =	vld [tilespmem:s24+$0x90]  }
0xc9: {  	s28 =	sadd.s32 $0x2, s26;
	s26 =	sadd.s32 $0x4, s26;
	v6 =	vbroadcast v12, $0x0;
	v12 =	vmov s29;
	[tilespmem:s24+$0x20] =	vst v13;
	v11 =	vmul.f32 v9, v2;
	v9 =	vld [tilespmem:s24+$0xA0]  }
0xca: {  	v13 =	vld [tilespmem:s24+$0xB0]  }
0xcb: {  	v15 =	vld [tilespmem:s24+$0xC0]  }
0xcc: {  	v14 =	vmov s28;
	v16 =	vld [tilespmem:s24+$0xD0]  }
0xcd: {  	v17 =	vld [tilespmem:s24+$0xE0];
	[tilespmem:s24+$0x30] =	vst v10;
	v4 =	vmul.f32 v4, v2;
	v14 =	vand.u32 $0xFFFFFFFE, v14  }
0xce: {  	v12 =	vand.u32 $0xFFFFFFFD, v12;
	v5 =	vld.idx.msk [tilespmem:v5+s10+$0x0], $0xffff;
	[tilespmem:s24+$0x40] =	vst v11;
	v2 =	vmul.f32 v3, v2;
	v14 =	vbroadcast v14, $0x0  }
0xcf: {  	s26 =	sadd.s32 $0x200, s24;
	v12 =	vbroadcast v12, $0x0;
	v3 =	vld.idx.msk [tilespmem:v6+s10+$0x0], $0xffff;
	v8 =	vmul.f32 v8, v1;
	[tilespmem:s24+$0x50] =	vst v4  }
0xd0: {  	v10 =	vld [tilespmem:s26+$0xFFFFFF00];
	v4 =	vmul.f32 v7, v1;
	[tilespmem:s24+$0x60] =	vst v2  }
0xd1: {  	[tilespmem:s24+$0x80] =	vst v8;
	v8 =	vld [tilespmem:s24+$0xF0];
	v2 =	vmul.f32 v9, v1  }
0xd2: {  	v11 =	vld [tilespmem:s26+$0xFFFFFF10];
	[tilespmem:s24+$0x90] =	vst v4;
	v4 =	vmul.f32 v13, v1  }
0xd3: {  	v9 =	vld [tilespmem:s26+$0x70];
	[tilespmem:s24+$0xA0] =	vst v2;
	v2 =	vmul.f32 v15, v1  }
0xd4: {  	[tilespmem:s24+$0xB0] =	vst v4;
	v4 =	vmul.f32 v16, v1;
	v7 =	vld.idx.msk [tilespmem:v14+s10+$0x0], $0xffff  }
0xd5: {  	v6 =	vld.idx.msk [tilespmem:v12+s10+$0x0], $0xffff;
	[tilespmem:s25+$0xC0] =	vst v2;
	v2 =	vmul.f32 v17, v1  }
0xd6: {  	v12 =	vld [tilespmem:s26+$0xFFFFFF20];
	[tilespmem:s25+$0xD0] =	vst v4;
	v1 =	vmul.f32 v8, v1  }
0xd7: {  	v4 =	vld [tilespmem:s26+$0xFFFFFF30];
	[tilespmem:s25+$0xE0] =	vst v2  }
0xd8: {  	v2 =	vld [tilespmem:s26+$0xFFFFFF40];
	[tilespmem:s25+$0xF0] =	vst v1;
	v1 =	vmul.f32 v10, v3  }
0xd9: {  	v8 =	vmul.f32 v9, v7;
	v9 =	vld [tilespmem:s26+$0xFFFFFF50]  }
0xda: {  	v10 =	vmul.f32 v11, v3;
	v11 =	vld [tilespmem:s26+$0xFFFFFF60];
	[tilespmem:s26+$0xFFFFFF00] =	vst v1  }
0xdb: {  	v1 =	vmul.f32 v12, v3;
	[tilespmem:s26+$0x70] =	vst v8;
	v8 =	vld [tilespmem:s26+$0xFFFFFF70]  }
0xdc: {  	[tilespmem:s26+$0xFFFFFF10] =	vst v10;
	v10 =	vld [tilespmem:s26+$0xFFFFFF80];
	v4 =	vmul.f32 v4, v3  }
0xdd: {  	[tilespmem:s26+$0xFFFFFF20] =	vst v1;
	v1 =	vmul.f32 v2, v3;
	v2 =	vld [tilespmem:s26+$0xFFFFFF90]  }
0xde: {  	[tilespmem:s26+$0xFFFFFF30] =	vst v4;
	v4 =	vmul.f32 v9, v3;
	v9 =	vld [tilespmem:s26+$0xFFFFFFA0]  }
0xdf: {  	[tilespmem:s26+$0xFFFFFF40] =	vst v1;
	v1 =	vmul.f32 v11, v3;
	v11 =	vld [tilespmem:s26+$0xFFFFFFB0]  }
0xe0: {  	[tilespmem:s26+$0xFFFFFF50] =	vst v4;
	v3 =	vmul.f32 v8, v3;
	v4 =	vld [tilespmem:s26+$0xFFFFFFC0]  }
0xe1: {  	[tilespmem:s26+$0xFFFFFF60] =	vst v1;
	v1 =	vmul.f32 v10, v6;
	v8 =	vld [tilespmem:s26+$0xFFFFFFD0]  }
0xe2: {  	v2 =	vmul.f32 v2, v6;
	[tilespmem:s26+$0xFFFFFF70] =	vst v3;
	v3 =	vld [tilespmem:s26+$0xFFFFFFE0]  }
0xe3: {  	[tilespmem:s26+$0xFFFFFF80] =	vst v1;
	v1 =	vmul.f32 v9, v6;
	v9 =	vld [tilespmem:s26+$0xFFFFFFF0]  }
0xe4: {  	v10 =	vld [tilespmem:s26+$0x0];
	[tilespmem:s26+$0xFFFFFF90] =	vst v2;
	v2 =	vmul.f32 v11, v6  }
0xe5: {  	[tilespmem:s26+$0xFFFFFFA0] =	vst v1;
	v1 =	vmul.f32 v4, v6;
	v4 =	vld [tilespmem:s26+$0x10]  }
0xe6: {  	[tilespmem:s26+$0xFFFFFFB0] =	vst v2;
	v2 =	vmul.f32 v8, v6;
	v8 =	vld [tilespmem:s26+$0x20]  }
0xe7: {  	[tilespmem:s26+$0xFFFFFFC0] =	vst v1;
	v1 =	vmul.f32 v3, v6;
	v3 =	vld [tilespmem:s26+$0x30]  }
0xe8: {  	[tilespmem:s26+$0xFFFFFFD0] =	vst v2;
	v2 =	vmul.f32 v9, v6;
	v6 =	vld [tilespmem:s26+$0x40]  }
0xe9: {  	v9 =	vld [tilespmem:s26+$0x50];
	[tilespmem:s26+$0xFFFFFFE0] =	vst v1;
	v1 =	vmul.f32 v10, v7  }
0xea: {  	[tilespmem:s26+$0xFFFFFFF0] =	vst v2;
	v2 =	vmul.f32 v4, v7;
	v4 =	vld [tilespmem:s26+$0x60]  }
0xeb: {  	[tilespmem:s26+$0x0] =	vst v1;
	v1 =	vmul.f32 v8, v7;
	v8 =	vld [tilespmem:s26+$0x80]  }
0xec: {  	[tilespmem:s26+$0x10] =	vst v2;
	v2 =	vmul.f32 v3, v7;
	v3 =	vld [tilespmem:s26+$0x90]  }
0xed: {  	[tilespmem:s26+$0x20] =	vst v1;
	v1 =	vmul.f32 v6, v7;
	v6 =	vld [tilespmem:s26+$0xA0]  }
0xee: {  	[tilespmem:s26+$0x30] =	vst v2;
	v2 =	vmul.f32 v9, v7;
	v9 =	vld [tilespmem:s26+$0xB0]  }
0xef: {  	[tilespmem:s26+$0x40] =	vst v1;
	v1 =	vmul.f32 v4, v7;
	v4 =	vld [tilespmem:s26+$0xC0]  }
0xf0: {  	v7 =	vld [tilespmem:s26+$0xD0];
	[tilespmem:s26+$0x50] =	vst v2;
	v2 =	vmul.f32 v8, v5  }
0xf1: {  	[tilespmem:s26+$0x60] =	vst v1;
	v1 =	vmul.f32 v3, v5;
	v3 =	vld [tilespmem:s26+$0xE0]  }
0xf2: {  	[tilespmem:s26+$0x80] =	vst v2;
	v2 =	vmul.f32 v6, v5;
	v6 =	vld [tilespmem:s26+$0xF0]  }
0xf3: {  	[tilespmem:s26+$0x90] =	vst v1;
	v1 =	vmul.f32 v9, v5  }
0xf4: {  	[tilespmem:s26+$0xA0] =	vst v2;
	v2 =	vmul.f32 v4, v5  }
0xf5: {  	[tilespmem:s26+$0xB0] =	vst v1;
	v1 =	vmul.f32 v7, v5  }
0xf6: {  	[tilespmem:s26+$0xC0] =	vst v2;
	v2 =	vmul.f32 v3, v5  }
0xf7: {  	[tilespmem:s26+$0xD0] =	vst v1;
	v1 =	vmul.f32 v6, v5  }
0xf8: {  	[tilespmem:s26+$0xE0] =	vst v2  }
0xf9: {  	p0 =	seq.s32 s23, $0x27;
	s24 =	sshll.u32 s23, $0x8;
	[tilespmem:s26+$0xF0] =	vst v1  }
0xfa: {  	[spmem:s1] =	stream.indirect.scatter.add.f32 [tilespmem:s0], [sflag:$0x5], $0x80, s9, s9, $0xb8;
	[tilespmem:$0x1C300] =	vst v63  }
0xfb: {  	s25 =	sadd.s32 @!p0 s24, s20;
	_ =	swait.ge [sflag:s3], $0x4000  }
0xfc: {  	s25 =	sshrl.u32 @!p0 s25, $0x3;
	[sflag:s3] =	ssyncset.done $0x0  }
0xfd: {  	s28 =	simm.s32 @!p0 $0x0;
	s26 =	sadd.s32 @!p0 s5, s25;
	[sflag:s3] =	ssyncadd.s32 $0xFFFFC000  }
0xfe: {  	[tilespmem:s28], [sflag:$0x1] =	stream.linear.gather @!p0 [hbm4b:s26+s28], $0x80, $0x38;
	[tilespmem:$0x1C300] =	vst v63  }
0xff: {  	s29 =	simm.s32 @!p0 $0x80;
	s26 =	sadd.s32 @!p0 s6, s25  }
0x100: {  	[tilespmem:s29], [sflag:$0x1] =	stream.linear.gather @!p0 [hbm4b:s26+s28], $0x80, $0x38;
	[tilespmem:$0x1C300] =	vst v63  }
0x101: {  	s25 =	sadd.s32 @!p0 s7, s25;
	s26 =	simm.s32 @!p0 $0x200  }
0x102: {  	[tilespmem:s26], [sflag:$0x1] =	stream.linear.gather @!p0 [hbm4b:s25+s28], $0x80, $0x38;
	[tilespmem:$0x1C300] =	vst v63  }
0x103: {  	s25 =	simm.s32 @!p0 $0x1  }
0x104: {  	_ =	swait.ge @!p0 [sflag:s25], $0x80  }
0x105: {  	[sflag:s25] =	ssyncset.done @!p0 $0x0  }
0x106: {  	[sflag:s25] =	ssyncadd.s32 @!p0 $0xFFFFFF80  }
0x107: {  	_ =	swait.ge @!p0 [sflag:s25], $0x80  }
0x108: {  	s30 =	simm.s32 $0x0;
	[sflag:s25] =	ssyncset.done @!p0 $0x0  }
0x109: {  	v1 =	vmov s30;
	s30 =	simm.s32 $0x2;
	[sflag:s25] =	ssyncadd.s32 @!p0 $0xFFFFFF80  }
0x10a: {  	v1 =	vand.u32 $0xFFFFFFFC, v1;
	v2 =	vmov s30;
	_ =	swait.ge @!p0 [sflag:s25], $0x80  }
0x10b: {  	v1 =	vbroadcast v1, $0x0;
	v2 =	vand.u32 $0xFFFFFFFE, v2;
	[sflag:s25] =	ssyncset.done @!p0 $0x0  }
0x10c: {  	v2 =	vbroadcast v2, $0x0;
	[sflag:s25] =	ssyncadd.s32 @!p0 $0xFFFFFF80;
	s25 =	simm.s32 @!p0 $0x300  }
0x10d: {  	[tilespmem:s25], [sflag:$0x3] =	stream.indirect.gather @!p0 [hbm4b:s4+s29], $0x80, s28, s29, $0xb8;
	[tilespmem:$0x1C300] =	vst v63  }
0x10e: {  	_ =	swait.ge [sflag:s18], $0x4000  }
0x10f: {  	[sflag:s18] =	ssyncset.done $0x0  }
0x110: {  	[sflag:s18] =	ssyncadd.s32 $0xFFFFC000  }
0x111: {  	v1 =	vld.idx.msk [tilespmem:v1+s13+$0x0], $0xffff  }
0x112: {  	s30 =	simm.s32 $0x1;
	s25 =	simm.s32 $0x4400;
	v2 =	vld.idx.msk [tilespmem:v2+s13+$0x0], $0xffff  }
0x113: {  	v3 =	vmov s30;
	v4 =	vld [tilespmem:s25+$0x70]  }
0x114: {  	v3 =	vand.u32 $0xFFFFFFFD, v3;
	v5 =	vld [tilespmem:s25+$0xFFFFFF00]  }
0x115: {  	v3 =	vbroadcast v3, $0x0;
	v6 =	vld [tilespmem:s25+$0xFFFFFF10]  }
0x116: {  	v7 =	vld [tilespmem:s25+$0xFFFFFF20]  }
0x117: {  	v8 =	vld [tilespmem:s25+$0xFFFFFF30]  }
0x118: {  	v9 =	vld [tilespmem:s25+$0xFFFFFF40]  }
0x119: {  	v10 =	vld [tilespmem:s25+$0xFFFFFF50]  }
0x11a: {  	v11 =	vld [tilespmem:s25+$0xFFFFFF60];
	v5 =	vmul.f32 v5, v1  }
0x11b: {  	v3 =	vld.idx.msk [tilespmem:v3+s13+$0x0], $0xffff;
	v4 =	vmul.f32 v4, v2  }
0x11c: {  	v13 =	vld [tilespmem:s25+$0x40];
	[tilespmem:s25+$0xFFFFFF00] =	vst v5;
	v5 =	vmul.f32 v6, v1  }
0x11d: {  	v6 =	vld [tilespmem:s25+$0xFFFFFF70];
	[tilespmem:s25+$0x70] =	vst v4;
	v4 =	vmul.f32 v7, v1  }
0x11e: {  	v7 =	vld [tilespmem:s25+$0xFFFFFF80];
	[tilespmem:s25+$0xFFFFFF10] =	vst v5;
	v5 =	vmul.f32 v8, v1  }
0x11f: {  	v8 =	vld [tilespmem:s25+$0xFFFFFF90];
	[tilespmem:s25+$0xFFFFFF20] =	vst v4;
	v4 =	vmul.f32 v9, v1  }
0x120: {  	v9 =	vld [tilespmem:s25+$0xFFFFFFA0];
	[tilespmem:s25+$0xFFFFFF30] =	vst v5;
	v5 =	vmul.f32 v10, v1  }
0x121: {  	v10 =	vld [tilespmem:s25+$0xFFFFFFB0];
	[tilespmem:s25+$0xFFFFFF40] =	vst v4;
	v4 =	vmul.f32 v11, v1  }
0x122: {  	v11 =	vld [tilespmem:s25+$0xFFFFFFC0];
	v6 =	vmul.f32 v6, v1;
	[tilespmem:s25+$0xFFFFFF50] =	vst v5  }
0x123: {  	v5 =	vmul.f32 v7, v3;
	v7 =	vld [tilespmem:s25+$0xFFFFFFD0];
	[tilespmem:s25+$0xFFFFFF60] =	vst v4  }
0x124: {  	s30 =	simm.s32 $0x3;
	v4 =	vld [tilespmem:s25+$0xFFFFFFE0];
	v8 =	vmul.f32 v8, v3;
	[tilespmem:s25+$0xFFFFFF70] =	vst v6  }
0x125: {  	v12 =	vmov s30;
	v6 =	vld [tilespmem:s25+$0xFFFFFFF0];
	[tilespmem:s25+$0xFFFFFF80] =	vst v5;
	v5 =	vmul.f32 v9, v3  }
0x126: {  	v9 =	vld [tilespmem:s25+$0x0];
	[tilespmem:s25+$0xFFFFFF90] =	vst v8;
	v8 =	vmul.f32 v10, v3  }
0x127: {  	v10 =	vld [tilespmem:s25+$0x10];
	[tilespmem:s25+$0xFFFFFFA0] =	vst v5;
	v5 =	vmul.f32 v11, v3  }
0x128: {  	[tilespmem:s25+$0xFFFFFFB0] =	vst v8;
	v7 =	vmul.f32 v7, v3;
	v8 =	vld [tilespmem:s25+$0x20]  }
0x129: {  	v11 =	vld [tilespmem:s25+$0x30];
	v4 =	vmul.f32 v4, v3;
	[tilespmem:s25+$0xFFFFFFC0] =	vst v5  }
0x12a: {  	v1 =	vld.idx.msk [tilespmem:v12+s13+$0x0], $0xffff;
	v3 =	vmul.f32 v6, v3;
	[tilespmem:s25+$0xFFFFFFD0] =	vst v7  }
0x12b: {  	[tilespmem:s25+$0xFFFFFFE0] =	vst v4;
	v5 =	vmul.f32 v9, v2;
	v4 =	vld [tilespmem:s25+$0x50]  }
0x12c: {  	s30 =	simm.s32 $0x4;
	[tilespmem:s25+$0xFFFFFFF0] =	vst v3;
	v6 =	vmul.f32 v10, v2;
	v3 =	vld [tilespmem:s25+$0x60]  }
0x12d: {  	v7 =	vmov s30;
	s30 =	simm.s32 $0x7;
	[tilespmem:s25+$0x0] =	vst v5;
	v9 =	vmul.f32 v8, v2;
	v8 =	vld [tilespmem:s25+$0x80]  }
0x12e: {  	s28 =	simm.s32 $0x5;
	v12 =	vand.u32 $0xFFFFFFFC, v7;
	v7 =	vld [tilespmem:s25+$0x90];
	v5 =	vmov s30;
	v10 =	vmul.f32 v11, v2;
	[tilespmem:s25+$0x10] =	vst v6  }
0x12f: {  	s26 =	simm.s32 $0x4400;
	s29 =	simm.s32 $0x6;
	v11 =	vmul.f32 v13, v2;
	v6 =	vbroadcast v12, $0x0;
	v12 =	vmov s28;
	s28 =	simm.s32 $0x8;
	[tilespmem:s25+$0x20] =	vst v9;
	v9 =	vld [tilespmem:s25+$0xA0]  }
.LBB2_7:
0x130: {  	p1 =	slt.u32 s28, $0x7C;
	v12 =	vand.u32 $0xFFFFFFFD, v12;
	v13 =	vmov s29;
	[tilespmem:s25+$0x30] =	vst v10;
	v4 =	vmul.f32 v4, v2;
	v10 =	vld [tilespmem:s25+$0xB0]  }
0x131: {  	v12 =	vbroadcast v12, $0x0;
	v13 =	vand.u32 $0xFFFFFFFE, v13;
	[tilespmem:s25+$0x40] =	vst v11;
	v2 =	vmul.f32 v3, v2;
	v3 =	vld [tilespmem:s25+$0xC0]  }
0x132: {  	v11 =	vbroadcast v13, $0x0;
	[tilespmem:s25+$0x50] =	vst v4;
	v4 =	vmul.f32 v8, v1;
	v8 =	vld [tilespmem:s25+$0xD0]  }
0x133: {  	[tilespmem:s25+$0x60] =	vst v2;
	v2 =	vmul.f32 v7, v1;
	v7 =	vld [tilespmem:s25+$0xE0]  }
0x134: {  	[tilespmem:s25+$0x80] =	vst v4;
	v4 =	vmul.f32 v9, v1;
	v9 =	vld [tilespmem:s25+$0xF0]  }
0x135: {  	v5 =	vld.idx.msk [tilespmem:v5+s13+$0x0], $0xffff;
	[tilespmem:s25+$0x90] =	vst v2;
	v2 =	vmul.f32 v10, v1  }
0x136: {  	v6 =	vld.idx.msk [tilespmem:v6+s13+$0x0], $0xffff;
	[tilespmem:s25+$0xA0] =	vst v4;
	v3 =	vmul.f32 v3, v1  }
0x137: {  	v4 =	vld.idx.msk [tilespmem:v12+s13+$0x0], $0xffff;
	[tilespmem:s25+$0xB0] =	vst v2;
	v8 =	vmul.f32 v8, v1  }
0x138: {  	s25 =	sadd.s32 $0x200, s25;
	v2 =	vld.idx.msk [tilespmem:v11+s13+$0x0], $0xffff;
	[tilespmem:s26+$0xC0] =	vst v3;
	v3 =	vmul.f32 v7, v1  }
0x139: {  	v7 =	vld [tilespmem:s25+$0x70];
	[tilespmem:s26+$0xD0] =	vst v8;
	v9 =	vmul.f32 v9, v1  }
0x13a: {  	v8 =	vld [tilespmem:s25+$0xFFFFFF00];
	[tilespmem:s26+$0xE0] =	vst v3  }
0x13b: {  	v1 =	vmov v5;
	v3 =	vld [tilespmem:s25+$0xFFFFFF10];
	[tilespmem:s26+$0xF0] =	vst v9;
	s26 =	smov.u32 s25  }
0x13c: {  	v5 =	vld [tilespmem:s25+$0xFFFFFF20]  }
0x13d: {  	v9 =	vld [tilespmem:s25+$0xFFFFFF30]  }
0x13e: {  	v10 =	vld [tilespmem:s25+$0xFFFFFF40];
	v7 =	vmul.f32 v7, v2  }
0x13f: {  	v8 =	vmul.f32 v8, v6;
	v11 =	vld [tilespmem:s25+$0xFFFFFF50]  }
0x140: {  	v3 =	vmul.f32 v3, v6;
	v12 =	vld [tilespmem:s25+$0xFFFFFF60];
	[tilespmem:s25+$0x70] =	vst v7  }
0x141: {  	[tilespmem:s25+$0xFFFFFF00] =	vst v8;
	v5 =	vmul.f32 v5, v6;
	v7 =	vld [tilespmem:s25+$0xFFFFFF70]  }
0x142: {  	[tilespmem:s25+$0xFFFFFF10] =	vst v3;
	v3 =	vmul.f32 v9, v6;
	v8 =	vld [tilespmem:s25+$0xFFFFFF80]  }
0x143: {  	[tilespmem:s25+$0xFFFFFF20] =	vst v5;
	v5 =	vmul.f32 v10, v6;
	v9 =	vld [tilespmem:s25+$0xFFFFFF90]  }
0x144: {  	[tilespmem:s25+$0xFFFFFF30] =	vst v3;
	v3 =	vmul.f32 v11, v6;
	v10 =	vld [tilespmem:s25+$0xFFFFFFA0]  }
0x145: {  	[tilespmem:s25+$0xFFFFFF40] =	vst v5;
	v5 =	vmul.f32 v12, v6;
	v11 =	vld [tilespmem:s25+$0xFFFFFFB0]  }
0x146: {  	[tilespmem:s25+$0xFFFFFF50] =	vst v3;
	v3 =	vmul.f32 v7, v6;
	v6 =	vld [tilespmem:s25+$0xFFFFFFC0]  }
0x147: {  	[tilespmem:s25+$0xFFFFFF60] =	vst v5;
	v5 =	vmul.f32 v8, v4;
	v7 =	vld [tilespmem:s25+$0xFFFFFFD0]  }
0x148: {  	[tilespmem:s25+$0xFFFFFF70] =	vst v3;
	v3 =	vmul.f32 v9, v4;
	v8 =	vld [tilespmem:s25+$0xFFFFFFE0]  }
0x149: {  	[tilespmem:s25+$0xFFFFFF80] =	vst v5;
	v5 =	vmul.f32 v10, v4;
	v9 =	vld [tilespmem:s25+$0xFFFFFFF0]  }
0x14a: {  	[tilespmem:s25+$0xFFFFFF90] =	vst v3;
	v3 =	vmul.f32 v11, v4;
	v10 =	vld [tilespmem:s25+$0x0]  }
0x14b: {  	[tilespmem:s25+$0xFFFFFFA0] =	vst v5;
	v5 =	vmul.f32 v6, v4;
	v6 =	vld [tilespmem:s25+$0x10]  }
0x14c: {  	[tilespmem:s25+$0xFFFFFFB0] =	vst v3;
	v3 =	vmul.f32 v7, v4;
	v7 =	vld [tilespmem:s25+$0x20]  }
0x14d: {  	[tilespmem:s25+$0xFFFFFFC0] =	vst v5;
	v5 =	vmul.f32 v8, v4;
	v11 =	vld [tilespmem:s25+$0x30]  }
0x14e: {  	[tilespmem:s25+$0xFFFFFFD0] =	vst v3;
	v3 =	vmul.f32 v9, v4;
	v9 =	vld [tilespmem:s25+$0x40]  }
.Ltmp4:
0x14f: {  	[tilespmem:s25+$0xFFFFFFE0] =	vst v5;
	v5 =	vmul.f32 v10, v2;
	v4 =	vld [tilespmem:s25+$0x50];
	(pc) =	sbr.rel @p1 .LBB2_7-.Ltmp4, $4  }
0x150: {  	[tilespmem:s25+$0xFFFFFFF0] =	vst v3;
	v6 =	vmul.f32 v6, v2;
	v3 =	vld [tilespmem:s25+$0x60]  }
0x151: {  	s29 =	sadd.s32 $0x3, s28;
	v10 =	vmov s28;
	[tilespmem:s25+$0x0] =	vst v5;
	v13 =	vmul.f32 v7, v2;
	v8 =	vld [tilespmem:s25+$0x80]  }
0x152: {  	s30 =	sadd.s32 $0x1, s28;
	v12 =	vand.u32 $0xFFFFFFFC, v10;
	v5 =	vmov s29;
	[tilespmem:s25+$0x10] =	vst v6;
	v10 =	vmul.f32 v11, v2;
	v7 =	vld [tilespmem:s25+$0x90]  }
0x153: {  	s29 =	sadd.s32 $0x2, s28;
	s28 =	sadd.s32 $0x4, s28;
	v6 =	vbroadcast v12, $0x0;
	v12 =	vmov s30;
	[tilespmem:s25+$0x20] =	vst v13;
	v11 =	vmul.f32 v9, v2;
	v9 =	vld [tilespmem:s25+$0xA0]  }
0x154: {  	v13 =	vld [tilespmem:s25+$0xB0]  }
0x155: {  	v15 =	vld [tilespmem:s25+$0xC0]  }
0x156: {  	v16 =	vld [tilespmem:s25+$0xD0]  }
0x157: {  	v17 =	vld [tilespmem:s25+$0xE0]  }
0x158: {  	v29 =	vld [tilespmem:s25+$0xF0];
	[tilespmem:s25+$0x30] =	vst v10;
	v4 =	vmul.f32 v4, v2  }
0x159: {  	v5 =	vld.idx.msk [tilespmem:v5+s13+$0x0], $0xffff;
	[tilespmem:s25+$0x40] =	vst v11;
	v2 =	vmul.f32 v3, v2  }
0x15a: {  	s28 =	sadd.s32 $0x200, s25;
	v3 =	vld.idx.msk [tilespmem:v6+s13+$0x0], $0xffff;
	v8 =	vmul.f32 v8, v1;
	[tilespmem:s25+$0x50] =	vst v4  }
0x15b: {  	v14 =	vmov s29;
	v34 =	vld [tilespmem:s28+$0x70];
	v30 =	vmul.f32 v7, v1;
	[tilespmem:s25+$0x60] =	vst v2  }
0x15c: {  	v14 =	vand.u32 $0xFFFFFFFE, v14;
	v35 =	vld [tilespmem:s28+$0xFFFFFF00];
	[tilespmem:s25+$0x80] =	vst v8;
	v2 =	vmul.f32 v9, v1  }
0x15d: {  	v37 =	vld [tilespmem:s28+$0xFFFFFF10];
	v14 =	vbroadcast v14, $0x0;
	[tilespmem:s25+$0x90] =	vst v30;
	v33 =	vmul.f32 v13, v1  }
0x15e: {  	v38 =	vld [tilespmem:s28+$0xFFFFFF20];
	[tilespmem:s25+$0xA0] =	vst v2;
	v2 =	vmul.f32 v15, v1  }
0x15f: {  	v12 =	vand.u32 $0xFFFFFFFD, v12;
	v39 =	vld [tilespmem:s28+$0xFFFFFF30];
	v36 =	vmul.f32 v16, v1;
	[tilespmem:s25+$0xB0] =	vst v33  }
0x160: {  	v12 =	vbroadcast v12, $0x0;
	v41 =	vld [tilespmem:s28+$0xFFFFFF50];
	[tilespmem:s26+$0xC0] =	vst v2;
	v2 =	vmul.f32 v17, v1  }
0x161: {  	v43 =	vld [tilespmem:s28+$0xFFFFFF60];
	[tilespmem:s26+$0xD0] =	vst v36;
	v1 =	vmul.f32 v29, v1  }
0x162: {  	v42 =	vmul.f32 v37, v3;
	[tilespmem:s26+$0xE0] =	vst v2;
	v2 =	vld [tilespmem:s28+$0xFFFFFF40]  }
0x163: {  	v32 =	vld.idx.msk [tilespmem:v14+s13+$0x0], $0xffff;
	[tilespmem:s26+$0xF0] =	vst v1;
	v1 =	vmul.f32 v35, v3  }
0x164: {  	v44 =	vld [tilespmem:s28+$0xFFFFFF70];
	v4 =	vmul.f32 v39, v3;
	[tilespmem:s28+$0xFFFFFF10] =	vst v42  }
0x165: {  	v45 =	vld [tilespmem:s28+$0xFFFFFF80];
	[tilespmem:s28+$0xFFFFFF00] =	vst v1;
	v1 =	vmul.f32 v38, v3  }
0x166: {  	v46 =	vmul.f32 v41, v3;
	v31 =	vld.idx.msk [tilespmem:v12+s13+$0x0], $0xffff;
	[tilespmem:s28+$0xFFFFFF30] =	vst v4  }
0x167: {  	[tilespmem:s28+$0xFFFFFF20] =	vst v1;
	v1 =	vmul.f32 v2, v3;
	v2 =	vld [tilespmem:s28+$0xFFFFFF90]  }
0x168: {  	v47 =	vld [tilespmem:s28+$0xFFFFFFA0];
	[tilespmem:s28+$0xFFFFFF50] =	vst v46;
	v40 =	vmul.f32 v34, v32  }
0x169: {  	v48 =	vld [tilespmem:s28+$0xFFFFFFB0];
	[tilespmem:s28+$0xFFFFFF40] =	vst v1;
	v1 =	vmul.f32 v43, v3  }
0x16a: {  	v49 =	vld [tilespmem:s28+$0xFFFFFFC0];
	[tilespmem:s28+$0x70] =	vst v40;
	v3 =	vmul.f32 v44, v3  }
0x16b: {  	v50 =	vld [tilespmem:s28+$0xFFFFFFD0];
	[tilespmem:s28+$0xFFFFFF60] =	vst v1;
	v1 =	vmul.f32 v45, v31  }
0x16c: {  	[tilespmem:s28+$0xFFFFFF70] =	vst v3;
	v3 =	vld [tilespmem:s28+$0xFFFFFFE0];
	v2 =	vmul.f32 v2, v31  }
0x16d: {  	v51 =	vld [tilespmem:s28+$0xFFFFFFF0];
	[tilespmem:s28+$0xFFFFFF80] =	vst v1;
	v1 =	vmul.f32 v47, v31  }
0x16e: {  	v52 =	vld [tilespmem:s28+$0x0];
	[tilespmem:s28+$0xFFFFFF90] =	vst v2;
	v2 =	vmul.f32 v48, v31  }
0x16f: {  	v53 =	vld [tilespmem:s28+$0x10];
	[tilespmem:s28+$0xFFFFFFA0] =	vst v1;
	v1 =	vmul.f32 v49, v31  }
0x170: {  	v54 =	vld [tilespmem:s28+$0x20];
	[tilespmem:s28+$0xFFFFFFB0] =	vst v2;
	v2 =	vmul.f32 v50, v31  }
0x171: {  	[tilespmem:s28+$0xFFFFFFC0] =	vst v1;
	v1 =	vmul.f32 v3, v31;
	v3 =	vld [tilespmem:s28+$0x30]  }
0x172: {  	v55 =	vld [tilespmem:s28+$0x40];
	[tilespmem:s28+$0xFFFFFFD0] =	vst v2;
	v2 =	vmul.f32 v51, v31  }
0x173: {  	v56 =	vld [tilespmem:s28+$0x50];
	[tilespmem:s28+$0xFFFFFFE0] =	vst v1;
	v1 =	vmul.f32 v52, v32  }
0x174: {  	v57 =	vld [tilespmem:s28+$0x60];
	[tilespmem:s28+$0xFFFFFFF0] =	vst v2;
	v2 =	vmul.f32 v53, v32  }
0x175: {  	v58 =	vld [tilespmem:s28+$0x80];
	[tilespmem:s28+$0x0] =	vst v1;
	v1 =	vmul.f32 v54, v32  }
0x176: {  	[tilespmem:s28+$0x10] =	vst v2;
	v2 =	vmul.f32 v3, v32;
	v3 =	vld [tilespmem:s28+$0x90]  }
0x177: {  	v59 =	vld [tilespmem:s28+$0xA0];
	[tilespmem:s28+$0x20] =	vst v1;
	v1 =	vmul.f32 v55, v32  }
0x178: {  	v60 =	vld [tilespmem:s28+$0xB0];
	[tilespmem:s28+$0x30] =	vst v2;
	v2 =	vmul.f32 v56, v32  }
0x179: {  	v61 =	vld [tilespmem:s28+$0xC0];
	[tilespmem:s28+$0x40] =	vst v1;
	v1 =	vmul.f32 v57, v32  }
0x17a: {  	v62 =	vld [tilespmem:s28+$0xD0];
	[tilespmem:s28+$0x50] =	vst v2;
	v2 =	vmul.f32 v58, v5  }
0x17b: {  	[tilespmem:s28+$0x60] =	vst v1;
	v1 =	vmul.f32 v3, v5;
	v3 =	vld [tilespmem:s28+$0xE0]  }
0x17c: {  	v63 =	vld [tilespmem:s28+$0xF0];
	[tilespmem:s28+$0x80] =	vst v2;
	v2 =	vmul.f32 v59, v5  }
0x17d: {  	[tilespmem:s28+$0x90] =	vst v1;
	v1 =	vmul.f32 v60, v5  }
0x17e: {  	[tilespmem:s28+$0xA0] =	vst v2;
	v2 =	vmul.f32 v61, v5  }
0x17f: {  	[tilespmem:s28+$0xB0] =	vst v1;
	v1 =	vmul.f32 v62, v5  }
0x180: {  	[tilespmem:s28+$0xC0] =	vst v2;
	v2 =	vmul.f32 v3, v5  }
0x181: {  	[tilespmem:s28+$0xD0] =	vst v1;
	v1 =	vmul.f32 v63, v5  }
0x182: {  	[tilespmem:s28+$0xE0] =	vst v2  }
.Ltmp5:
0x183: {  	[tilespmem:s28+$0xF0] =	vst v1;
	(pc) =	sbr.rel @p0 .LBB2_10-.Ltmp5, $4  }
0x184: {  	[spmem:s1] =	stream.indirect.scatter.add.f32 [tilespmem:s16], [sflag:$0x5], $0x80, s12, s9, $0xb8;
	[tilespmem:$0x1C300] =	vst v63  }
0x185: {  	_ =	swait.ge [sflag:s3], $0x4000  }
0x186: {  	[sflag:s3] =	ssyncset.done $0x0  }
0x187: {  	[sflag:s3] =	ssyncadd.s32 $0xFFFFC000  }
0x188: {  	s24 =	sadd.s32 s24, s21  }
0x189: {  	s24 =	sshrl.u32 s24, $0x3  }
0x18a: {  	s25 =	sadd.s32 s5, s24  }
0x18b: {  	[tilespmem:s11], [sflag:$0x2] =	stream.linear.gather [hbm4b:s25+s2], $0x80, $0x38;
	[tilespmem:$0x1C300] =	vst v63  }
.Ltmp6:
0x18c: {  	_ = 	snop;
	(pc) =	sbr.rel .LBB2_4-.Ltmp6, $4  }
0x18d: {  	s30 =	sadd.s32 s6, s24  }
0x18e: {  	[tilespmem:s12], [sflag:$0x2] =	stream.linear.gather [hbm4b:s30+s2], $0x80, $0x38;
	[tilespmem:$0x1C300] =	vst v63  }
0x18f: {  	s23 =	sadd.s32 $0x1, s23;
	s24 =	sadd.s32 s7, s24  }
0x190: {  	[tilespmem:s13], [sflag:$0x2] =	stream.linear.gather [hbm4b:s24+s2], $0x80, $0x38;
	[tilespmem:$0x1C300] =	vst v63  }
.LBB2_11:
0x191: {  	_ =	sfence.sel $0x180000  }
0x192: {  	[bflag:$0x0] =	sbarrier.arrive $0xFFFF  }
0x193: {  	_ =	strace $0x9000004A  }
0x194: {  	s0 =	stileid.u32;
	[bflag:$0x2] =	sbarrier.arrive $0xFFFF  }
0x195: {  	p0 =	sne.s32 s0, $0x0;
	s0 =	rddreg [dreg:$0x2]  }
0x196: {  	s0 =	sadd.s32 @!p0 $0x100000, s0  }
0x197: {  	[sflag:s0] =	ssyncadd.tile.s32 @!p0 $0x1;
	_ =	shalt  }
.Lfunc_end2:
_tile_overlayer_lowered:
.L_overlay_start_2:
0x198: {  	(tag) =	ssettag $0x2  }
0x199: {  	s0 =	rddreg [dreg:$0x0];
	s2 =	stileid.u32  }
0x19a: {  	s1 =	rddreg [dreg:$0x1];
	p0 =	sne.s32 s2, $0x0  }
0x19b: {  	s3 =	rddreg [dreg:$0x2];
	[bflag:$0x3] =	sbarrier.arrive $0xFFFF;
	s2 =	simm.s32 @!p0 $0x1C05  }
0x19c: {  	[timem:s3], [sflag:s2] =	dma.local @!p0 [hbm:s0], s1  }
0x19d: {  	s0 =	simm.s32 @!p0 $0x5  }
0x19e: {  	_ =	swait.ge @!p0 [sflag:s0], s1  }
0x19f: {  	s1 =	ssub.s32 @!p0 $0x0, s1;
	[sflag:s0] =	ssyncset.done @!p0 $0x0  }
0x1a0: {  	[sflag:s0] =	ssyncadd.s32 @!p0 s1  }
0x1a1: {  	[bflag:$0x3] =	sbarrier.arrive $0xFFFF  }
0x1a2: {  	_ =	shalt  }

// kernel: kernel.17.cloned.1.call-start
scs
__scs_entry_jumppad:
0x0: {  	(pc) =	sbr.rel $0x88, $3  }
0x1: {  	(tag) =	ssettag $0x0;
	lr =	simm.s32 $0x1  }
0x2: {  	[smem:$0x3F91] =	sst lr;
	_ =	strace $0xD0000000  }
0x3: {  	_ = 	snop  }
0x4: {  	_ = 	snop  }
0x5: {  	_ = 	snop  }
0x6: {  	_ = 	snop  }
0x7: {  	_ = 	snop  }
__scs_overlays_trampoline_lowered:
0x8: {  	[smem:$0x3FA0] =	sst s0  }
0x9: {  	[smem:$0x3FA1] =	sst s1  }
0xa: {  	[smem:$0x3FA2] =	sst s2  }
0xb: {  	[smem:$0x3FA3] =	sst s3  }
0xc: {  	[smem:$0x3FA4] =	sst s4  }
0xd: {  	[smem:$0x3FA5] =	sst s5  }
0xe: {  	[smem:$0x3FA6] =	sst s6  }
0xf: {  	[smem:$0x3FA7] =	sst s7  }
0x10: {  	[smem:$0x3FA8] =	sst s8  }
0x11: {  	[smem:$0x3FA9] =	sst s9;
	s0 =	simm.s32 @!p0 $0x0  }
0x12: {  	s1 =	sld [smem:$0x3F8F];
	s0 =	simm.s32 @p0 $0x1  }
0x13: {  	[smem:$0x3FAA] =	sst s0;
	s0 =	simm.s32 @!p1 $0x0  }
0x14: {  	s2 =	sld [smem:$0x3F8E];
	s0 =	simm.s32 @p1 $0x1  }
0x15: {  	[smem:$0x3FAB] =	sst s0;
	s0 =	simm.s32 @!p2 $0x0  }
0x16: {  	s3 =	sld [smem:$0x3FDB];
	s0 =	simm.s32 @p2 $0x1  }
0x17: {  	s4 =	simm.s32 $0x1BF5;
	[smem:$0x3FAD] =	sst s0  }
0x18: {  	s0 =	sld [smem:$0x3F90];
	_ =	swait.ge [sflag:s4], $0x0  }
0x19: {  	s7 =	sld [smem:$0x3F91]  }
0x1a: {  	s8 =	sadd.s32 $0xFFFFE003, lr  }
0x1b: {  	s9 =	sadd.s32 $0xFFFFFEF7, lr;
	s5 =	simm.s32 $0xFFFFFFFF;
	p2 =	slt.u32 s8, $0xFFFFF086  }
0x1c: {  	p1 =	slt.u32 s9, $0xF7A;
	s5 =	simm.s32 @!p2 $0x0  }
0x1d: {  	s5 =	simm.s32 @p1 $0x1;
	p0 =	seq.s32 s7, s2  }
0x1e: {  	s7 =	smul.u32 @!p0 $0xF7A, s2;
	p2 =	seq.s32 @!p0 s5, $0x0  }
0x1f: {  	s9 =	smul.u32 $0xF7A, s1;
	s8 =	simm.s32 @!p0 $0x1BF5;
	p2 =	por !p2, p0  }
0x20: {  	[sflag:s8] =	ssyncset.s32 @!p0 $0xFFFFF086;
	s6 =	sadd.s32 @!p0 s3, s7;
	s7 =	simm.s32 @!p0 $0x108  }
0x21: {  	s3 =	sadd.s32 s3, s9;
	s6 =	sadd.s32 @!p0 $0x88, s6;
	s7 =	simm.s32 @p2 $0x1082  }
0x22: {  	[simem:s7], [sflag:s8] =	dma.local @!p0 [hbm:s6], $0xF7A  }
0x23: {  	s9 =	sor.u32 $0xD0000000, s2;
	s6 =	simm.s32 $0x108;
	_ =	swait.ge @!p0 [sflag:s8], $0x0  }
0x24: {  	s3 =	sadd.s32 $0x88, s3;
	s6 =	simm.s32 @!p1 $0x1082;
	[sflag:s4] =	ssyncset.s32 $0xFFFFF086  }
0x25: {  	[simem:s6], [sflag:s4] =	dma.local [hbm:s3], $0xF7A  }
0x26: {  	[smem:$0x3F91] =	sst s1;
	(tag) =	ssettag s2;
	_ =	strace s9  }
0x27: {  	s1 =	sld [smem:$0x3FA1]  }
0x28: {  	s2 =	sld [smem:$0x3FA2]  }
0x29: {  	s4 =	sld [smem:$0x3FA4]  }
0x2a: {  	p0 =	seq.s32 s5, $0x0;
	s5 =	sld [smem:$0x3FA5]  }
0x2b: {  	s6 =	sld [smem:$0x3FA6]  }
0x2c: {  	s7 =	sld [smem:$0x3FA7]  }
0x2d: {  	s3 =	simm.s32 $0x108;
	s8 =	sld [smem:$0x3FA8]  }
0x2e: {  	s3 =	simm.s32 @!p0 $0x1082;
	s9 =	sld [smem:$0x3FA9]  }
0x2f: {  	lr =	sadd.s32 s0, s3;
	s0 =	sld [smem:$0x3FA0]  }
0x30: {  	s3 =	sld [smem:$0x3FA3]  }
0x31: {  	[smem:$0x3FAC] =	sst s10  }
0x32: {  	s10 =	sld [smem:$0x3FAA];
	_ =	sdelay $0x3  }
0x33: {  	p0 =	seq.s32 s10, $0x1;
	s10 =	sld [smem:$0x3FAC];
	_ =	sdelay $0x3  }
0x34: {  	[smem:$0x3FAC] =	sst s10  }
0x35: {  	s10 =	sld [smem:$0x3FAB];
	_ =	sdelay $0x3  }
0x36: {  	p1 =	seq.s32 s10, $0x1;
	s10 =	sld [smem:$0x3FAC];
	_ =	sdelay $0x3  }
0x37: {  	[smem:$0x3FAC] =	sst s10  }
0x38: {  	s10 =	sld [smem:$0x3FAD]  }
0x39: {  	_ = 	snop;
	(pc) =	sbr.ind lr, $3  }
0x3a: {  	_ = 	snop  }
0x3b: {  	_ = 	snop  }
0x3c: {  	p2 =	seq.s32 s10, $0x1;
	s10 =	sld [smem:$0x3FAC]  }
0x3d: {  	_ =	shalt  }
0x3e: {  	_ =	shalt  }
0x3f: {  	_ =	shalt  }
0x40: {  	_ =	shalt  }
0x41: {  	_ =	shalt  }
0x42: {  	_ =	shalt  }
0x43: {  	_ =	shalt  }
0x44: {  	_ =	shalt  }
0x45: {  	_ =	shalt  }
0x46: {  	_ =	shalt  }
0x47: {  	_ =	shalt  }
0x48: {  	_ =	shalt  }
0x49: {  	_ =	shalt  }
0x4a: {  	_ =	shalt  }
0x4b: {  	_ =	shalt  }
0x4c: {  	_ =	shalt  }
0x4d: {  	_ =	shalt  }
0x4e: {  	_ =	shalt  }
0x4f: {  	_ =	shalt  }
0x50: {  	_ =	shalt  }
0x51: {  	_ =	shalt  }
0x52: {  	_ =	shalt  }
0x53: {  	_ =	shalt  }
0x54: {  	_ =	shalt  }
0x55: {  	_ =	shalt  }
0x56: {  	_ =	shalt  }
0x57: {  	_ =	shalt  }
0x58: {  	_ =	shalt  }
0x59: {  	_ =	shalt  }
0x5a: {  	_ =	shalt  }
0x5b: {  	_ =	shalt  }
0x5c: {  	_ =	shalt  }
0x5d: {  	_ =	shalt  }
0x5e: {  	_ =	shalt  }
0x5f: {  	_ =	shalt  }
0x60: {  	_ =	shalt  }
0x61: {  	_ =	shalt  }
0x62: {  	_ =	shalt  }
0x63: {  	_ =	shalt  }
0x64: {  	_ =	shalt  }
0x65: {  	_ =	shalt  }
0x66: {  	_ =	shalt  }
0x67: {  	_ =	shalt  }
0x68: {  	_ =	shalt  }
0x69: {  	_ =	shalt  }
0x6a: {  	_ =	shalt  }
0x6b: {  	_ =	shalt  }
0x6c: {  	_ =	shalt  }
0x6d: {  	_ =	shalt  }
0x6e: {  	_ =	shalt  }
0x6f: {  	_ =	shalt  }
0x70: {  	_ =	shalt  }
0x71: {  	_ =	shalt  }
0x72: {  	_ =	shalt  }
0x73: {  	_ =	shalt  }
0x74: {  	_ =	shalt  }
0x75: {  	_ =	shalt  }
0x76: {  	_ =	shalt  }
0x77: {  	_ =	shalt  }
0x78: {  	_ =	shalt  }
0x79: {  	_ =	shalt  }
0x7a: {  	_ =	shalt  }
0x7b: {  	_ =	shalt  }
0x7c: {  	_ =	shalt  }
0x7d: {  	_ =	shalt  }
0x7e: {  	_ =	shalt  }
0x7f: {  	_ =	shalt  }
0x80: {  	_ =	shalt  }
0x81: {  	_ =	shalt  }
0x82: {  	_ =	shalt  }
0x83: {  	_ =	shalt  }
0x84: {  	_ =	shalt  }
0x85: {  	_ =	shalt  }
0x86: {  	_ =	shalt  }
0x87: {  	_ =	shalt  }
.Lfunc_end0:
.L_simem_size_0:
called_computation.2_lowered:
.L_overlay_start_0:
0x88: {  	s2 =	sld [smem:$0x3FD9]  }
0x89: {  	s3 =	sld [smem:$0x3FFE];
	_ =	sdelay $0x1  }
0x8a: {  	s1 =	srdreg.scid  }
0x8b: {  	s0 =	sand.u32 $0x1, s1  }
0x8c: {  	s16 =	sshll.u32 s0, $0xA;
	s2 =	sadd.s32 s3, s2  }
0x8d: {  	s2 =	sadd.s32 s2, s16  }
0x8e: {  	[smem:$0x3FB8] =	sst s2  }
0x8f: {  	_ = 	snop  }
0x90: {  	(tm) =	ssettm $0x1  }
0x91: {  	s17 =	sld [smem:$0x3FFB];
	_ =	sdelay $0x3  }
0x92: {  	_ =	strace s17  }
0x93: {  	s2 =	sld [smem:$0x3FFC];
	_ =	sdelay $0x3  }
0x94: {  	_ =	strace s2  }
0x95: {  	s2 =	sld [smem:$0x3FFD];
	_ =	sdelay $0x3  }
0x96: {  	_ =	strace s2  }
0x97: {  	_ =	strace $0x8FFFFFFF  }
0x98: {  	s18 =	sld [smem:$0x3FDB];
	_ =	sdelay $0x1  }
0x99: {  	s19 =	simm.s32 $_scs_section_size  }
0x9a: {  	s4 =	simm.s32 $_size__tile_overlayer_lowered;
	s5 =	simm.s32 $_tile_overlayer_lowered  }
0x9b: {  	s22 =	simm.s32 $0x1BFF;
	s21 =	sshll.u32 s5, $0x1;
	s2 =	sadd.s32 s19, s18  }
0x9c: {  	s6 =	simm.s32 $0x0;
	s20 =	sshll.u32 s4, $0x1;
	s4 =	sadd.s32 s21, s2  }
0x9d: {  	[timem:s6], [sflag:s22] =	dma.local [hbm:s4], s20  }
0x9e: {  	_ =	swait.ge [sflag:s22], s20  }
0x9f: {  	s3 =	ssub.s32 $0x0, s20;
	[sflag:s22] =	ssyncset.done $0x0  }
0xa0: {  	[sflag:s22] =	ssyncadd.s32 s3;
	_ =	sdelay $0x1  }
0xa1: {  	s23 =	simm.s32 $0x1B8B  }
0xa2: {  	_ =	swait.ge [sflag:s23], $0x1  }
0xa3: {  	[sflag:s23] =	ssyncset.done $0x0  }
0xa4: {  	s25 =	simm.s32 $0x1B8E;
	s24 =	sld [smem:$0x3FFE];
	[sflag:s23] =	ssyncadd.s32 $0xFFFFFFFF  }
0xa5: {  	s26 =	simm.s32 $execute0_lowered;
	[smem:$0x3FD2] =	sst s25  }
0xa6: {  	s4 =	sshll.u32 s26, $0x1;
	_ =	strace $0x8000004C;
	[dreg:$0x1] =	wrdreg $0xFFFFFFFF  }
0xa7: {  	s28 =	simm.s32 $_size_execute0_lowered;
	s2 =	sadd.s32 s2, s4;
	[dreg:$0x0] =	wrdreg $0x0  }
0xa8: {  	s4 =	sshll.u32 s28, $0x1;
	[dreg:$0x2] =	wrdreg s2  }
0xa9: {  	[dreg:$0x3] =	wrdreg s4  }
0xaa: {  	[dreg:$0x4] =	wrdreg $0xC0  }
0xab: {  	_ =	task [dreg:s6], $0x5FFFF  }
0xac: {  	[dreg:$0x1] =	wrdreg $0xFFFFFFFF  }
0xad: {  	[dreg:$0x0] =	wrdreg $0x60  }
0xae: {  	[dreg:$0x2] =	wrdreg s24  }
0xaf: {  	[dreg:$0x3] =	wrdreg $0x83000  }
0xb0: {  	[dreg:$0x4] =	wrdreg $0x9  }
0xb1: {  	_ =	task.clear_ibuf [dreg:s6], $0x5FFFF;
	_ =	strace $0x9000004C  }
0xb2: {  	s29 =	simm.s32 $0x9;
	_ =	strace $0x8000004E  }
0xb3: {  	_ =	swait.ge [sflag:s29], $0x1  }
0xb4: {  	[sflag:s29] =	ssyncadd.s32 $0xFFFFFFFF  }
0xb5: {  	_ =	strace $0x9000004E  }
0xb6: {  	_ =	sfence  }
0xb7: {  	s30 =	sld [smem:$0x0];
	_ =	sdelay $0x2  }
0xb8: {  	s31 =	sshll.u32 s1, $0xD;
	s1 =	sshrl.u32 s1, $0x2  }
0xb9: {  	s3 =	sand.u32 $0x4000, s31;
	s1 =	sadd.s32 s1, s30  }
0xba: {  	s0 =	sor.u32 s3, s0;
	s1 =	sshll.u32 s1, $0x11  }
0xbb: {  	s0 =	sor.u32 s1, s0  }
0xbc: {  	s0 =	sadd.s32 $0x8F2B, s0  }
0xbd: {  	[sflag:s0] =	ssyncadd.remote.s32 $0x1  }
0xbe: {  	_ =	sfence.sel $0xFFFF  }
0xbf: {  	[dreg:$0x0] =	wrdreg $0xFFFFFFFF;
	(pc) =	sbr.abs _section_cstart, $3  }
0xc0: {  	[dreg:$0x1] =	wrdreg $0xFFFFFFFF  }
0xc1: {  	_ =	task.clear_ibuf [dreg:s6], $0x2FFFF;
	_ =	strace $0x9FFFFFFF  }
0xc2: {  	(tm) =	ssettm $0x7FFFFFFF  }
0xc3: {  	_ =	shalt  }
tec
execute0_lowered:
.L_overlay_start_1:
0x0: {  	(tag) =	ssettag $0x1  }
0x1: {  	s0 =	rddreg [dreg:$0x0]  }
0x2: {  	s1 =	rddreg [dreg:$0x1];
	s2 =	simm.s32 $0x0;
	s3 =	srdreg.scid  }
0x3: {  	s13 =	stileid.u32;
	[smem:$0x7FF] =	sst s2  }
0x4: {  	s4 =	sadd.s32 $0x17400, s0;
	s5 =	sadd.s32 $0x67400, s0;
	s6 =	sadd.s32 $0xD400, s0  }
0x5: {  	s7 =	sadd.s32 $0x3400, s0;
	s3 =	sand.u32 $0x1, s3;
	s10 =	smul.u32 $0x50000, s13  }
0x6: {  	s8 =	sshll.u32 s13, $0x1;
	s0 =	sadd.s32 $0x71400, s0;
	s19 =	smul.u32 $0x14000, s13  }
0x7: {  	s13 =	simm.s32 $0x280;
	_ =	strace $0x8000004D;
	s9 =	ssub.s32 $0x2, s3  }
0x8: {  	s8 =	sor.u32 s3, s8;
	s3 =	smul.u32 $0x140000, s3;
	s11 =	sshrl.u32 s9, $0x1  }
0x9: {  	s12 =	smul.u32 $0x2800, s8;
	s18 =	sshrl.u32 s10, $0x2;
	s23 =	sadd.s32 $0x4000, s19  }
0xa: {  	s26 =	sadd.s32 $0x8000, s19;
	s28 =	sadd.s32 $0xC000, s19;
	s10 =	sadd.s32 $0x10000, s19  }
0xb: {  	s9 =	ssub.s32 s9, s11;
	s8 =	sadd.s32 s18, s1;
	s24 =	sadd.s32 s3, s19  }
0xc: {  	s15 =	sadd.s32 s3, s23;
	s29 =	sadd.s32 s3, s26;
	s17 =	sadd.s32 s3, s28  }
0xd: {  	s3 =	sadd.s32 s3, s10;
	s19 =	sadd.s32 s23, s1;
	s23 =	sadd.s32 s28, s1  }
0xe: {  	s10 =	sadd.s32 s10, s1;
	s20 =	sshrl.u32 s12, $0x3;
	s15 =	sshrl.u32 s15, $0x3  }
0xf: {  	s17 =	sshrl.u32 s17, $0x3;
	s3 =	sshrl.u32 s3, $0x3;
	s18 =	smax.u32 s9, $0x1  }
0x10: {  	s28 =	sadd.s32 $0x4000, s8;
	s31 =	sadd.s32 $0x10000, s8;
	[dreg:$0xe] =	wrdreg s18  }
0x11: {  	s9 =	simm.s32 $0x80;
	s21 =	sadd.s32 s5, s20;
	[dreg:$0x13] =	wrdreg s28  }
0x12: {  	s22 =	sadd.s32 s6, s20;
	s14 =	sadd.s32 s7, s20;
	[dreg:$0x3] =	wrdreg s21  }
0x13: {  	s11 =	sor.u32 $0x10, s20;
	s25 =	sadd.s32 s0, s15;
	[dreg:$0x4] =	wrdreg s22  }
0x14: {  	s30 =	sadd.s32 s0, s17;
	s20 =	sor.u32 $0x100, s12;
	[dreg:$0x5] =	wrdreg s14  }
0x15: {  	s15 =	simm.s32 $0x2;
	s18 =	simm.s32 $0x4;
	[dreg:$0x8] =	wrdreg s25  }
0x16: {  	s14 =	sshrl.u32 s24, $0x3;
	s16 =	sadd.s32 s5, s11;
	[dreg:$0xa] =	wrdreg s30  }
0x17: {  	s17 =	sadd.s32 s7, s11;
	s21 =	sor.u32 $0x180, s12;
	[dreg:$0x6] =	wrdreg s16  }
0x18: {  	s22 =	sadd.s32 s26, s1;
	s25 =	sshrl.u32 s23, $0x3;
	[dreg:$0xd] =	wrdreg s17  }
0x19: {  	s26 =	sshrl.u32 s10, $0x3;
	s30 =	sadd.s32 $0xC000, s8;
	[dreg:$0x11] =	wrdreg s25  }
0x1a: {  	s10 =	simm.s32 $0x200;
	s12 =	simm.s32 $0x180;
	[dreg:$0x12] =	wrdreg s26  }
0x1b: {  	s14 =	sadd.s32 s0, s14;
	s16 =	sshrl.u32 s29, $0x3;
	[dreg:$0x15] =	wrdreg s30  }
0x1c: {  	s24 =	sshrl.u32 s22, $0x3;
	s29 =	sadd.s32 $0x8000, s8;
	[dreg:$0x7] =	wrdreg s14  }
0x1d: {  	s17 =	simm.s32 $0x3;
	s16 =	sadd.s32 s0, s16;
	[dreg:$0x10] =	wrdreg s24  }
.Ltmp0:
0x1e: {  	s0 =	sadd.s32 s0, s3;
	[dreg:$0x14] =	wrdreg s29;
	(pc) =	sbr.rel .LBB2_1-.Ltmp0, $4  }
0x1f: {  	s3 =	simm.s32 $0x5;
	s14 =	simm.s32 $0x1;
	[dreg:$0x9] =	wrdreg s16  }
0x20: {  	[dreg:$0xb] =	wrdreg s0;
	s16 =	sadd.s32 s6, s11;
	s0 =	sshrl.u32 s19, $0x3  }
0x21: {  	s11 =	simm.s32 $0x100;
	s19 =	simm.s32 $0x0;
	[dreg:$0xc] =	wrdreg s16  }
0x22: {  	v0 =	vimm.f32 $0.0e+00;
	[dreg:$0xf] =	wrdreg s0;
	s0 =	simm.s32 $0x300;
	s16 =	simm.s32 $0x4300  }
.LBB2_10:
0x23: {  	s22 =	stileid.u32  }
0x24: {  	[bflag:$0x0] =	sbarrier.arrive $0xFFFF;
	s22 =	sshll.u32 s22, $0x6  }
0x25: {  	s23 =	sshrl.u32 s8, $0x3;
	s24 =	rddreg [dreg:$0x7];
	s22 =	sor.u32 $0x1C05, s22  }
0x26: {  	[hbm:s24], [sflag:s22] =	dma.local [spmem:s23], $0x800  }
0x27: {  	_ =	swait.ge [sflag:s3], $0x800  }
0x28: {  	[sflag:s3] =	ssyncset.done $0x0;
	s26 =	rddreg [dreg:$0x8]  }
0x29: {  	s28 =	rddreg [dreg:$0xf];
	[sflag:s3] =	ssyncadd.s32 $0xFFFFF800  }
0x2a: {  	[hbm:s26], [sflag:s22] =	dma.local [spmem:s28], $0x800  }
0x2b: {  	_ =	swait.ge [sflag:s3], $0x800  }
0x2c: {  	[sflag:s3] =	ssyncset.done $0x0;
	s29 =	rddreg [dreg:$0x9]  }
0x2d: {  	s30 =	rddreg [dreg:$0x10];
	[sflag:s3] =	ssyncadd.s32 $0xFFFFF800  }
0x2e: {  	[hbm:s29], [sflag:s22] =	dma.local [spmem:s30], $0x800  }
0x2f: {  	_ =	swait.ge [sflag:s3], $0x800  }
0x30: {  	[sflag:s3] =	ssyncset.done $0x0;
	s25 =	rddreg [dreg:$0xa]  }
0x31: {  	s26 =	rddreg [dreg:$0x11];
	[sflag:s3] =	ssyncadd.s32 $0xFFFFF800  }
0x32: {  	[hbm:s25], [sflag:s22] =	dma.local [spmem:s26], $0x800  }
0x33: {  	_ =	swait.ge [sflag:s3], $0x800  }
0x34: {  	[sflag:s3] =	ssyncset.done $0x0;
	s28 =	rddreg [dreg:$0xb]  }
0x35: {  	s29 =	rddreg [dreg:$0x12];
	[sflag:s3] =	ssyncadd.s32 $0xFFFFF800  }
0x36: {  	[hbm:s28], [sflag:s22] =	dma.local [spmem:s29], $0x800  }
0x37: {  	_ =	swait.ge [sflag:s3], $0x800  }
0x38: {  	s19 =	sadd.s32 $0x1, s19;
	s30 =	rddreg [dreg:$0xe]  }
0x39: {  	p0 =	sne.s32 s19, s30  }
.Ltmp1:
0x3a: {  	_ = 	snop;
	(pc) =	sbr.rel @!p0 .LBB2_11-.Ltmp1, $3  }
0x3b: {  	_ =	sdelay $0x1  }
0x3c: {  	[sflag:s3] =	ssyncset.done $0x0  }
0x3d: {  	[sflag:s3] =	ssyncadd.s32 $0xFFFFF800  }
.LBB2_1:
0x3e: {  	s22 =	simm.s32 $0x0;
	s23 =	simm.s32 $0x200  }
.LBB2_2:
0x3f: {  	p0 =	sne.s32 s23, $0xFE00;
	[tilespmem:s22+$0x370] =	vst v0  }
0x40: {  	[tilespmem:s22+$0x300] =	vst v0  }
0x41: {  	[tilespmem:s22+$0x310] =	vst v0  }
.Ltmp2:
0x42: {  	[tilespmem:s22+$0x320] =	vst v0;
	(pc) =	sbr.rel @p0 .LBB2_2-.Ltmp2, $4  }
0x43: {  	[tilespmem:s22+$0x330] =	vst v0  }
0x44: {  	[tilespmem:s22+$0x340] =	vst v0  }
0x45: {  	[tilespmem:s22+$0x350] =	vst v0  }
0x46: {  	[tilespmem:s22+$0x360] =	vst v0;
	s22 =	sshra.s32 s23, $0x2;
	s23 =	sadd.s32 $0x200, s23  }
0x47: {  	[tilespmem:s22+$0x370] =	vst v0  }
0x48: {  	[tilespmem:s22+$0x300] =	vst v0  }
0x49: {  	[tilespmem:s22+$0x310] =	vst v0  }
0x4a: {  	[tilespmem:s22+$0x320] =	vst v0  }
0x4b: {  	[tilespmem:s22+$0x330] =	vst v0  }
0x4c: {  	[tilespmem:s22+$0x340] =	vst v0  }
0x4d: {  	[tilespmem:s22+$0x350] =	vst v0  }
0x4e: {  	[tilespmem:s22+$0x360] =	vst v0  }
0x4f: {  	[spmem:s8] =	stream.linear.scatter [tilespmem:s0], [sflag:$0x5], $0x4000, $0x38;
	[tilespmem:$0x1C300] =	vst v63  }
0x50: {  	_ =	swait.ge [sflag:s3], $0x4000  }
0x51: {  	[sflag:s3] =	ssyncset.done $0x0  }
0x52: {  	s30 =	rddreg [dreg:$0x13];
	[sflag:s3] =	ssyncadd.s32 $0xFFFFC000  }
0x53: {  	[spmem:s30] =	stream.linear.scatter [tilespmem:s0], [sflag:$0x5], $0x4000, $0x38;
	[tilespmem:$0x1C300] =	vst v63  }
0x54: {  	_ =	swait.ge [sflag:s3], $0x4000  }
0x55: {  	[sflag:s3] =	ssyncset.done $0x0  }
0x56: {  	s23 =	rddreg [dreg:$0x14];
	[sflag:s3] =	ssyncadd.s32 $0xFFFFC000  }
0x57: {  	[spmem:s23] =	stream.linear.scatter [tilespmem:s0], [sflag:$0x5], $0x4000, $0x38;
	[tilespmem:$0x1C300] =	vst v63  }
0x58: {  	_ =	swait.ge [sflag:s3], $0x4000  }
0x59: {  	[sflag:s3] =	ssyncset.done $0x0  }
0x5a: {  	s24 =	rddreg [dreg:$0x15];
	[sflag:s3] =	ssyncadd.s32 $0xFFFFC000  }
0x5b: {  	[spmem:s24] =	stream.linear.scatter [tilespmem:s0], [sflag:$0x5], $0x4000, $0x38;
	[tilespmem:$0x1C300] =	vst v63  }
0x5c: {  	_ =	swait.ge [sflag:s3], $0x4000  }
0x5d: {  	[sflag:s3] =	ssyncset.done $0x0  }
0x5e: {  	[sflag:s3] =	ssyncadd.s32 $0xFFFFC000  }
0x5f: {  	[spmem:s31] =	stream.linear.scatter [tilespmem:s0], [sflag:$0x5], $0x4000, $0x38;
	[tilespmem:$0x1C300] =	vst v63  }
0x60: {  	_ =	swait.ge [sflag:s3], $0x4000  }
0x61: {  	[sflag:s3] =	ssyncset.done $0x0  }
0x62: {  	[sflag:s3] =	ssyncadd.s32 $0xFFFFC000  }
0x63: {  	[bflag:$0x0] =	sbarrier.arrive $0xFFFF  }
0x64: {  	s22 =	simm.s32 $0x0;
	s23 =	rddreg [dreg:$0x3]  }
0x65: {  	[tilespmem:s22], [sflag:$0x1] =	stream.linear.gather [hbm4b:s23+s22], $0x80, $0x38;
	[tilespmem:$0x1C300] =	vst v63  }
0x66: {  	s25 =	rddreg [dreg:$0x4]  }
0x67: {  	[tilespmem:s9], [sflag:$0x1] =	stream.linear.gather [hbm4b:s25+s22], $0x80, $0x38;
	[tilespmem:$0x1C300] =	vst v63  }
0x68: {  	s26 =	rddreg [dreg:$0x5]  }
0x69: {  	[tilespmem:s10], [sflag:$0x1] =	stream.linear.gather [hbm4b:s26+s22], $0x80, $0x38;
	[tilespmem:$0x1C300] =	vst v63  }
0x6a: {  	s28 =	rddreg [dreg:$0x6]  }
0x6b: {  	[tilespmem:s11], [sflag:$0x2] =	stream.linear.gather [hbm4b:s28+s22], $0x80, $0x38;
	[tilespmem:$0x1C300] =	vst v63  }
0x6c: {  	s29 =	rddreg [dreg:$0xc]  }
0x6d: {  	[tilespmem:s12], [sflag:$0x2] =	stream.linear.gather [hbm4b:s29+s22], $0x80, $0x38;
	[tilespmem:$0x1C300] =	vst v63  }
0x6e: {  	s30 =	rddreg [dreg:$0xd]  }
0x6f: {  	[tilespmem:s13], [sflag:$0x2] =	stream.linear.gather [hbm4b:s30+s22], $0x80, $0x38;
	[tilespmem:$0x1C300] =	vst v63  }
0x70: {  	_ =	swait.ge [sflag:s14], $0x80  }
0x71: {  	[sflag:s14] =	ssyncset.done $0x0  }
0x72: {  	[sflag:s14] =	ssyncadd.s32 $0xFFFFFF80  }
0x73: {  	_ =	swait.ge [sflag:s14], $0x80  }
0x74: {  	[sflag:s14] =	ssyncset.done $0x0  }
0x75: {  	[sflag:s14] =	ssyncadd.s32 $0xFFFFFF80  }
0x76: {  	_ =	swait.ge [sflag:s14], $0x80  }
0x77: {  	[sflag:s14] =	ssyncset.done $0x0  }
0x78: {  	s23 =	simm.s32 $0x0;
	[sflag:s14] =	ssyncadd.s32 $0xFFFFFF80  }
0x79: {  	[tilespmem:s0], [sflag:$0x3] =	stream.indirect.gather [hbm4b:s4+s9], $0x80, s22, s9, $0xb8;
	[tilespmem:$0x1C300] =	vst v63  }
.LBB2_4:
0x7a: {  	_ =	swait.ge [sflag:s15], $0x80  }
0x7b: {  	[sflag:s15] =	ssyncset.done $0x0  }
0x7c: {  	[sflag:s15] =	ssyncadd.s32 $0xFFFFFF80  }
0x7d: {  	_ =	swait.ge [sflag:s15], $0x80  }
0x7e: {  	[sflag:s15] =	ssyncset.done $0x0  }
0x7f: {  	v1 =	vmov s22;
	s24 =	simm.s32 $0x2;
	[sflag:s15] =	ssyncadd.s32 $0xFFFFFF80  }
0x80: {  	v1 =	vand.u32 $0xFFFFFFFC, v1;
	v2 =	vmov s24;
	_ =	swait.ge [sflag:s15], $0x80  }
0x81: {  	v1 =	vbroadcast v1, $0x0;
	v2 =	vand.u32 $0xFFFFFFFE, v2;
	[sflag:s15] =	ssyncset.done $0x0  }
0x82: {  	v2 =	vbroadcast v2, $0x0;
	[sflag:s15] =	ssyncadd.s32 $0xFFFFFF80  }
0x83: {  	[tilespmem:s16], [sflag:$0x4] =	stream.indirect.gather [hbm4b:s4+s9], $0x80, s11, s9, $0xb8;
	[tilespmem:$0x1C300] =	vst v63  }
0x84: {  	_ =	swait.ge [sflag:s17], $0x4000  }
0x85: {  	[sflag:s17] =	ssyncset.done $0x0  }
0x86: {  	[sflag:s17] =	ssyncadd.s32 $0xFFFFC000  }
0x87: {  	v1 =	vld.idx.msk [tilespmem:v1+s10+$0x0], $0xffff  }
0x88: {  	s25 =	simm.s32 $0x1;
	s24 =	simm.s32 $0x400;
	v2 =	vld.idx.msk [tilespmem:v2+s10+$0x0], $0xffff  }
0x89: {  	v3 =	vmov s25;
	v4 =	vld [tilespmem:s24+$0x70]  }
0x8a: {  	v3 =	vand.u32 $0xFFFFFFFD, v3;
	v5 =	vld [tilespmem:s24+$0xFFFFFF00]  }
0x8b: {  	v3 =	vbroadcast v3, $0x0;
	v6 =	vld [tilespmem:s24+$0xFFFFFF10]  }
0x8c: {  	v7 =	vld [tilespmem:s24+$0xFFFFFF20]  }
0x8d: {  	v8 =	vld [tilespmem:s24+$0xFFFFFF30]  }
0x8e: {  	v9 =	vld [tilespmem:s24+$0xFFFFFF40]  }
0x8f: {  	v10 =	vld [tilespmem:s24+$0xFFFFFF50]  }
0x90: {  	v11 =	vld [tilespmem:s24+$0xFFFFFF60];
	v5 =	vmul.f32 v5, v1  }
0x91: {  	v3 =	vld.idx.msk [tilespmem:v3+s10+$0x0], $0xffff;
	v4 =	vmul.f32 v4, v2  }
0x92: {  	v13 =	vld [tilespmem:s24+$0x40];
	[tilespmem:s24+$0xFFFFFF00] =	vst v5;
	v5 =	vmul.f32 v6, v1  }
0x93: {  	v6 =	vld [tilespmem:s24+$0xFFFFFF70];
	[tilespmem:s24+$0x70] =	vst v4;
	v4 =	vmul.f32 v7, v1  }
0x94: {  	v7 =	vld [tilespmem:s24+$0xFFFFFF80];
	[tilespmem:s24+$0xFFFFFF10] =	vst v5;
	v5 =	vmul.f32 v8, v1  }
0x95: {  	v8 =	vld [tilespmem:s24+$0xFFFFFF90];
	[tilespmem:s24+$0xFFFFFF20] =	vst v4;
	v4 =	vmul.f32 v9, v1  }
0x96: {  	v9 =	vld [tilespmem:s24+$0xFFFFFFA0];
	[tilespmem:s24+$0xFFFFFF30] =	vst v5;
	v5 =	vmul.f32 v10, v1  }
0x97: {  	v10 =	vld [tilespmem:s24+$0xFFFFFFB0];
	[tilespmem:s24+$0xFFFFFF40] =	vst v4;
	v4 =	vmul.f32 v11, v1  }
0x98: {  	v11 =	vld [tilespmem:s24+$0xFFFFFFC0];
	v6 =	vmul.f32 v6, v1;
	[tilespmem:s24+$0xFFFFFF50] =	vst v5  }
0x99: {  	v5 =	vmul.f32 v7, v3;
	v7 =	vld [tilespmem:s24+$0xFFFFFFD0];
	[tilespmem:s24+$0xFFFFFF60] =	vst v4  }
0x9a: {  	s26 =	simm.s32 $0x3;
	v4 =	vld [tilespmem:s24+$0xFFFFFFE0];
	v8 =	vmul.f32 v8, v3;
	[tilespmem:s24+$0xFFFFFF70] =	vst v6  }
0x9b: {  	v12 =	vmov s26;
	v6 =	vld [tilespmem:s24+$0xFFFFFFF0];
	[tilespmem:s24+$0xFFFFFF80] =	vst v5;
	v5 =	vmul.f32 v9, v3  }
0x9c: {  	v9 =	vld [tilespmem:s24+$0x0];
	[tilespmem:s24+$0xFFFFFF90] =	vst v8;
	v8 =	vmul.f32 v10, v3  }
0x9d: {  	v10 =	vld [tilespmem:s24+$0x10];
	[tilespmem:s24+$0xFFFFFFA0] =	vst v5;
	v5 =	vmul.f32 v11, v3  }
0x9e: {  	[tilespmem:s24+$0xFFFFFFB0] =	vst v8;
	v7 =	vmul.f32 v7, v3;
	v8 =	vld [tilespmem:s24+$0x20]  }
0x9f: {  	v11 =	vld [tilespmem:s24+$0x30];
	v4 =	vmul.f32 v4, v3;
	[tilespmem:s24+$0xFFFFFFC0] =	vst v5  }
0xa0: {  	v1 =	vld.idx.msk [tilespmem:v12+s10+$0x0], $0xffff;
	v3 =	vmul.f32 v6, v3;
	[tilespmem:s24+$0xFFFFFFD0] =	vst v7  }
0xa1: {  	[tilespmem:s24+$0xFFFFFFE0] =	vst v4;
	v5 =	vmul.f32 v9, v2;
	v4 =	vld [tilespmem:s24+$0x50]  }
0xa2: {  	s29 =	simm.s32 $0x4;
	[tilespmem:s24+$0xFFFFFFF0] =	vst v3;
	v6 =	vmul.f32 v10, v2;
	v3 =	vld [tilespmem:s24+$0x60]  }
0xa3: {  	s30 =	simm.s32 $0x7;
	v7 =	vmov s29;
	[tilespmem:s24+$0x0] =	vst v5;
	v9 =	vmul.f32 v8, v2;
	v8 =	vld [tilespmem:s24+$0x80]  }
0xa4: {  	s26 =	simm.s32 $0x5;
	v12 =	vand.u32 $0xFFFFFFFC, v7;
	v7 =	vld [tilespmem:s24+$0x90];
	v5 =	vmov s30;
	v10 =	vmul.f32 v11, v2;
	[tilespmem:s24+$0x10] =	vst v6  }
0xa5: {  	s28 =	simm.s32 $0x6;
	s25 =	simm.s32 $0x400;
	v11 =	vmul.f32 v13, v2;
	v6 =	vbroadcast v12, $0x0;
	v12 =	vmov s26;
	s26 =	simm.s32 $0x8;
	[tilespmem:s24+$0x20] =	vst v9;
	v9 =	vld [tilespmem:s24+$0xA0]  }
.LBB2_5:
0xa6: {  	p0 =	slt.u32 s26, $0x7C;
	v12 =	vand.u32 $0xFFFFFFFD, v12;
	v13 =	vmov s28;
	[tilespmem:s24+$0x30] =	vst v10;
	v4 =	vmul.f32 v4, v2;
	v10 =	vld [tilespmem:s24+$0xB0]  }
0xa7: {  	v12 =	vbroadcast v12, $0x0;
	v13 =	vand.u32 $0xFFFFFFFE, v13;
	[tilespmem:s24+$0x40] =	vst v11;
	v2 =	vmul.f32 v3, v2;
	v3 =	vld [tilespmem:s24+$0xC0]  }
0xa8: {  	v11 =	vbroadcast v13, $0x0;
	[tilespmem:s24+$0x50] =	vst v4;
	v4 =	vmul.f32 v8, v1;
	v8 =	vld [tilespmem:s24+$0xD0]  }
0xa9: {  	[tilespmem:s24+$0x60] =	vst v2;
	v2 =	vmul.f32 v7, v1;
	v7 =	vld [tilespmem:s24+$0xE0]  }
0xaa: {  	[tilespmem:s24+$0x80] =	vst v4;
	v4 =	vmul.f32 v9, v1;
	v9 =	vld [tilespmem:s24+$0xF0]  }
0xab: {  	v5 =	vld.idx.msk [tilespmem:v5+s10+$0x0], $0xffff;
	[tilespmem:s24+$0x90] =	vst v2;
	v2 =	vmul.f32 v10, v1  }
0xac: {  	v6 =	vld.idx.msk [tilespmem:v6+s10+$0x0], $0xffff;
	[tilespmem:s24+$0xA0] =	vst v4;
	v3 =	vmul.f32 v3, v1  }
0xad: {  	v4 =	vld.idx.msk [tilespmem:v12+s10+$0x0], $0xffff;
	[tilespmem:s24+$0xB0] =	vst v2;
	v8 =	vmul.f32 v8, v1  }
0xae: {  	s24 =	sadd.s32 $0x200, s24;
	v2 =	vld.idx.msk [tilespmem:v11+s10+$0x0], $0xffff;
	[tilespmem:s25+$0xC0] =	vst v3;
	v3 =	vmul.f32 v7, v1  }
0xaf: {  	v7 =	vld [tilespmem:s24+$0x70];
	[tilespmem:s25+$0xD0] =	vst v8;
	v9 =	vmul.f32 v9, v1  }
0xb0: {  	v8 =	vld [tilespmem:s24+$0xFFFFFF00];
	[tilespmem:s25+$0xE0] =	vst v3  }
0xb1: {  	v1 =	vmov v5;
	v3 =	vld [tilespmem:s24+$0xFFFFFF10];
	[tilespmem:s25+$0xF0] =	vst v9;
	s25 =	smov.u32 s24  }
0xb2: {  	v5 =	vld [tilespmem:s24+$0xFFFFFF20]  }
0xb3: {  	v9 =	vld [tilespmem:s24+$0xFFFFFF30]  }
0xb4: {  	v10 =	vld [tilespmem:s24+$0xFFFFFF40];
	v7 =	vmul.f32 v7, v2  }
0xb5: {  	v8 =	vmul.f32 v8, v6;
	v11 =	vld [tilespmem:s24+$0xFFFFFF50]  }
0xb6: {  	v3 =	vmul.f32 v3, v6;
	v12 =	vld [tilespmem:s24+$0xFFFFFF60];
	[tilespmem:s24+$0x70] =	vst v7  }
0xb7: {  	[tilespmem:s24+$0xFFFFFF00] =	vst v8;
	v5 =	vmul.f32 v5, v6;
	v7 =	vld [tilespmem:s24+$0xFFFFFF70]  }
0xb8: {  	[tilespmem:s24+$0xFFFFFF10] =	vst v3;
	v3 =	vmul.f32 v9, v6;
	v8 =	vld [tilespmem:s24+$0xFFFFFF80]  }
0xb9: {  	[tilespmem:s24+$0xFFFFFF20] =	vst v5;
	v5 =	vmul.f32 v10, v6;
	v9 =	vld [tilespmem:s24+$0xFFFFFF90]  }
0xba: {  	[tilespmem:s24+$0xFFFFFF30] =	vst v3;
	v3 =	vmul.f32 v11, v6;
	v10 =	vld [tilespmem:s24+$0xFFFFFFA0]  }
0xbb: {  	[tilespmem:s24+$0xFFFFFF40] =	vst v5;
	v5 =	vmul.f32 v12, v6;
	v11 =	vld [tilespmem:s24+$0xFFFFFFB0]  }
0xbc: {  	[tilespmem:s24+$0xFFFFFF50] =	vst v3;
	v3 =	vmul.f32 v7, v6;
	v6 =	vld [tilespmem:s24+$0xFFFFFFC0]  }
0xbd: {  	[tilespmem:s24+$0xFFFFFF60] =	vst v5;
	v5 =	vmul.f32 v8, v4;
	v7 =	vld [tilespmem:s24+$0xFFFFFFD0]  }
0xbe: {  	[tilespmem:s24+$0xFFFFFF70] =	vst v3;
	v3 =	vmul.f32 v9, v4;
	v8 =	vld [tilespmem:s24+$0xFFFFFFE0]  }
0xbf: {  	[tilespmem:s24+$0xFFFFFF80] =	vst v5;
	v5 =	vmul.f32 v10, v4;
	v9 =	vld [tilespmem:s24+$0xFFFFFFF0]  }
0xc0: {  	[tilespmem:s24+$0xFFFFFF90] =	vst v3;
	v3 =	vmul.f32 v11, v4;
	v10 =	vld [tilespmem:s24+$0x0]  }
0xc1: {  	[tilespmem:s24+$0xFFFFFFA0] =	vst v5;
	v5 =	vmul.f32 v6, v4;
	v6 =	vld [tilespmem:s24+$0x10]  }
0xc2: {  	[tilespmem:s24+$0xFFFFFFB0] =	vst v3;
	v3 =	vmul.f32 v7, v4;
	v7 =	vld [tilespmem:s24+$0x20]  }
0xc3: {  	[tilespmem:s24+$0xFFFFFFC0] =	vst v5;
	v5 =	vmul.f32 v8, v4;
	v11 =	vld [tilespmem:s24+$0x30]  }
0xc4: {  	[tilespmem:s24+$0xFFFFFFD0] =	vst v3;
	v3 =	vmul.f32 v9, v4;
	v9 =	vld [tilespmem:s24+$0x40]  }
.Ltmp3:
0xc5: {  	[tilespmem:s24+$0xFFFFFFE0] =	vst v5;
	v5 =	vmul.f32 v10, v2;
	v4 =	vld [tilespmem:s24+$0x50];
	(pc) =	sbr.rel @p0 .LBB2_5-.Ltmp3, $4  }
0xc6: {  	[tilespmem:s24+$0xFFFFFFF0] =	vst v3;
	v6 =	vmul.f32 v6, v2;
	v3 =	vld [tilespmem:s24+$0x60]  }
0xc7: {  	s28 =	sadd.s32 $0x3, s26;
	v10 =	vmov s26;
	[tilespmem:s24+$0x0] =	vst v5;
	v13 =	vmul.f32 v7, v2;
	v8 =	vld [tilespmem:s24+$0x80]  }
0xc8: {  	s29 =	sadd.s32 $0x1, s26;
	v12 =	vand.u32 $0xFFFFFFFC, v10;
	v5 =	vmov s28;
	[tilespmem:s24+$0x10] =	vst v6;
	v10 =	vmul.f32 v11, v2;
	v7 =	vld [tilespmem:s24+$0x90]  }
0xc9: {  	s28 =	sadd.s32 $0x2, s26;
	s26 =	sadd.s32 $0x4, s26;
	v6 =	vbroadcast v12, $0x0;
	v12 =	vmov s29;
	[tilespmem:s24+$0x20] =	vst v13;
	v11 =	vmul.f32 v9, v2;
	v9 =	vld [tilespmem:s24+$0xA0]  }
0xca: {  	v13 =	vld [tilespmem:s24+$0xB0]  }
0xcb: {  	v15 =	vld [tilespmem:s24+$0xC0]  }
0xcc: {  	v14 =	vmov s28;
	v16 =	vld [tilespmem:s24+$0xD0]  }
0xcd: {  	v17 =	vld [tilespmem:s24+$0xE0];
	[tilespmem:s24+$0x30] =	vst v10;
	v4 =	vmul.f32 v4, v2;
	v14 =	vand.u32 $0xFFFFFFFE, v14  }
0xce: {  	v12 =	vand.u32 $0xFFFFFFFD, v12;
	v5 =	vld.idx.msk [tilespmem:v5+s10+$0x0], $0xffff;
	[tilespmem:s24+$0x40] =	vst v11;
	v2 =	vmul.f32 v3, v2;
	v14 =	vbroadcast v14, $0x0  }
0xcf: {  	s26 =	sadd.s32 $0x200, s24;
	v12 =	vbroadcast v12, $0x0;
	v3 =	vld.idx.msk [tilespmem:v6+s10+$0x0], $0xffff;
	v8 =	vmul.f32 v8, v1;
	[tilespmem:s24+$0x50] =	vst v4  }
0xd0: {  	v10 =	vld [tilespmem:s26+$0xFFFFFF00];
	v4 =	vmul.f32 v7, v1;
	[tilespmem:s24+$0x60] =	vst v2  }
0xd1: {  	[tilespmem:s24+$0x80] =	vst v8;
	v8 =	vld [tilespmem:s24+$0xF0];
	v2 =	vmul.f32 v9, v1  }
0xd2: {  	v11 =	vld [tilespmem:s26+$0xFFFFFF10];
	[tilespmem:s24+$0x90] =	vst v4;
	v4 =	vmul.f32 v13, v1  }
0xd3: {  	v9 =	vld [tilespmem:s26+$0x70];
	[tilespmem:s24+$0xA0] =	vst v2;
	v2 =	vmul.f32 v15, v1  }
0xd4: {  	[tilespmem:s24+$0xB0] =	vst v4;
	v4 =	vmul.f32 v16, v1;
	v7 =	vld.idx.msk [tilespmem:v14+s10+$0x0], $0xffff  }
0xd5: {  	v6 =	vld.idx.msk [tilespmem:v12+s10+$0x0], $0xffff;
	[tilespmem:s25+$0xC0] =	vst v2;
	v2 =	vmul.f32 v17, v1  }
0xd6: {  	v12 =	vld [tilespmem:s26+$0xFFFFFF20];
	[tilespmem:s25+$0xD0] =	vst v4;
	v1 =	vmul.f32 v8, v1  }
0xd7: {  	v4 =	vld [tilespmem:s26+$0xFFFFFF30];
	[tilespmem:s25+$0xE0] =	vst v2  }
0xd8: {  	v2 =	vld [tilespmem:s26+$0xFFFFFF40];
	[tilespmem:s25+$0xF0] =	vst v1;
	v1 =	vmul.f32 v10, v3  }
0xd9: {  	v8 =	vmul.f32 v9, v7;
	v9 =	vld [tilespmem:s26+$0xFFFFFF50]  }
0xda: {  	v10 =	vmul.f32 v11, v3;
	v11 =	vld [tilespmem:s26+$0xFFFFFF60];
	[tilespmem:s26+$0xFFFFFF00] =	vst v1  }
0xdb: {  	v1 =	vmul.f32 v12, v3;
	[tilespmem:s26+$0x70] =	vst v8;
	v8 =	vld [tilespmem:s26+$0xFFFFFF70]  }
0xdc: {  	[tilespmem:s26+$0xFFFFFF10] =	vst v10;
	v10 =	vld [tilespmem:s26+$0xFFFFFF80];
	v4 =	vmul.f32 v4, v3  }
0xdd: {  	[tilespmem:s26+$0xFFFFFF20] =	vst v1;
	v1 =	vmul.f32 v2, v3;
	v2 =	vld [tilespmem:s26+$0xFFFFFF90]  }
0xde: {  	[tilespmem:s26+$0xFFFFFF30] =	vst v4;
	v4 =	vmul.f32 v9, v3;
	v9 =	vld [tilespmem:s26+$0xFFFFFFA0]  }
0xdf: {  	[tilespmem:s26+$0xFFFFFF40] =	vst v1;
	v1 =	vmul.f32 v11, v3;
	v11 =	vld [tilespmem:s26+$0xFFFFFFB0]  }
0xe0: {  	[tilespmem:s26+$0xFFFFFF50] =	vst v4;
	v3 =	vmul.f32 v8, v3;
	v4 =	vld [tilespmem:s26+$0xFFFFFFC0]  }
0xe1: {  	[tilespmem:s26+$0xFFFFFF60] =	vst v1;
	v1 =	vmul.f32 v10, v6;
	v8 =	vld [tilespmem:s26+$0xFFFFFFD0]  }
0xe2: {  	v2 =	vmul.f32 v2, v6;
	[tilespmem:s26+$0xFFFFFF70] =	vst v3;
	v3 =	vld [tilespmem:s26+$0xFFFFFFE0]  }
0xe3: {  	[tilespmem:s26+$0xFFFFFF80] =	vst v1;
	v1 =	vmul.f32 v9, v6;
	v9 =	vld [tilespmem:s26+$0xFFFFFFF0]  }
0xe4: {  	v10 =	vld [tilespmem:s26+$0x0];
	[tilespmem:s26+$0xFFFFFF90] =	vst v2;
	v2 =	vmul.f32 v11, v6  }
0xe5: {  	[tilespmem:s26+$0xFFFFFFA0] =	vst v1;
	v1 =	vmul.f32 v4, v6;
	v4 =	vld [tilespmem:s26+$0x10]  }
0xe6: {  	[tilespmem:s26+$0xFFFFFFB0] =	vst v2;
	v2 =	vmul.f32 v8, v6;
	v8 =	vld [tilespmem:s26+$0x20]  }
0xe7: {  	[tilespmem:s26+$0xFFFFFFC0] =	vst v1;
	v1 =	vmul.f32 v3, v6;
	v3 =	vld [tilespmem:s26+$0x30]  }
0xe8: {  	[tilespmem:s26+$0xFFFFFFD0] =	vst v2;
	v2 =	vmul.f32 v9, v6;
	v6 =	vld [tilespmem:s26+$0x40]  }
0xe9: {  	v9 =	vld [tilespmem:s26+$0x50];
	[tilespmem:s26+$0xFFFFFFE0] =	vst v1;
	v1 =	vmul.f32 v10, v7  }
0xea: {  	[tilespmem:s26+$0xFFFFFFF0] =	vst v2;
	v2 =	vmul.f32 v4, v7;
	v4 =	vld [tilespmem:s26+$0x60]  }
0xeb: {  	[tilespmem:s26+$0x0] =	vst v1;
	v1 =	vmul.f32 v8, v7;
	v8 =	vld [tilespmem:s26+$0x80]  }
0xec: {  	[tilespmem:s26+$0x10] =	vst v2;
	v2 =	vmul.f32 v3, v7;
	v3 =	vld [tilespmem:s26+$0x90]  }
0xed: {  	[tilespmem:s26+$0x20] =	vst v1;
	v1 =	vmul.f32 v6, v7;
	v6 =	vld [tilespmem:s26+$0xA0]  }
0xee: {  	[tilespmem:s26+$0x30] =	vst v2;
	v2 =	vmul.f32 v9, v7;
	v9 =	vld [tilespmem:s26+$0xB0]  }
0xef: {  	[tilespmem:s26+$0x40] =	vst v1;
	v1 =	vmul.f32 v4, v7;
	v4 =	vld [tilespmem:s26+$0xC0]  }
0xf0: {  	v7 =	vld [tilespmem:s26+$0xD0];
	[tilespmem:s26+$0x50] =	vst v2;
	v2 =	vmul.f32 v8, v5  }
0xf1: {  	[tilespmem:s26+$0x60] =	vst v1;
	v1 =	vmul.f32 v3, v5;
	v3 =	vld [tilespmem:s26+$0xE0]  }
0xf2: {  	[tilespmem:s26+$0x80] =	vst v2;
	v2 =	vmul.f32 v6, v5;
	v6 =	vld [tilespmem:s26+$0xF0]  }
0xf3: {  	[tilespmem:s26+$0x90] =	vst v1;
	v1 =	vmul.f32 v9, v5  }
0xf4: {  	[tilespmem:s26+$0xA0] =	vst v2;
	v2 =	vmul.f32 v4, v5  }
0xf5: {  	[tilespmem:s26+$0xB0] =	vst v1;
	v1 =	vmul.f32 v7, v5  }
0xf6: {  	[tilespmem:s26+$0xC0] =	vst v2;
	v2 =	vmul.f32 v3, v5  }
0xf7: {  	[tilespmem:s26+$0xD0] =	vst v1;
	v1 =	vmul.f32 v6, v5  }
0xf8: {  	[tilespmem:s26+$0xE0] =	vst v2  }
0xf9: {  	p0 =	seq.s32 s23, $0x27;
	s24 =	sshll.u32 s23, $0x8;
	[tilespmem:s26+$0xF0] =	vst v1  }
0xfa: {  	[spmem:s1] =	stream.indirect.scatter.add.f32 [tilespmem:s0], [sflag:$0x5], $0x80, s9, s9, $0xb8;
	[tilespmem:$0x1C300] =	vst v63  }
0xfb: {  	s25 =	sadd.s32 @!p0 s24, s20;
	_ =	swait.ge [sflag:s3], $0x4000  }
0xfc: {  	s25 =	sshrl.u32 @!p0 s25, $0x3;
	[sflag:s3] =	ssyncset.done $0x0  }
0xfd: {  	s28 =	simm.s32 @!p0 $0x0;
	s26 =	sadd.s32 @!p0 s5, s25;
	[sflag:s3] =	ssyncadd.s32 $0xFFFFC000  }
0xfe: {  	[tilespmem:s28], [sflag:$0x1] =	stream.linear.gather @!p0 [hbm4b:s26+s28], $0x80, $0x38;
	[tilespmem:$0x1C300] =	vst v63  }
0xff: {  	s29 =	simm.s32 @!p0 $0x80;
	s26 =	sadd.s32 @!p0 s6, s25  }
0x100: {  	[tilespmem:s29], [sflag:$0x1] =	stream.linear.gather @!p0 [hbm4b:s26+s28], $0x80, $0x38;
	[tilespmem:$0x1C300] =	vst v63  }
0x101: {  	s25 =	sadd.s32 @!p0 s7, s25;
	s26 =	simm.s32 @!p0 $0x200  }
0x102: {  	[tilespmem:s26], [sflag:$0x1] =	stream.linear.gather @!p0 [hbm4b:s25+s28], $0x80, $0x38;
	[tilespmem:$0x1C300] =	vst v63  }
0x103: {  	s25 =	simm.s32 @!p0 $0x1  }
0x104: {  	_ =	swait.ge @!p0 [sflag:s25], $0x80  }
0x105: {  	[sflag:s25] =	ssyncset.done @!p0 $0x0  }
0x106: {  	[sflag:s25] =	ssyncadd.s32 @!p0 $0xFFFFFF80  }
0x107: {  	_ =	swait.ge @!p0 [sflag:s25], $0x80  }
0x108: {  	s30 =	simm.s32 $0x0;
	[sflag:s25] =	ssyncset.done @!p0 $0x0  }
0x109: {  	v1 =	vmov s30;
	s30 =	simm.s32 $0x2;
	[sflag:s25] =	ssyncadd.s32 @!p0 $0xFFFFFF80  }
0x10a: {  	v1 =	vand.u32 $0xFFFFFFFC, v1;
	v2 =	vmov s30;
	_ =	swait.ge @!p0 [sflag:s25], $0x80  }
0x10b: {  	v1 =	vbroadcast v1, $0x0;
	v2 =	vand.u32 $0xFFFFFFFE, v2;
	[sflag:s25] =	ssyncset.done @!p0 $0x0  }
0x10c: {  	v2 =	vbroadcast v2, $0x0;
	[sflag:s25] =	ssyncadd.s32 @!p0 $0xFFFFFF80;
	s25 =	simm.s32 @!p0 $0x300  }
0x10d: {  	[tilespmem:s25], [sflag:$0x3] =	stream.indirect.gather @!p0 [hbm4b:s4+s29], $0x80, s28, s29, $0xb8;
	[tilespmem:$0x1C300] =	vst v63  }
0x10e: {  	_ =	swait.ge [sflag:s18], $0x4000  }
0x10f: {  	[sflag:s18] =	ssyncset.done $0x0  }
0x110: {  	[sflag:s18] =	ssyncadd.s32 $0xFFFFC000  }
0x111: {  	v1 =	vld.idx.msk [tilespmem:v1+s13+$0x0], $0xffff  }
0x112: {  	s30 =	simm.s32 $0x1;
	s25 =	simm.s32 $0x4400;
	v2 =	vld.idx.msk [tilespmem:v2+s13+$0x0], $0xffff  }
0x113: {  	v3 =	vmov s30;
	v4 =	vld [tilespmem:s25+$0x70]  }
0x114: {  	v3 =	vand.u32 $0xFFFFFFFD, v3;
	v5 =	vld [tilespmem:s25+$0xFFFFFF00]  }
0x115: {  	v3 =	vbroadcast v3, $0x0;
	v6 =	vld [tilespmem:s25+$0xFFFFFF10]  }
0x116: {  	v7 =	vld [tilespmem:s25+$0xFFFFFF20]  }
0x117: {  	v8 =	vld [tilespmem:s25+$0xFFFFFF30]  }
0x118: {  	v9 =	vld [tilespmem:s25+$0xFFFFFF40]  }
0x119: {  	v10 =	vld [tilespmem:s25+$0xFFFFFF50]  }
0x11a: {  	v11 =	vld [tilespmem:s25+$0xFFFFFF60];
	v5 =	vmul.f32 v5, v1  }
0x11b: {  	v3 =	vld.idx.msk [tilespmem:v3+s13+$0x0], $0xffff;
	v4 =	vmul.f32 v4, v2  }
0x11c: {  	v13 =	vld [tilespmem:s25+$0x40];
	[tilespmem:s25+$0xFFFFFF00] =	vst v5;
	v5 =	vmul.f32 v6, v1  }
0x11d: {  	v6 =	vld [tilespmem:s25+$0xFFFFFF70];
	[tilespmem:s25+$0x70] =	vst v4;
	v4 =	vmul.f32 v7, v1  }
0x11e: {  	v7 =	vld [tilespmem:s25+$0xFFFFFF80];
	[tilespmem:s25+$0xFFFFFF10] =	vst v5;
	v5 =	vmul.f32 v8, v1  }
0x11f: {  	v8 =	vld [tilespmem:s25+$0xFFFFFF90];
	[tilespmem:s25+$0xFFFFFF20] =	vst v4;
	v4 =	vmul.f32 v9, v1  }
0x120: {  	v9 =	vld [tilespmem:s25+$0xFFFFFFA0];
	[tilespmem:s25+$0xFFFFFF30] =	vst v5;
	v5 =	vmul.f32 v10, v1  }
0x121: {  	v10 =	vld [tilespmem:s25+$0xFFFFFFB0];
	[tilespmem:s25+$0xFFFFFF40] =	vst v4;
	v4 =	vmul.f32 v11, v1  }
0x122: {  	v11 =	vld [tilespmem:s25+$0xFFFFFFC0];
	v6 =	vmul.f32 v6, v1;
	[tilespmem:s25+$0xFFFFFF50] =	vst v5  }
0x123: {  	v5 =	vmul.f32 v7, v3;
	v7 =	vld [tilespmem:s25+$0xFFFFFFD0];
	[tilespmem:s25+$0xFFFFFF60] =	vst v4  }
0x124: {  	s30 =	simm.s32 $0x3;
	v4 =	vld [tilespmem:s25+$0xFFFFFFE0];
	v8 =	vmul.f32 v8, v3;
	[tilespmem:s25+$0xFFFFFF70] =	vst v6  }
0x125: {  	v12 =	vmov s30;
	v6 =	vld [tilespmem:s25+$0xFFFFFFF0];
	[tilespmem:s25+$0xFFFFFF80] =	vst v5;
	v5 =	vmul.f32 v9, v3  }
0x126: {  	v9 =	vld [tilespmem:s25+$0x0];
	[tilespmem:s25+$0xFFFFFF90] =	vst v8;
	v8 =	vmul.f32 v10, v3  }
0x127: {  	v10 =	vld [tilespmem:s25+$0x10];
	[tilespmem:s25+$0xFFFFFFA0] =	vst v5;
	v5 =	vmul.f32 v11, v3  }
0x128: {  	[tilespmem:s25+$0xFFFFFFB0] =	vst v8;
	v7 =	vmul.f32 v7, v3;
	v8 =	vld [tilespmem:s25+$0x20]  }
0x129: {  	v11 =	vld [tilespmem:s25+$0x30];
	v4 =	vmul.f32 v4, v3;
	[tilespmem:s25+$0xFFFFFFC0] =	vst v5  }
0x12a: {  	v1 =	vld.idx.msk [tilespmem:v12+s13+$0x0], $0xffff;
	v3 =	vmul.f32 v6, v3;
	[tilespmem:s25+$0xFFFFFFD0] =	vst v7  }
0x12b: {  	[tilespmem:s25+$0xFFFFFFE0] =	vst v4;
	v5 =	vmul.f32 v9, v2;
	v4 =	vld [tilespmem:s25+$0x50]  }
0x12c: {  	s30 =	simm.s32 $0x4;
	[tilespmem:s25+$0xFFFFFFF0] =	vst v3;
	v6 =	vmul.f32 v10, v2;
	v3 =	vld [tilespmem:s25+$0x60]  }
0x12d: {  	v7 =	vmov s30;
	s30 =	simm.s32 $0x7;
	[tilespmem:s25+$0x0] =	vst v5;
	v9 =	vmul.f32 v8, v2;
	v8 =	vld [tilespmem:s25+$0x80]  }
0x12e: {  	s28 =	simm.s32 $0x5;
	v12 =	vand.u32 $0xFFFFFFFC, v7;
	v7 =	vld [tilespmem:s25+$0x90];
	v5 =	vmov s30;
	v10 =	vmul.f32 v11, v2;
	[tilespmem:s25+$0x10] =	vst v6  }
0x12f: {  	s26 =	simm.s32 $0x4400;
	s29 =	simm.s32 $0x6;
	v11 =	vmul.f32 v13, v2;
	v6 =	vbroadcast v12, $0x0;
	v12 =	vmov s28;
	s28 =	simm.s32 $0x8;
	[tilespmem:s25+$0x20] =	vst v9;
	v9 =	vld [tilespmem:s25+$0xA0]  }
.LBB2_7:
0x130: {  	p1 =	slt.u32 s28, $0x7C;
	v12 =	vand.u32 $0xFFFFFFFD, v12;
	v13 =	vmov s29;
	[tilespmem:s25+$0x30] =	vst v10;
	v4 =	vmul.f32 v4, v2;
	v10 =	vld [tilespmem:s25+$0xB0]  }
0x131: {  	v12 =	vbroadcast v12, $0x0;
	v13 =	vand.u32 $0xFFFFFFFE, v13;
	[tilespmem:s25+$0x40] =	vst v11;
	v2 =	vmul.f32 v3, v2;
	v3 =	vld [tilespmem:s25+$0xC0]  }
0x132: {  	v11 =	vbroadcast v13, $0x0;
	[tilespmem:s25+$0x50] =	vst v4;
	v4 =	vmul.f32 v8, v1;
	v8 =	vld [tilespmem:s25+$0xD0]  }
0x133: {  	[tilespmem:s25+$0x60] =	vst v2;
	v2 =	vmul.f32 v7, v1;
	v7 =	vld [tilespmem:s25+$0xE0]  }
0x134: {  	[tilespmem:s25+$0x80] =	vst v4;
	v4 =	vmul.f32 v9, v1;
	v9 =	vld [tilespmem:s25+$0xF0]  }
0x135: {  	v5 =	vld.idx.msk [tilespmem:v5+s13+$0x0], $0xffff;
	[tilespmem:s25+$0x90] =	vst v2;
	v2 =	vmul.f32 v10, v1  }
0x136: {  	v6 =	vld.idx.msk [tilespmem:v6+s13+$0x0], $0xffff;
	[tilespmem:s25+$0xA0] =	vst v4;
	v3 =	vmul.f32 v3, v1  }
0x137: {  	v4 =	vld.idx.msk [tilespmem:v12+s13+$0x0], $0xffff;
	[tilespmem:s25+$0xB0] =	vst v2;
	v8 =	vmul.f32 v8, v1  }
0x138: {  	s25 =	sadd.s32 $0x200, s25;
	v2 =	vld.idx.msk [tilespmem:v11+s13+$0x0], $0xffff;
	[tilespmem:s26+$0xC0] =	vst v3;
	v3 =	vmul.f32 v7, v1  }
0x139: {  	v7 =	vld [tilespmem:s25+$0x70];
	[tilespmem:s26+$0xD0] =	vst v8;
	v9 =	vmul.f32 v9, v1  }
0x13a: {  	v8 =	vld [tilespmem:s25+$0xFFFFFF00];
	[tilespmem:s26+$0xE0] =	vst v3  }
0x13b: {  	v1 =	vmov v5;
	v3 =	vld [tilespmem:s25+$0xFFFFFF10];
	[tilespmem:s26+$0xF0] =	vst v9;
	s26 =	smov.u32 s25  }
0x13c: {  	v5 =	vld [tilespmem:s25+$0xFFFFFF20]  }
0x13d: {  	v9 =	vld [tilespmem:s25+$0xFFFFFF30]  }
0x13e: {  	v10 =	vld [tilespmem:s25+$0xFFFFFF40];
	v7 =	vmul.f32 v7, v2  }
0x13f: {  	v8 =	vmul.f32 v8, v6;
	v11 =	vld [tilespmem:s25+$0xFFFFFF50]  }
0x140: {  	v3 =	vmul.f32 v3, v6;
	v12 =	vld [tilespmem:s25+$0xFFFFFF60];
	[tilespmem:s25+$0x70] =	vst v7  }
0x141: {  	[tilespmem:s25+$0xFFFFFF00] =	vst v8;
	v5 =	vmul.f32 v5, v6;
	v7 =	vld [tilespmem:s25+$0xFFFFFF70]  }
0x142: {  	[tilespmem:s25+$0xFFFFFF10] =	vst v3;
	v3 =	vmul.f32 v9, v6;
	v8 =	vld [tilespmem:s25+$0xFFFFFF80]  }
0x143: {  	[tilespmem:s25+$0xFFFFFF20] =	vst v5;
	v5 =	vmul.f32 v10, v6;
	v9 =	vld [tilespmem:s25+$0xFFFFFF90]  }
0x144: {  	[tilespmem:s25+$0xFFFFFF30] =	vst v3;
	v3 =	vmul.f32 v11, v6;
	v10 =	vld [tilespmem:s25+$0xFFFFFFA0]  }
0x145: {  	[tilespmem:s25+$0xFFFFFF40] =	vst v5;
	v5 =	vmul.f32 v12, v6;
	v11 =	vld [tilespmem:s25+$0xFFFFFFB0]  }
0x146: {  	[tilespmem:s25+$0xFFFFFF50] =	vst v3;
	v3 =	vmul.f32 v7, v6;
	v6 =	vld [tilespmem:s25+$0xFFFFFFC0]  }
0x147: {  	[tilespmem:s25+$0xFFFFFF60] =	vst v5;
	v5 =	vmul.f32 v8, v4;
	v7 =	vld [tilespmem:s25+$0xFFFFFFD0]  }
0x148: {  	[tilespmem:s25+$0xFFFFFF70] =	vst v3;
	v3 =	vmul.f32 v9, v4;
	v8 =	vld [tilespmem:s25+$0xFFFFFFE0]  }
0x149: {  	[tilespmem:s25+$0xFFFFFF80] =	vst v5;
	v5 =	vmul.f32 v10, v4;
	v9 =	vld [tilespmem:s25+$0xFFFFFFF0]  }
0x14a: {  	[tilespmem:s25+$0xFFFFFF90] =	vst v3;
	v3 =	vmul.f32 v11, v4;
	v10 =	vld [tilespmem:s25+$0x0]  }
0x14b: {  	[tilespmem:s25+$0xFFFFFFA0] =	vst v5;
	v5 =	vmul.f32 v6, v4;
	v6 =	vld [tilespmem:s25+$0x10]  }
0x14c: {  	[tilespmem:s25+$0xFFFFFFB0] =	vst v3;
	v3 =	vmul.f32 v7, v4;
	v7 =	vld [tilespmem:s25+$0x20]  }
0x14d: {  	[tilespmem:s25+$0xFFFFFFC0] =	vst v5;
	v5 =	vmul.f32 v8, v4;
	v11 =	vld [tilespmem:s25+$0x30]  }
0x14e: {  	[tilespmem:s25+$0xFFFFFFD0] =	vst v3;
	v3 =	vmul.f32 v9, v4;
	v9 =	vld [tilespmem:s25+$0x40]  }
.Ltmp4:
0x14f: {  	[tilespmem:s25+$0xFFFFFFE0] =	vst v5;
	v5 =	vmul.f32 v10, v2;
	v4 =	vld [tilespmem:s25+$0x50];
	(pc) =	sbr.rel @p1 .LBB2_7-.Ltmp4, $4  }
0x150: {  	[tilespmem:s25+$0xFFFFFFF0] =	vst v3;
	v6 =	vmul.f32 v6, v2;
	v3 =	vld [tilespmem:s25+$0x60]  }
0x151: {  	s29 =	sadd.s32 $0x3, s28;
	v10 =	vmov s28;
	[tilespmem:s25+$0x0] =	vst v5;
	v13 =	vmul.f32 v7, v2;
	v8 =	vld [tilespmem:s25+$0x80]  }
0x152: {  	s30 =	sadd.s32 $0x1, s28;
	v12 =	vand.u32 $0xFFFFFFFC, v10;
	v5 =	vmov s29;
	[tilespmem:s25+$0x10] =	vst v6;
	v10 =	vmul.f32 v11, v2;
	v7 =	vld [tilespmem:s25+$0x90]  }
0x153: {  	s29 =	sadd.s32 $0x2, s28;
	s28 =	sadd.s32 $0x4, s28;
	v6 =	vbroadcast v12, $0x0;
	v12 =	vmov s30;
	[tilespmem:s25+$0x20] =	vst v13;
	v11 =	vmul.f32 v9, v2;
	v9 =	vld [tilespmem:s25+$0xA0]  }
0x154: {  	v13 =	vld [tilespmem:s25+$0xB0]  }
0x155: {  	v15 =	vld [tilespmem:s25+$0xC0]  }
0x156: {  	v16 =	vld [tilespmem:s25+$0xD0]  }
0x157: {  	v17 =	vld [tilespmem:s25+$0xE0]  }
0x158: {  	v29 =	vld [tilespmem:s25+$0xF0];
	[tilespmem:s25+$0x30] =	vst v10;
	v4 =	vmul.f32 v4, v2  }
0x159: {  	v5 =	vld.idx.msk [tilespmem:v5+s13+$0x0], $0xffff;
	[tilespmem:s25+$0x40] =	vst v11;
	v2 =	vmul.f32 v3, v2  }
0x15a: {  	s28 =	sadd.s32 $0x200, s25;
	v3 =	vld.idx.msk [tilespmem:v6+s13+$0x0], $0xffff;
	v8 =	vmul.f32 v8, v1;
	[tilespmem:s25+$0x50] =	vst v4  }
0x15b: {  	v14 =	vmov s29;
	v34 =	vld [tilespmem:s28+$0x70];
	v30 =	vmul.f32 v7, v1;
	[tilespmem:s25+$0x60] =	vst v2  }
0x15c: {  	v14 =	vand.u32 $0xFFFFFFFE, v14;
	v35 =	vld [tilespmem:s28+$0xFFFFFF00];
	[tilespmem:s25+$0x80] =	vst v8;
	v2 =	vmul.f32 v9, v1  }
0x15d: {  	v37 =	vld [tilespmem:s28+$0xFFFFFF10];
	v14 =	vbroadcast v14, $0x0;
	[tilespmem:s25+$0x90] =	vst v30;
	v33 =	vmul.f32 v13, v1  }
0x15e: {  	v38 =	vld [tilespmem:s28+$0xFFFFFF20];
	[tilespmem:s25+$0xA0] =	vst v2;
	v2 =	vmul.f32 v15, v1  }
0x15f: {  	v12 =	vand.u32 $0xFFFFFFFD, v12;
	v39 =	vld [tilespmem:s28+$0xFFFFFF30];
	v36 =	vmul.f32 v16, v1;
	[tilespmem:s25+$0xB0] =	vst v33  }
0x160: {  	v12 =	vbroadcast v12, $0x0;
	v41 =	vld [tilespmem:s28+$0xFFFFFF50];
	[tilespmem:s26+$0xC0] =	vst v2;
	v2 =	vmul.f32 v17, v1  }
0x161: {  	v43 =	vld [tilespmem:s28+$0xFFFFFF60];
	[tilespmem:s26+$0xD0] =	vst v36;
	v1 =	vmul.f32 v29, v1  }
0x162: {  	v42 =	vmul.f32 v37, v3;
	[tilespmem:s26+$0xE0] =	vst v2;
	v2 =	vld [tilespmem:s28+$0xFFFFFF40]  }
0x163: {  	v32 =	vld.idx.msk [tilespmem:v14+s13+$0x0], $0xffff;
	[tilespmem:s26+$0xF0] =	vst v1;
	v1 =	vmul.f32 v35, v3  }
0x164: {  	v44 =	vld [tilespmem:s28+$0xFFFFFF70];
	v4 =	vmul.f32 v39, v3;
	[tilespmem:s28+$0xFFFFFF10] =	vst v42  }
0x165: {  	v45 =	vld [tilespmem:s28+$0xFFFFFF80];
	[tilespmem:s28+$0xFFFFFF00] =	vst v1;
	v1 =	vmul.f32 v38, v3  }
0x166: {  	v46 =	vmul.f32 v41, v3;
	v31 =	vld.idx.msk [tilespmem:v12+s13+$0x0], $0xffff;
	[tilespmem:s28+$0xFFFFFF30] =	vst v4  }
0x167: {  	[tilespmem:s28+$0xFFFFFF20] =	vst v1;
	v1 =	vmul.f32 v2, v3;
	v2 =	vld [tilespmem:s28+$0xFFFFFF90]  }
0x168: {  	v47 =	vld [tilespmem:s28+$0xFFFFFFA0];
	[tilespmem:s28+$0xFFFFFF50] =	vst v46;
	v40 =	vmul.f32 v34, v32  }
0x169: {  	v48 =	vld [tilespmem:s28+$0xFFFFFFB0];
	[tilespmem:s28+$0xFFFFFF40] =	vst v1;
	v1 =	vmul.f32 v43, v3  }
0x16a: {  	v49 =	vld [tilespmem:s28+$0xFFFFFFC0];
	[tilespmem:s28+$0x70] =	vst v40;
	v3 =	vmul.f32 v44, v3  }
0x16b: {  	v50 =	vld [tilespmem:s28+$0xFFFFFFD0];
	[tilespmem:s28+$0xFFFFFF60] =	vst v1;
	v1 =	vmul.f32 v45, v31  }
0x16c: {  	[tilespmem:s28+$0xFFFFFF70] =	vst v3;
	v3 =	vld [tilespmem:s28+$0xFFFFFFE0];
	v2 =	vmul.f32 v2, v31  }
0x16d: {  	v51 =	vld [tilespmem:s28+$0xFFFFFFF0];
	[tilespmem:s28+$0xFFFFFF80] =	vst v1;
	v1 =	vmul.f32 v47, v31  }
0x16e: {  	v52 =	vld [tilespmem:s28+$0x0];
	[tilespmem:s28+$0xFFFFFF90] =	vst v2;
	v2 =	vmul.f32 v48, v31  }
0x16f: {  	v53 =	vld [tilespmem:s28+$0x10];
	[tilespmem:s28+$0xFFFFFFA0] =	vst v1;
	v1 =	vmul.f32 v49, v31  }
0x170: {  	v54 =	vld [tilespmem:s28+$0x20];
	[tilespmem:s28+$0xFFFFFFB0] =	vst v2;
	v2 =	vmul.f32 v50, v31  }
0x171: {  	[tilespmem:s28+$0xFFFFFFC0] =	vst v1;
	v1 =	vmul.f32 v3, v31;
	v3 =	vld [tilespmem:s28+$0x30]  }
0x172: {  	v55 =	vld [tilespmem:s28+$0x40];
	[tilespmem:s28+$0xFFFFFFD0] =	vst v2;
	v2 =	vmul.f32 v51, v31  }
0x173: {  	v56 =	vld [tilespmem:s28+$0x50];
	[tilespmem:s28+$0xFFFFFFE0] =	vst v1;
	v1 =	vmul.f32 v52, v32  }
0x174: {  	v57 =	vld [tilespmem:s28+$0x60];
	[tilespmem:s28+$0xFFFFFFF0] =	vst v2;
	v2 =	vmul.f32 v53, v32  }
0x175: {  	v58 =	vld [tilespmem:s28+$0x80];
	[tilespmem:s28+$0x0] =	vst v1;
	v1 =	vmul.f32 v54, v32  }
0x176: {  	[tilespmem:s28+$0x10] =	vst v2;
	v2 =	vmul.f32 v3, v32;
	v3 =	vld [tilespmem:s28+$0x90]  }
0x177: {  	v59 =	vld [tilespmem:s28+$0xA0];
	[tilespmem:s28+$0x20] =	vst v1;
	v1 =	vmul.f32 v55, v32  }
0x178: {  	v60 =	vld [tilespmem:s28+$0xB0];
	[tilespmem:s28+$0x30] =	vst v2;
	v2 =	vmul.f32 v56, v32  }
0x179: {  	v61 =	vld [tilespmem:s28+$0xC0];
	[tilespmem:s28+$0x40] =	vst v1;
	v1 =	vmul.f32 v57, v32  }
0x17a: {  	v62 =	vld [tilespmem:s28+$0xD0];
	[tilespmem:s28+$0x50] =	vst v2;
	v2 =	vmul.f32 v58, v5  }
0x17b: {  	[tilespmem:s28+$0x60] =	vst v1;
	v1 =	vmul.f32 v3, v5;
	v3 =	vld [tilespmem:s28+$0xE0]  }
0x17c: {  	v63 =	vld [tilespmem:s28+$0xF0];
	[tilespmem:s28+$0x80] =	vst v2;
	v2 =	vmul.f32 v59, v5  }
0x17d: {  	[tilespmem:s28+$0x90] =	vst v1;
	v1 =	vmul.f32 v60, v5  }
0x17e: {  	[tilespmem:s28+$0xA0] =	vst v2;
	v2 =	vmul.f32 v61, v5  }
0x17f: {  	[tilespmem:s28+$0xB0] =	vst v1;
	v1 =	vmul.f32 v62, v5  }
0x180: {  	[tilespmem:s28+$0xC0] =	vst v2;
	v2 =	vmul.f32 v3, v5  }
0x181: {  	[tilespmem:s28+$0xD0] =	vst v1;
	v1 =	vmul.f32 v63, v5  }
0x182: {  	[tilespmem:s28+$0xE0] =	vst v2  }
.Ltmp5:
0x183: {  	[tilespmem:s28+$0xF0] =	vst v1;
	(pc) =	sbr.rel @p0 .LBB2_10-.Ltmp5, $4  }
0x184: {  	[spmem:s1] =	stream.indirect.scatter.add.f32 [tilespmem:s16], [sflag:$0x5], $0x80, s12, s9, $0xb8;
	[tilespmem:$0x1C300] =	vst v63  }
0x185: {  	_ =	swait.ge [sflag:s3], $0x4000  }
0x186: {  	[sflag:s3] =	ssyncset.done $0x0  }
0x187: {  	[sflag:s3] =	ssyncadd.s32 $0xFFFFC000  }
0x188: {  	s24 =	sadd.s32 s24, s21  }
0x189: {  	s24 =	sshrl.u32 s24, $0x3  }
0x18a: {  	s25 =	sadd.s32 s5, s24  }
0x18b: {  	[tilespmem:s11], [sflag:$0x2] =	stream.linear.gather [hbm4b:s25+s2], $0x80, $0x38;
	[tilespmem:$0x1C300] =	vst v63  }
.Ltmp6:
0x18c: {  	_ = 	snop;
	(pc) =	sbr.rel .LBB2_4-.Ltmp6, $4  }
0x18d: {  	s30 =	sadd.s32 s6, s24  }
0x18e: {  	[tilespmem:s12], [sflag:$0x2] =	stream.linear.gather [hbm4b:s30+s2], $0x80, $0x38;
	[tilespmem:$0x1C300] =	vst v63  }
0x18f: {  	s23 =	sadd.s32 $0x1, s23;
	s24 =	sadd.s32 s7, s24  }
0x190: {  	[tilespmem:s13], [sflag:$0x2] =	stream.linear.gather [hbm4b:s24+s2], $0x80, $0x38;
	[tilespmem:$0x1C300] =	vst v63  }
.LBB2_11:
0x191: {  	_ =	sfence.sel $0x180000  }
0x192: {  	[bflag:$0x0] =	sbarrier.arrive $0xFFFF  }
0x193: {  	_ =	strace $0x9000004D  }
0x194: {  	s0 =	stileid.u32;
	[bflag:$0x2] =	sbarrier.arrive $0xFFFF  }
0x195: {  	p0 =	sne.s32 s0, $0x0;
	s0 =	rddreg [dreg:$0x2]  }
0x196: {  	s0 =	sadd.s32 @!p0 $0x100000, s0  }
0x197: {  	[sflag:s0] =	ssyncadd.tile.s32 @!p0 $0x1;
	_ =	shalt  }
.Lfunc_end2:
_tile_overlayer_lowered:
.L_overlay_start_2:
0x198: {  	(tag) =	ssettag $0x2  }
0x199: {  	s0 =	rddreg [dreg:$0x0];
	s2 =	stileid.u32  }
0x19a: {  	s1 =	rddreg [dreg:$0x1];
	p0 =	sne.s32 s2, $0x0  }
0x19b: {  	s3 =	rddreg [dreg:$0x2];
	[bflag:$0x3] =	sbarrier.arrive $0xFFFF;
	s2 =	simm.s32 @!p0 $0x1C05  }
0x19c: {  	[timem:s3], [sflag:s2] =	dma.local @!p0 [hbm:s0], s1  }
0x19d: {  	s0 =	simm.s32 @!p0 $0x5  }
0x19e: {  	_ =	swait.ge @!p0 [sflag:s0], s1  }
0x19f: {  	s1 =	ssub.s32 @!p0 $0x0, s1;
	[sflag:s0] =	ssyncset.done @!p0 $0x0  }
0x1a0: {  	[sflag:s0] =	ssyncadd.s32 @!p0 s1  }
0x1a1: {  	[bflag:$0x3] =	sbarrier.arrive $0xFFFF  }
0x1a2: {  	_ =	shalt  }

// kernel: kernel.20.cloned.1.call-start
scs
__scs_entry_jumppad:
0x0: {  	(pc) =	sbr.rel $0x88, $3  }
0x1: {  	(tag) =	ssettag $0x0;
	lr =	simm.s32 $0x1  }
0x2: {  	[smem:$0x3F91] =	sst lr;
	_ =	strace $0xD0000000  }
0x3: {  	_ = 	snop  }
0x4: {  	_ = 	snop  }
0x5: {  	_ = 	snop  }
0x6: {  	_ = 	snop  }
0x7: {  	_ = 	snop  }
__scs_overlays_trampoline_lowered:
0x8: {  	[smem:$0x3FA0] =	sst s0  }
0x9: {  	[smem:$0x3FA1] =	sst s1  }
0xa: {  	[smem:$0x3FA2] =	sst s2  }
0xb: {  	[smem:$0x3FA3] =	sst s3  }
0xc: {  	[smem:$0x3FA4] =	sst s4  }
0xd: {  	[smem:$0x3FA5] =	sst s5  }
0xe: {  	[smem:$0x3FA6] =	sst s6  }
0xf: {  	[smem:$0x3FA7] =	sst s7  }
0x10: {  	[smem:$0x3FA8] =	sst s8  }
0x11: {  	[smem:$0x3FA9] =	sst s9;
	s0 =	simm.s32 @!p0 $0x0  }
0x12: {  	s1 =	sld [smem:$0x3F8F];
	s0 =	simm.s32 @p0 $0x1  }
0x13: {  	[smem:$0x3FAA] =	sst s0;
	s0 =	simm.s32 @!p1 $0x0  }
0x14: {  	s2 =	sld [smem:$0x3F8E];
	s0 =	simm.s32 @p1 $0x1  }
0x15: {  	[smem:$0x3FAB] =	sst s0;
	s0 =	simm.s32 @!p2 $0x0  }
0x16: {  	s3 =	sld [smem:$0x3FDB];
	s0 =	simm.s32 @p2 $0x1  }
0x17: {  	s4 =	simm.s32 $0x1BF5;
	[smem:$0x3FAD] =	sst s0  }
0x18: {  	s0 =	sld [smem:$0x3F90];
	_ =	swait.ge [sflag:s4], $0x0  }
0x19: {  	s7 =	sld [smem:$0x3F91]  }
0x1a: {  	s8 =	sadd.s32 $0xFFFFE003, lr  }
0x1b: {  	s9 =	sadd.s32 $0xFFFFFEF7, lr;
	s5 =	simm.s32 $0xFFFFFFFF;
	p2 =	slt.u32 s8, $0xFFFFF086  }
0x1c: {  	p1 =	slt.u32 s9, $0xF7A;
	s5 =	simm.s32 @!p2 $0x0  }
0x1d: {  	s5 =	simm.s32 @p1 $0x1;
	p0 =	seq.s32 s7, s2  }
0x1e: {  	s7 =	smul.u32 @!p0 $0xF7A, s2;
	p2 =	seq.s32 @!p0 s5, $0x0  }
0x1f: {  	s9 =	smul.u32 $0xF7A, s1;
	s8 =	simm.s32 @!p0 $0x1BF5;
	p2 =	por !p2, p0  }
0x20: {  	[sflag:s8] =	ssyncset.s32 @!p0 $0xFFFFF086;
	s6 =	sadd.s32 @!p0 s3, s7;
	s7 =	simm.s32 @!p0 $0x108  }
0x21: {  	s3 =	sadd.s32 s3, s9;
	s6 =	sadd.s32 @!p0 $0x88, s6;
	s7 =	simm.s32 @p2 $0x1082  }
0x22: {  	[simem:s7], [sflag:s8] =	dma.local @!p0 [hbm:s6], $0xF7A  }
0x23: {  	s9 =	sor.u32 $0xD0000000, s2;
	s6 =	simm.s32 $0x108;
	_ =	swait.ge @!p0 [sflag:s8], $0x0  }
0x24: {  	s3 =	sadd.s32 $0x88, s3;
	s6 =	simm.s32 @!p1 $0x1082;
	[sflag:s4] =	ssyncset.s32 $0xFFFFF086  }
0x25: {  	[simem:s6], [sflag:s4] =	dma.local [hbm:s3], $0xF7A  }
0x26: {  	[smem:$0x3F91] =	sst s1;
	(tag) =	ssettag s2;
	_ =	strace s9  }
0x27: {  	s1 =	sld [smem:$0x3FA1]  }
0x28: {  	s2 =	sld [smem:$0x3FA2]  }
0x29: {  	s4 =	sld [smem:$0x3FA4]  }
0x2a: {  	p0 =	seq.s32 s5, $0x0;
	s5 =	sld [smem:$0x3FA5]  }
0x2b: {  	s6 =	sld [smem:$0x3FA6]  }
0x2c: {  	s7 =	sld [smem:$0x3FA7]  }
0x2d: {  	s3 =	simm.s32 $0x108;
	s8 =	sld [smem:$0x3FA8]  }
0x2e: {  	s3 =	simm.s32 @!p0 $0x1082;
	s9 =	sld [smem:$0x3FA9]  }
0x2f: {  	lr =	sadd.s32 s0, s3;
	s0 =	sld [smem:$0x3FA0]  }
0x30: {  	s3 =	sld [smem:$0x3FA3]  }
0x31: {  	[smem:$0x3FAC] =	sst s10  }
0x32: {  	s10 =	sld [smem:$0x3FAA];
	_ =	sdelay $0x3  }
0x33: {  	p0 =	seq.s32 s10, $0x1;
	s10 =	sld [smem:$0x3FAC];
	_ =	sdelay $0x3  }
0x34: {  	[smem:$0x3FAC] =	sst s10  }
0x35: {  	s10 =	sld [smem:$0x3FAB];
	_ =	sdelay $0x3  }
0x36: {  	p1 =	seq.s32 s10, $0x1;
	s10 =	sld [smem:$0x3FAC];
	_ =	sdelay $0x3  }
0x37: {  	[smem:$0x3FAC] =	sst s10  }
0x38: {  	s10 =	sld [smem:$0x3FAD]  }
0x39: {  	_ = 	snop;
	(pc) =	sbr.ind lr, $3  }
0x3a: {  	_ = 	snop  }
0x3b: {  	_ = 	snop  }
0x3c: {  	p2 =	seq.s32 s10, $0x1;
	s10 =	sld [smem:$0x3FAC]  }
0x3d: {  	_ =	shalt  }
0x3e: {  	_ =	shalt  }
0x3f: {  	_ =	shalt  }
0x40: {  	_ =	shalt  }
0x41: {  	_ =	shalt  }
0x42: {  	_ =	shalt  }
0x43: {  	_ =	shalt  }
0x44: {  	_ =	shalt  }
0x45: {  	_ =	shalt  }
0x46: {  	_ =	shalt  }
0x47: {  	_ =	shalt  }
0x48: {  	_ =	shalt  }
0x49: {  	_ =	shalt  }
0x4a: {  	_ =	shalt  }
0x4b: {  	_ =	shalt  }
0x4c: {  	_ =	shalt  }
0x4d: {  	_ =	shalt  }
0x4e: {  	_ =	shalt  }
0x4f: {  	_ =	shalt  }
0x50: {  	_ =	shalt  }
0x51: {  	_ =	shalt  }
0x52: {  	_ =	shalt  }
0x53: {  	_ =	shalt  }
0x54: {  	_ =	shalt  }
0x55: {  	_ =	shalt  }
0x56: {  	_ =	shalt  }
0x57: {  	_ =	shalt  }
0x58: {  	_ =	shalt  }
0x59: {  	_ =	shalt  }
0x5a: {  	_ =	shalt  }
0x5b: {  	_ =	shalt  }
0x5c: {  	_ =	shalt  }
0x5d: {  	_ =	shalt  }
0x5e: {  	_ =	shalt  }
0x5f: {  	_ =	shalt  }
0x60: {  	_ =	shalt  }
0x61: {  	_ =	shalt  }
0x62: {  	_ =	shalt  }
0x63: {  	_ =	shalt  }
0x64: {  	_ =	shalt  }
0x65: {  	_ =	shalt  }
0x66: {  	_ =	shalt  }
0x67: {  	_ =	shalt  }
0x68: {  	_ =	shalt  }
0x69: {  	_ =	shalt  }
0x6a: {  	_ =	shalt  }
0x6b: {  	_ =	shalt  }
0x6c: {  	_ =	shalt  }
0x6d: {  	_ =	shalt  }
0x6e: {  	_ =	shalt  }
0x6f: {  	_ =	shalt  }
0x70: {  	_ =	shalt  }
0x71: {  	_ =	shalt  }
0x72: {  	_ =	shalt  }
0x73: {  	_ =	shalt  }
0x74: {  	_ =	shalt  }
0x75: {  	_ =	shalt  }
0x76: {  	_ =	shalt  }
0x77: {  	_ =	shalt  }
0x78: {  	_ =	shalt  }
0x79: {  	_ =	shalt  }
0x7a: {  	_ =	shalt  }
0x7b: {  	_ =	shalt  }
0x7c: {  	_ =	shalt  }
0x7d: {  	_ =	shalt  }
0x7e: {  	_ =	shalt  }
0x7f: {  	_ =	shalt  }
0x80: {  	_ =	shalt  }
0x81: {  	_ =	shalt  }
0x82: {  	_ =	shalt  }
0x83: {  	_ =	shalt  }
0x84: {  	_ =	shalt  }
0x85: {  	_ =	shalt  }
0x86: {  	_ =	shalt  }
0x87: {  	_ =	shalt  }
.Lfunc_end0:
.L_simem_size_0:
called_computation.3_lowered:
.L_overlay_start_0:
0x88: {  	s2 =	sld [smem:$0x3FD9]  }
0x89: {  	s3 =	sld [smem:$0x3FFE];
	_ =	sdelay $0x1  }
0x8a: {  	s1 =	srdreg.scid  }
0x8b: {  	s0 =	sand.u32 $0x1, s1  }
0x8c: {  	s16 =	sshll.u32 s0, $0xA;
	s2 =	sadd.s32 s3, s2  }
0x8d: {  	s2 =	sadd.s32 s2, s16  }
0x8e: {  	[smem:$0x3FB8] =	sst s2  }
0x8f: {  	_ = 	snop  }
0x90: {  	(tm) =	ssettm $0x1  }
0x91: {  	s17 =	sld [smem:$0x3FFB];
	_ =	sdelay $0x3  }
0x92: {  	_ =	strace s17  }
0x93: {  	s2 =	sld [smem:$0x3FFC];
	_ =	sdelay $0x3  }
0x94: {  	_ =	strace s2  }
0x95: {  	s2 =	sld [smem:$0x3FFD];
	_ =	sdelay $0x3  }
0x96: {  	_ =	strace s2  }
0x97: {  	_ =	strace $0x8FFFFFFF  }
0x98: {  	s18 =	sld [smem:$0x3FDB];
	_ =	sdelay $0x1  }
0x99: {  	s19 =	simm.s32 $_scs_section_size  }
0x9a: {  	s4 =	simm.s32 $_size__tile_overlayer_lowered;
	s5 =	simm.s32 $_tile_overlayer_lowered  }
0x9b: {  	s22 =	simm.s32 $0x1BFF;
	s21 =	sshll.u32 s5, $0x1;
	s2 =	sadd.s32 s19, s18  }
0x9c: {  	s6 =	simm.s32 $0x0;
	s20 =	sshll.u32 s4, $0x1;
	s4 =	sadd.s32 s21, s2  }
0x9d: {  	[timem:s6], [sflag:s22] =	dma.local [hbm:s4], s20  }
0x9e: {  	_ =	swait.ge [sflag:s22], s20  }
0x9f: {  	s3 =	ssub.s32 $0x0, s20;
	[sflag:s22] =	ssyncset.done $0x0  }
0xa0: {  	[sflag:s22] =	ssyncadd.s32 s3;
	_ =	sdelay $0x1  }
0xa1: {  	s23 =	simm.s32 $0x1B8B  }
0xa2: {  	_ =	swait.ge [sflag:s23], $0x1  }
0xa3: {  	[sflag:s23] =	ssyncset.done $0x0  }
0xa4: {  	s25 =	simm.s32 $0x1B8E;
	s24 =	sld [smem:$0x3FFE];
	[sflag:s23] =	ssyncadd.s32 $0xFFFFFFFF  }
0xa5: {  	s26 =	simm.s32 $execute0_lowered;
	[smem:$0x3FD2] =	sst s25  }
0xa6: {  	s4 =	sshll.u32 s26, $0x1;
	_ =	strace $0x8000004F;
	[dreg:$0x1] =	wrdreg $0xFFFFFFFF  }
0xa7: {  	s28 =	simm.s32 $_size_execute0_lowered;
	s2 =	sadd.s32 s2, s4;
	[dreg:$0x0] =	wrdreg $0x0  }
0xa8: {  	s4 =	sshll.u32 s28, $0x1;
	[dreg:$0x2] =	wrdreg s2  }
0xa9: {  	[dreg:$0x3] =	wrdreg s4  }
0xaa: {  	[dreg:$0x4] =	wrdreg $0xC0  }
0xab: {  	_ =	task [dreg:s6], $0x5FFFF  }
0xac: {  	[dreg:$0x1] =	wrdreg $0xFFFFFFFF  }
0xad: {  	[dreg:$0x0] =	wrdreg $0x60  }
0xae: {  	[dreg:$0x2] =	wrdreg s24  }
0xaf: {  	[dreg:$0x3] =	wrdreg $0x83000  }
0xb0: {  	[dreg:$0x4] =	wrdreg $0x9  }
0xb1: {  	_ =	task.clear_ibuf [dreg:s6], $0x5FFFF;
	_ =	strace $0x9000004F  }
0xb2: {  	s29 =	simm.s32 $0x9;
	_ =	strace $0x80000051  }
0xb3: {  	_ =	swait.ge [sflag:s29], $0x1  }
0xb4: {  	[sflag:s29] =	ssyncadd.s32 $0xFFFFFFFF  }
0xb5: {  	_ =	strace $0x90000051  }
0xb6: {  	_ =	sfence  }
0xb7: {  	s30 =	sld [smem:$0x0];
	_ =	sdelay $0x2  }
0xb8: {  	s31 =	sshll.u32 s1, $0xD;
	s1 =	sshrl.u32 s1, $0x2  }
0xb9: {  	s3 =	sand.u32 $0x4000, s31;
	s1 =	sadd.s32 s1, s30  }
0xba: {  	s0 =	sor.u32 s3, s0;
	s1 =	sshll.u32 s1, $0x11  }
0xbb: {  	s0 =	sor.u32 s1, s0  }
0xbc: {  	s0 =	sadd.s32 $0x8F2B, s0  }
0xbd: {  	[sflag:s0] =	ssyncadd.remote.s32 $0x1  }
0xbe: {  	_ =	sfence.sel $0xFFFF  }
0xbf: {  	[dreg:$0x0] =	wrdreg $0xFFFFFFFF;
	(pc) =	sbr.abs _section_cstart, $3  }
0xc0: {  	[dreg:$0x1] =	wrdreg $0xFFFFFFFF  }
0xc1: {  	_ =	task.clear_ibuf [dreg:s6], $0x2FFFF;
	_ =	strace $0x9FFFFFFF  }
0xc2: {  	(tm) =	ssettm $0x7FFFFFFF  }
0xc3: {  	_ =	shalt  }
tec
execute0_lowered:
.L_overlay_start_1:
0x0: {  	(tag) =	ssettag $0x1  }
0x1: {  	s0 =	rddreg [dreg:$0x0]  }
0x2: {  	s1 =	rddreg [dreg:$0x1];
	s2 =	simm.s32 $0x0;
	s3 =	srdreg.scid  }
0x3: {  	s13 =	stileid.u32;
	[smem:$0x7FF] =	sst s2  }
0x4: {  	s4 =	sadd.s32 $0x17400, s0;
	s5 =	sadd.s32 $0x67400, s0;
	s6 =	sadd.s32 $0xD400, s0  }
0x5: {  	s7 =	sadd.s32 $0x3400, s0;
	s3 =	sand.u32 $0x1, s3;
	s10 =	smul.u32 $0x50000, s13  }
0x6: {  	s8 =	sshll.u32 s13, $0x1;
	s0 =	sadd.s32 $0x71400, s0;
	s19 =	smul.u32 $0x14000, s13  }
0x7: {  	s13 =	simm.s32 $0x280;
	_ =	strace $0x80000050;
	s9 =	ssub.s32 $0x2, s3  }
0x8: {  	s8 =	sor.u32 s3, s8;
	s3 =	smul.u32 $0x140000, s3;
	s11 =	sshrl.u32 s9, $0x1  }
0x9: {  	s12 =	smul.u32 $0x2800, s8;
	s18 =	sshrl.u32 s10, $0x2;
	s23 =	sadd.s32 $0x4000, s19  }
0xa: {  	s26 =	sadd.s32 $0x8000, s19;
	s28 =	sadd.s32 $0xC000, s19;
	s10 =	sadd.s32 $0x10000, s19  }
0xb: {  	s9 =	ssub.s32 s9, s11;
	s8 =	sadd.s32 s18, s1;
	s24 =	sadd.s32 s3, s19  }
0xc: {  	s15 =	sadd.s32 s3, s23;
	s29 =	sadd.s32 s3, s26;
	s17 =	sadd.s32 s3, s28  }
0xd: {  	s3 =	sadd.s32 s3, s10;
	s19 =	sadd.s32 s23, s1;
	s23 =	sadd.s32 s28, s1  }
0xe: {  	s10 =	sadd.s32 s10, s1;
	s20 =	sshrl.u32 s12, $0x3;
	s15 =	sshrl.u32 s15, $0x3  }
0xf: {  	s17 =	sshrl.u32 s17, $0x3;
	s3 =	sshrl.u32 s3, $0x3;
	s18 =	smax.u32 s9, $0x1  }
0x10: {  	s28 =	sadd.s32 $0x4000, s8;
	s31 =	sadd.s32 $0x10000, s8;
	[dreg:$0xe] =	wrdreg s18  }
0x11: {  	s9 =	simm.s32 $0x80;
	s21 =	sadd.s32 s5, s20;
	[dreg:$0x13] =	wrdreg s28  }
0x12: {  	s22 =	sadd.s32 s6, s20;
	s14 =	sadd.s32 s7, s20;
	[dreg:$0x3] =	wrdreg s21  }
0x13: {  	s11 =	sor.u32 $0x10, s20;
	s25 =	sadd.s32 s0, s15;
	[dreg:$0x4] =	wrdreg s22  }
0x14: {  	s30 =	sadd.s32 s0, s17;
	s20 =	sor.u32 $0x100, s12;
	[dreg:$0x5] =	wrdreg s14  }
0x15: {  	s15 =	simm.s32 $0x2;
	s18 =	simm.s32 $0x4;
	[dreg:$0x8] =	wrdreg s25  }
0x16: {  	s14 =	sshrl.u32 s24, $0x3;
	s16 =	sadd.s32 s5, s11;
	[dreg:$0xa] =	wrdreg s30  }
0x17: {  	s17 =	sadd.s32 s7, s11;
	s21 =	sor.u32 $0x180, s12;
	[dreg:$0x6] =	wrdreg s16  }
0x18: {  	s22 =	sadd.s32 s26, s1;
	s25 =	sshrl.u32 s23, $0x3;
	[dreg:$0xd] =	wrdreg s17  }
0x19: {  	s26 =	sshrl.u32 s10, $0x3;
	s30 =	sadd.s32 $0xC000, s8;
	[dreg:$0x11] =	wrdreg s25  }
0x1a: {  	s10 =	simm.s32 $0x200;
	s12 =	simm.s32 $0x180;
	[dreg:$0x12] =	wrdreg s26  }
0x1b: {  	s14 =	sadd.s32 s0, s14;
	s16 =	sshrl.u32 s29, $0x3;
	[dreg:$0x15] =	wrdreg s30  }
0x1c: {  	s24 =	sshrl.u32 s22, $0x3;
	s29 =	sadd.s32 $0x8000, s8;
	[dreg:$0x7] =	wrdreg s14  }
0x1d: {  	s17 =	simm.s32 $0x3;
	s16 =	sadd.s32 s0, s16;
	[dreg:$0x10] =	wrdreg s24  }
.Ltmp0:
0x1e: {  	s0 =	sadd.s32 s0, s3;
	[dreg:$0x14] =	wrdreg s29;
	(pc) =	sbr.rel .LBB2_1-.Ltmp0, $4  }
0x1f: {  	s3 =	simm.s32 $0x5;
	s14 =	simm.s32 $0x1;
	[dreg:$0x9] =	wrdreg s16  }
0x20: {  	[dreg:$0xb] =	wrdreg s0;
	s16 =	sadd.s32 s6, s11;
	s0 =	sshrl.u32 s19, $0x3  }
0x21: {  	s11 =	simm.s32 $0x100;
	s19 =	simm.s32 $0x0;
	[dreg:$0xc] =	wrdreg s16  }
0x22: {  	v0 =	vimm.f32 $0.0e+00;
	[dreg:$0xf] =	wrdreg s0;
	s0 =	simm.s32 $0x300;
	s16 =	simm.s32 $0x4300  }
.LBB2_10:
0x23: {  	s22 =	stileid.u32  }
0x24: {  	[bflag:$0x0] =	sbarrier.arrive $0xFFFF;
	s22 =	sshll.u32 s22, $0x6  }
0x25: {  	s23 =	sshrl.u32 s8, $0x3;
	s24 =	rddreg [dreg:$0x7];
	s22 =	sor.u32 $0x1C05, s22  }
0x26: {  	[hbm:s24], [sflag:s22] =	dma.local [spmem:s23], $0x800  }
0x27: {  	_ =	swait.ge [sflag:s3], $0x800  }
0x28: {  	[sflag:s3] =	ssyncset.done $0x0;
	s26 =	rddreg [dreg:$0x8]  }
0x29: {  	s28 =	rddreg [dreg:$0xf];
	[sflag:s3] =	ssyncadd.s32 $0xFFFFF800  }
0x2a: {  	[hbm:s26], [sflag:s22] =	dma.local [spmem:s28], $0x800  }
0x2b: {  	_ =	swait.ge [sflag:s3], $0x800  }
0x2c: {  	[sflag:s3] =	ssyncset.done $0x0;
	s29 =	rddreg [dreg:$0x9]  }
0x2d: {  	s30 =	rddreg [dreg:$0x10];
	[sflag:s3] =	ssyncadd.s32 $0xFFFFF800  }
0x2e: {  	[hbm:s29], [sflag:s22] =	dma.local [spmem:s30], $0x800  }
0x2f: {  	_ =	swait.ge [sflag:s3], $0x800  }
0x30: {  	[sflag:s3] =	ssyncset.done $0x0;
	s25 =	rddreg [dreg:$0xa]  }
0x31: {  	s26 =	rddreg [dreg:$0x11];
	[sflag:s3] =	ssyncadd.s32 $0xFFFFF800  }
0x32: {  	[hbm:s25], [sflag:s22] =	dma.local [spmem:s26], $0x800  }
0x33: {  	_ =	swait.ge [sflag:s3], $0x800  }
0x34: {  	[sflag:s3] =	ssyncset.done $0x0;
	s28 =	rddreg [dreg:$0xb]  }
0x35: {  	s29 =	rddreg [dreg:$0x12];
	[sflag:s3] =	ssyncadd.s32 $0xFFFFF800  }
0x36: {  	[hbm:s28], [sflag:s22] =	dma.local [spmem:s29], $0x800  }
0x37: {  	_ =	swait.ge [sflag:s3], $0x800  }
0x38: {  	s19 =	sadd.s32 $0x1, s19;
	s30 =	rddreg [dreg:$0xe]  }
0x39: {  	p0 =	sne.s32 s19, s30  }
.Ltmp1:
0x3a: {  	_ = 	snop;
	(pc) =	sbr.rel @!p0 .LBB2_11-.Ltmp1, $3  }
0x3b: {  	_ =	sdelay $0x1  }
0x3c: {  	[sflag:s3] =	ssyncset.done $0x0  }
0x3d: {  	[sflag:s3] =	ssyncadd.s32 $0xFFFFF800  }
.LBB2_1:
0x3e: {  	s22 =	simm.s32 $0x0;
	s23 =	simm.s32 $0x200  }
.LBB2_2:
0x3f: {  	p0 =	sne.s32 s23, $0xFE00;
	[tilespmem:s22+$0x370] =	vst v0  }
0x40: {  	[tilespmem:s22+$0x300] =	vst v0  }
0x41: {  	[tilespmem:s22+$0x310] =	vst v0  }
.Ltmp2:
0x42: {  	[tilespmem:s22+$0x320] =	vst v0;
	(pc) =	sbr.rel @p0 .LBB2_2-.Ltmp2, $4  }
0x43: {  	[tilespmem:s22+$0x330] =	vst v0  }
0x44: {  	[tilespmem:s22+$0x340] =	vst v0  }
0x45: {  	[tilespmem:s22+$0x350] =	vst v0  }
0x46: {  	[tilespmem:s22+$0x360] =	vst v0;
	s22 =	sshra.s32 s23, $0x2;
	s23 =	sadd.s32 $0x200, s23  }
0x47: {  	[tilespmem:s22+$0x370] =	vst v0  }
0x48: {  	[tilespmem:s22+$0x300] =	vst v0  }
0x49: {  	[tilespmem:s22+$0x310] =	vst v0  }
0x4a: {  	[tilespmem:s22+$0x320] =	vst v0  }
0x4b: {  	[tilespmem:s22+$0x330] =	vst v0  }
0x4c: {  	[tilespmem:s22+$0x340] =	vst v0  }
0x4d: {  	[tilespmem:s22+$0x350] =	vst v0  }
0x4e: {  	[tilespmem:s22+$0x360] =	vst v0  }
0x4f: {  	[spmem:s8] =	stream.linear.scatter [tilespmem:s0], [sflag:$0x5], $0x4000, $0x38;
	[tilespmem:$0x1C300] =	vst v63  }
0x50: {  	_ =	swait.ge [sflag:s3], $0x4000  }
0x51: {  	[sflag:s3] =	ssyncset.done $0x0  }
0x52: {  	s30 =	rddreg [dreg:$0x13];
	[sflag:s3] =	ssyncadd.s32 $0xFFFFC000  }
0x53: {  	[spmem:s30] =	stream.linear.scatter [tilespmem:s0], [sflag:$0x5], $0x4000, $0x38;
	[tilespmem:$0x1C300] =	vst v63  }
0x54: {  	_ =	swait.ge [sflag:s3], $0x4000  }
0x55: {  	[sflag:s3] =	ssyncset.done $0x0  }
0x56: {  	s23 =	rddreg [dreg:$0x14];
	[sflag:s3] =	ssyncadd.s32 $0xFFFFC000  }
0x57: {  	[spmem:s23] =	stream.linear.scatter [tilespmem:s0], [sflag:$0x5], $0x4000, $0x38;
	[tilespmem:$0x1C300] =	vst v63  }
0x58: {  	_ =	swait.ge [sflag:s3], $0x4000  }
0x59: {  	[sflag:s3] =	ssyncset.done $0x0  }
0x5a: {  	s24 =	rddreg [dreg:$0x15];
	[sflag:s3] =	ssyncadd.s32 $0xFFFFC000  }
0x5b: {  	[spmem:s24] =	stream.linear.scatter [tilespmem:s0], [sflag:$0x5], $0x4000, $0x38;
	[tilespmem:$0x1C300] =	vst v63  }
0x5c: {  	_ =	swait.ge [sflag:s3], $0x4000  }
0x5d: {  	[sflag:s3] =	ssyncset.done $0x0  }
0x5e: {  	[sflag:s3] =	ssyncadd.s32 $0xFFFFC000  }
0x5f: {  	[spmem:s31] =	stream.linear.scatter [tilespmem:s0], [sflag:$0x5], $0x4000, $0x38;
	[tilespmem:$0x1C300] =	vst v63  }
0x60: {  	_ =	swait.ge [sflag:s3], $0x4000  }
0x61: {  	[sflag:s3] =	ssyncset.done $0x0  }
0x62: {  	[sflag:s3] =	ssyncadd.s32 $0xFFFFC000  }
0x63: {  	[bflag:$0x0] =	sbarrier.arrive $0xFFFF  }
0x64: {  	s22 =	simm.s32 $0x0;
	s23 =	rddreg [dreg:$0x3]  }
0x65: {  	[tilespmem:s22], [sflag:$0x1] =	stream.linear.gather [hbm4b:s23+s22], $0x80, $0x38;
	[tilespmem:$0x1C300] =	vst v63  }
0x66: {  	s25 =	rddreg [dreg:$0x4]  }
0x67: {  	[tilespmem:s9], [sflag:$0x1] =	stream.linear.gather [hbm4b:s25+s22], $0x80, $0x38;
	[tilespmem:$0x1C300] =	vst v63  }
0x68: {  	s26 =	rddreg [dreg:$0x5]  }
0x69: {  	[tilespmem:s10], [sflag:$0x1] =	stream.linear.gather [hbm4b:s26+s22], $0x80, $0x38;
	[tilespmem:$0x1C300] =	vst v63  }
0x6a: {  	s28 =	rddreg [dreg:$0x6]  }
0x6b: {  	[tilespmem:s11], [sflag:$0x2] =	stream.linear.gather [hbm4b:s28+s22], $0x80, $0x38;
	[tilespmem:$0x1C300] =	vst v63  }
0x6c: {  	s29 =	rddreg [dreg:$0xc]  }
0x6d: {  	[tilespmem:s12], [sflag:$0x2] =	stream.linear.gather [hbm4b:s29+s22], $0x80, $0x38;
	[tilespmem:$0x1C300] =	vst v63  }
0x6e: {  	s30 =	rddreg [dreg:$0xd]  }
0x6f: {  	[tilespmem:s13], [sflag:$0x2] =	stream.linear.gather [hbm4b:s30+s22], $0x80, $0x38;
	[tilespmem:$0x1C300] =	vst v63  }
0x70: {  	_ =	swait.ge [sflag:s14], $0x80  }
0x71: {  	[sflag:s14] =	ssyncset.done $0x0  }
0x72: {  	[sflag:s14] =	ssyncadd.s32 $0xFFFFFF80  }
0x73: {  	_ =	swait.ge [sflag:s14], $0x80  }
0x74: {  	[sflag:s14] =	ssyncset.done $0x0  }
0x75: {  	[sflag:s14] =	ssyncadd.s32 $0xFFFFFF80  }
0x76: {  	_ =	swait.ge [sflag:s14], $0x80  }
0x77: {  	[sflag:s14] =	ssyncset.done $0x0  }
0x78: {  	s23 =	simm.s32 $0x0;
	[sflag:s14] =	ssyncadd.s32 $0xFFFFFF80  }
0x79: {  	[tilespmem:s0], [sflag:$0x3] =	stream.indirect.gather [hbm4b:s4+s9], $0x80, s22, s9, $0xb8;
	[tilespmem:$0x1C300] =	vst v63  }
.LBB2_4:
0x7a: {  	_ =	swait.ge [sflag:s15], $0x80  }
0x7b: {  	[sflag:s15] =	ssyncset.done $0x0  }
0x7c: {  	[sflag:s15] =	ssyncadd.s32 $0xFFFFFF80  }
0x7d: {  	_ =	swait.ge [sflag:s15], $0x80  }
0x7e: {  	[sflag:s15] =	ssyncset.done $0x0  }
0x7f: {  	v1 =	vmov s22;
	s24 =	simm.s32 $0x2;
	[sflag:s15] =	ssyncadd.s32 $0xFFFFFF80  }
0x80: {  	v1 =	vand.u32 $0xFFFFFFFC, v1;
	v2 =	vmov s24;
	_ =	swait.ge [sflag:s15], $0x80  }
0x81: {  	v1 =	vbroadcast v1, $0x0;
	v2 =	vand.u32 $0xFFFFFFFE, v2;
	[sflag:s15] =	ssyncset.done $0x0  }
0x82: {  	v2 =	vbroadcast v2, $0x0;
	[sflag:s15] =	ssyncadd.s32 $0xFFFFFF80  }
0x83: {  	[tilespmem:s16], [sflag:$0x4] =	stream.indirect.gather [hbm4b:s4+s9], $0x80, s11, s9, $0xb8;
	[tilespmem:$0x1C300] =	vst v63  }
0x84: {  	_ =	swait.ge [sflag:s17], $0x4000  }
0x85: {  	[sflag:s17] =	ssyncset.done $0x0  }
0x86: {  	[sflag:s17] =	ssyncadd.s32 $0xFFFFC000  }
0x87: {  	v1 =	vld.idx.msk [tilespmem:v1+s10+$0x0], $0xffff  }
0x88: {  	s25 =	simm.s32 $0x1;
	s24 =	simm.s32 $0x400;
	v2 =	vld.idx.msk [tilespmem:v2+s10+$0x0], $0xffff  }
0x89: {  	v3 =	vmov s25;
	v4 =	vld [tilespmem:s24+$0x70]  }
0x8a: {  	v3 =	vand.u32 $0xFFFFFFFD, v3;
	v5 =	vld [tilespmem:s24+$0xFFFFFF00]  }
0x8b: {  	v3 =	vbroadcast v3, $0x0;
	v6 =	vld [tilespmem:s24+$0xFFFFFF10]  }
0x8c: {  	v7 =	vld [tilespmem:s24+$0xFFFFFF20]  }
0x8d: {  	v8 =	vld [tilespmem:s24+$0xFFFFFF30]  }
0x8e: {  	v9 =	vld [tilespmem:s24+$0xFFFFFF40]  }
0x8f: {  	v10 =	vld [tilespmem:s24+$0xFFFFFF50]  }
0x90: {  	v11 =	vld [tilespmem:s24+$0xFFFFFF60];
	v5 =	vmul.f32 v5, v1  }
0x91: {  	v3 =	vld.idx.msk [tilespmem:v3+s10+$0x0], $0xffff;
	v4 =	vmul.f32 v4, v2  }
0x92: {  	v13 =	vld [tilespmem:s24+$0x40];
	[tilespmem:s24+$0xFFFFFF00] =	vst v5;
	v5 =	vmul.f32 v6, v1  }
0x93: {  	v6 =	vld [tilespmem:s24+$0xFFFFFF70];
	[tilespmem:s24+$0x70] =	vst v4;
	v4 =	vmul.f32 v7, v1  }
0x94: {  	v7 =	vld [tilespmem:s24+$0xFFFFFF80];
	[tilespmem:s24+$0xFFFFFF10] =	vst v5;
	v5 =	vmul.f32 v8, v1  }
0x95: {  	v8 =	vld [tilespmem:s24+$0xFFFFFF90];
	[tilespmem:s24+$0xFFFFFF20] =	vst v4;
	v4 =	vmul.f32 v9, v1  }
0x96: {  	v9 =	vld [tilespmem:s24+$0xFFFFFFA0];
	[tilespmem:s24+$0xFFFFFF30] =	vst v5;
	v5 =	vmul.f32 v10, v1  }
0x97: {  	v10 =	vld [tilespmem:s24+$0xFFFFFFB0];
	[tilespmem:s24+$0xFFFFFF40] =	vst v4;
	v4 =	vmul.f32 v11, v1  }
0x98: {  	v11 =	vld [tilespmem:s24+$0xFFFFFFC0];
	v6 =	vmul.f32 v6, v1;
	[tilespmem:s24+$0xFFFFFF50] =	vst v5  }
0x99: {  	v5 =	vmul.f32 v7, v3;
	v7 =	vld [tilespmem:s24+$0xFFFFFFD0];
	[tilespmem:s24+$0xFFFFFF60] =	vst v4  }
0x9a: {  	s26 =	simm.s32 $0x3;
	v4 =	vld [tilespmem:s24+$0xFFFFFFE0];
	v8 =	vmul.f32 v8, v3;
	[tilespmem:s24+$0xFFFFFF70] =	vst v6  }
0x9b: {  	v12 =	vmov s26;
	v6 =	vld [tilespmem:s24+$0xFFFFFFF0];
	[tilespmem:s24+$0xFFFFFF80] =	vst v5;
	v5 =	vmul.f32 v9, v3  }
0x9c: {  	v9 =	vld [tilespmem:s24+$0x0];
	[tilespmem:s24+$0xFFFFFF90] =	vst v8;
	v8 =	vmul.f32 v10, v3  }
0x9d: {  	v10 =	vld [tilespmem:s24+$0x10];
	[tilespmem:s24+$0xFFFFFFA0] =	vst v5;
	v5 =	vmul.f32 v11, v3  }
0x9e: {  	[tilespmem:s24+$0xFFFFFFB0] =	vst v8;
	v7 =	vmul.f32 v7, v3;
	v8 =	vld [tilespmem:s24+$0x20]  }
0x9f: {  	v11 =	vld [tilespmem:s24+$0x30];
	v4 =	vmul.f32 v4, v3;
	[tilespmem:s24+$0xFFFFFFC0] =	vst v5  }
0xa0: {  	v1 =	vld.idx.msk [tilespmem:v12+s10+$0x0], $0xffff;
	v3 =	vmul.f32 v6, v3;
	[tilespmem:s24+$0xFFFFFFD0] =	vst v7  }
0xa1: {  	[tilespmem:s24+$0xFFFFFFE0] =	vst v4;
	v5 =	vmul.f32 v9, v2;
	v4 =	vld [tilespmem:s24+$0x50]  }
0xa2: {  	s29 =	simm.s32 $0x4;
	[tilespmem:s24+$0xFFFFFFF0] =	vst v3;
	v6 =	vmul.f32 v10, v2;
	v3 =	vld [tilespmem:s24+$0x60]  }
0xa3: {  	s30 =	simm.s32 $0x7;
	v7 =	vmov s29;
	[tilespmem:s24+$0x0] =	vst v5;
	v9 =	vmul.f32 v8, v2;
	v8 =	vld [tilespmem:s24+$0x80]  }
0xa4: {  	s26 =	simm.s32 $0x5;
	v12 =	vand.u32 $0xFFFFFFFC, v7;
	v7 =	vld [tilespmem:s24+$0x90];
	v5 =	vmov s30;
	v10 =	vmul.f32 v11, v2;
	[tilespmem:s24+$0x10] =	vst v6  }
0xa5: {  	s28 =	simm.s32 $0x6;
	s25 =	simm.s32 $0x400;
	v11 =	vmul.f32 v13, v2;
	v6 =	vbroadcast v12, $0x0;
	v12 =	vmov s26;
	s26 =	simm.s32 $0x8;
	[tilespmem:s24+$0x20] =	vst v9;
	v9 =	vld [tilespmem:s24+$0xA0]  }
.LBB2_5:
0xa6: {  	p0 =	slt.u32 s26, $0x7C;
	v12 =	vand.u32 $0xFFFFFFFD, v12;
	v13 =	vmov s28;
	[tilespmem:s24+$0x30] =	vst v10;
	v4 =	vmul.f32 v4, v2;
	v10 =	vld [tilespmem:s24+$0xB0]  }
0xa7: {  	v12 =	vbroadcast v12, $0x0;
	v13 =	vand.u32 $0xFFFFFFFE, v13;
	[tilespmem:s24+$0x40] =	vst v11;
	v2 =	vmul.f32 v3, v2;
	v3 =	vld [tilespmem:s24+$0xC0]  }
0xa8: {  	v11 =	vbroadcast v13, $0x0;
	[tilespmem:s24+$0x50] =	vst v4;
	v4 =	vmul.f32 v8, v1;
	v8 =	vld [tilespmem:s24+$0xD0]  }
0xa9: {  	[tilespmem:s24+$0x60] =	vst v2;
	v2 =	vmul.f32 v7, v1;
	v7 =	vld [tilespmem:s24+$0xE0]  }
0xaa: {  	[tilespmem:s24+$0x80] =	vst v4;
	v4 =	vmul.f32 v9, v1;
	v9 =	vld [tilespmem:s24+$0xF0]  }
0xab: {  	v5 =	vld.idx.msk [tilespmem:v5+s10+$0x0], $0xffff;
	[tilespmem:s24+$0x90] =	vst v2;
	v2 =	vmul.f32 v10, v1  }
0xac: {  	v6 =	vld.idx.msk [tilespmem:v6+s10+$0x0], $0xffff;
	[tilespmem:s24+$0xA0] =	vst v4;
	v3 =	vmul.f32 v3, v1  }
0xad: {  	v4 =	vld.idx.msk [tilespmem:v12+s10+$0x0], $0xffff;
	[tilespmem:s24+$0xB0] =	vst v2;
	v8 =	vmul.f32 v8, v1  }
0xae: {  	s24 =	sadd.s32 $0x200, s24;
	v2 =	vld.idx.msk [tilespmem:v11+s10+$0x0], $0xffff;
	[tilespmem:s25+$0xC0] =	vst v3;
	v3 =	vmul.f32 v7, v1  }
0xaf: {  	v7 =	vld [tilespmem:s24+$0x70];
	[tilespmem:s25+$0xD0] =	vst v8;
	v9 =	vmul.f32 v9, v1  }
0xb0: {  	v8 =	vld [tilespmem:s24+$0xFFFFFF00];
	[tilespmem:s25+$0xE0] =	vst v3  }
0xb1: {  	v1 =	vmov v5;
	v3 =	vld [tilespmem:s24+$0xFFFFFF10];
	[tilespmem:s25+$0xF0] =	vst v9;
	s25 =	smov.u32 s24  }
0xb2: {  	v5 =	vld [tilespmem:s24+$0xFFFFFF20]  }
0xb3: {  	v9 =	vld [tilespmem:s24+$0xFFFFFF30]  }
0xb4: {  	v10 =	vld [tilespmem:s24+$0xFFFFFF40];
	v7 =	vmul.f32 v7, v2  }
0xb5: {  	v8 =	vmul.f32 v8, v6;
	v11 =	vld [tilespmem:s24+$0xFFFFFF50]  }
0xb6: {  	v3 =	vmul.f32 v3, v6;
	v12 =	vld [tilespmem:s24+$0xFFFFFF60];
	[tilespmem:s24+$0x70] =	vst v7  }
0xb7: {  	[tilespmem:s24+$0xFFFFFF00] =	vst v8;
	v5 =	vmul.f32 v5, v6;
	v7 =	vld [tilespmem:s24+$0xFFFFFF70]  }
0xb8: {  	[tilespmem:s24+$0xFFFFFF10] =	vst v3;
	v3 =	vmul.f32 v9, v6;
	v8 =	vld [tilespmem:s24+$0xFFFFFF80]  }
0xb9: {  	[tilespmem:s24+$0xFFFFFF20] =	vst v5;
	v5 =	vmul.f32 v10, v6;
	v9 =	vld [tilespmem:s24+$0xFFFFFF90]  }
0xba: {  	[tilespmem:s24+$0xFFFFFF30] =	vst v3;
	v3 =	vmul.f32 v11, v6;
	v10 =	vld [tilespmem:s24+$0xFFFFFFA0]  }
0xbb: {  	[tilespmem:s24+$0xFFFFFF40] =	vst v5;
	v5 =	vmul.f32 v12, v6;
	v11 =	vld [tilespmem:s24+$0xFFFFFFB0]  }
0xbc: {  	[tilespmem:s24+$0xFFFFFF50] =	vst v3;
	v3 =	vmul.f32 v7, v6;
	v6 =	vld [tilespmem:s24+$0xFFFFFFC0]  }
0xbd: {  	[tilespmem:s24+$0xFFFFFF60] =	vst v5;
	v5 =	vmul.f32 v8, v4;
	v7 =	vld [tilespmem:s24+$0xFFFFFFD0]  }
0xbe: {  	[tilespmem:s24+$0xFFFFFF70] =	vst v3;
	v3 =	vmul.f32 v9, v4;
	v8 =	vld [tilespmem:s24+$0xFFFFFFE0]  }
0xbf: {  	[tilespmem:s24+$0xFFFFFF80] =	vst v5;
	v5 =	vmul.f32 v10, v4;
	v9 =	vld [tilespmem:s24+$0xFFFFFFF0]  }
0xc0: {  	[tilespmem:s24+$0xFFFFFF90] =	vst v3;
	v3 =	vmul.f32 v11, v4;
	v10 =	vld [tilespmem:s24+$0x0]  }
0xc1: {  	[tilespmem:s24+$0xFFFFFFA0] =	vst v5;
	v5 =	vmul.f32 v6, v4;
	v6 =	vld [tilespmem:s24+$0x10]  }
0xc2: {  	[tilespmem:s24+$0xFFFFFFB0] =	vst v3;
	v3 =	vmul.f32 v7, v4;
	v7 =	vld [tilespmem:s24+$0x20]  }
0xc3: {  	[tilespmem:s24+$0xFFFFFFC0] =	vst v5;
	v5 =	vmul.f32 v8, v4;
	v11 =	vld [tilespmem:s24+$0x30]  }
0xc4: {  	[tilespmem:s24+$0xFFFFFFD0] =	vst v3;
	v3 =	vmul.f32 v9, v4;
	v9 =	vld [tilespmem:s24+$0x40]  }
.Ltmp3:
0xc5: {  	[tilespmem:s24+$0xFFFFFFE0] =	vst v5;
	v5 =	vmul.f32 v10, v2;
	v4 =	vld [tilespmem:s24+$0x50];
	(pc) =	sbr.rel @p0 .LBB2_5-.Ltmp3, $4  }
0xc6: {  	[tilespmem:s24+$0xFFFFFFF0] =	vst v3;
	v6 =	vmul.f32 v6, v2;
	v3 =	vld [tilespmem:s24+$0x60]  }
0xc7: {  	s28 =	sadd.s32 $0x3, s26;
	v10 =	vmov s26;
	[tilespmem:s24+$0x0] =	vst v5;
	v13 =	vmul.f32 v7, v2;
	v8 =	vld [tilespmem:s24+$0x80]  }
0xc8: {  	s29 =	sadd.s32 $0x1, s26;
	v12 =	vand.u32 $0xFFFFFFFC, v10;
	v5 =	vmov s28;
	[tilespmem:s24+$0x10] =	vst v6;
	v10 =	vmul.f32 v11, v2;
	v7 =	vld [tilespmem:s24+$0x90]  }
0xc9: {  	s28 =	sadd.s32 $0x2, s26;
	s26 =	sadd.s32 $0x4, s26;
	v6 =	vbroadcast v12, $0x0;
	v12 =	vmov s29;
	[tilespmem:s24+$0x20] =	vst v13;
	v11 =	vmul.f32 v9, v2;
	v9 =	vld [tilespmem:s24+$0xA0]  }
0xca: {  	v13 =	vld [tilespmem:s24+$0xB0]  }
0xcb: {  	v15 =	vld [tilespmem:s24+$0xC0]  }
0xcc: {  	v14 =	vmov s28;
	v16 =	vld [tilespmem:s24+$0xD0]  }
0xcd: {  	v17 =	vld [tilespmem:s24+$0xE0];
	[tilespmem:s24+$0x30] =	vst v10;
	v4 =	vmul.f32 v4, v2;
	v14 =	vand.u32 $0xFFFFFFFE, v14  }
0xce: {  	v12 =	vand.u32 $0xFFFFFFFD, v12;
	v5 =	vld.idx.msk [tilespmem:v5+s10+$0x0], $0xffff;
	[tilespmem:s24+$0x40] =	vst v11;
	v2 =	vmul.f32 v3, v2;
	v14 =	vbroadcast v14, $0x0  }
0xcf: {  	s26 =	sadd.s32 $0x200, s24;
	v12 =	vbroadcast v12, $0x0;
	v3 =	vld.idx.msk [tilespmem:v6+s10+$0x0], $0xffff;
	v8 =	vmul.f32 v8, v1;
	[tilespmem:s24+$0x50] =	vst v4  }
0xd0: {  	v10 =	vld [tilespmem:s26+$0xFFFFFF00];
	v4 =	vmul.f32 v7, v1;
	[tilespmem:s24+$0x60] =	vst v2  }
0xd1: {  	[tilespmem:s24+$0x80] =	vst v8;
	v8 =	vld [tilespmem:s24+$0xF0];
	v2 =	vmul.f32 v9, v1  }
0xd2: {  	v11 =	vld [tilespmem:s26+$0xFFFFFF10];
	[tilespmem:s24+$0x90] =	vst v4;
	v4 =	vmul.f32 v13, v1  }
0xd3: {  	v9 =	vld [tilespmem:s26+$0x70];
	[tilespmem:s24+$0xA0] =	vst v2;
	v2 =	vmul.f32 v15, v1  }
0xd4: {  	[tilespmem:s24+$0xB0] =	vst v4;
	v4 =	vmul.f32 v16, v1;
	v7 =	vld.idx.msk [tilespmem:v14+s10+$0x0], $0xffff  }
0xd5: {  	v6 =	vld.idx.msk [tilespmem:v12+s10+$0x0], $0xffff;
	[tilespmem:s25+$0xC0] =	vst v2;
	v2 =	vmul.f32 v17, v1  }
0xd6: {  	v12 =	vld [tilespmem:s26+$0xFFFFFF20];
	[tilespmem:s25+$0xD0] =	vst v4;
	v1 =	vmul.f32 v8, v1  }
0xd7: {  	v4 =	vld [tilespmem:s26+$0xFFFFFF30];
	[tilespmem:s25+$0xE0] =	vst v2  }
0xd8: {  	v2 =	vld [tilespmem:s26+$0xFFFFFF40];
	[tilespmem:s25+$0xF0] =	vst v1;
	v1 =	vmul.f32 v10, v3  }
0xd9: {  	v8 =	vmul.f32 v9, v7;
	v9 =	vld [tilespmem:s26+$0xFFFFFF50]  }
0xda: {  	v10 =	vmul.f32 v11, v3;
	v11 =	vld [tilespmem:s26+$0xFFFFFF60];
	[tilespmem:s26+$0xFFFFFF00] =	vst v1  }
0xdb: {  	v1 =	vmul.f32 v12, v3;
	[tilespmem:s26+$0x70] =	vst v8;
	v8 =	vld [tilespmem:s26+$0xFFFFFF70]  }
0xdc: {  	[tilespmem:s26+$0xFFFFFF10] =	vst v10;
	v10 =	vld [tilespmem:s26+$0xFFFFFF80];
	v4 =	vmul.f32 v4, v3  }
0xdd: {  	[tilespmem:s26+$0xFFFFFF20] =	vst v1;
	v1 =	vmul.f32 v2, v3;
	v2 =	vld [tilespmem:s26+$0xFFFFFF90]  }
0xde: {  	[tilespmem:s26+$0xFFFFFF30] =	vst v4;
	v4 =	vmul.f32 v9, v3;
	v9 =	vld [tilespmem:s26+$0xFFFFFFA0]  }
0xdf: {  	[tilespmem:s26+$0xFFFFFF40] =	vst v1;
	v1 =	vmul.f32 v11, v3;
	v11 =	vld [tilespmem:s26+$0xFFFFFFB0]  }
0xe0: {  	[tilespmem:s26+$0xFFFFFF50] =	vst v4;
	v3 =	vmul.f32 v8, v3;
	v4 =	vld [tilespmem:s26+$0xFFFFFFC0]  }
0xe1: {  	[tilespmem:s26+$0xFFFFFF60] =	vst v1;
	v1 =	vmul.f32 v10, v6;
	v8 =	vld [tilespmem:s26+$0xFFFFFFD0]  }
0xe2: {  	v2 =	vmul.f32 v2, v6;
	[tilespmem:s26+$0xFFFFFF70] =	vst v3;
	v3 =	vld [tilespmem:s26+$0xFFFFFFE0]  }
0xe3: {  	[tilespmem:s26+$0xFFFFFF80] =	vst v1;
	v1 =	vmul.f32 v9, v6;
	v9 =	vld [tilespmem:s26+$0xFFFFFFF0]  }
0xe4: {  	v10 =	vld [tilespmem:s26+$0x0];
	[tilespmem:s26+$0xFFFFFF90] =	vst v2;
	v2 =	vmul.f32 v11, v6  }
0xe5: {  	[tilespmem:s26+$0xFFFFFFA0] =	vst v1;
	v1 =	vmul.f32 v4, v6;
	v4 =	vld [tilespmem:s26+$0x10]  }
0xe6: {  	[tilespmem:s26+$0xFFFFFFB0] =	vst v2;
	v2 =	vmul.f32 v8, v6;
	v8 =	vld [tilespmem:s26+$0x20]  }
0xe7: {  	[tilespmem:s26+$0xFFFFFFC0] =	vst v1;
	v1 =	vmul.f32 v3, v6;
	v3 =	vld [tilespmem:s26+$0x30]  }
0xe8: {  	[tilespmem:s26+$0xFFFFFFD0] =	vst v2;
	v2 =	vmul.f32 v9, v6;
	v6 =	vld [tilespmem:s26+$0x40]  }
0xe9: {  	v9 =	vld [tilespmem:s26+$0x50];
	[tilespmem:s26+$0xFFFFFFE0] =	vst v1;
	v1 =	vmul.f32 v10, v7  }
0xea: {  	[tilespmem:s26+$0xFFFFFFF0] =	vst v2;
	v2 =	vmul.f32 v4, v7;
	v4 =	vld [tilespmem:s26+$0x60]  }
0xeb: {  	[tilespmem:s26+$0x0] =	vst v1;
	v1 =	vmul.f32 v8, v7;
	v8 =	vld [tilespmem:s26+$0x80]  }
0xec: {  	[tilespmem:s26+$0x10] =	vst v2;
	v2 =	vmul.f32 v3, v7;
	v3 =	vld [tilespmem:s26+$0x90]  }
0xed: {  	[tilespmem:s26+$0x20] =	vst v1;
	v1 =	vmul.f32 v6, v7;
	v6 =	vld [tilespmem:s26+$0xA0]  }
0xee: {  	[tilespmem:s26+$0x30] =	vst v2;
	v2 =	vmul.f32 v9, v7;
	v9 =	vld [tilespmem:s26+$0xB0]  }
0xef: {  	[tilespmem:s26+$0x40] =	vst v1;
	v1 =	vmul.f32 v4, v7;
	v4 =	vld [tilespmem:s26+$0xC0]  }
0xf0: {  	v7 =	vld [tilespmem:s26+$0xD0];
	[tilespmem:s26+$0x50] =	vst v2;
	v2 =	vmul.f32 v8, v5  }
0xf1: {  	[tilespmem:s26+$0x60] =	vst v1;
	v1 =	vmul.f32 v3, v5;
	v3 =	vld [tilespmem:s26+$0xE0]  }
0xf2: {  	[tilespmem:s26+$0x80] =	vst v2;
	v2 =	vmul.f32 v6, v5;
	v6 =	vld [tilespmem:s26+$0xF0]  }
0xf3: {  	[tilespmem:s26+$0x90] =	vst v1;
	v1 =	vmul.f32 v9, v5  }
0xf4: {  	[tilespmem:s26+$0xA0] =	vst v2;
	v2 =	vmul.f32 v4, v5  }
0xf5: {  	[tilespmem:s26+$0xB0] =	vst v1;
	v1 =	vmul.f32 v7, v5  }
0xf6: {  	[tilespmem:s26+$0xC0] =	vst v2;
	v2 =	vmul.f32 v3, v5  }
0xf7: {  	[tilespmem:s26+$0xD0] =	vst v1;
	v1 =	vmul.f32 v6, v5  }
0xf8: {  	[tilespmem:s26+$0xE0] =	vst v2  }
0xf9: {  	p0 =	seq.s32 s23, $0x27;
	s24 =	sshll.u32 s23, $0x8;
	[tilespmem:s26+$0xF0] =	vst v1  }
0xfa: {  	[spmem:s1] =	stream.indirect.scatter.add.f32 [tilespmem:s0], [sflag:$0x5], $0x80, s9, s9, $0xb8;
	[tilespmem:$0x1C300] =	vst v63  }
0xfb: {  	s25 =	sadd.s32 @!p0 s24, s20;
	_ =	swait.ge [sflag:s3], $0x4000  }
0xfc: {  	s25 =	sshrl.u32 @!p0 s25, $0x3;
	[sflag:s3] =	ssyncset.done $0x0  }
0xfd: {  	s28 =	simm.s32 @!p0 $0x0;
	s26 =	sadd.s32 @!p0 s5, s25;
	[sflag:s3] =	ssyncadd.s32 $0xFFFFC000  }
0xfe: {  	[tilespmem:s28], [sflag:$0x1] =	stream.linear.gather @!p0 [hbm4b:s26+s28], $0x80, $0x38;
	[tilespmem:$0x1C300] =	vst v63  }
0xff: {  	s29 =	simm.s32 @!p0 $0x80;
	s26 =	sadd.s32 @!p0 s6, s25  }
0x100: {  	[tilespmem:s29], [sflag:$0x1] =	stream.linear.gather @!p0 [hbm4b:s26+s28], $0x80, $0x38;
	[tilespmem:$0x1C300] =	vst v63  }
0x101: {  	s25 =	sadd.s32 @!p0 s7, s25;
	s26 =	simm.s32 @!p0 $0x200  }
0x102: {  	[tilespmem:s26], [sflag:$0x1] =	stream.linear.gather @!p0 [hbm4b:s25+s28], $0x80, $0x38;
	[tilespmem:$0x1C300] =	vst v63  }
0x103: {  	s25 =	simm.s32 @!p0 $0x1  }
0x104: {  	_ =	swait.ge @!p0 [sflag:s25], $0x80  }
0x105: {  	[sflag:s25] =	ssyncset.done @!p0 $0x0  }
0x106: {  	[sflag:s25] =	ssyncadd.s32 @!p0 $0xFFFFFF80  }
0x107: {  	_ =	swait.ge @!p0 [sflag:s25], $0x80  }
0x108: {  	s30 =	simm.s32 $0x0;
	[sflag:s25] =	ssyncset.done @!p0 $0x0  }
0x109: {  	v1 =	vmov s30;
	s30 =	simm.s32 $0x2;
	[sflag:s25] =	ssyncadd.s32 @!p0 $0xFFFFFF80  }
0x10a: {  	v1 =	vand.u32 $0xFFFFFFFC, v1;
	v2 =	vmov s30;
	_ =	swait.ge @!p0 [sflag:s25], $0x80  }
0x10b: {  	v1 =	vbroadcast v1, $0x0;
	v2 =	vand.u32 $0xFFFFFFFE, v2;
	[sflag:s25] =	ssyncset.done @!p0 $0x0  }
0x10c: {  	v2 =	vbroadcast v2, $0x0;
	[sflag:s25] =	ssyncadd.s32 @!p0 $0xFFFFFF80;
	s25 =	simm.s32 @!p0 $0x300  }
0x10d: {  	[tilespmem:s25], [sflag:$0x3] =	stream.indirect.gather @!p0 [hbm4b:s4+s29], $0x80, s28, s29, $0xb8;
	[tilespmem:$0x1C300] =	vst v63  }
0x10e: {  	_ =	swait.ge [sflag:s18], $0x4000  }
0x10f: {  	[sflag:s18] =	ssyncset.done $0x0  }
0x110: {  	[sflag:s18] =	ssyncadd.s32 $0xFFFFC000  }
0x111: {  	v1 =	vld.idx.msk [tilespmem:v1+s13+$0x0], $0xffff  }
0x112: {  	s30 =	simm.s32 $0x1;
	s25 =	simm.s32 $0x4400;
	v2 =	vld.idx.msk [tilespmem:v2+s13+$0x0], $0xffff  }
0x113: {  	v3 =	vmov s30;
	v4 =	vld [tilespmem:s25+$0x70]  }
0x114: {  	v3 =	vand.u32 $0xFFFFFFFD, v3;
	v5 =	vld [tilespmem:s25+$0xFFFFFF00]  }
0x115: {  	v3 =	vbroadcast v3, $0x0;
	v6 =	vld [tilespmem:s25+$0xFFFFFF10]  }
0x116: {  	v7 =	vld [tilespmem:s25+$0xFFFFFF20]  }
0x117: {  	v8 =	vld [tilespmem:s25+$0xFFFFFF30]  }
0x118: {  	v9 =	vld [tilespmem:s25+$0xFFFFFF40]  }
0x119: {  	v10 =	vld [tilespmem:s25+$0xFFFFFF50]  }
0x11a: {  	v11 =	vld [tilespmem:s25+$0xFFFFFF60];
	v5 =	vmul.f32 v5, v1  }
0x11b: {  	v3 =	vld.idx.msk [tilespmem:v3+s13+$0x0], $0xffff;
	v4 =	vmul.f32 v4, v2  }
0x11c: {  	v13 =	vld [tilespmem:s25+$0x40];
	[tilespmem:s25+$0xFFFFFF00] =	vst v5;
	v5 =	vmul.f32 v6, v1  }
0x11d: {  	v6 =	vld [tilespmem:s25+$0xFFFFFF70];
	[tilespmem:s25+$0x70] =	vst v4;
	v4 =	vmul.f32 v7, v1  }
0x11e: {  	v7 =	vld [tilespmem:s25+$0xFFFFFF80];
	[tilespmem:s25+$0xFFFFFF10] =	vst v5;
	v5 =	vmul.f32 v8, v1  }
0x11f: {  	v8 =	vld [tilespmem:s25+$0xFFFFFF90];
	[tilespmem:s25+$0xFFFFFF20] =	vst v4;
	v4 =	vmul.f32 v9, v1  }
0x120: {  	v9 =	vld [tilespmem:s25+$0xFFFFFFA0];
	[tilespmem:s25+$0xFFFFFF30] =	vst v5;
	v5 =	vmul.f32 v10, v1  }
0x121: {  	v10 =	vld [tilespmem:s25+$0xFFFFFFB0];
	[tilespmem:s25+$0xFFFFFF40] =	vst v4;
	v4 =	vmul.f32 v11, v1  }
0x122: {  	v11 =	vld [tilespmem:s25+$0xFFFFFFC0];
	v6 =	vmul.f32 v6, v1;
	[tilespmem:s25+$0xFFFFFF50] =	vst v5  }
0x123: {  	v5 =	vmul.f32 v7, v3;
	v7 =	vld [tilespmem:s25+$0xFFFFFFD0];
	[tilespmem:s25+$0xFFFFFF60] =	vst v4  }
0x124: {  	s30 =	simm.s32 $0x3;
	v4 =	vld [tilespmem:s25+$0xFFFFFFE0];
	v8 =	vmul.f32 v8, v3;
	[tilespmem:s25+$0xFFFFFF70] =	vst v6  }
0x125: {  	v12 =	vmov s30;
	v6 =	vld [tilespmem:s25+$0xFFFFFFF0];
	[tilespmem:s25+$0xFFFFFF80] =	vst v5;
	v5 =	vmul.f32 v9, v3  }
0x126: {  	v9 =	vld [tilespmem:s25+$0x0];
	[tilespmem:s25+$0xFFFFFF90] =	vst v8;
	v8 =	vmul.f32 v10, v3  }
0x127: {  	v10 =	vld [tilespmem:s25+$0x10];
	[tilespmem:s25+$0xFFFFFFA0] =	vst v5;
	v5 =	vmul.f32 v11, v3  }
0x128: {  	[tilespmem:s25+$0xFFFFFFB0] =	vst v8;
	v7 =	vmul.f32 v7, v3;
	v8 =	vld [tilespmem:s25+$0x20]  }
0x129: {  	v11 =	vld [tilespmem:s25+$0x30];
	v4 =	vmul.f32 v4, v3;
	[tilespmem:s25+$0xFFFFFFC0] =	vst v5  }
0x12a: {  	v1 =	vld.idx.msk [tilespmem:v12+s13+$0x0], $0xffff;
	v3 =	vmul.f32 v6, v3;
	[tilespmem:s25+$0xFFFFFFD0] =	vst v7  }
0x12b: {  	[tilespmem:s25+$0xFFFFFFE0] =	vst v4;
	v5 =	vmul.f32 v9, v2;
	v4 =	vld [tilespmem:s25+$0x50]  }
0x12c: {  	s30 =	simm.s32 $0x4;
	[tilespmem:s25+$0xFFFFFFF0] =	vst v3;
	v6 =	vmul.f32 v10, v2;
	v3 =	vld [tilespmem:s25+$0x60]  }
0x12d: {  	v7 =	vmov s30;
	s30 =	simm.s32 $0x7;
	[tilespmem:s25+$0x0] =	vst v5;
	v9 =	vmul.f32 v8, v2;
	v8 =	vld [tilespmem:s25+$0x80]  }
0x12e: {  	s28 =	simm.s32 $0x5;
	v12 =	vand.u32 $0xFFFFFFFC, v7;
	v7 =	vld [tilespmem:s25+$0x90];
	v5 =	vmov s30;
	v10 =	vmul.f32 v11, v2;
	[tilespmem:s25+$0x10] =	vst v6  }
0x12f: {  	s26 =	simm.s32 $0x4400;
	s29 =	simm.s32 $0x6;
	v11 =	vmul.f32 v13, v2;
	v6 =	vbroadcast v12, $0x0;
	v12 =	vmov s28;
	s28 =	simm.s32 $0x8;
	[tilespmem:s25+$0x20] =	vst v9;
	v9 =	vld [tilespmem:s25+$0xA0]  }
.LBB2_7:
0x130: {  	p1 =	slt.u32 s28, $0x7C;
	v12 =	vand.u32 $0xFFFFFFFD, v12;
	v13 =	vmov s29;
	[tilespmem:s25+$0x30] =	vst v10;
	v4 =	vmul.f32 v4, v2;
	v10 =	vld [tilespmem:s25+$0xB0]  }
0x131: {  	v12 =	vbroadcast v12, $0x0;
	v13 =	vand.u32 $0xFFFFFFFE, v13;
	[tilespmem:s25+$0x40] =	vst v11;
	v2 =	vmul.f32 v3, v2;
	v3 =	vld [tilespmem:s25+$0xC0]  }
0x132: {  	v11 =	vbroadcast v13, $0x0;
	[tilespmem:s25+$0x50] =	vst v4;
	v4 =	vmul.f32 v8, v1;
	v8 =	vld [tilespmem:s25+$0xD0]  }
0x133: {  	[tilespmem:s25+$0x60] =	vst v2;
	v2 =	vmul.f32 v7, v1;
	v7 =	vld [tilespmem:s25+$0xE0]  }
0x134: {  	[tilespmem:s25+$0x80] =	vst v4;
	v4 =	vmul.f32 v9, v1;
	v9 =	vld [tilespmem:s25+$0xF0]  }
0x135: {  	v5 =	vld.idx.msk [tilespmem:v5+s13+$0x0], $0xffff;
	[tilespmem:s25+$0x90] =	vst v2;
	v2 =	vmul.f32 v10, v1  }
0x136: {  	v6 =	vld.idx.msk [tilespmem:v6+s13+$0x0], $0xffff;
	[tilespmem:s25+$0xA0] =	vst v4;
	v3 =	vmul.f32 v3, v1  }
0x137: {  	v4 =	vld.idx.msk [tilespmem:v12+s13+$0x0], $0xffff;
	[tilespmem:s25+$0xB0] =	vst v2;
	v8 =	vmul.f32 v8, v1  }
0x138: {  	s25 =	sadd.s32 $0x200, s25;
	v2 =	vld.idx.msk [tilespmem:v11+s13+$0x0], $0xffff;
	[tilespmem:s26+$0xC0] =	vst v3;
	v3 =	vmul.f32 v7, v1  }
0x139: {  	v7 =	vld [tilespmem:s25+$0x70];
	[tilespmem:s26+$0xD0] =	vst v8;
	v9 =	vmul.f32 v9, v1  }
0x13a: {  	v8 =	vld [tilespmem:s25+$0xFFFFFF00];
	[tilespmem:s26+$0xE0] =	vst v3  }
0x13b: {  	v1 =	vmov v5;
	v3 =	vld [tilespmem:s25+$0xFFFFFF10];
	[tilespmem:s26+$0xF0] =	vst v9;
	s26 =	smov.u32 s25  }
0x13c: {  	v5 =	vld [tilespmem:s25+$0xFFFFFF20]  }
0x13d: {  	v9 =	vld [tilespmem:s25+$0xFFFFFF30]  }
0x13e: {  	v10 =	vld [tilespmem:s25+$0xFFFFFF40];
	v7 =	vmul.f32 v7, v2  }
0x13f: {  	v8 =	vmul.f32 v8, v6;
	v11 =	vld [tilespmem:s25+$0xFFFFFF50]  }
0x140: {  	v3 =	vmul.f32 v3, v6;
	v12 =	vld [tilespmem:s25+$0xFFFFFF60];
	[tilespmem:s25+$0x70] =	vst v7  }
0x141: {  	[tilespmem:s25+$0xFFFFFF00] =	vst v8;
	v5 =	vmul.f32 v5, v6;
	v7 =	vld [tilespmem:s25+$0xFFFFFF70]  }
0x142: {  	[tilespmem:s25+$0xFFFFFF10] =	vst v3;
	v3 =	vmul.f32 v9, v6;
	v8 =	vld [tilespmem:s25+$0xFFFFFF80]  }
0x143: {  	[tilespmem:s25+$0xFFFFFF20] =	vst v5;
	v5 =	vmul.f32 v10, v6;
	v9 =	vld [tilespmem:s25+$0xFFFFFF90]  }
0x144: {  	[tilespmem:s25+$0xFFFFFF30] =	vst v3;
	v3 =	vmul.f32 v11, v6;
	v10 =	vld [tilespmem:s25+$0xFFFFFFA0]  }
0x145: {  	[tilespmem:s25+$0xFFFFFF40] =	vst v5;
	v5 =	vmul.f32 v12, v6;
	v11 =	vld [tilespmem:s25+$0xFFFFFFB0]  }
0x146: {  	[tilespmem:s25+$0xFFFFFF50] =	vst v3;
	v3 =	vmul.f32 v7, v6;
	v6 =	vld [tilespmem:s25+$0xFFFFFFC0]  }
0x147: {  	[tilespmem:s25+$0xFFFFFF60] =	vst v5;
	v5 =	vmul.f32 v8, v4;
	v7 =	vld [tilespmem:s25+$0xFFFFFFD0]  }
0x148: {  	[tilespmem:s25+$0xFFFFFF70] =	vst v3;
	v3 =	vmul.f32 v9, v4;
	v8 =	vld [tilespmem:s25+$0xFFFFFFE0]  }
0x149: {  	[tilespmem:s25+$0xFFFFFF80] =	vst v5;
	v5 =	vmul.f32 v10, v4;
	v9 =	vld [tilespmem:s25+$0xFFFFFFF0]  }
0x14a: {  	[tilespmem:s25+$0xFFFFFF90] =	vst v3;
	v3 =	vmul.f32 v11, v4;
	v10 =	vld [tilespmem:s25+$0x0]  }
0x14b: {  	[tilespmem:s25+$0xFFFFFFA0] =	vst v5;
	v5 =	vmul.f32 v6, v4;
	v6 =	vld [tilespmem:s25+$0x10]  }
0x14c: {  	[tilespmem:s25+$0xFFFFFFB0] =	vst v3;
	v3 =	vmul.f32 v7, v4;
	v7 =	vld [tilespmem:s25+$0x20]  }
0x14d: {  	[tilespmem:s25+$0xFFFFFFC0] =	vst v5;
	v5 =	vmul.f32 v8, v4;
	v11 =	vld [tilespmem:s25+$0x30]  }
0x14e: {  	[tilespmem:s25+$0xFFFFFFD0] =	vst v3;
	v3 =	vmul.f32 v9, v4;
	v9 =	vld [tilespmem:s25+$0x40]  }
.Ltmp4:
0x14f: {  	[tilespmem:s25+$0xFFFFFFE0] =	vst v5;
	v5 =	vmul.f32 v10, v2;
	v4 =	vld [tilespmem:s25+$0x50];
	(pc) =	sbr.rel @p1 .LBB2_7-.Ltmp4, $4  }
0x150: {  	[tilespmem:s25+$0xFFFFFFF0] =	vst v3;
	v6 =	vmul.f32 v6, v2;
	v3 =	vld [tilespmem:s25+$0x60]  }
0x151: {  	s29 =	sadd.s32 $0x3, s28;
	v10 =	vmov s28;
	[tilespmem:s25+$0x0] =	vst v5;
	v13 =	vmul.f32 v7, v2;
	v8 =	vld [tilespmem:s25+$0x80]  }
0x152: {  	s30 =	sadd.s32 $0x1, s28;
	v12 =	vand.u32 $0xFFFFFFFC, v10;
	v5 =	vmov s29;
	[tilespmem:s25+$0x10] =	vst v6;
	v10 =	vmul.f32 v11, v2;
	v7 =	vld [tilespmem:s25+$0x90]  }
0x153: {  	s29 =	sadd.s32 $0x2, s28;
	s28 =	sadd.s32 $0x4, s28;
	v6 =	vbroadcast v12, $0x0;
	v12 =	vmov s30;
	[tilespmem:s25+$0x20] =	vst v13;
	v11 =	vmul.f32 v9, v2;
	v9 =	vld [tilespmem:s25+$0xA0]  }
0x154: {  	v13 =	vld [tilespmem:s25+$0xB0]  }
0x155: {  	v15 =	vld [tilespmem:s25+$0xC0]  }
0x156: {  	v16 =	vld [tilespmem:s25+$0xD0]  }
0x157: {  	v17 =	vld [tilespmem:s25+$0xE0]  }
0x158: {  	v29 =	vld [tilespmem:s25+$0xF0];
	[tilespmem:s25+$0x30] =	vst v10;
	v4 =	vmul.f32 v4, v2  }
0x159: {  	v5 =	vld.idx.msk [tilespmem:v5+s13+$0x0], $0xffff;
	[tilespmem:s25+$0x40] =	vst v11;
	v2 =	vmul.f32 v3, v2  }
0x15a: {  	s28 =	sadd.s32 $0x200, s25;
	v3 =	vld.idx.msk [tilespmem:v6+s13+$0x0], $0xffff;
	v8 =	vmul.f32 v8, v1;
	[tilespmem:s25+$0x50] =	vst v4  }
0x15b: {  	v14 =	vmov s29;
	v34 =	vld [tilespmem:s28+$0x70];
	v30 =	vmul.f32 v7, v1;
	[tilespmem:s25+$0x60] =	vst v2  }
0x15c: {  	v14 =	vand.u32 $0xFFFFFFFE, v14;
	v35 =	vld [tilespmem:s28+$0xFFFFFF00];
	[tilespmem:s25+$0x80] =	vst v8;
	v2 =	vmul.f32 v9, v1  }
0x15d: {  	v37 =	vld [tilespmem:s28+$0xFFFFFF10];
	v14 =	vbroadcast v14, $0x0;
	[tilespmem:s25+$0x90] =	vst v30;
	v33 =	vmul.f32 v13, v1  }
0x15e: {  	v38 =	vld [tilespmem:s28+$0xFFFFFF20];
	[tilespmem:s25+$0xA0] =	vst v2;
	v2 =	vmul.f32 v15, v1  }
0x15f: {  	v12 =	vand.u32 $0xFFFFFFFD, v12;
	v39 =	vld [tilespmem:s28+$0xFFFFFF30];
	v36 =	vmul.f32 v16, v1;
	[tilespmem:s25+$0xB0] =	vst v33  }
0x160: {  	v12 =	vbroadcast v12, $0x0;
	v41 =	vld [tilespmem:s28+$0xFFFFFF50];
	[tilespmem:s26+$0xC0] =	vst v2;
	v2 =	vmul.f32 v17, v1  }
0x161: {  	v43 =	vld [tilespmem:s28+$0xFFFFFF60];
	[tilespmem:s26+$0xD0] =	vst v36;
	v1 =	vmul.f32 v29, v1  }
0x162: {  	v42 =	vmul.f32 v37, v3;
	[tilespmem:s26+$0xE0] =	vst v2;
	v2 =	vld [tilespmem:s28+$0xFFFFFF40]  }
0x163: {  	v32 =	vld.idx.msk [tilespmem:v14+s13+$0x0], $0xffff;
	[tilespmem:s26+$0xF0] =	vst v1;
	v1 =	vmul.f32 v35, v3  }
0x164: {  	v44 =	vld [tilespmem:s28+$0xFFFFFF70];
	v4 =	vmul.f32 v39, v3;
	[tilespmem:s28+$0xFFFFFF10] =	vst v42  }
0x165: {  	v45 =	vld [tilespmem:s28+$0xFFFFFF80];
	[tilespmem:s28+$0xFFFFFF00] =	vst v1;
	v1 =	vmul.f32 v38, v3  }
0x166: {  	v46 =	vmul.f32 v41, v3;
	v31 =	vld.idx.msk [tilespmem:v12+s13+$0x0], $0xffff;
	[tilespmem:s28+$0xFFFFFF30] =	vst v4  }
0x167: {  	[tilespmem:s28+$0xFFFFFF20] =	vst v1;
	v1 =	vmul.f32 v2, v3;
	v2 =	vld [tilespmem:s28+$0xFFFFFF90]  }
0x168: {  	v47 =	vld [tilespmem:s28+$0xFFFFFFA0];
	[tilespmem:s28+$0xFFFFFF50] =	vst v46;
	v40 =	vmul.f32 v34, v32  }
0x169: {  	v48 =	vld [tilespmem:s28+$0xFFFFFFB0];
	[tilespmem:s28+$0xFFFFFF40] =	vst v1;
	v1 =	vmul.f32 v43, v3  }
0x16a: {  	v49 =	vld [tilespmem:s28+$0xFFFFFFC0];
	[tilespmem:s28+$0x70] =	vst v40;
	v3 =	vmul.f32 v44, v3  }
0x16b: {  	v50 =	vld [tilespmem:s28+$0xFFFFFFD0];
	[tilespmem:s28+$0xFFFFFF60] =	vst v1;
	v1 =	vmul.f32 v45, v31  }
0x16c: {  	[tilespmem:s28+$0xFFFFFF70] =	vst v3;
	v3 =	vld [tilespmem:s28+$0xFFFFFFE0];
	v2 =	vmul.f32 v2, v31  }
0x16d: {  	v51 =	vld [tilespmem:s28+$0xFFFFFFF0];
	[tilespmem:s28+$0xFFFFFF80] =	vst v1;
	v1 =	vmul.f32 v47, v31  }
0x16e: {  	v52 =	vld [tilespmem:s28+$0x0];
	[tilespmem:s28+$0xFFFFFF90] =	vst v2;
	v2 =	vmul.f32 v48, v31  }
0x16f: {  	v53 =	vld [tilespmem:s28+$0x10];
	[tilespmem:s28+$0xFFFFFFA0] =	vst v1;
	v1 =	vmul.f32 v49, v31  }
0x170: {  	v54 =	vld [tilespmem:s28+$0x20];
	[tilespmem:s28+$0xFFFFFFB0] =	vst v2;
	v2 =	vmul.f32 v50, v31  }
0x171: {  	[tilespmem:s28+$0xFFFFFFC0] =	vst v1;
	v1 =	vmul.f32 v3, v31;
	v3 =	vld [tilespmem:s28+$0x30]  }
0x172: {  	v55 =	vld [tilespmem:s28+$0x40];
	[tilespmem:s28+$0xFFFFFFD0] =	vst v2;
	v2 =	vmul.f32 v51, v31  }
0x173: {  	v56 =	vld [tilespmem:s28+$0x50];
	[tilespmem:s28+$0xFFFFFFE0] =	vst v1;
	v1 =	vmul.f32 v52, v32  }
0x174: {  	v57 =	vld [tilespmem:s28+$0x60];
	[tilespmem:s28+$0xFFFFFFF0] =	vst v2;
	v2 =	vmul.f32 v53, v32  }
0x175: {  	v58 =	vld [tilespmem:s28+$0x80];
	[tilespmem:s28+$0x0] =	vst v1;
	v1 =	vmul.f32 v54, v32  }
0x176: {  	[tilespmem:s28+$0x10] =	vst v2;
	v2 =	vmul.f32 v3, v32;
	v3 =	vld [tilespmem:s28+$0x90]  }
0x177: {  	v59 =	vld [tilespmem:s28+$0xA0];
	[tilespmem:s28+$0x20] =	vst v1;
	v1 =	vmul.f32 v55, v32  }
0x178: {  	v60 =	vld [tilespmem:s28+$0xB0];
	[tilespmem:s28+$0x30] =	vst v2;
	v2 =	vmul.f32 v56, v32  }
0x179: {  	v61 =	vld [tilespmem:s28+$0xC0];
	[tilespmem:s28+$0x40] =	vst v1;
	v1 =	vmul.f32 v57, v32  }
0x17a: {  	v62 =	vld [tilespmem:s28+$0xD0];
	[tilespmem:s28+$0x50] =	vst v2;
	v2 =	vmul.f32 v58, v5  }
0x17b: {  	[tilespmem:s28+$0x60] =	vst v1;
	v1 =	vmul.f32 v3, v5;
	v3 =	vld [tilespmem:s28+$0xE0]  }
0x17c: {  	v63 =	vld [tilespmem:s28+$0xF0];
	[tilespmem:s28+$0x80] =	vst v2;
	v2 =	vmul.f32 v59, v5  }
0x17d: {  	[tilespmem:s28+$0x90] =	vst v1;
	v1 =	vmul.f32 v60, v5  }
0x17e: {  	[tilespmem:s28+$0xA0] =	vst v2;
	v2 =	vmul.f32 v61, v5  }
0x17f: {  	[tilespmem:s28+$0xB0] =	vst v1;
	v1 =	vmul.f32 v62, v5  }
0x180: {  	[tilespmem:s28+$0xC0] =	vst v2;
	v2 =	vmul.f32 v3, v5  }
0x181: {  	[tilespmem:s28+$0xD0] =	vst v1;
	v1 =	vmul.f32 v63, v5  }
0x182: {  	[tilespmem:s28+$0xE0] =	vst v2  }
.Ltmp5:
0x183: {  	[tilespmem:s28+$0xF0] =	vst v1;
	(pc) =	sbr.rel @p0 .LBB2_10-.Ltmp5, $4  }
0x184: {  	[spmem:s1] =	stream.indirect.scatter.add.f32 [tilespmem:s16], [sflag:$0x5], $0x80, s12, s9, $0xb8;
	[tilespmem:$0x1C300] =	vst v63  }
0x185: {  	_ =	swait.ge [sflag:s3], $0x4000  }
0x186: {  	[sflag:s3] =	ssyncset.done $0x0  }
0x187: {  	[sflag:s3] =	ssyncadd.s32 $0xFFFFC000  }
0x188: {  	s24 =	sadd.s32 s24, s21  }
0x189: {  	s24 =	sshrl.u32 s24, $0x3  }
0x18a: {  	s25 =	sadd.s32 s5, s24  }
0x18b: {  	[tilespmem:s11], [sflag:$0x2] =	stream.linear.gather [hbm4b:s25+s2], $0x80, $0x38;
	[tilespmem:$0x1C300] =	vst v63  }
.Ltmp6:
0x18c: {  	_ = 	snop;
	(pc) =	sbr.rel .LBB2_4-.Ltmp6, $4  }
0x18d: {  	s30 =	sadd.s32 s6, s24  }
0x18e: {  	[tilespmem:s12], [sflag:$0x2] =	stream.linear.gather [hbm4b:s30+s2], $0x80, $0x38;
	[tilespmem:$0x1C300] =	vst v63  }
0x18f: {  	s23 =	sadd.s32 $0x1, s23;
	s24 =	sadd.s32 s7, s24  }
0x190: {  	[tilespmem:s13], [sflag:$0x2] =	stream.linear.gather [hbm4b:s24+s2], $0x80, $0x38;
	[tilespmem:$0x1C300] =	vst v63  }
.LBB2_11:
0x191: {  	_ =	sfence.sel $0x180000  }
0x192: {  	[bflag:$0x0] =	sbarrier.arrive $0xFFFF  }
0x193: {  	_ =	strace $0x90000050  }
0x194: {  	s0 =	stileid.u32;
	[bflag:$0x2] =	sbarrier.arrive $0xFFFF  }
0x195: {  	p0 =	sne.s32 s0, $0x0;
	s0 =	rddreg [dreg:$0x2]  }
0x196: {  	s0 =	sadd.s32 @!p0 $0x100000, s0  }
0x197: {  	[sflag:s0] =	ssyncadd.tile.s32 @!p0 $0x1;
	_ =	shalt  }
.Lfunc_end2:
_tile_overlayer_lowered:
.L_overlay_start_2:
0x198: {  	(tag) =	ssettag $0x2  }
0x199: {  	s0 =	rddreg [dreg:$0x0];
	s2 =	stileid.u32  }
0x19a: {  	s1 =	rddreg [dreg:$0x1];
	p0 =	sne.s32 s2, $0x0  }
0x19b: {  	s3 =	rddreg [dreg:$0x2];
	[bflag:$0x3] =	sbarrier.arrive $0xFFFF;
	s2 =	simm.s32 @!p0 $0x1C05  }
0x19c: {  	[timem:s3], [sflag:s2] =	dma.local @!p0 [hbm:s0], s1  }
0x19d: {  	s0 =	simm.s32 @!p0 $0x5  }
0x19e: {  	_ =	swait.ge @!p0 [sflag:s0], s1  }
0x19f: {  	s1 =	ssub.s32 @!p0 $0x0, s1;
	[sflag:s0] =	ssyncset.done @!p0 $0x0  }
0x1a0: {  	[sflag:s0] =	ssyncadd.s32 @!p0 s1  }
0x1a1: {  	[bflag:$0x3] =	sbarrier.arrive $0xFFFF  }
0x1a2: {  	_ =	shalt  }

</sc_bundles>
